<compile_context>
chip_gen: v7x
topology: tpu7x:2x2x1
jax: 0.10.2.dev20260603
libtpu: 0.0.44.dev20260713+nightly
codegen_flags: <defaults>
</compile_context>

<pallas_src>
import functools

import jax
import jax.numpy as jnp
from jax import lax
from jax.experimental import pallas as pl
from jax.experimental.pallas import tpu as pltpu
from jax.experimental.pallas import tpu_sc as plsc

NUM_EMB = 100000
DIM = 64
E = 16384

NUM_CORES = 2
NUM_SUBCORES = 16
LANES = 16
FPC = DIM // NUM_CORES
FPS = FPC // NUM_SUBCORES
AROWS = E // 128
CHUNK = 4096
NCH = E // CHUNK
CROWS = CHUNK // 128
SROWS = AROWS // (NUM_CORES * NUM_SUBCORES)
NSTEP = FPS * NCH


def _sc_body(eidx_hbm, tabT_hbm, out_hbm, part_hbm, flag_hbm,
             rowbuf, idx_ch, acc_v, idxid_v, red_v, tmp_v, fbuf_v,
             sa0, sb0, sa1, sb1, sadd0, sadd1, idx_sh, spsum):
    core = lax.axis_index("c")
    sub = lax.axis_index("s")

    lanes = lax.iota(jnp.int32, LANES)

    @pl.when(sub == 0)
    def _():
        izero = jnp.zeros((LANES,), jnp.int32)
        for j in range(128 // LANES):
            fbuf_v[pl.ds(j * LANES, LANES)] = izero
        pltpu.sync_copy(fbuf_v, flag_hbm.at[core])

    side = sub // 8
    k = sub % 8
    pltpu.sync_copy(eidx_hbm.at[pl.ds(side * E + k * 2048, 2048)],
                    idx_sh.at[side, pl.ds(k * 2048, 2048)])

    for r in range(NCH):
        for j in range(CROWS // LANES):
            idxid_v[r, pl.ds(j * LANES, LANES)] = (
                r * CROWS + j * LANES + lanes)

    zero = jnp.zeros((LANES,), jnp.float32)
    for r in range(2 * SROWS):
        for kk in range(128 // LANES):
            red_v[r, pl.ds(kk * LANES, LANES)] = zero
    pltpu.sync_copy(red_v, spsum.at[pl.ds(sub * 2 * SROWS, 2 * SROWS)])

    plsc.subcore_barrier()

    sems = [(sa0, sb0), (sa1, sb1)]

    def fire(i):
        slot = i % 2
        ch = i % NCH
        ca = pltpu.async_copy(idx_sh.at[0, pl.ds(ch * CHUNK, CHUNK)],
                              idx_ch.at[slot, 0], sems[slot][0])
        cb = pltpu.async_copy(idx_sh.at[1, pl.ds(ch * CHUNK, CHUNK)],
                              idx_ch.at[slot, 1], sems[slot][1])
        return ca, cb

    addsems = [sadd0, sadd1]
    pend = {0: fire(0), 1: fire(1)}
    pend_add = {}
    for i in range(NSTEP):
        cl, ch = divmod(i, NCH)
        if ch == 0:
            feat = core * FPC + sub * FPS + cl
            pltpu.sync_copy(tabT_hbm.at[feat], rowbuf)
        slot = i % 2
        ca, cb = pend.pop(i)
        ca.wait()
        cb.wait()
        if i - 2 in pend_add:
            pend_add.pop(i - 2).wait()

        @pl.loop(0, CROWS)
        def _(r):
            base = r * 128
            for kk in range(128 // LANES):
                off = base + kk * LANES
                ia = idx_ch[slot, 0, pl.ds(off, LANES)]
                ib = idx_ch[slot, 1, pl.ds(off, LANES)]
                p = (plsc.load_gather(rowbuf, [ia])
                     * plsc.load_gather(rowbuf, [ib]))
                acc_v[slot, r, pl.ds(kk * LANES, LANES)] = p

        pend_add[i] = pltpu.async_copy(
            acc_v.at[slot], spsum.at[idxid_v.at[ch]], addsems[slot], add=True)
        if i + 2 < NSTEP:
            pend[i + 2] = fire(i + 2)

    for c in pend_add.values():
        c.wait()
    plsc.subcore_barrier()

    prows = AROWS // NUM_SUBCORES
    pltpu.sync_copy(spsum.at[pl.ds(sub * prows, prows)],
                    part_hbm.at[core, pl.ds(sub * prows, prows)])
    plsc.subcore_barrier()

    @pl.when(sub == 0)
    def _():
        ione = jnp.ones((LANES,), jnp.int32)
        for j in range(128 // LANES):
            fbuf_v[pl.ds(j * LANES, LANES)] = ione
        pltpu.sync_copy(fbuf_v, flag_hbm.at[core])

        def poll_cond(seen):
            return seen == 0

        def poll_body(seen):
            pltpu.sync_copy(flag_hbm.at[1 - core], fbuf_v)
            return fbuf_v[pl.ds(0, LANES)][0]

        lax.while_loop(poll_cond, poll_body, jnp.int32(0))

    plsc.subcore_barrier()

    row0 = core * NUM_SUBCORES * SROWS + sub * SROWS
    pltpu.sync_copy(spsum.at[pl.ds(row0, SROWS)], red_v.at[pl.ds(0, SROWS)])
    pltpu.sync_copy(part_hbm.at[1 - core, pl.ds(row0, SROWS)], tmp_v)
    for r in range(SROWS):
        for kk in range(128 // LANES):
            s = pl.ds(kk * LANES, LANES)
            d = red_v[r, s] + tmp_v[r, s]
            red_v[r, s] = 1.0 / (1.0 + jnp.exp(-d))
    pltpu.sync_copy(red_v.at[pl.ds(0, SROWS)], out_hbm.at[core, sub])


def kernel(edges, emb_table):
    eidx = edges.astype(jnp.int32).reshape(2 * E)
    tabT = emb_table.T
    mesh = plsc.VectorSubcoreMesh(core_axis_name="c", subcore_axis_name="s")
    sc = functools.partial(
        pl.kernel,
        mesh=mesh,
        compiler_params=pltpu.CompilerParams(needs_layout_passes=False),
        out_type=(
            jax.ShapeDtypeStruct(
                (NUM_CORES, NUM_SUBCORES, SROWS, 128), jnp.float32),
            jax.ShapeDtypeStruct((NUM_CORES, AROWS, 128), jnp.float32),
            jax.ShapeDtypeStruct((NUM_CORES, 128), jnp.int32),
        ),
        scratch_types=[
            pltpu.VMEM((NUM_EMB,), jnp.float32),
            pltpu.VMEM((2, 2, CHUNK), jnp.int32),
            pltpu.VMEM((2, CROWS, 128), jnp.float32),
            pltpu.VMEM((NCH, CROWS), jnp.int32),
            pltpu.VMEM((2 * SROWS, 128), jnp.float32),
            pltpu.VMEM((SROWS, 128), jnp.float32),
            pltpu.VMEM((128,), jnp.int32),
            pltpu.SemaphoreType.DMA,
            pltpu.SemaphoreType.DMA,
            pltpu.SemaphoreType.DMA,
            pltpu.SemaphoreType.DMA,
            pltpu.SemaphoreType.DMA,
            pltpu.SemaphoreType.DMA,
            pltpu.VMEM_SHARED((2, E), jnp.int32),
            pltpu.VMEM_SHARED((AROWS, 128), jnp.float32),
        ],
    )(_sc_body)
    out, _, _ = sc(eidx, tabT)
    return out.reshape(E)

# --- scband reference (transcript-rebuilt; emitter-appended) ---
"""Pipeline reference for scband-simple-embedding-21732534518148 (READ-ONLY COPY).

The authoritative reference and input builder live on the scoring server;
editing this copy changes nothing except your own understanding.
"""

import jax, jax.numpy as jnp
import numpy as np

NUM_EMBEDDINGS = 100000
EMBEDDING_DIM = 64
NUM_EDGES = 16384

def setup_inputs(seed: int = 0) -> dict:
    key = jax.random.key(seed)
    k_idx, k_tab = jax.random.split(key)
    edges = jax.random.randint(k_idx, (2, NUM_EDGES), 0, NUM_EMBEDDINGS, dtype=jnp.int64 if jax.config.jax_enable_x64 else jnp.int32)
    emb_table = jax.random.normal(k_tab, (NUM_EMBEDDINGS, EMBEDDING_DIM), dtype=jnp.float32)
    return {"edges": edges, "emb_table": emb_table}

def reference(edges, emb_table):
    # embedded_nodes = self.emb(edges) -> [2, E, d]
    embedded_nodes = jnp.take(emb_table, edges, axis=0)
    # s_product = (embedded_nodes[0] * embedded_nodes[1]).sum(axis=1) -> [E]
    s_product = jnp.sum(embedded_nodes[0] * embedded_nodes[1], axis=1)
    out = jax.nn.sigmoid(s_product)
    return out

if __name__ == "__main__":
    import jax
    _d = setup_inputs()
    print(jax.jit(kernel)(*tuple(_d.values())))

</pallas_src>

<mosaic_0001>
#map = affine_map<(d0, d1) -> (0)>
#map1 = affine_map<(d0, d1) -> (0, 0)>
#map2 = affine_map<(d0, d1) -> (0, 0, 0, 0)>
#map3 = affine_map<(d0, d1) -> (0, 0, 0)>
module attributes {stable_mosaic.version = 14 : i64} {
  func.func @_sc_body(%arg0: i32, %arg1: i32, %arg2: memref<32768xi32, #tpu.memory_space<hbm>>, %arg3: memref<64x100000xf32, #tpu.memory_space<hbm>>, %arg4: memref<2x16x4x128xf32, #tpu.memory_space<hbm>>, %arg5: memref<2x128x128xf32, #tpu.memory_space<hbm>>, %arg6: memref<2x128xi32, #tpu.memory_space<hbm>>, %arg7: memref<100000xf32, #tpu.memory_space<vmem>>, %arg8: memref<2x2x4096xi32, #tpu.memory_space<vmem>>, %arg9: memref<2x32x128xf32, #tpu.memory_space<vmem>>, %arg10: memref<4x32xi32, #tpu.memory_space<vmem>>, %arg11: memref<8x128xf32, #tpu.memory_space<vmem>>, %arg12: memref<4x128xf32, #tpu.memory_space<vmem>>, %arg13: memref<128xi32, #tpu.memory_space<vmem>>, %arg14: memref<!tpu.dma_semaphore, #tpu.memory_space<semaphore_mem>>, %arg15: memref<!tpu.dma_semaphore, #tpu.memory_space<semaphore_mem>>, %arg16: memref<!tpu.dma_semaphore, #tpu.memory_space<semaphore_mem>>, %arg17: memref<!tpu.dma_semaphore, #tpu.memory_space<semaphore_mem>>, %arg18: memref<!tpu.dma_semaphore, #tpu.memory_space<semaphore_mem>>, %arg19: memref<!tpu.dma_semaphore, #tpu.memory_space<semaphore_mem>>, %arg20: memref<2x16384xi32, #tpu.memory_space<vmem_shared>>, %arg21: memref<128x128xf32, #tpu.memory_space<vmem_shared>>) attributes {dimension_semantics = [#tpu.dimension_semantics<core_parallel>, #tpu.dimension_semantics<subcore_parallel>], iteration_bounds = array<i64: 2, 16>, scalar_prefetch = 0 : i64, scratch_operands = 15 : i64, tpu.core_type = #tpu.core_type<sc_vector_subcore>, window_params = [{transform_indices = #map}, {transform_indices = #map1}, {transform_indices = #map2}, {transform_indices = #map3}, {transform_indices = #map1}]} {
    %iota3A = tpu.iota {dimensions = array<i32: 0>} : vector<16xi32>
    %eq3A = arith.constant 0 : i32
    %eq3A_0 = arith.cmpi eq, %arg1, %eq3A : i32
    %convert_element_type3A = arith.extui %eq3A_0 : i1 to i32
    %cond3A = arith.constant 0 : i32
    %cond3A_1 = arith.cmpi ne, %convert_element_type3A, %cond3A : i32
    scf.if %cond3A_1 {
      %broadcast_in_dim3A_1831 = arith.constant 0 : i32
      %broadcast_in_dim3A_1832 = vector.broadcast %broadcast_in_dim3A_1831 : i32 to vector<16xi32>
      %swap3A_1833 = arith.constant 0 : index
      %swap3A_1834 = tpu.vector_load %arg13[%swap3A_1833] {strides = array<i32>} : memref<128xi32, #tpu.memory_space<vmem>>, vector<16xi32>,
      tpu.vector_store %arg13[%swap3A_1833], %broadcast_in_dim3A_1832 {strides = array<i32>} : memref<128xi32, #tpu.memory_space<vmem>>, vector<16xi32>,
      %swap3A_1835 = arith.constant 16 : index
      %swap3A_1836 = tpu.vector_load %arg13[%swap3A_1835] {strides = array<i32>} : memref<128xi32, #tpu.memory_space<vmem>>, vector<16xi32>,
      tpu.vector_store %arg13[%swap3A_1835], %broadcast_in_dim3A_1832 {strides = array<i32>} : memref<128xi32, #tpu.memory_space<vmem>>, vector<16xi32>,
      %swap3A_1837 = arith.constant 32 : index
      %swap3A_1838 = tpu.vector_load %arg13[%swap3A_1837] {strides = array<i32>} : memref<128xi32, #tpu.memory_space<vmem>>, vector<16xi32>,
      tpu.vector_store %arg13[%swap3A_1837], %broadcast_in_dim3A_1832 {strides = array<i32>} : memref<128xi32, #tpu.memory_space<vmem>>, vector<16xi32>,
      %swap3A_1839 = arith.constant 48 : index
      %swap3A_1840 = tpu.vector_load %arg13[%swap3A_1839] {strides = array<i32>} : memref<128xi32, #tpu.memory_space<vmem>>, vector<16xi32>,
      tpu.vector_store %arg13[%swap3A_1839], %broadcast_in_dim3A_1832 {strides = array<i32>} : memref<128xi32, #tpu.memory_space<vmem>>, vector<16xi32>,
      %swap3A_1841 = arith.constant 64 : index
      %swap3A_1842 = tpu.vector_load %arg13[%swap3A_1841] {strides = array<i32>} : memref<128xi32, #tpu.memory_space<vmem>>, vector<16xi32>,
      tpu.vector_store %arg13[%swap3A_1841], %broadcast_in_dim3A_1832 {strides = array<i32>} : memref<128xi32, #tpu.memory_space<vmem>>, vector<16xi32>,
      %swap3A_1843 = arith.constant 80 : index
      %swap3A_1844 = tpu.vector_load %arg13[%swap3A_1843] {strides = array<i32>} : memref<128xi32, #tpu.memory_space<vmem>>, vector<16xi32>,
      tpu.vector_store %arg13[%swap3A_1843], %broadcast_in_dim3A_1832 {strides = array<i32>} : memref<128xi32, #tpu.memory_space<vmem>>, vector<16xi32>,
      %swap3A_1845 = arith.constant 96 : index
      %swap3A_1846 = tpu.vector_load %arg13[%swap3A_1845] {strides = array<i32>} : memref<128xi32, #tpu.memory_space<vmem>>, vector<16xi32>,
      tpu.vector_store %arg13[%swap3A_1845], %broadcast_in_dim3A_1832 {strides = array<i32>} : memref<128xi32, #tpu.memory_space<vmem>>, vector<16xi32>,
      %swap3A_1847 = arith.constant 112 : index
      %swap3A_1848 = tpu.vector_load %arg13[%swap3A_1847] {strides = array<i32>} : memref<128xi32, #tpu.memory_space<vmem>>, vector<16xi32>,
      tpu.vector_store %arg13[%swap3A_1847], %broadcast_in_dim3A_1832 {strides = array<i32>} : memref<128xi32, #tpu.memory_space<vmem>>, vector<16xi32>,
      "tpu.region"() ({
        %run_scoped3A = tpu.sem_alloc : memref<!tpu.dma_semaphore, #tpu.memory_space<semaphore_mem>>
        %dma_start3A_1849 = arith.constant 0 : i32
        %dma_start3A_1850 = tpu.memref_slice %arg6[%arg0, %dma_start3A_1849] : memref<2x128xi32, #tpu.memory_space<hbm>> -> memref<1x128xi32, #tpu.memory_space<hbm>>
        %dma_start3A_1851 = tpu.memref_squeeze %dma_start3A_1850 : memref<1x128xi32, #tpu.memory_space<hbm>> -> memref<128xi32, #tpu.memory_space<hbm>>
        %dma_start3A_1852 = arith.constant 0 : i32
        %dma_start3A_1853 = tpu.memref_slice %arg6[%arg0, %dma_start3A_1852] : memref<2x128xi32, #tpu.memory_space<hbm>> -> memref<1x128xi32, #tpu.memory_space<hbm>>
        %dma_start3A_1854 = tpu.memref_squeeze %dma_start3A_1853 : memref<1x128xi32, #tpu.memory_space<hbm>> -> memref<128xi32, #tpu.memory_space<hbm>>
        tpu.enqueue_dma source(%arg13 : memref<128xi32, #tpu.memory_space<vmem>>) target(%dma_start3A_1854 : memref<128xi32, #tpu.memory_space<hbm>>) target_semaphore(%run_scoped3A : memref<!tpu.dma_semaphore, #tpu.memory_space<semaphore_mem>>)
        %dma_wait3A_1855 = arith.constant 0 : i32
        %dma_wait3A_1856 = tpu.memref_slice %arg6[%arg0, %dma_wait3A_1855] : memref<2x128xi32, #tpu.memory_space<hbm>> -> memref<1x128xi32, #tpu.memory_space<hbm>>
        %dma_wait3A_1857 = tpu.memref_squeeze %dma_wait3A_1856 : memref<1x128xi32, #tpu.memory_space<hbm>> -> memref<128xi32, #tpu.memory_space<hbm>>
        %dma_wait3A_1858 = arith.constant 0 : i32
        %dma_wait3A_1859 = tpu.memref_slice %arg6[%arg0, %dma_wait3A_1858] : memref<2x128xi32, #tpu.memory_space<hbm>> -> memref<1x128xi32, #tpu.memory_space<hbm>>
        %dma_wait3A_1860 = tpu.memref_squeeze %dma_wait3A_1859 : memref<1x128xi32, #tpu.memory_space<hbm>> -> memref<128xi32, #tpu.memory_space<hbm>>
        tpu.wait_dma2 semaphore(%run_scoped3A : memref<!tpu.dma_semaphore, #tpu.memory_space<semaphore_mem>>) src(%arg13 : memref<128xi32, #tpu.memory_space<vmem>>) dst(%dma_wait3A_1860 : memref<128xi32, #tpu.memory_space<hbm>>)
        tpu.yield
      }) : () -> ()
    } else {
    }
    %jit3A = arith.constant 8 : i32
    %div3A = arith.divsi %arg1, %jit3A : i32
    %sign3A = arith.constant 0 : i32
    %sign3A_2 = arith.cmpi sgt, %arg1, %sign3A : i32
    %sign3A_3 = arith.extui %sign3A_2 : i1 to i32
    %sign3A_4 = arith.constant 0 : i32
    %sign3A_5 = arith.cmpi slt, %arg1, %sign3A_4 : i32
    %sign3A_6 = arith.extui %sign3A_5 : i1 to i32
    %sign3A_7 = arith.subi %sign3A_3, %sign3A_6 : i32
    %sign3A_8 = arith.constant 0 : i32
    %sign3A_9 = arith.cmpi sgt, %jit3A, %sign3A_8 : i32
    %sign3A_10 = arith.extui %sign3A_9 : i1 to i32
    %sign3A_11 = arith.constant 0 : i32
    %sign3A_12 = arith.cmpi slt, %jit3A, %sign3A_11 : i32
    %sign3A_13 = arith.extui %sign3A_12 : i1 to i32
    %sign3A_14 = arith.subi %sign3A_10, %sign3A_13 : i32
    %ne3A = arith.cmpi ne, %sign3A_7, %sign3A_14 : i32
    %rem3A = arith.remsi %arg1, %jit3A : i32
    %ne3A_15 = arith.constant 0 : i32
    %ne3A_16 = arith.cmpi ne, %rem3A, %ne3A_15 : i32
    %and3A = arith.andi %ne3A, %ne3A_16 : i1
    %sub3A = arith.constant 1 : i32
    %sub3A_17 = arith.subi %div3A, %sub3A : i32
    %select_n3A = arith.select %and3A, %sub3A_17, %div3A : i32
    %jit3A_18 = arith.constant 8 : i32
    %eq3A_19 = arith.constant 0 : i32
    %eq3A_20 = arith.cmpi eq, %jit3A_18, %eq3A_19 : i32
    %jit3A_21 = arith.constant 1 : i32
    %select_n3A_22 = arith.select %eq3A_20, %jit3A_21, %jit3A_18 : i32
    %rem3A_23 = arith.remsi %arg1, %select_n3A_22 : i32
    %ne3A_24 = arith.constant 0 : i32
    %ne3A_25 = arith.cmpi ne, %rem3A_23, %ne3A_24 : i32
    %lt3A = arith.constant 0 : i32
    %lt3A_26 = arith.cmpi slt, %rem3A_23, %lt3A : i32
    %lt3A_27 = arith.constant 0 : i32
    %lt3A_28 = arith.cmpi slt, %select_n3A_22, %lt3A_27 : i32
    %ne3A_29 = arith.xori %lt3A_26, %lt3A_28 : i1
    %and3A_30 = arith.andi %ne3A_29, %ne3A_25 : i1
    %add3A = arith.addi %rem3A_23, %select_n3A_22 : i32
    %select_n3A_31 = arith.select %and3A_30, %add3A, %rem3A_23 : i32
    %mul3A = arith.constant 16384 : i32
    %mul3A_32 = arith.muli %select_n3A, %mul3A : i32
    %mul3A_33 = arith.constant 2048 : i32
    %mul3A_34 = arith.muli %select_n3A_31, %mul3A_33 : i32
    %add3A_35 = arith.addi %mul3A_32, %mul3A_34 : i32
    %mul3A_36 = arith.constant 2048 : i32
    %mul3A_37 = arith.muli %select_n3A_31, %mul3A_36 : i32
    "tpu.region"() ({
      %run_scoped3A = tpu.sem_alloc : memref<!tpu.dma_semaphore, #tpu.memory_space<semaphore_mem>>
      %dma_start3A_1831 = tpu.memref_slice %arg20[%select_n3A, %mul3A_37] : memref<2x16384xi32, #tpu.memory_space<vmem_shared>> -> memref<1x2048xi32, #tpu.memory_space<vmem_shared>>
      %dma_start3A_1832 = tpu.memref_squeeze %dma_start3A_1831 : memref<1x2048xi32, #tpu.memory_space<vmem_shared>> -> memref<2048xi32, #tpu.memory_space<vmem_shared>>
      %dma_start3A_1833 = tpu.memref_slice %arg2[%add3A_35] : memref<32768xi32, #tpu.memory_space<hbm>> -> memref<2048xi32, #tpu.memory_space<hbm>>
      tpu.enqueue_dma source(%dma_start3A_1833 : memref<2048xi32, #tpu.memory_space<hbm>>) target(%dma_start3A_1832 : memref<2048xi32, #tpu.memory_space<vmem_shared>>) target_semaphore(%run_scoped3A : memref<!tpu.dma_semaphore, #tpu.memory_space<semaphore_mem>>)
      %dma_wait3A_1834 = tpu.memref_slice %arg20[%select_n3A, %mul3A_37] : memref<2x16384xi32, #tpu.memory_space<vmem_shared>> -> memref<1x2048xi32, #tpu.memory_space<vmem_shared>>
      %dma_wait3A_1835 = tpu.memref_squeeze %dma_wait3A_1834 : memref<1x2048xi32, #tpu.memory_space<vmem_shared>> -> memref<2048xi32, #tpu.memory_space<vmem_shared>>
      %dma_wait3A_1836 = tpu.memref_slice %arg2[%add3A_35] : memref<32768xi32, #tpu.memory_space<hbm>> -> memref<2048xi32, #tpu.memory_space<hbm>>
      tpu.wait_dma2 semaphore(%run_scoped3A : memref<!tpu.dma_semaphore, #tpu.memory_space<semaphore_mem>>) src(%dma_wait3A_1836 : memref<2048xi32, #tpu.memory_space<hbm>>) dst(%dma_wait3A_1835 : memref<2048xi32, #tpu.memory_space<vmem_shared>>)
      tpu.yield
    }) : () -> ()
    %add3A_38 = arith.constant 0 : i32
    %add3A_39 = vector.broadcast %add3A_38 : i32 to vector<16xi32>
    %add3A_40 = arith.addi %add3A_39, %iota3A : vector<16xi32>
    %swap3A = arith.constant 0 : i32
    %swap3A_41 = arith.index_cast %swap3A : i32 to index
    %swap3A_42 = arith.constant 0 : index
    %swap3A_43 = tpu.vector_load %arg10[%swap3A_41, %swap3A_42] {strides = array<i32>} : memref<4x32xi32, #tpu.memory_space<vmem>>, vector<16xi32>,
    tpu.vector_store %arg10[%swap3A_41, %swap3A_42], %add3A_40 {strides = array<i32>} : memref<4x32xi32, #tpu.memory_space<vmem>>, vector<16xi32>,
    %add3A_44 = arith.constant 16 : i32
    %add3A_45 = vector.broadcast %add3A_44 : i32 to vector<16xi32>
    %add3A_46 = arith.addi %add3A_45, %iota3A : vector<16xi32>
    %swap3A_47 = arith.constant 0 : i32
    %swap3A_48 = arith.index_cast %swap3A_47 : i32 to index
    %swap3A_49 = arith.constant 16 : index
    %swap3A_50 = tpu.vector_load %arg10[%swap3A_48, %swap3A_49] {strides = array<i32>} : memref<4x32xi32, #tpu.memory_space<vmem>>, vector<16xi32>,
    tpu.vector_store %arg10[%swap3A_48, %swap3A_49], %add3A_46 {strides = array<i32>} : memref<4x32xi32, #tpu.memory_space<vmem>>, vector<16xi32>,
    %add3A_51 = arith.constant 32 : i32
    %add3A_52 = vector.broadcast %add3A_51 : i32 to vector<16xi32>
    %add3A_53 = arith.addi %add3A_52, %iota3A : vector<16xi32>
    %swap3A_54 = arith.constant 1 : i32
    %swap3A_55 = arith.index_cast %swap3A_54 : i32 to index
    %swap3A_56 = arith.constant 0 : index
    %swap3A_57 = tpu.vector_load %arg10[%swap3A_55, %swap3A_56] {strides = array<i32>} : memref<4x32xi32, #tpu.memory_space<vmem>>, vector<16xi32>,
    tpu.vector_store %arg10[%swap3A_55, %swap3A_56], %add3A_53 {strides = array<i32>} : memref<4x32xi32, #tpu.memory_space<vmem>>, vector<16xi32>,
    %add3A_58 = arith.constant 48 : i32
    %add3A_59 = vector.broadcast %add3A_58 : i32 to vector<16xi32>
    %add3A_60 = arith.addi %add3A_59, %iota3A : vector<16xi32>
    %swap3A_61 = arith.constant 1 : i32
    %swap3A_62 = arith.index_cast %swap3A_61 : i32 to index
    %swap3A_63 = arith.constant 16 : index
    %swap3A_64 = tpu.vector_load %arg10[%swap3A_62, %swap3A_63] {strides = array<i32>} : memref<4x32xi32, #tpu.memory_space<vmem>>, vector<16xi32>,
    tpu.vector_store %arg10[%swap3A_62, %swap3A_63], %add3A_60 {strides = array<i32>} : memref<4x32xi32, #tpu.memory_space<vmem>>, vector<16xi32>,
    %add3A_65 = arith.constant 64 : i32
    %add3A_66 = vector.broadcast %add3A_65 : i32 to vector<16xi32>
    %add3A_67 = arith.addi %add3A_66, %iota3A : vector<16xi32>
    %swap3A_68 = arith.constant 2 : i32
    %swap3A_69 = arith.index_cast %swap3A_68 : i32 to index
    %swap3A_70 = arith.constant 0 : index
    %swap3A_71 = tpu.vector_load %arg10[%swap3A_69, %swap3A_70] {strides = array<i32>} : memref<4x32xi32, #tpu.memory_space<vmem>>, vector<16xi32>,
    tpu.vector_store %arg10[%swap3A_69, %swap3A_70], %add3A_67 {strides = array<i32>} : memref<4x32xi32, #tpu.memory_space<vmem>>, vector<16xi32>,
    %add3A_72 = arith.constant 80 : i32
    %add3A_73 = vector.broadcast %add3A_72 : i32 to vector<16xi32>
    %add3A_74 = arith.addi %add3A_73, %iota3A : vector<16xi32>
    %swap3A_75 = arith.constant 2 : i32
    %swap3A_76 = arith.index_cast %swap3A_75 : i32 to index
    %swap3A_77 = arith.constant 16 : index
    %swap3A_78 = tpu.vector_load %arg10[%swap3A_76, %swap3A_77] {strides = array<i32>} : memref<4x32xi32, #tpu.memory_space<vmem>>, vector<16xi32>,
    tpu.vector_store %arg10[%swap3A_76, %swap3A_77], %add3A_74 {strides = array<i32>} : memref<4x32xi32, #tpu.memory_space<vmem>>, vector<16xi32>,
    %add3A_79 = arith.constant 96 : i32
    %add3A_80 = vector.broadcast %add3A_79 : i32 to vector<16xi32>
    %add3A_81 = arith.addi %add3A_80, %iota3A : vector<16xi32>
    %swap3A_82 = arith.constant 3 : i32
    %swap3A_83 = arith.index_cast %swap3A_82 : i32 to index
    %swap3A_84 = arith.constant 0 : index
    %swap3A_85 = tpu.vector_load %arg10[%swap3A_83, %swap3A_84] {strides = array<i32>} : memref<4x32xi32, #tpu.memory_space<vmem>>, vector<16xi32>,
    tpu.vector_store %arg10[%swap3A_83, %swap3A_84], %add3A_81 {strides = array<i32>} : memref<4x32xi32, #tpu.memory_space<vmem>>, vector<16xi32>,
    %add3A_86 = arith.constant 112 : i32
    %add3A_87 = vector.broadcast %add3A_86 : i32 to vector<16xi32>
    %add3A_88 = arith.addi %add3A_87, %iota3A : vector<16xi32>
    %swap3A_89 = arith.constant 3 : i32
    %swap3A_90 = arith.index_cast %swap3A_89 : i32 to index
    %swap3A_91 = arith.constant 16 : index
    %swap3A_92 = tpu.vector_load %arg10[%swap3A_90, %swap3A_91] {strides = array<i32>} : memref<4x32xi32, #tpu.memory_space<vmem>>, vector<16xi32>,
    tpu.vector_store %arg10[%swap3A_90, %swap3A_91], %add3A_88 {strides = array<i32>} : memref<4x32xi32, #tpu.memory_space<vmem>>, vector<16xi32>,
    %broadcast_in_dim3A = arith.constant 0.000000e+00 : f32
    %broadcast_in_dim3A_93 = vector.broadcast %broadcast_in_dim3A : f32 to vector<16xf32>
    %swap3A_94 = arith.constant 0 : i32
    %swap3A_95 = arith.index_cast %swap3A_94 : i32 to index
    %swap3A_96 = arith.constant 0 : index
    %swap3A_97 = tpu.vector_load %arg11[%swap3A_95, %swap3A_96] {strides = array<i32>} : memref<8x128xf32, #tpu.memory_space<vmem>>, vector<16xf32>,
    tpu.vector_store %arg11[%swap3A_95, %swap3A_96], %broadcast_in_dim3A_93 {strides = array<i32>} : memref<8x128xf32, #tpu.memory_space<vmem>>, vector<16xf32>,
    %swap3A_98 = arith.constant 0 : i32
    %swap3A_99 = arith.index_cast %swap3A_98 : i32 to index
    %swap3A_100 = arith.constant 16 : index
    %swap3A_101 = tpu.vector_load %arg11[%swap3A_99, %swap3A_100] {strides = array<i32>} : memref<8x128xf32, #tpu.memory_space<vmem>>, vector<16xf32>,
    tpu.vector_store %arg11[%swap3A_99, %swap3A_100], %broadcast_in_dim3A_93 {strides = array<i32>} : memref<8x128xf32, #tpu.memory_space<vmem>>, vector<16xf32>,
    %swap3A_102 = arith.constant 0 : i32
    %swap3A_103 = arith.index_cast %swap3A_102 : i32 to index
    %swap3A_104 = arith.constant 32 : index
    %swap3A_105 = tpu.vector_load %arg11[%swap3A_103, %swap3A_104] {strides = array<i32>} : memref<8x128xf32, #tpu.memory_space<vmem>>, vector<16xf32>,
    tpu.vector_store %arg11[%swap3A_103, %swap3A_104], %broadcast_in_dim3A_93 {strides = array<i32>} : memref<8x128xf32, #tpu.memory_space<vmem>>, vector<16xf32>,
    %swap3A_106 = arith.constant 0 : i32
    %swap3A_107 = arith.index_cast %swap3A_106 : i32 to index
    %swap3A_108 = arith.constant 48 : index
    %swap3A_109 = tpu.vector_load %arg11[%swap3A_107, %swap3A_108] {strides = array<i32>} : memref<8x128xf32, #tpu.memory_space<vmem>>, vector<16xf32>,
    tpu.vector_store %arg11[%swap3A_107, %swap3A_108], %broadcast_in_dim3A_93 {strides = array<i32>} : memref<8x128xf32, #tpu.memory_space<vmem>>, vector<16xf32>,
    %swap3A_110 = arith.constant 0 : i32
    %swap3A_111 = arith.index_cast %swap3A_110 : i32 to index
    %swap3A_112 = arith.constant 64 : index
    %swap3A_113 = tpu.vector_load %arg11[%swap3A_111, %swap3A_112] {strides = array<i32>} : memref<8x128xf32, #tpu.memory_space<vmem>>, vector<16xf32>,
    tpu.vector_store %arg11[%swap3A_111, %swap3A_112], %broadcast_in_dim3A_93 {strides = array<i32>} : memref<8x128xf32, #tpu.memory_space<vmem>>, vector<16xf32>,
    %swap3A_114 = arith.constant 0 : i32
    %swap3A_115 = arith.index_cast %swap3A_114 : i32 to index
    %swap3A_116 = arith.constant 80 : index
    %swap3A_117 = tpu.vector_load %arg11[%swap3A_115, %swap3A_116] {strides = array<i32>} : memref<8x128xf32, #tpu.memory_space<vmem>>, vector<16xf32>,
    tpu.vector_store %arg11[%swap3A_115, %swap3A_116], %broadcast_in_dim3A_93 {strides = array<i32>} : memref<8x128xf32, #tpu.memory_space<vmem>>, vector<16xf32>,
    %swap3A_118 = arith.constant 0 : i32
    %swap3A_119 = arith.index_cast %swap3A_118 : i32 to index
    %swap3A_120 = arith.constant 96 : index
    %swap3A_121 = tpu.vector_load %arg11[%swap3A_119, %swap3A_120] {strides = array<i32>} : memref<8x128xf32, #tpu.memory_space<vmem>>, vector<16xf32>,
    tpu.vector_store %arg11[%swap3A_119, %swap3A_120], %broadcast_in_dim3A_93 {strides = array<i32>} : memref<8x128xf32, #tpu.memory_space<vmem>>, vector<16xf32>,
    %swap3A_122 = arith.constant 0 : i32
    %swap3A_123 = arith.index_cast %swap3A_122 : i32 to index
    %swap3A_124 = arith.constant 112 : index
    %swap3A_125 = tpu.vector_load %arg11[%swap3A_123, %swap3A_124] {strides = array<i32>} : memref<8x128xf32, #tpu.memory_space<vmem>>, vector<16xf32>,
    tpu.vector_store %arg11[%swap3A_123, %swap3A_124], %broadcast_in_dim3A_93 {strides = array<i32>} : memref<8x128xf32, #tpu.memory_space<vmem>>, vector<16xf32>,
    %swap3A_126 = arith.constant 1 : i32
    %swap3A_127 = arith.index_cast %swap3A_126 : i32 to index
    %swap3A_128 = arith.constant 0 : index
    %swap3A_129 = tpu.vector_load %arg11[%swap3A_127, %swap3A_128] {strides = array<i32>} : memref<8x128xf32, #tpu.memory_space<vmem>>, vector<16xf32>,
    tpu.vector_store %arg11[%swap3A_127, %swap3A_128], %broadcast_in_dim3A_93 {strides = array<i32>} : memref<8x128xf32, #tpu.memory_space<vmem>>, vector<16xf32>,
    %swap3A_130 = arith.constant 1 : i32
    %swap3A_131 = arith.index_cast %swap3A_130 : i32 to index
    %swap3A_132 = arith.constant 16 : index
    %swap3A_133 = tpu.vector_load %arg11[%swap3A_131, %swap3A_132] {strides = array<i32>} : memref<8x128xf32, #tpu.memory_space<vmem>>, vector<16xf32>,
    tpu.vector_store %arg11[%swap3A_131, %swap3A_132], %broadcast_in_dim3A_93 {strides = array<i32>} : memref<8x128xf32, #tpu.memory_space<vmem>>, vector<16xf32>,
    %swap3A_134 = arith.constant 1 : i32
    %swap3A_135 = arith.index_cast %swap3A_134 : i32 to index
    %swap3A_136 = arith.constant 32 : index
    %swap3A_137 = tpu.vector_load %arg11[%swap3A_135, %swap3A_136] {strides = array<i32>} : memref<8x128xf32, #tpu.memory_space<vmem>>, vector<16xf32>,
    tpu.vector_store %arg11[%swap3A_135, %swap3A_136], %broadcast_in_dim3A_93 {strides = array<i32>} : memref<8x128xf32, #tpu.memory_space<vmem>>, vector<16xf32>,
    %swap3A_138 = arith.constant 1 : i32
    %swap3A_139 = arith.index_cast %swap3A_138 : i32 to index
    %swap3A_140 = arith.constant 48 : index
    %swap3A_141 = tpu.vector_load %arg11[%swap3A_139, %swap3A_140] {strides = array<i32>} : memref<8x128xf32, #tpu.memory_space<vmem>>, vector<16xf32>,
    tpu.vector_store %arg11[%swap3A_139, %swap3A_140], %broadcast_in_dim3A_93 {strides = array<i32>} : memref<8x128xf32, #tpu.memory_space<vmem>>, vector<16xf32>,
    %swap3A_142 = arith.constant 1 : i32
    %swap3A_143 = arith.index_cast %swap3A_142 : i32 to index
    %swap3A_144 = arith.constant 64 : index
    %swap3A_145 = tpu.vector_load %arg11[%swap3A_143, %swap3A_144] {strides = array<i32>} : memref<8x128xf32, #tpu.memory_space<vmem>>, vector<16xf32>,
    tpu.vector_store %arg11[%swap3A_143, %swap3A_144], %broadcast_in_dim3A_93 {strides = array<i32>} : memref<8x128xf32, #tpu.memory_space<vmem>>, vector<16xf32>,
    %swap3A_146 = arith.constant 1 : i32
    %swap3A_147 = arith.index_cast %swap3A_146 : i32 to index
    %swap3A_148 = arith.constant 80 : index
    %swap3A_149 = tpu.vector_load %arg11[%swap3A_147, %swap3A_148] {strides = array<i32>} : memref<8x128xf32, #tpu.memory_space<vmem>>, vector<16xf32>,
    tpu.vector_store %arg11[%swap3A_147, %swap3A_148], %broadcast_in_dim3A_93 {strides = array<i32>} : memref<8x128xf32, #tpu.memory_space<vmem>>, vector<16xf32>,
    %swap3A_150 = arith.constant 1 : i32
    %swap3A_151 = arith.index_cast %swap3A_150 : i32 to index
    %swap3A_152 = arith.constant 96 : index
    %swap3A_153 = tpu.vector_load %arg11[%swap3A_151, %swap3A_152] {strides = array<i32>} : memref<8x128xf32, #tpu.memory_space<vmem>>, vector<16xf32>,
    tpu.vector_store %arg11[%swap3A_151, %swap3A_152], %broadcast_in_dim3A_93 {strides = array<i32>} : memref<8x128xf32, #tpu.memory_space<vmem>>, vector<16xf32>,
    %swap3A_154 = arith.constant 1 : i32
    %swap3A_155 = arith.index_cast %swap3A_154 : i32 to index
    %swap3A_156 = arith.constant 112 : index
    %swap3A_157 = tpu.vector_load %arg11[%swap3A_155, %swap3A_156] {strides = array<i32>} : memref<8x128xf32, #tpu.memory_space<vmem>>, vector<16xf32>,
    tpu.vector_store %arg11[%swap3A_155, %swap3A_156], %broadcast_in_dim3A_93 {strides = array<i32>} : memref<8x128xf32, #tpu.memory_space<vmem>>, vector<16xf32>,
    %swap3A_158 = arith.constant 2 : i32
    %swap3A_159 = arith.index_cast %swap3A_158 : i32 to index
    %swap3A_160 = arith.constant 0 : index
    %swap3A_161 = tpu.vector_load %arg11[%swap3A_159, %swap3A_160] {strides = array<i32>} : memref<8x128xf32, #tpu.memory_space<vmem>>, vector<16xf32>,
    tpu.vector_store %arg11[%swap3A_159, %swap3A_160], %broadcast_in_dim3A_93 {strides = array<i32>} : memref<8x128xf32, #tpu.memory_space<vmem>>, vector<16xf32>,
    %swap3A_162 = arith.constant 2 : i32
    %swap3A_163 = arith.index_cast %swap3A_162 : i32 to index
    %swap3A_164 = arith.constant 16 : index
    %swap3A_165 = tpu.vector_load %arg11[%swap3A_163, %swap3A_164] {strides = array<i32>} : memref<8x128xf32, #tpu.memory_space<vmem>>, vector<16xf32>,
    tpu.vector_store %arg11[%swap3A_163, %swap3A_164], %broadcast_in_dim3A_93 {strides = array<i32>} : memref<8x128xf32, #tpu.memory_space<vmem>>, vector<16xf32>,
    %swap3A_166 = arith.constant 2 : i32
    %swap3A_167 = arith.index_cast %swap3A_166 : i32 to index
    %swap3A_168 = arith.constant 32 : index
    %swap3A_169 = tpu.vector_load %arg11[%swap3A_167, %swap3A_168] {strides = array<i32>} : memref<8x128xf32, #tpu.memory_space<vmem>>, vector<16xf32>,
    tpu.vector_store %arg11[%swap3A_167, %swap3A_168], %broadcast_in_dim3A_93 {strides = array<i32>} : memref<8x128xf32, #tpu.memory_space<vmem>>, vector<16xf32>,
    %swap3A_170 = arith.constant 2 : i32
    %swap3A_171 = arith.index_cast %swap3A_170 : i32 to index
    %swap3A_172 = arith.constant 48 : index
    %swap3A_173 = tpu.vector_load %arg11[%swap3A_171, %swap3A_172] {strides = array<i32>} : memref<8x128xf32, #tpu.memory_space<vmem>>, vector<16xf32>,
    tpu.vector_store %arg11[%swap3A_171, %swap3A_172], %broadcast_in_dim3A_93 {strides = array<i32>} : memref<8x128xf32, #tpu.memory_space<vmem>>, vector<16xf32>,
    %swap3A_174 = arith.constant 2 : i32
    %swap3A_175 = arith.index_cast %swap3A_174 : i32 to index
    %swap3A_176 = arith.constant 64 : index
    %swap3A_177 = tpu.vector_load %arg11[%swap3A_175, %swap3A_176] {strides = array<i32>} : memref<8x128xf32, #tpu.memory_space<vmem>>, vector<16xf32>,
    tpu.vector_store %arg11[%swap3A_175, %swap3A_176], %broadcast_in_dim3A_93 {strides = array<i32>} : memref<8x128xf32, #tpu.memory_space<vmem>>, vector<16xf32>,
    %swap3A_178 = arith.constant 2 : i32
    %swap3A_179 = arith.index_cast %swap3A_178 : i32 to index
    %swap3A_180 = arith.constant 80 : index
    %swap3A_181 = tpu.vector_load %arg11[%swap3A_179, %swap3A_180] {strides = array<i32>} : memref<8x128xf32, #tpu.memory_space<vmem>>, vector<16xf32>,
    tpu.vector_store %arg11[%swap3A_179, %swap3A_180], %broadcast_in_dim3A_93 {strides = array<i32>} : memref<8x128xf32, #tpu.memory_space<vmem>>, vector<16xf32>,
    %swap3A_182 = arith.constant 2 : i32
    %swap3A_183 = arith.index_cast %swap3A_182 : i32 to index
    %swap3A_184 = arith.constant 96 : index
    %swap3A_185 = tpu.vector_load %arg11[%swap3A_183, %swap3A_184] {strides = array<i32>} : memref<8x128xf32, #tpu.memory_space<vmem>>, vector<16xf32>,
    tpu.vector_store %arg11[%swap3A_183, %swap3A_184], %broadcast_in_dim3A_93 {strides = array<i32>} : memref<8x128xf32, #tpu.memory_space<vmem>>, vector<16xf32>,
    %swap3A_186 = arith.constant 2 : i32
    %swap3A_187 = arith.index_cast %swap3A_186 : i32 to index
    %swap3A_188 = arith.constant 112 : index
    %swap3A_189 = tpu.vector_load %arg11[%swap3A_187, %swap3A_188] {strides = array<i32>} : memref<8x128xf32, #tpu.memory_space<vmem>>, vector<16xf32>,
    tpu.vector_store %arg11[%swap3A_187, %swap3A_188], %broadcast_in_dim3A_93 {strides = array<i32>} : memref<8x128xf32, #tpu.memory_space<vmem>>, vector<16xf32>,
    %swap3A_190 = arith.constant 3 : i32
    %swap3A_191 = arith.index_cast %swap3A_190 : i32 to index
    %swap3A_192 = arith.constant 0 : index
    %swap3A_193 = tpu.vector_load %arg11[%swap3A_191, %swap3A_192] {strides = array<i32>} : memref<8x128xf32, #tpu.memory_space<vmem>>, vector<16xf32>,
    tpu.vector_store %arg11[%swap3A_191, %swap3A_192], %broadcast_in_dim3A_93 {strides = array<i32>} : memref<8x128xf32, #tpu.memory_space<vmem>>, vector<16xf32>,
    %swap3A_194 = arith.constant 3 : i32
    %swap3A_195 = arith.index_cast %swap3A_194 : i32 to index
    %swap3A_196 = arith.constant 16 : index
    %swap3A_197 = tpu.vector_load %arg11[%swap3A_195, %swap3A_196] {strides = array<i32>} : memref<8x128xf32, #tpu.memory_space<vmem>>, vector<16xf32>,
    tpu.vector_store %arg11[%swap3A_195, %swap3A_196], %broadcast_in_dim3A_93 {strides = array<i32>} : memref<8x128xf32, #tpu.memory_space<vmem>>, vector<16xf32>,
    %swap3A_198 = arith.constant 3 : i32
    %swap3A_199 = arith.index_cast %swap3A_198 : i32 to index
    %swap3A_200 = arith.constant 32 : index
    %swap3A_201 = tpu.vector_load %arg11[%swap3A_199, %swap3A_200] {strides = array<i32>} : memref<8x128xf32, #tpu.memory_space<vmem>>, vector<16xf32>,
    tpu.vector_store %arg11[%swap3A_199, %swap3A_200], %broadcast_in_dim3A_93 {strides = array<i32>} : memref<8x128xf32, #tpu.memory_space<vmem>>, vector<16xf32>,
    %swap3A_202 = arith.constant 3 : i32
    %swap3A_203 = arith.index_cast %swap3A_202 : i32 to index
    %swap3A_204 = arith.constant 48 : index
    %swap3A_205 = tpu.vector_load %arg11[%swap3A_203, %swap3A_204] {strides = array<i32>} : memref<8x128xf32, #tpu.memory_space<vmem>>, vector<16xf32>,
    tpu.vector_store %arg11[%swap3A_203, %swap3A_204], %broadcast_in_dim3A_93 {strides = array<i32>} : memref<8x128xf32, #tpu.memory_space<vmem>>, vector<16xf32>,
    %swap3A_206 = arith.constant 3 : i32
    %swap3A_207 = arith.index_cast %swap3A_206 : i32 to index
    %swap3A_208 = arith.constant 64 : index
    %swap3A_209 = tpu.vector_load %arg11[%swap3A_207, %swap3A_208] {strides = array<i32>} : memref<8x128xf32, #tpu.memory_space<vmem>>, vector<16xf32>,
    tpu.vector_store %arg11[%swap3A_207, %swap3A_208], %broadcast_in_dim3A_93 {strides = array<i32>} : memref<8x128xf32, #tpu.memory_space<vmem>>, vector<16xf32>,
    %swap3A_210 = arith.constant 3 : i32
    %swap3A_211 = arith.index_cast %swap3A_210 : i32 to index
    %swap3A_212 = arith.constant 80 : index
    %swap3A_213 = tpu.vector_load %arg11[%swap3A_211, %swap3A_212] {strides = array<i32>} : memref<8x128xf32, #tpu.memory_space<vmem>>, vector<16xf32>,
    tpu.vector_store %arg11[%swap3A_211, %swap3A_212], %broadcast_in_dim3A_93 {strides = array<i32>} : memref<8x128xf32, #tpu.memory_space<vmem>>, vector<16xf32>,
    %swap3A_214 = arith.constant 3 : i32
    %swap3A_215 = arith.index_cast %swap3A_214 : i32 to index
    %swap3A_216 = arith.constant 96 : index
    %swap3A_217 = tpu.vector_load %arg11[%swap3A_215, %swap3A_216] {strides = array<i32>} : memref<8x128xf32, #tpu.memory_space<vmem>>, vector<16xf32>,
    tpu.vector_store %arg11[%swap3A_215, %swap3A_216], %broadcast_in_dim3A_93 {strides = array<i32>} : memref<8x128xf32, #tpu.memory_space<vmem>>, vector<16xf32>,
    %swap3A_218 = arith.constant 3 : i32
    %swap3A_219 = arith.index_cast %swap3A_218 : i32 to index
    %swap3A_220 = arith.constant 112 : index
    %swap3A_221 = tpu.vector_load %arg11[%swap3A_219, %swap3A_220] {strides = array<i32>} : memref<8x128xf32, #tpu.memory_space<vmem>>, vector<16xf32>,
    tpu.vector_store %arg11[%swap3A_219, %swap3A_220], %broadcast_in_dim3A_93 {strides = array<i32>} : memref<8x128xf32, #tpu.memory_space<vmem>>, vector<16xf32>,
    %swap3A_222 = arith.constant 4 : i32
    %swap3A_223 = arith.index_cast %swap3A_222 : i32 to index
    %swap3A_224 = arith.constant 0 : index
    %swap3A_225 = tpu.vector_load %arg11[%swap3A_223, %swap3A_224] {strides = array<i32>} : memref<8x128xf32, #tpu.memory_space<vmem>>, vector<16xf32>,
    tpu.vector_store %arg11[%swap3A_223, %swap3A_224], %broadcast_in_dim3A_93 {strides = array<i32>} : memref<8x128xf32, #tpu.memory_space<vmem>>, vector<16xf32>,
    %swap3A_226 = arith.constant 4 : i32
    %swap3A_227 = arith.index_cast %swap3A_226 : i32 to index
    %swap3A_228 = arith.constant 16 : index
    %swap3A_229 = tpu.vector_load %arg11[%swap3A_227, %swap3A_228] {strides = array<i32>} : memref<8x128xf32, #tpu.memory_space<vmem>>, vector<16xf32>,
    tpu.vector_store %arg11[%swap3A_227, %swap3A_228], %broadcast_in_dim3A_93 {strides = array<i32>} : memref<8x128xf32, #tpu.memory_space<vmem>>, vector<16xf32>,
    %swap3A_230 = arith.constant 4 : i32
    %swap3A_231 = arith.index_cast %swap3A_230 : i32 to index
    %swap3A_232 = arith.constant 32 : index
    %swap3A_233 = tpu.vector_load %arg11[%swap3A_231, %swap3A_232] {strides = array<i32>} : memref<8x128xf32, #tpu.memory_space<vmem>>, vector<16xf32>,
    tpu.vector_store %arg11[%swap3A_231, %swap3A_232], %broadcast_in_dim3A_93 {strides = array<i32>} : memref<8x128xf32, #tpu.memory_space<vmem>>, vector<16xf32>,
    %swap3A_234 = arith.constant 4 : i32
    %swap3A_235 = arith.index_cast %swap3A_234 : i32 to index
    %swap3A_236 = arith.constant 48 : index
    %swap3A_237 = tpu.vector_load %arg11[%swap3A_235, %swap3A_236] {strides = array<i32>} : memref<8x128xf32, #tpu.memory_space<vmem>>, vector<16xf32>,
    tpu.vector_store %arg11[%swap3A_235, %swap3A_236], %broadcast_in_dim3A_93 {strides = array<i32>} : memref<8x128xf32, #tpu.memory_space<vmem>>, vector<16xf32>,
    %swap3A_238 = arith.constant 4 : i32
    %swap3A_239 = arith.index_cast %swap3A_238 : i32 to index
    %swap3A_240 = arith.constant 64 : index
    %swap3A_241 = tpu.vector_load %arg11[%swap3A_239, %swap3A_240] {strides = array<i32>} : memref<8x128xf32, #tpu.memory_space<vmem>>, vector<16xf32>,
    tpu.vector_store %arg11[%swap3A_239, %swap3A_240], %broadcast_in_dim3A_93 {strides = array<i32>} : memref<8x128xf32, #tpu.memory_space<vmem>>, vector<16xf32>,
    %swap3A_242 = arith.constant 4 : i32
    %swap3A_243 = arith.index_cast %swap3A_242 : i32 to index
    %swap3A_244 = arith.constant 80 : index
    %swap3A_245 = tpu.vector_load %arg11[%swap3A_243, %swap3A_244] {strides = array<i32>} : memref<8x128xf32, #tpu.memory_space<vmem>>, vector<16xf32>,
    tpu.vector_store %arg11[%swap3A_243, %swap3A_244], %broadcast_in_dim3A_93 {strides = array<i32>} : memref<8x128xf32, #tpu.memory_space<vmem>>, vector<16xf32>,
    %swap3A_246 = arith.constant 4 : i32
    %swap3A_247 = arith.index_cast %swap3A_246 : i32 to index
    %swap3A_248 = arith.constant 96 : index
    %swap3A_249 = tpu.vector_load %arg11[%swap3A_247, %swap3A_248] {strides = array<i32>} : memref<8x128xf32, #tpu.memory_space<vmem>>, vector<16xf32>,
    tpu.vector_store %arg11[%swap3A_247, %swap3A_248], %broadcast_in_dim3A_93 {strides = array<i32>} : memref<8x128xf32, #tpu.memory_space<vmem>>, vector<16xf32>,
    %swap3A_250 = arith.constant 4 : i32
    %swap3A_251 = arith.index_cast %swap3A_250 : i32 to index
    %swap3A_252 = arith.constant 112 : index
    %swap3A_253 = tpu.vector_load %arg11[%swap3A_251, %swap3A_252] {strides = array<i32>} : memref<8x128xf32, #tpu.memory_space<vmem>>, vector<16xf32>,
    tpu.vector_store %arg11[%swap3A_251, %swap3A_252], %broadcast_in_dim3A_93 {strides = array<i32>} : memref<8x128xf32, #tpu.memory_space<vmem>>, vector<16xf32>,
    %swap3A_254 = arith.constant 5 : i32
    %swap3A_255 = arith.index_cast %swap3A_254 : i32 to index
    %swap3A_256 = arith.constant 0 : index
    %swap3A_257 = tpu.vector_load %arg11[%swap3A_255, %swap3A_256] {strides = array<i32>} : memref<8x128xf32, #tpu.memory_space<vmem>>, vector<16xf32>,
    tpu.vector_store %arg11[%swap3A_255, %swap3A_256], %broadcast_in_dim3A_93 {strides = array<i32>} : memref<8x128xf32, #tpu.memory_space<vmem>>, vector<16xf32>,
    %swap3A_258 = arith.constant 5 : i32
    %swap3A_259 = arith.index_cast %swap3A_258 : i32 to index
    %swap3A_260 = arith.constant 16 : index
    %swap3A_261 = tpu.vector_load %arg11[%swap3A_259, %swap3A_260] {strides = array<i32>} : memref<8x128xf32, #tpu.memory_space<vmem>>, vector<16xf32>,
    tpu.vector_store %arg11[%swap3A_259, %swap3A_260], %broadcast_in_dim3A_93 {strides = array<i32>} : memref<8x128xf32, #tpu.memory_space<vmem>>, vector<16xf32>,
    %swap3A_262 = arith.constant 5 : i32
    %swap3A_263 = arith.index_cast %swap3A_262 : i32 to index
    %swap3A_264 = arith.constant 32 : index
    %swap3A_265 = tpu.vector_load %arg11[%swap3A_263, %swap3A_264] {strides = array<i32>} : memref<8x128xf32, #tpu.memory_space<vmem>>, vector<16xf32>,
    tpu.vector_store %arg11[%swap3A_263, %swap3A_264], %broadcast_in_dim3A_93 {strides = array<i32>} : memref<8x128xf32, #tpu.memory_space<vmem>>, vector<16xf32>,
    %swap3A_266 = arith.constant 5 : i32
    %swap3A_267 = arith.index_cast %swap3A_266 : i32 to index
    %swap3A_268 = arith.constant 48 : index
    %swap3A_269 = tpu.vector_load %arg11[%swap3A_267, %swap3A_268] {strides = array<i32>} : memref<8x128xf32, #tpu.memory_space<vmem>>, vector<16xf32>,
    tpu.vector_store %arg11[%swap3A_267, %swap3A_268], %broadcast_in_dim3A_93 {strides = array<i32>} : memref<8x128xf32, #tpu.memory_space<vmem>>, vector<16xf32>,
    %swap3A_270 = arith.constant 5 : i32
    %swap3A_271 = arith.index_cast %swap3A_270 : i32 to index
    %swap3A_272 = arith.constant 64 : index
    %swap3A_273 = tpu.vector_load %arg11[%swap3A_271, %swap3A_272] {strides = array<i32>} : memref<8x128xf32, #tpu.memory_space<vmem>>, vector<16xf32>,
    tpu.vector_store %arg11[%swap3A_271, %swap3A_272], %broadcast_in_dim3A_93 {strides = array<i32>} : memref<8x128xf32, #tpu.memory_space<vmem>>, vector<16xf32>,
    %swap3A_274 = arith.constant 5 : i32
    %swap3A_275 = arith.index_cast %swap3A_274 : i32 to index
    %swap3A_276 = arith.constant 80 : index
    %swap3A_277 = tpu.vector_load %arg11[%swap3A_275, %swap3A_276] {strides = array<i32>} : memref<8x128xf32, #tpu.memory_space<vmem>>, vector<16xf32>,
    tpu.vector_store %arg11[%swap3A_275, %swap3A_276], %broadcast_in_dim3A_93 {strides = array<i32>} : memref<8x128xf32, #tpu.memory_space<vmem>>, vector<16xf32>,
    %swap3A_278 = arith.constant 5 : i32
    %swap3A_279 = arith.index_cast %swap3A_278 : i32 to index
    %swap3A_280 = arith.constant 96 : index
    %swap3A_281 = tpu.vector_load %arg11[%swap3A_279, %swap3A_280] {strides = array<i32>} : memref<8x128xf32, #tpu.memory_space<vmem>>, vector<16xf32>,
    tpu.vector_store %arg11[%swap3A_279, %swap3A_280], %broadcast_in_dim3A_93 {strides = array<i32>} : memref<8x128xf32, #tpu.memory_space<vmem>>, vector<16xf32>,
    %swap3A_282 = arith.constant 5 : i32
    %swap3A_283 = arith.index_cast %swap3A_282 : i32 to index
    %swap3A_284 = arith.constant 112 : index
    %swap3A_285 = tpu.vector_load %arg11[%swap3A_283, %swap3A_284] {strides = array<i32>} : memref<8x128xf32, #tpu.memory_space<vmem>>, vector<16xf32>,
    tpu.vector_store %arg11[%swap3A_283, %swap3A_284], %broadcast_in_dim3A_93 {strides = array<i32>} : memref<8x128xf32, #tpu.memory_space<vmem>>, vector<16xf32>,
    %swap3A_286 = arith.constant 6 : i32
    %swap3A_287 = arith.index_cast %swap3A_286 : i32 to index
    %swap3A_288 = arith.constant 0 : index
    %swap3A_289 = tpu.vector_load %arg11[%swap3A_287, %swap3A_288] {strides = array<i32>} : memref<8x128xf32, #tpu.memory_space<vmem>>, vector<16xf32>,
    tpu.vector_store %arg11[%swap3A_287, %swap3A_288], %broadcast_in_dim3A_93 {strides = array<i32>} : memref<8x128xf32, #tpu.memory_space<vmem>>, vector<16xf32>,
    %swap3A_290 = arith.constant 6 : i32
    %swap3A_291 = arith.index_cast %swap3A_290 : i32 to index
    %swap3A_292 = arith.constant 16 : index
    %swap3A_293 = tpu.vector_load %arg11[%swap3A_291, %swap3A_292] {strides = array<i32>} : memref<8x128xf32, #tpu.memory_space<vmem>>, vector<16xf32>,
    tpu.vector_store %arg11[%swap3A_291, %swap3A_292], %broadcast_in_dim3A_93 {strides = array<i32>} : memref<8x128xf32, #tpu.memory_space<vmem>>, vector<16xf32>,
    %swap3A_294 = arith.constant 6 : i32
    %swap3A_295 = arith.index_cast %swap3A_294 : i32 to index
    %swap3A_296 = arith.constant 32 : index
    %swap3A_297 = tpu.vector_load %arg11[%swap3A_295, %swap3A_296] {strides = array<i32>} : memref<8x128xf32, #tpu.memory_space<vmem>>, vector<16xf32>,
    tpu.vector_store %arg11[%swap3A_295, %swap3A_296], %broadcast_in_dim3A_93 {strides = array<i32>} : memref<8x128xf32, #tpu.memory_space<vmem>>, vector<16xf32>,
    %swap3A_298 = arith.constant 6 : i32
    %swap3A_299 = arith.index_cast %swap3A_298 : i32 to index
    %swap3A_300 = arith.constant 48 : index
    %swap3A_301 = tpu.vector_load %arg11[%swap3A_299, %swap3A_300] {strides = array<i32>} : memref<8x128xf32, #tpu.memory_space<vmem>>, vector<16xf32>,
    tpu.vector_store %arg11[%swap3A_299, %swap3A_300], %broadcast_in_dim3A_93 {strides = array<i32>} : memref<8x128xf32, #tpu.memory_space<vmem>>, vector<16xf32>,
    %swap3A_302 = arith.constant 6 : i32
    %swap3A_303 = arith.index_cast %swap3A_302 : i32 to index
    %swap3A_304 = arith.constant 64 : index
    %swap3A_305 = tpu.vector_load %arg11[%swap3A_303, %swap3A_304] {strides = array<i32>} : memref<8x128xf32, #tpu.memory_space<vmem>>, vector<16xf32>,
    tpu.vector_store %arg11[%swap3A_303, %swap3A_304], %broadcast_in_dim3A_93 {strides = array<i32>} : memref<8x128xf32, #tpu.memory_space<vmem>>, vector<16xf32>,
    %swap3A_306 = arith.constant 6 : i32
    %swap3A_307 = arith.index_cast %swap3A_306 : i32 to index
    %swap3A_308 = arith.constant 80 : index
    %swap3A_309 = tpu.vector_load %arg11[%swap3A_307, %swap3A_308] {strides = array<i32>} : memref<8x128xf32, #tpu.memory_space<vmem>>, vector<16xf32>,
    tpu.vector_store %arg11[%swap3A_307, %swap3A_308], %broadcast_in_dim3A_93 {strides = array<i32>} : memref<8x128xf32, #tpu.memory_space<vmem>>, vector<16xf32>,
    %swap3A_310 = arith.constant 6 : i32
    %swap3A_311 = arith.index_cast %swap3A_310 : i32 to index
    %swap3A_312 = arith.constant 96 : index
    %swap3A_313 = tpu.vector_load %arg11[%swap3A_311, %swap3A_312] {strides = array<i32>} : memref<8x128xf32, #tpu.memory_space<vmem>>, vector<16xf32>,
    tpu.vector_store %arg11[%swap3A_311, %swap3A_312], %broadcast_in_dim3A_93 {strides = array<i32>} : memref<8x128xf32, #tpu.memory_space<vmem>>, vector<16xf32>,
    %swap3A_314 = arith.constant 6 : i32
    %swap3A_315 = arith.index_cast %swap3A_314 : i32 to index
    %swap3A_316 = arith.constant 112 : index
    %swap3A_317 = tpu.vector_load %arg11[%swap3A_315, %swap3A_316] {strides = array<i32>} : memref<8x128xf32, #tpu.memory_space<vmem>>, vector<16xf32>,
    tpu.vector_store %arg11[%swap3A_315, %swap3A_316], %broadcast_in_dim3A_93 {strides = array<i32>} : memref<8x128xf32, #tpu.memory_space<vmem>>, vector<16xf32>,
    %swap3A_318 = arith.constant 7 : i32
    %swap3A_319 = arith.index_cast %swap3A_318 : i32 to index
    %swap3A_320 = arith.constant 0 : index
    %swap3A_321 = tpu.vector_load %arg11[%swap3A_319, %swap3A_320] {strides = array<i32>} : memref<8x128xf32, #tpu.memory_space<vmem>>, vector<16xf32>,
    tpu.vector_store %arg11[%swap3A_319, %swap3A_320], %broadcast_in_dim3A_93 {strides = array<i32>} : memref<8x128xf32, #tpu.memory_space<vmem>>, vector<16xf32>,
    %swap3A_322 = arith.constant 7 : i32
    %swap3A_323 = arith.index_cast %swap3A_322 : i32 to index
    %swap3A_324 = arith.constant 16 : index
    %swap3A_325 = tpu.vector_load %arg11[%swap3A_323, %swap3A_324] {strides = array<i32>} : memref<8x128xf32, #tpu.memory_space<vmem>>, vector<16xf32>,
    tpu.vector_store %arg11[%swap3A_323, %swap3A_324], %broadcast_in_dim3A_93 {strides = array<i32>} : memref<8x128xf32, #tpu.memory_space<vmem>>, vector<16xf32>,
    %swap3A_326 = arith.constant 7 : i32
    %swap3A_327 = arith.index_cast %swap3A_326 : i32 to index
    %swap3A_328 = arith.constant 32 : index
    %swap3A_329 = tpu.vector_load %arg11[%swap3A_327, %swap3A_328] {strides = array<i32>} : memref<8x128xf32, #tpu.memory_space<vmem>>, vector<16xf32>,
    tpu.vector_store %arg11[%swap3A_327, %swap3A_328], %broadcast_in_dim3A_93 {strides = array<i32>} : memref<8x128xf32, #tpu.memory_space<vmem>>, vector<16xf32>,
    %swap3A_330 = arith.constant 7 : i32
    %swap3A_331 = arith.index_cast %swap3A_330 : i32 to index
    %swap3A_332 = arith.constant 48 : index
    %swap3A_333 = tpu.vector_load %arg11[%swap3A_331, %swap3A_332] {strides = array<i32>} : memref<8x128xf32, #tpu.memory_space<vmem>>, vector<16xf32>,
    tpu.vector_store %arg11[%swap3A_331, %swap3A_332], %broadcast_in_dim3A_93 {strides = array<i32>} : memref<8x128xf32, #tpu.memory_space<vmem>>, vector<16xf32>,
    %swap3A_334 = arith.constant 7 : i32
    %swap3A_335 = arith.index_cast %swap3A_334 : i32 to index
    %swap3A_336 = arith.constant 64 : index
    %swap3A_337 = tpu.vector_load %arg11[%swap3A_335, %swap3A_336] {strides = array<i32>} : memref<8x128xf32, #tpu.memory_space<vmem>>, vector<16xf32>,
    tpu.vector_store %arg11[%swap3A_335, %swap3A_336], %broadcast_in_dim3A_93 {strides = array<i32>} : memref<8x128xf32, #tpu.memory_space<vmem>>, vector<16xf32>,
    %swap3A_338 = arith.constant 7 : i32
    %swap3A_339 = arith.index_cast %swap3A_338 : i32 to index
    %swap3A_340 = arith.constant 80 : index
    %swap3A_341 = tpu.vector_load %arg11[%swap3A_339, %swap3A_340] {strides = array<i32>} : memref<8x128xf32, #tpu.memory_space<vmem>>, vector<16xf32>,
    tpu.vector_store %arg11[%swap3A_339, %swap3A_340], %broadcast_in_dim3A_93 {strides = array<i32>} : memref<8x128xf32, #tpu.memory_space<vmem>>, vector<16xf32>,
    %swap3A_342 = arith.constant 7 : i32
    %swap3A_343 = arith.index_cast %swap3A_342 : i32 to index
    %swap3A_344 = arith.constant 96 : index
    %swap3A_345 = tpu.vector_load %arg11[%swap3A_343, %swap3A_344] {strides = array<i32>} : memref<8x128xf32, #tpu.memory_space<vmem>>, vector<16xf32>,
    tpu.vector_store %arg11[%swap3A_343, %swap3A_344], %broadcast_in_dim3A_93 {strides = array<i32>} : memref<8x128xf32, #tpu.memory_space<vmem>>, vector<16xf32>,
    %swap3A_346 = arith.constant 7 : i32
    %swap3A_347 = arith.index_cast %swap3A_346 : i32 to index
    %swap3A_348 = arith.constant 112 : index
    %swap3A_349 = tpu.vector_load %arg11[%swap3A_347, %swap3A_348] {strides = array<i32>} : memref<8x128xf32, #tpu.memory_space<vmem>>, vector<16xf32>,
    tpu.vector_store %arg11[%swap3A_347, %swap3A_348], %broadcast_in_dim3A_93 {strides = array<i32>} : memref<8x128xf32, #tpu.memory_space<vmem>>, vector<16xf32>,
    %mul3A_350 = arith.constant 2 : i32
    %mul3A_351 = arith.muli %arg1, %mul3A_350 : i32
    %mul3A_352 = arith.constant 4 : i32
    %mul3A_353 = arith.muli %mul3A_351, %mul3A_352 : i32
    "tpu.region"() ({
      %run_scoped3A = tpu.sem_alloc : memref<!tpu.dma_semaphore, #tpu.memory_space<semaphore_mem>>
      %dma_start3A_1831 = arith.constant 0 : i32
      %dma_start3A_1832 = tpu.memref_slice %arg21[%mul3A_353, %dma_start3A_1831] : memref<128x128xf32, #tpu.memory_space<vmem_shared>> -> memref<8x128xf32, #tpu.memory_space<vmem_shared>>
      %dma_start3A_1833 = arith.constant 0 : i32
      %dma_start3A_1834 = tpu.memref_slice %arg21[%mul3A_353, %dma_start3A_1833] : memref<128x128xf32, #tpu.memory_space<vmem_shared>> -> memref<8x128xf32, #tpu.memory_space<vmem_shared>>
      tpu.enqueue_dma source(%arg11 : memref<8x128xf32, #tpu.memory_space<vmem>>) target(%dma_start3A_1834 : memref<8x128xf32, #tpu.memory_space<vmem_shared>>) target_semaphore(%run_scoped3A : memref<!tpu.dma_semaphore, #tpu.memory_space<semaphore_mem>>)
      %dma_wait3A_1835 = arith.constant 0 : i32
      %dma_wait3A_1836 = tpu.memref_slice %arg21[%mul3A_353, %dma_wait3A_1835] : memref<128x128xf32, #tpu.memory_space<vmem_shared>> -> memref<8x128xf32, #tpu.memory_space<vmem_shared>>
      %dma_wait3A_1837 = arith.constant 0 : i32
      %dma_wait3A_1838 = tpu.memref_slice %arg21[%mul3A_353, %dma_wait3A_1837] : memref<128x128xf32, #tpu.memory_space<vmem_shared>> -> memref<8x128xf32, #tpu.memory_space<vmem_shared>>
      tpu.wait_dma2 semaphore(%run_scoped3A : memref<!tpu.dma_semaphore, #tpu.memory_space<semaphore_mem>>) src(%arg11 : memref<8x128xf32, #tpu.memory_space<vmem>>) dst(%dma_wait3A_1838 : memref<8x128xf32, #tpu.memory_space<vmem_shared>>)
      tpu.yield
    }) : () -> ()
    %barrier3A = arith.constant 0 : index
    tpu.barrier barrier_id(%barrier3A)
    %dma_start3A = arith.constant 0 : i32
    %dma_start3A_354 = arith.constant 0 : i32
    %dma_start3A_355 = arith.constant 0 : i32
    %dma_start3A_356 = arith.constant 0 : i32
    %dma_start3A_357 = tpu.memref_slice %arg8[%dma_start3A_354, %dma_start3A_355, %dma_start3A_356] : memref<2x2x4096xi32, #tpu.memory_space<vmem>> -> memref<1x1x4096xi32, #tpu.memory_space<vmem>>
    %dma_start3A_358 = tpu.memref_squeeze %dma_start3A_357 : memref<1x1x4096xi32, #tpu.memory_space<vmem>> -> memref<4096xi32, #tpu.memory_space<vmem>>
    %dma_start3A_359 = arith.constant 0 : i32
    %dma_start3A_360 = tpu.memref_slice %arg20[%dma_start3A, %dma_start3A_359] : memref<2x16384xi32, #tpu.memory_space<vmem_shared>> -> memref<1x4096xi32, #tpu.memory_space<vmem_shared>>
    %dma_start3A_361 = tpu.memref_squeeze %dma_start3A_360 : memref<1x4096xi32, #tpu.memory_space<vmem_shared>> -> memref<4096xi32, #tpu.memory_space<vmem_shared>>
    %dma_start3A_362 = arith.constant 0 : i32
    %dma_start3A_363 = tpu.memref_slice %arg8[%dma_start3A_354, %dma_start3A_355, %dma_start3A_362] : memref<2x2x4096xi32, #tpu.memory_space<vmem>> -> memref<1x1x4096xi32, #tpu.memory_space<vmem>>
    %dma_start3A_364 = tpu.memref_squeeze %dma_start3A_363 : memref<1x1x4096xi32, #tpu.memory_space<vmem>> -> memref<4096xi32, #tpu.memory_space<vmem>>
    %dma_start3A_365 = arith.constant 0 : i32
    %dma_start3A_366 = tpu.memref_slice %arg20[%dma_start3A, %dma_start3A_365] : memref<2x16384xi32, #tpu.memory_space<vmem_shared>> -> memref<1x4096xi32, #tpu.memory_space<vmem_shared>>
    %dma_start3A_367 = tpu.memref_squeeze %dma_start3A_366 : memref<1x4096xi32, #tpu.memory_space<vmem_shared>> -> memref<4096xi32, #tpu.memory_space<vmem_shared>>
    tpu.enqueue_dma source(%dma_start3A_367 : memref<4096xi32, #tpu.memory_space<vmem_shared>>) target(%dma_start3A_364 : memref<4096xi32, #tpu.memory_space<vmem>>) target_semaphore(%arg14 : memref<!tpu.dma_semaphore, #tpu.memory_space<semaphore_mem>>)
    %dma_start3A_368 = arith.constant 1 : i32
    %dma_start3A_369 = arith.constant 0 : i32
    %dma_start3A_370 = arith.constant 1 : i32
    %dma_start3A_371 = arith.constant 0 : i32
    %dma_start3A_372 = tpu.memref_slice %arg8[%dma_start3A_369, %dma_start3A_370, %dma_start3A_371] : memref<2x2x4096xi32, #tpu.memory_space<vmem>> -> memref<1x1x4096xi32, #tpu.memory_space<vmem>>
    %dma_start3A_373 = tpu.memref_squeeze %dma_start3A_372 : memref<1x1x4096xi32, #tpu.memory_space<vmem>> -> memref<4096xi32, #tpu.memory_space<vmem>>
    %dma_start3A_374 = arith.constant 0 : i32
    %dma_start3A_375 = tpu.memref_slice %arg20[%dma_start3A_368, %dma_start3A_374] : memref<2x16384xi32, #tpu.memory_space<vmem_shared>> -> memref<1x4096xi32, #tpu.memory_space<vmem_shared>>
    %dma_start3A_376 = tpu.memref_squeeze %dma_start3A_375 : memref<1x4096xi32, #tpu.memory_space<vmem_shared>> -> memref<4096xi32, #tpu.memory_space<vmem_shared>>
    %dma_start3A_377 = arith.constant 0 : i32
    %dma_start3A_378 = tpu.memref_slice %arg8[%dma_start3A_369, %dma_start3A_370, %dma_start3A_377] : memref<2x2x4096xi32, #tpu.memory_space<vmem>> -> memref<1x1x4096xi32, #tpu.memory_space<vmem>>
    %dma_start3A_379 = tpu.memref_squeeze %dma_start3A_378 : memref<1x1x4096xi32, #tpu.memory_space<vmem>> -> memref<4096xi32, #tpu.memory_space<vmem>>
    %dma_start3A_380 = arith.constant 0 : i32
    %dma_start3A_381 = tpu.memref_slice %arg20[%dma_start3A_368, %dma_start3A_380] : memref<2x16384xi32, #tpu.memory_space<vmem_shared>> -> memref<1x4096xi32, #tpu.memory_space<vmem_shared>>
    %dma_start3A_382 = tpu.memref_squeeze %dma_start3A_381 : memref<1x4096xi32, #tpu.memory_space<vmem_shared>> -> memref<4096xi32, #tpu.memory_space<vmem_shared>>
    tpu.enqueue_dma source(%dma_start3A_382 : memref<4096xi32, #tpu.memory_space<vmem_shared>>) target(%dma_start3A_379 : memref<4096xi32, #tpu.memory_space<vmem>>) target_semaphore(%arg15 : memref<!tpu.dma_semaphore, #tpu.memory_space<semaphore_mem>>)
    %dma_start3A_383 = arith.constant 0 : i32
    %dma_start3A_384 = arith.constant 1 : i32
    %dma_start3A_385 = arith.constant 0 : i32
    %dma_start3A_386 = arith.constant 0 : i32
    %dma_start3A_387 = tpu.memref_slice %arg8[%dma_start3A_384, %dma_start3A_385, %dma_start3A_386] : memref<2x2x4096xi32, #tpu.memory_space<vmem>> -> memref<1x1x4096xi32, #tpu.memory_space<vmem>>
    %dma_start3A_388 = tpu.memref_squeeze %dma_start3A_387 : memref<1x1x4096xi32, #tpu.memory_space<vmem>> -> memref<4096xi32, #tpu.memory_space<vmem>>
    %dma_start3A_389 = arith.constant 4096 : i32
    %dma_start3A_390 = tpu.memref_slice %arg20[%dma_start3A_383, %dma_start3A_389] : memref<2x16384xi32, #tpu.memory_space<vmem_shared>> -> memref<1x4096xi32, #tpu.memory_space<vmem_shared>>
    %dma_start3A_391 = tpu.memref_squeeze %dma_start3A_390 : memref<1x4096xi32, #tpu.memory_space<vmem_shared>> -> memref<4096xi32, #tpu.memory_space<vmem_shared>>
    %dma_start3A_392 = arith.constant 0 : i32
    %dma_start3A_393 = tpu.memref_slice %arg8[%dma_start3A_384, %dma_start3A_385, %dma_start3A_392] : memref<2x2x4096xi32, #tpu.memory_space<vmem>> -> memref<1x1x4096xi32, #tpu.memory_space<vmem>>
    %dma_start3A_394 = tpu.memref_squeeze %dma_start3A_393 : memref<1x1x4096xi32, #tpu.memory_space<vmem>> -> memref<4096xi32, #tpu.memory_space<vmem>>
    %dma_start3A_395 = arith.constant 4096 : i32
    %dma_start3A_396 = tpu.memref_slice %arg20[%dma_start3A_383, %dma_start3A_395] : memref<2x16384xi32, #tpu.memory_space<vmem_shared>> -> memref<1x4096xi32, #tpu.memory_space<vmem_shared>>
    %dma_start3A_397 = tpu.memref_squeeze %dma_start3A_396 : memref<1x4096xi32, #tpu.memory_space<vmem_shared>> -> memref<4096xi32, #tpu.memory_space<vmem_shared>>
    tpu.enqueue_dma source(%dma_start3A_397 : memref<4096xi32, #tpu.memory_space<vmem_shared>>) target(%dma_start3A_394 : memref<4096xi32, #tpu.memory_space<vmem>>) target_semaphore(%arg16 : memref<!tpu.dma_semaphore, #tpu.memory_space<semaphore_mem>>)
    %dma_start3A_398 = arith.constant 1 : i32
    %dma_start3A_399 = arith.constant 1 : i32
    %dma_start3A_400 = arith.constant 1 : i32
    %dma_start3A_401 = arith.constant 0 : i32
    %dma_start3A_402 = tpu.memref_slice %arg8[%dma_start3A_399, %dma_start3A_400, %dma_start3A_401] : memref<2x2x4096xi32, #tpu.memory_space<vmem>> -> memref<1x1x4096xi32, #tpu.memory_space<vmem>>
    %dma_start3A_403 = tpu.memref_squeeze %dma_start3A_402 : memref<1x1x4096xi32, #tpu.memory_space<vmem>> -> memref<4096xi32, #tpu.memory_space<vmem>>
    %dma_start3A_404 = arith.constant 4096 : i32
    %dma_start3A_405 = tpu.memref_slice %arg20[%dma_start3A_398, %dma_start3A_404] : memref<2x16384xi32, #tpu.memory_space<vmem_shared>> -> memref<1x4096xi32, #tpu.memory_space<vmem_shared>>
    %dma_start3A_406 = tpu.memref_squeeze %dma_start3A_405 : memref<1x4096xi32, #tpu.memory_space<vmem_shared>> -> memref<4096xi32, #tpu.memory_space<vmem_shared>>
    %dma_start3A_407 = arith.constant 0 : i32
    %dma_start3A_408 = tpu.memref_slice %arg8[%dma_start3A_399, %dma_start3A_400, %dma_start3A_407] : memref<2x2x4096xi32, #tpu.memory_space<vmem>> -> memref<1x1x4096xi32, #tpu.memory_space<vmem>>
    %dma_start3A_409 = tpu.memref_squeeze %dma_start3A_408 : memref<1x1x4096xi32, #tpu.memory_space<vmem>> -> memref<4096xi32, #tpu.memory_space<vmem>>
    %dma_start3A_410 = arith.constant 4096 : i32
    %dma_start3A_411 = tpu.memref_slice %arg20[%dma_start3A_398, %dma_start3A_410] : memref<2x16384xi32, #tpu.memory_space<vmem_shared>> -> memref<1x4096xi32, #tpu.memory_space<vmem_shared>>
    %dma_start3A_412 = tpu.memref_squeeze %dma_start3A_411 : memref<1x4096xi32, #tpu.memory_space<vmem_shared>> -> memref<4096xi32, #tpu.memory_space<vmem_shared>>
    tpu.enqueue_dma source(%dma_start3A_412 : memref<4096xi32, #tpu.memory_space<vmem_shared>>) target(%dma_start3A_409 : memref<4096xi32, #tpu.memory_space<vmem>>) target_semaphore(%arg17 : memref<!tpu.dma_semaphore, #tpu.memory_space<semaphore_mem>>)
    %mul3A_413 = arith.constant 32 : i32
    %mul3A_414 = arith.muli %arg0, %mul3A_413 : i32
    %mul3A_415 = arith.constant 2 : i32
    %mul3A_416 = arith.muli %arg1, %mul3A_415 : i32
    %add3A_417 = arith.addi %mul3A_414, %mul3A_416 : i32
    %add3A_418 = arith.constant 0 : i32
    %add3A_419 = arith.addi %add3A_417, %add3A_418 : i32
    "tpu.region"() ({
      %run_scoped3A = tpu.sem_alloc : memref<!tpu.dma_semaphore, #tpu.memory_space<semaphore_mem>>
      %dma_start3A_1831 = arith.constant 0 : i32
      %dma_start3A_1832 = tpu.memref_slice %arg3[%add3A_419, %dma_start3A_1831] : memref<64x100000xf32, #tpu.memory_space<hbm>> -> memref<1x100000xf32, #tpu.memory_space<hbm>>
      %dma_start3A_1833 = tpu.memref_squeeze %dma_start3A_1832 : memref<1x100000xf32, #tpu.memory_space<hbm>> -> memref<100000xf32, #tpu.memory_space<hbm>>
      %dma_start3A_1834 = arith.constant 0 : i32
      %dma_start3A_1835 = tpu.memref_slice %arg3[%add3A_419, %dma_start3A_1834] : memref<64x100000xf32, #tpu.memory_space<hbm>> -> memref<1x100000xf32, #tpu.memory_space<hbm>>
      %dma_start3A_1836 = tpu.memref_squeeze %dma_start3A_1835 : memref<1x100000xf32, #tpu.memory_space<hbm>> -> memref<100000xf32, #tpu.memory_space<hbm>>
      tpu.enqueue_dma source(%dma_start3A_1836 : memref<100000xf32, #tpu.memory_space<hbm>>) target(%arg7 : memref<100000xf32, #tpu.memory_space<vmem>>) target_semaphore(%run_scoped3A : memref<!tpu.dma_semaphore, #tpu.memory_space<semaphore_mem>>)
      %dma_wait3A_1837 = arith.constant 0 : i32
      %dma_wait3A_1838 = tpu.memref_slice %arg3[%add3A_419, %dma_wait3A_1837] : memref<64x100000xf32, #tpu.memory_space<hbm>> -> memref<1x100000xf32, #tpu.memory_space<hbm>>
      %dma_wait3A_1839 = tpu.memref_squeeze %dma_wait3A_1838 : memref<1x100000xf32, #tpu.memory_space<hbm>> -> memref<100000xf32, #tpu.memory_space<hbm>>
      %dma_wait3A_1840 = arith.constant 0 : i32
      %dma_wait3A_1841 = tpu.memref_slice %arg3[%add3A_419, %dma_wait3A_1840] : memref<64x100000xf32, #tpu.memory_space<hbm>> -> memref<1x100000xf32, #tpu.memory_space<hbm>>
      %dma_wait3A_1842 = tpu.memref_squeeze %dma_wait3A_1841 : memref<1x100000xf32, #tpu.memory_space<hbm>> -> memref<100000xf32, #tpu.memory_space<hbm>>
      tpu.wait_dma2 semaphore(%run_scoped3A : memref<!tpu.dma_semaphore, #tpu.memory_space<semaphore_mem>>) src(%dma_wait3A_1842 : memref<100000xf32, #tpu.memory_space<hbm>>) dst(%arg7 : memref<100000xf32, #tpu.memory_space<vmem>>)
      tpu.yield
    }) : () -> ()
    %dma_wait3A = arith.constant 0 : i32
    %dma_wait3A_420 = arith.constant 0 : i32
    %dma_wait3A_421 = arith.constant 0 : i32
    %dma_wait3A_422 = arith.constant 0 : i32
    %dma_wait3A_423 = tpu.memref_slice %arg8[%dma_wait3A_420, %dma_wait3A_421, %dma_wait3A_422] : memref<2x2x4096xi32, #tpu.memory_space<vmem>> -> memref<1x1x4096xi32, #tpu.memory_space<vmem>>
    %dma_wait3A_424 = tpu.memref_squeeze %dma_wait3A_423 : memref<1x1x4096xi32, #tpu.memory_space<vmem>> -> memref<4096xi32, #tpu.memory_space<vmem>>
    %dma_wait3A_425 = arith.constant 0 : i32
    %dma_wait3A_426 = tpu.memref_slice %arg20[%dma_wait3A, %dma_wait3A_425] : memref<2x16384xi32, #tpu.memory_space<vmem_shared>> -> memref<1x4096xi32, #tpu.memory_space<vmem_shared>>
    %dma_wait3A_427 = tpu.memref_squeeze %dma_wait3A_426 : memref<1x4096xi32, #tpu.memory_space<vmem_shared>> -> memref<4096xi32, #tpu.memory_space<vmem_shared>>
    %dma_wait3A_428 = arith.constant 0 : i32
    %dma_wait3A_429 = tpu.memref_slice %arg8[%dma_wait3A_420, %dma_wait3A_421, %dma_wait3A_428] : memref<2x2x4096xi32, #tpu.memory_space<vmem>> -> memref<1x1x4096xi32, #tpu.memory_space<vmem>>
    %dma_wait3A_430 = tpu.memref_squeeze %dma_wait3A_429 : memref<1x1x4096xi32, #tpu.memory_space<vmem>> -> memref<4096xi32, #tpu.memory_space<vmem>>
    %dma_wait3A_431 = arith.constant 0 : i32
    %dma_wait3A_432 = tpu.memref_slice %arg20[%dma_wait3A, %dma_wait3A_431] : memref<2x16384xi32, #tpu.memory_space<vmem_shared>> -> memref<1x4096xi32, #tpu.memory_space<vmem_shared>>
    %dma_wait3A_433 = tpu.memref_squeeze %dma_wait3A_432 : memref<1x4096xi32, #tpu.memory_space<vmem_shared>> -> memref<4096xi32, #tpu.memory_space<vmem_shared>>
    tpu.wait_dma2 semaphore(%arg14 : memref<!tpu.dma_semaphore, #tpu.memory_space<semaphore_mem>>) src(%dma_wait3A_433 : memref<4096xi32, #tpu.memory_space<vmem_shared>>) dst(%dma_wait3A_430 : memref<4096xi32, #tpu.memory_space<vmem>>)
    %dma_wait3A_434 = arith.constant 1 : i32
    %dma_wait3A_435 = arith.constant 0 : i32
    %dma_wait3A_436 = arith.constant 1 : i32
    %dma_wait3A_437 = arith.constant 0 : i32
    %dma_wait3A_438 = tpu.memref_slice %arg8[%dma_wait3A_435, %dma_wait3A_436, %dma_wait3A_437] : memref<2x2x4096xi32, #tpu.memory_space<vmem>> -> memref<1x1x4096xi32, #tpu.memory_space<vmem>>
    %dma_wait3A_439 = tpu.memref_squeeze %dma_wait3A_438 : memref<1x1x4096xi32, #tpu.memory_space<vmem>> -> memref<4096xi32, #tpu.memory_space<vmem>>
    %dma_wait3A_440 = arith.constant 0 : i32
    %dma_wait3A_441 = tpu.memref_slice %arg20[%dma_wait3A_434, %dma_wait3A_440] : memref<2x16384xi32, #tpu.memory_space<vmem_shared>> -> memref<1x4096xi32, #tpu.memory_space<vmem_shared>>
    %dma_wait3A_442 = tpu.memref_squeeze %dma_wait3A_441 : memref<1x4096xi32, #tpu.memory_space<vmem_shared>> -> memref<4096xi32, #tpu.memory_space<vmem_shared>>
    %dma_wait3A_443 = arith.constant 0 : i32
    %dma_wait3A_444 = tpu.memref_slice %arg8[%dma_wait3A_435, %dma_wait3A_436, %dma_wait3A_443] : memref<2x2x4096xi32, #tpu.memory_space<vmem>> -> memref<1x1x4096xi32, #tpu.memory_space<vmem>>
    %dma_wait3A_445 = tpu.memref_squeeze %dma_wait3A_444 : memref<1x1x4096xi32, #tpu.memory_space<vmem>> -> memref<4096xi32, #tpu.memory_space<vmem>>
    %dma_wait3A_446 = arith.constant 0 : i32
    %dma_wait3A_447 = tpu.memref_slice %arg20[%dma_wait3A_434, %dma_wait3A_446] : memref<2x16384xi32, #tpu.memory_space<vmem_shared>> -> memref<1x4096xi32, #tpu.memory_space<vmem_shared>>
    %dma_wait3A_448 = tpu.memref_squeeze %dma_wait3A_447 : memref<1x4096xi32, #tpu.memory_space<vmem_shared>> -> memref<4096xi32, #tpu.memory_space<vmem_shared>>
    tpu.wait_dma2 semaphore(%arg15 : memref<!tpu.dma_semaphore, #tpu.memory_space<semaphore_mem>>) src(%dma_wait3A_448 : memref<4096xi32, #tpu.memory_space<vmem_shared>>) dst(%dma_wait3A_445 : memref<4096xi32, #tpu.memory_space<vmem>>)
    %scan3A = arith.constant 0 : i32
    %scan3A_449 = arith.constant 32 : i32
    %scan3A_450 = arith.addi %scan3A, %scan3A_449 : i32
    %scan3A_451 = arith.constant 1 : i32
    scf.for %scan3A_1831 = %scan3A to %scan3A_450 step %scan3A_451  : i32 {
      %mul3A_1832 = arith.constant 1 : i32
      %mul3A_1833 = arith.muli %scan3A_1831, %mul3A_1832 : i32
      %add3A_1834 = arith.constant 0 : i32
      %add3A_1835 = arith.addi %add3A_1834, %mul3A_1833 : i32
      %mul3A_1836 = arith.constant 128 : i32
      %mul3A_1837 = arith.muli %add3A_1835, %mul3A_1836 : i32
      %add3A_1838 = arith.constant 0 : i32
      %add3A_1839 = arith.addi %mul3A_1837, %add3A_1838 : i32
      %get3A_1840 = arith.constant 0 : i32
      %get3A_1841 = arith.constant 0 : i32
      %get3A_1842 = arith.index_cast %get3A_1840 : i32 to index
      %get3A_1843 = arith.index_cast %get3A_1841 : i32 to index
      %get3A_1844 = arith.index_cast %add3A_1839 : i32 to index
      %get3A_1845 = tpu.vector_load %arg8[%get3A_1842, %get3A_1843, %get3A_1844] {strides = array<i32>} : memref<2x2x4096xi32, #tpu.memory_space<vmem>>, vector<16xi32>,
      %get3A_1846 = arith.constant 0 : i32
      %get3A_1847 = arith.constant 1 : i32
      %get3A_1848 = arith.index_cast %get3A_1846 : i32 to index
      %get3A_1849 = arith.index_cast %get3A_1847 : i32 to index
      %get3A_1850 = arith.index_cast %add3A_1839 : i32 to index
      %get3A_1851 = tpu.vector_load %arg8[%get3A_1848, %get3A_1849, %get3A_1850] {strides = array<i32>} : memref<2x2x4096xi32, #tpu.memory_space<vmem>>, vector<16xi32>,
      %gather3A = tpu.vector_load_idx %arg7[%get3A_1845] : memref<100000xf32, #tpu.memory_space<vmem>>[vector<16xi32>], vector<16xf32>,
      %gather3A_1852 = tpu.vector_load_idx %arg7[%get3A_1851] : memref<100000xf32, #tpu.memory_space<vmem>>[vector<16xi32>], vector<16xf32>,
      %mul3A_1853 = arith.mulf %gather3A, %gather3A_1852 : vector<16xf32>
      %swap3A_1854 = arith.constant 0 : i32
      %swap3A_1855 = arith.index_cast %swap3A_1854 : i32 to index
      %swap3A_1856 = arith.index_cast %add3A_1835 : i32 to index
      %swap3A_1857 = arith.constant 0 : index
      %swap3A_1858 = tpu.vector_load %arg9[%swap3A_1855, %swap3A_1856, %swap3A_1857] {strides = array<i32>} : memref<2x32x128xf32, #tpu.memory_space<vmem>>, vector<16xf32>,
      tpu.vector_store %arg9[%swap3A_1855, %swap3A_1856, %swap3A_1857], %mul3A_1853 {strides = array<i32>} : memref<2x32x128xf32, #tpu.memory_space<vmem>>, vector<16xf32>,
      %add3A_1859 = arith.constant 16 : i32
      %add3A_1860 = arith.addi %mul3A_1837, %add3A_1859 : i32
      %get3A_1861 = arith.constant 0 : i32
      %get3A_1862 = arith.constant 0 : i32
      %get3A_1863 = arith.index_cast %get3A_1861 : i32 to index
      %get3A_1864 = arith.index_cast %get3A_1862 : i32 to index
      %get3A_1865 = arith.index_cast %add3A_1860 : i32 to index
      %get3A_1866 = tpu.vector_load %arg8[%get3A_1863, %get3A_1864, %get3A_1865] {strides = array<i32>} : memref<2x2x4096xi32, #tpu.memory_space<vmem>>, vector<16xi32>,
      %get3A_1867 = arith.constant 0 : i32
      %get3A_1868 = arith.constant 1 : i32
      %get3A_1869 = arith.index_cast %get3A_1867 : i32 to index
      %get3A_1870 = arith.index_cast %get3A_1868 : i32 to index
      %get3A_1871 = arith.index_cast %add3A_1860 : i32 to index
      %get3A_1872 = tpu.vector_load %arg8[%get3A_1869, %get3A_1870, %get3A_1871] {strides = array<i32>} : memref<2x2x4096xi32, #tpu.memory_space<vmem>>, vector<16xi32>,
      %gather3A_1873 = tpu.vector_load_idx %arg7[%get3A_1866] : memref<100000xf32, #tpu.memory_space<vmem>>[vector<16xi32>], vector<16xf32>,
      %gather3A_1874 = tpu.vector_load_idx %arg7[%get3A_1872] : memref<100000xf32, #tpu.memory_space<vmem>>[vector<16xi32>], vector<16xf32>,
      %mul3A_1875 = arith.mulf %gather3A_1873, %gather3A_1874 : vector<16xf32>
      %swap3A_1876 = arith.constant 0 : i32
      %swap3A_1877 = arith.index_cast %swap3A_1876 : i32 to index
      %swap3A_1878 = arith.index_cast %add3A_1835 : i32 to index
      %swap3A_1879 = arith.constant 16 : index
      %swap3A_1880 = tpu.vector_load %arg9[%swap3A_1877, %swap3A_1878, %swap3A_1879] {strides = array<i32>} : memref<2x32x128xf32, #tpu.memory_space<vmem>>, vector<16xf32>,
      tpu.vector_store %arg9[%swap3A_1877, %swap3A_1878, %swap3A_1879], %mul3A_1875 {strides = array<i32>} : memref<2x32x128xf32, #tpu.memory_space<vmem>>, vector<16xf32>,
      %add3A_1881 = arith.constant 32 : i32
      %add3A_1882 = arith.addi %mul3A_1837, %add3A_1881 : i32
      %get3A_1883 = arith.constant 0 : i32
      %get3A_1884 = arith.constant 0 : i32
      %get3A_1885 = arith.index_cast %get3A_1883 : i32 to index
      %get3A_1886 = arith.index_cast %get3A_1884 : i32 to index
      %get3A_1887 = arith.index_cast %add3A_1882 : i32 to index
      %get3A_1888 = tpu.vector_load %arg8[%get3A_1885, %get3A_1886, %get3A_1887] {strides = array<i32>} : memref<2x2x4096xi32, #tpu.memory_space<vmem>>, vector<16xi32>,
      %get3A_1889 = arith.constant 0 : i32
      %get3A_1890 = arith.constant 1 : i32
      %get3A_1891 = arith.index_cast %get3A_1889 : i32 to index
      %get3A_1892 = arith.index_cast %get3A_1890 : i32 to index
      %get3A_1893 = arith.index_cast %add3A_1882 : i32 to index
      %get3A_1894 = tpu.vector_load %arg8[%get3A_1891, %get3A_1892, %get3A_1893] {strides = array<i32>} : memref<2x2x4096xi32, #tpu.memory_space<vmem>>, vector<16xi32>,
      %gather3A_1895 = tpu.vector_load_idx %arg7[%get3A_1888] : memref<100000xf32, #tpu.memory_space<vmem>>[vector<16xi32>], vector<16xf32>,
      %gather3A_1896 = tpu.vector_load_idx %arg7[%get3A_1894] : memref<100000xf32, #tpu.memory_space<vmem>>[vector<16xi32>], vector<16xf32>,
      %mul3A_1897 = arith.mulf %gather3A_1895, %gather3A_1896 : vector<16xf32>
      %swap3A_1898 = arith.constant 0 : i32
      %swap3A_1899 = arith.index_cast %swap3A_1898 : i32 to index
      %swap3A_1900 = arith.index_cast %add3A_1835 : i32 to index
      %swap3A_1901 = arith.constant 32 : index
      %swap3A_1902 = tpu.vector_load %arg9[%swap3A_1899, %swap3A_1900, %swap3A_1901] {strides = array<i32>} : memref<2x32x128xf32, #tpu.memory_space<vmem>>, vector<16xf32>,
      tpu.vector_store %arg9[%swap3A_1899, %swap3A_1900, %swap3A_1901], %mul3A_1897 {strides = array<i32>} : memref<2x32x128xf32, #tpu.memory_space<vmem>>, vector<16xf32>,
      %add3A_1903 = arith.constant 48 : i32
      %add3A_1904 = arith.addi %mul3A_1837, %add3A_1903 : i32
      %get3A_1905 = arith.constant 0 : i32
      %get3A_1906 = arith.constant 0 : i32
      %get3A_1907 = arith.index_cast %get3A_1905 : i32 to index
      %get3A_1908 = arith.index_cast %get3A_1906 : i32 to index
      %get3A_1909 = arith.index_cast %add3A_1904 : i32 to index
      %get3A_1910 = tpu.vector_load %arg8[%get3A_1907, %get3A_1908, %get3A_1909] {strides = array<i32>} : memref<2x2x4096xi32, #tpu.memory_space<vmem>>, vector<16xi32>,
      %get3A_1911 = arith.constant 0 : i32
      %get3A_1912 = arith.constant 1 : i32
      %get3A_1913 = arith.index_cast %get3A_1911 : i32 to index
      %get3A_1914 = arith.index_cast %get3A_1912 : i32 to index
      %get3A_1915 = arith.index_cast %add3A_1904 : i32 to index
      %get3A_1916 = tpu.vector_load %arg8[%get3A_1913, %get3A_1914, %get3A_1915] {strides = array<i32>} : memref<2x2x4096xi32, #tpu.memory_space<vmem>>, vector<16xi32>,
      %gather3A_1917 = tpu.vector_load_idx %arg7[%get3A_1910] : memref<100000xf32, #tpu.memory_space<vmem>>[vector<16xi32>], vector<16xf32>,
      %gather3A_1918 = tpu.vector_load_idx %arg7[%get3A_1916] : memref<100000xf32, #tpu.memory_space<vmem>>[vector<16xi32>], vector<16xf32>,
      %mul3A_1919 = arith.mulf %gather3A_1917, %gather3A_1918 : vector<16xf32>
      %swap3A_1920 = arith.constant 0 : i32
      %swap3A_1921 = arith.index_cast %swap3A_1920 : i32 to index
      %swap3A_1922 = arith.index_cast %add3A_1835 : i32 to index
      %swap3A_1923 = arith.constant 48 : index
      %swap3A_1924 = tpu.vector_load %arg9[%swap3A_1921, %swap3A_1922, %swap3A_1923] {strides = array<i32>} : memref<2x32x128xf32, #tpu.memory_space<vmem>>, vector<16xf32>,
      tpu.vector_store %arg9[%swap3A_1921, %swap3A_1922, %swap3A_1923], %mul3A_1919 {strides = array<i32>} : memref<2x32x128xf32, #tpu.memory_space<vmem>>, vector<16xf32>,
      %add3A_1925 = arith.constant 64 : i32
      %add3A_1926 = arith.addi %mul3A_1837, %add3A_1925 : i32
      %get3A_1927 = arith.constant 0 : i32
      %get3A_1928 = arith.constant 0 : i32
      %get3A_1929 = arith.index_cast %get3A_1927 : i32 to index
      %get3A_1930 = arith.index_cast %get3A_1928 : i32 to index
      %get3A_1931 = arith.index_cast %add3A_1926 : i32 to index
      %get3A_1932 = tpu.vector_load %arg8[%get3A_1929, %get3A_1930, %get3A_1931] {strides = array<i32>} : memref<2x2x4096xi32, #tpu.memory_space<vmem>>, vector<16xi32>,
      %get3A_1933 = arith.constant 0 : i32
      %get3A_1934 = arith.constant 1 : i32
      %get3A_1935 = arith.index_cast %get3A_1933 : i32 to index
      %get3A_1936 = arith.index_cast %get3A_1934 : i32 to index
      %get3A_1937 = arith.index_cast %add3A_1926 : i32 to index
      %get3A_1938 = tpu.vector_load %arg8[%get3A_1935, %get3A_1936, %get3A_1937] {strides = array<i32>} : memref<2x2x4096xi32, #tpu.memory_space<vmem>>, vector<16xi32>,
      %gather3A_1939 = tpu.vector_load_idx %arg7[%get3A_1932] : memref<100000xf32, #tpu.memory_space<vmem>>[vector<16xi32>], vector<16xf32>,
      %gather3A_1940 = tpu.vector_load_idx %arg7[%get3A_1938] : memref<100000xf32, #tpu.memory_space<vmem>>[vector<16xi32>], vector<16xf32>,
      %mul3A_1941 = arith.mulf %gather3A_1939, %gather3A_1940 : vector<16xf32>
      %swap3A_1942 = arith.constant 0 : i32
      %swap3A_1943 = arith.index_cast %swap3A_1942 : i32 to index
      %swap3A_1944 = arith.index_cast %add3A_1835 : i32 to index
      %swap3A_1945 = arith.constant 64 : index
      %swap3A_1946 = tpu.vector_load %arg9[%swap3A_1943, %swap3A_1944, %swap3A_1945] {strides = array<i32>} : memref<2x32x128xf32, #tpu.memory_space<vmem>>, vector<16xf32>,
      tpu.vector_store %arg9[%swap3A_1943, %swap3A_1944, %swap3A_1945], %mul3A_1941 {strides = array<i32>} : memref<2x32x128xf32, #tpu.memory_space<vmem>>, vector<16xf32>,
      %add3A_1947 = arith.constant 80 : i32
      %add3A_1948 = arith.addi %mul3A_1837, %add3A_1947 : i32
      %get3A_1949 = arith.constant 0 : i32
      %get3A_1950 = arith.constant 0 : i32
      %get3A_1951 = arith.index_cast %get3A_1949 : i32 to index
      %get3A_1952 = arith.index_cast %get3A_1950 : i32 to index
      %get3A_1953 = arith.index_cast %add3A_1948 : i32 to index
      %get3A_1954 = tpu.vector_load %arg8[%get3A_1951, %get3A_1952, %get3A_1953] {strides = array<i32>} : memref<2x2x4096xi32, #tpu.memory_space<vmem>>, vector<16xi32>,
      %get3A_1955 = arith.constant 0 : i32
      %get3A_1956 = arith.constant 1 : i32
      %get3A_1957 = arith.index_cast %get3A_1955 : i32 to index
      %get3A_1958 = arith.index_cast %get3A_1956 : i32 to index
      %get3A_1959 = arith.index_cast %add3A_1948 : i32 to index
      %get3A_1960 = tpu.vector_load %arg8[%get3A_1957, %get3A_1958, %get3A_1959] {strides = array<i32>} : memref<2x2x4096xi32, #tpu.memory_space<vmem>>, vector<16xi32>,
      %gather3A_1961 = tpu.vector_load_idx %arg7[%get3A_1954] : memref<100000xf32, #tpu.memory_space<vmem>>[vector<16xi32>], vector<16xf32>,
      %gather3A_1962 = tpu.vector_load_idx %arg7[%get3A_1960] : memref<100000xf32, #tpu.memory_space<vmem>>[vector<16xi32>], vector<16xf32>,
      %mul3A_1963 = arith.mulf %gather3A_1961, %gather3A_1962 : vector<16xf32>
      %swap3A_1964 = arith.constant 0 : i32
      %swap3A_1965 = arith.index_cast %swap3A_1964 : i32 to index
      %swap3A_1966 = arith.index_cast %add3A_1835 : i32 to index
      %swap3A_1967 = arith.constant 80 : index
      %swap3A_1968 = tpu.vector_load %arg9[%swap3A_1965, %swap3A_1966, %swap3A_1967] {strides = array<i32>} : memref<2x32x128xf32, #tpu.memory_space<vmem>>, vector<16xf32>,
      tpu.vector_store %arg9[%swap3A_1965, %swap3A_1966, %swap3A_1967], %mul3A_1963 {strides = array<i32>} : memref<2x32x128xf32, #tpu.memory_space<vmem>>, vector<16xf32>,
      %add3A_1969 = arith.constant 96 : i32
      %add3A_1970 = arith.addi %mul3A_1837, %add3A_1969 : i32
      %get3A_1971 = arith.constant 0 : i32
      %get3A_1972 = arith.constant 0 : i32
      %get3A_1973 = arith.index_cast %get3A_1971 : i32 to index
      %get3A_1974 = arith.index_cast %get3A_1972 : i32 to index
      %get3A_1975 = arith.index_cast %add3A_1970 : i32 to index
      %get3A_1976 = tpu.vector_load %arg8[%get3A_1973, %get3A_1974, %get3A_1975] {strides = array<i32>} : memref<2x2x4096xi32, #tpu.memory_space<vmem>>, vector<16xi32>,
      %get3A_1977 = arith.constant 0 : i32
      %get3A_1978 = arith.constant 1 : i32
      %get3A_1979 = arith.index_cast %get3A_1977 : i32 to index
      %get3A_1980 = arith.index_cast %get3A_1978 : i32 to index
      %get3A_1981 = arith.index_cast %add3A_1970 : i32 to index
      %get3A_1982 = tpu.vector_load %arg8[%get3A_1979, %get3A_1980, %get3A_1981] {strides = array<i32>} : memref<2x2x4096xi32, #tpu.memory_space<vmem>>, vector<16xi32>,
      %gather3A_1983 = tpu.vector_load_idx %arg7[%get3A_1976] : memref<100000xf32, #tpu.memory_space<vmem>>[vector<16xi32>], vector<16xf32>,
      %gather3A_1984 = tpu.vector_load_idx %arg7[%get3A_1982] : memref<100000xf32, #tpu.memory_space<vmem>>[vector<16xi32>], vector<16xf32>,
      %mul3A_1985 = arith.mulf %gather3A_1983, %gather3A_1984 : vector<16xf32>
      %swap3A_1986 = arith.constant 0 : i32
      %swap3A_1987 = arith.index_cast %swap3A_1986 : i32 to index
      %swap3A_1988 = arith.index_cast %add3A_1835 : i32 to index
      %swap3A_1989 = arith.constant 96 : index
      %swap3A_1990 = tpu.vector_load %arg9[%swap3A_1987, %swap3A_1988, %swap3A_1989] {strides = array<i32>} : memref<2x32x128xf32, #tpu.memory_space<vmem>>, vector<16xf32>,
      tpu.vector_store %arg9[%swap3A_1987, %swap3A_1988, %swap3A_1989], %mul3A_1985 {strides = array<i32>} : memref<2x32x128xf32, #tpu.memory_space<vmem>>, vector<16xf32>,
      %add3A_1991 = arith.constant 112 : i32
      %add3A_1992 = arith.addi %mul3A_1837, %add3A_1991 : i32
      %get3A_1993 = arith.constant 0 : i32
      %get3A_1994 = arith.constant 0 : i32
      %get3A_1995 = arith.index_cast %get3A_1993 : i32 to index
      %get3A_1996 = arith.index_cast %get3A_1994 : i32 to index
      %get3A_1997 = arith.index_cast %add3A_1992 : i32 to index
      %get3A_1998 = tpu.vector_load %arg8[%get3A_1995, %get3A_1996, %get3A_1997] {strides = array<i32>} : memref<2x2x4096xi32, #tpu.memory_space<vmem>>, vector<16xi32>,
      %get3A_1999 = arith.constant 0 : i32
      %get3A_2000 = arith.constant 1 : i32
      %get3A_2001 = arith.index_cast %get3A_1999 : i32 to index
      %get3A_2002 = arith.index_cast %get3A_2000 : i32 to index
      %get3A_2003 = arith.index_cast %add3A_1992 : i32 to index
      %get3A_2004 = tpu.vector_load %arg8[%get3A_2001, %get3A_2002, %get3A_2003] {strides = array<i32>} : memref<2x2x4096xi32, #tpu.memory_space<vmem>>, vector<16xi32>,
      %gather3A_2005 = tpu.vector_load_idx %arg7[%get3A_1998] : memref<100000xf32, #tpu.memory_space<vmem>>[vector<16xi32>], vector<16xf32>,
      %gather3A_2006 = tpu.vector_load_idx %arg7[%get3A_2004] : memref<100000xf32, #tpu.memory_space<vmem>>[vector<16xi32>], vector<16xf32>,
      %mul3A_2007 = arith.mulf %gather3A_2005, %gather3A_2006 : vector<16xf32>
      %swap3A_2008 = arith.constant 0 : i32
      %swap3A_2009 = arith.index_cast %swap3A_2008 : i32 to index
      %swap3A_2010 = arith.index_cast %add3A_1835 : i32 to index
      %swap3A_2011 = arith.constant 112 : index
      %swap3A_2012 = tpu.vector_load %arg9[%swap3A_2009, %swap3A_2010, %swap3A_2011] {strides = array<i32>} : memref<2x32x128xf32, #tpu.memory_space<vmem>>, vector<16xf32>,
      tpu.vector_store %arg9[%swap3A_2009, %swap3A_2010, %swap3A_2011], %mul3A_2007 {strides = array<i32>} : memref<2x32x128xf32, #tpu.memory_space<vmem>>, vector<16xf32>,
    }
    %scan3A_452 = arith.constant 32 : i32
    %dma_start3A_453 = arith.constant 0 : i32
    %dma_start3A_454 = arith.constant 0 : i32
    %dma_start3A_455 = arith.constant 0 : i32
    %dma_start3A_456 = arith.constant 0 : i32
    %dma_start3A_457 = tpu.memref_slice %arg9[%dma_start3A_453, %dma_start3A_455, %dma_start3A_456] : memref<2x32x128xf32, #tpu.memory_space<vmem>> -> memref<1x32x128xf32, #tpu.memory_space<vmem>>
    %dma_start3A_458 = tpu.memref_squeeze %dma_start3A_457 : memref<1x32x128xf32, #tpu.memory_space<vmem>> -> memref<32x128xf32, #tpu.memory_space<vmem>>
    %dma_start3A_459 = arith.constant 0 : i32
    %dma_start3A_460 = tpu.memref_slice %arg10[%dma_start3A_454, %dma_start3A_459] : memref<4x32xi32, #tpu.memory_space<vmem>> -> memref<1x32xi32, #tpu.memory_space<vmem>>
    %dma_start3A_461 = tpu.memref_squeeze %dma_start3A_460 : memref<1x32xi32, #tpu.memory_space<vmem>> -> memref<32xi32, #tpu.memory_space<vmem>>
    %dma_start3A_462 = arith.constant 0 : i32
    %dma_start3A_463 = arith.constant 0 : i32
    %dma_start3A_464 = tpu.memref_slice %arg21[%dma_start3A_462, %dma_start3A_463] : memref<128x128xf32, #tpu.memory_space<vmem_shared>> -> memref<128x128xf32, #tpu.memory_space<vmem_shared>>
    tpu.enqueue_indirect_dma source(%dma_start3A_458 : memref<32x128xf32, #tpu.memory_space<vmem>>) target(%dma_start3A_464 : memref<128x128xf32, #tpu.memory_space<vmem_shared>>) offsets(%dma_start3A_461 : memref<32xi32, #tpu.memory_space<vmem>>) semaphore(%arg18 : memref<!tpu.dma_semaphore, #tpu.memory_space<semaphore_mem>>) {add = true}
    %dma_start3A_465 = arith.constant 0 : i32
    %dma_start3A_466 = arith.constant 0 : i32
    %dma_start3A_467 = arith.constant 0 : i32
    %dma_start3A_468 = arith.constant 0 : i32
    %dma_start3A_469 = tpu.memref_slice %arg8[%dma_start3A_466, %dma_start3A_467, %dma_start3A_468] : memref<2x2x4096xi32, #tpu.memory_space<vmem>> -> memref<1x1x4096xi32, #tpu.memory_space<vmem>>
    %dma_start3A_470 = tpu.memref_squeeze %dma_start3A_469 : memref<1x1x4096xi32, #tpu.memory_space<vmem>> -> memref<4096xi32, #tpu.memory_space<vmem>>
    %dma_start3A_471 = arith.constant 8192 : i32
    %dma_start3A_472 = tpu.memref_slice %arg20[%dma_start3A_465, %dma_start3A_471] : memref<2x16384xi32, #tpu.memory_space<vmem_shared>> -> memref<1x4096xi32, #tpu.memory_space<vmem_shared>>
    %dma_start3A_473 = tpu.memref_squeeze %dma_start3A_472 : memref<1x4096xi32, #tpu.memory_space<vmem_shared>> -> memref<4096xi32, #tpu.memory_space<vmem_shared>>
    %dma_start3A_474 = arith.constant 0 : i32
    %dma_start3A_475 = tpu.memref_slice %arg8[%dma_start3A_466, %dma_start3A_467, %dma_start3A_474] : memref<2x2x4096xi32, #tpu.memory_space<vmem>> -> memref<1x1x4096xi32, #tpu.memory_space<vmem>>
    %dma_start3A_476 = tpu.memref_squeeze %dma_start3A_475 : memref<1x1x4096xi32, #tpu.memory_space<vmem>> -> memref<4096xi32, #tpu.memory_space<vmem>>
    %dma_start3A_477 = arith.constant 8192 : i32
    %dma_start3A_478 = tpu.memref_slice %arg20[%dma_start3A_465, %dma_start3A_477] : memref<2x16384xi32, #tpu.memory_space<vmem_shared>> -> memref<1x4096xi32, #tpu.memory_space<vmem_shared>>
    %dma_start3A_479 = tpu.memref_squeeze %dma_start3A_478 : memref<1x4096xi32, #tpu.memory_space<vmem_shared>> -> memref<4096xi32, #tpu.memory_space<vmem_shared>>
    tpu.enqueue_dma source(%dma_start3A_479 : memref<4096xi32, #tpu.memory_space<vmem_shared>>) target(%dma_start3A_476 : memref<4096xi32, #tpu.memory_space<vmem>>) target_semaphore(%arg14 : memref<!tpu.dma_semaphore, #tpu.memory_space<semaphore_mem>>)
    %dma_start3A_480 = arith.constant 1 : i32
    %dma_start3A_481 = arith.constant 0 : i32
    %dma_start3A_482 = arith.constant 1 : i32
    %dma_start3A_483 = arith.constant 0 : i32
    %dma_start3A_484 = tpu.memref_slice %arg8[%dma_start3A_481, %dma_start3A_482, %dma_start3A_483] : memref<2x2x4096xi32, #tpu.memory_space<vmem>> -> memref<1x1x4096xi32, #tpu.memory_space<vmem>>
    %dma_start3A_485 = tpu.memref_squeeze %dma_start3A_484 : memref<1x1x4096xi32, #tpu.memory_space<vmem>> -> memref<4096xi32, #tpu.memory_space<vmem>>
    %dma_start3A_486 = arith.constant 8192 : i32
    %dma_start3A_487 = tpu.memref_slice %arg20[%dma_start3A_480, %dma_start3A_486] : memref<2x16384xi32, #tpu.memory_space<vmem_shared>> -> memref<1x4096xi32, #tpu.memory_space<vmem_shared>>
    %dma_start3A_488 = tpu.memref_squeeze %dma_start3A_487 : memref<1x4096xi32, #tpu.memory_space<vmem_shared>> -> memref<4096xi32, #tpu.memory_space<vmem_shared>>
    %dma_start3A_489 = arith.constant 0 : i32
    %dma_start3A_490 = tpu.memref_slice %arg8[%dma_start3A_481, %dma_start3A_482, %dma_start3A_489] : memref<2x2x4096xi32, #tpu.memory_space<vmem>> -> memref<1x1x4096xi32, #tpu.memory_space<vmem>>
    %dma_start3A_491 = tpu.memref_squeeze %dma_start3A_490 : memref<1x1x4096xi32, #tpu.memory_space<vmem>> -> memref<4096xi32, #tpu.memory_space<vmem>>
    %dma_start3A_492 = arith.constant 8192 : i32
    %dma_start3A_493 = tpu.memref_slice %arg20[%dma_start3A_480, %dma_start3A_492] : memref<2x16384xi32, #tpu.memory_space<vmem_shared>> -> memref<1x4096xi32, #tpu.memory_space<vmem_shared>>
    %dma_start3A_494 = tpu.memref_squeeze %dma_start3A_493 : memref<1x4096xi32, #tpu.memory_space<vmem_shared>> -> memref<4096xi32, #tpu.memory_space<vmem_shared>>
    tpu.enqueue_dma source(%dma_start3A_494 : memref<4096xi32, #tpu.memory_space<vmem_shared>>) target(%dma_start3A_491 : memref<4096xi32, #tpu.memory_space<vmem>>) target_semaphore(%arg15 : memref<!tpu.dma_semaphore, #tpu.memory_space<semaphore_mem>>)
    %dma_wait3A_495 = arith.constant 0 : i32
    %dma_wait3A_496 = arith.constant 1 : i32
    %dma_wait3A_497 = arith.constant 0 : i32
    %dma_wait3A_498 = arith.constant 0 : i32
    %dma_wait3A_499 = tpu.memref_slice %arg8[%dma_wait3A_496, %dma_wait3A_497, %dma_wait3A_498] : memref<2x2x4096xi32, #tpu.memory_space<vmem>> -> memref<1x1x4096xi32, #tpu.memory_space<vmem>>
    %dma_wait3A_500 = tpu.memref_squeeze %dma_wait3A_499 : memref<1x1x4096xi32, #tpu.memory_space<vmem>> -> memref<4096xi32, #tpu.memory_space<vmem>>
    %dma_wait3A_501 = arith.constant 4096 : i32
    %dma_wait3A_502 = tpu.memref_slice %arg20[%dma_wait3A_495, %dma_wait3A_501] : memref<2x16384xi32, #tpu.memory_space<vmem_shared>> -> memref<1x4096xi32, #tpu.memory_space<vmem_shared>>
    %dma_wait3A_503 = tpu.memref_squeeze %dma_wait3A_502 : memref<1x4096xi32, #tpu.memory_space<vmem_shared>> -> memref<4096xi32, #tpu.memory_space<vmem_shared>>
    %dma_wait3A_504 = arith.constant 0 : i32
    %dma_wait3A_505 = tpu.memref_slice %arg8[%dma_wait3A_496, %dma_wait3A_497, %dma_wait3A_504] : memref<2x2x4096xi32, #tpu.memory_space<vmem>> -> memref<1x1x4096xi32, #tpu.memory_space<vmem>>
    %dma_wait3A_506 = tpu.memref_squeeze %dma_wait3A_505 : memref<1x1x4096xi32, #tpu.memory_space<vmem>> -> memref<4096xi32, #tpu.memory_space<vmem>>
    %dma_wait3A_507 = arith.constant 4096 : i32
    %dma_wait3A_508 = tpu.memref_slice %arg20[%dma_wait3A_495, %dma_wait3A_507] : memref<2x16384xi32, #tpu.memory_space<vmem_shared>> -> memref<1x4096xi32, #tpu.memory_space<vmem_shared>>
    %dma_wait3A_509 = tpu.memref_squeeze %dma_wait3A_508 : memref<1x4096xi32, #tpu.memory_space<vmem_shared>> -> memref<4096xi32, #tpu.memory_space<vmem_shared>>
    tpu.wait_dma2 semaphore(%arg16 : memref<!tpu.dma_semaphore, #tpu.memory_space<semaphore_mem>>) src(%dma_wait3A_509 : memref<4096xi32, #tpu.memory_space<vmem_shared>>) dst(%dma_wait3A_506 : memref<4096xi32, #tpu.memory_space<vmem>>)
    %dma_wait3A_510 = arith.constant 1 : i32
    %dma_wait3A_511 = arith.constant 1 : i32
    %dma_wait3A_512 = arith.constant 1 : i32
    %dma_wait3A_513 = arith.constant 0 : i32
    %dma_wait3A_514 = tpu.memref_slice %arg8[%dma_wait3A_511, %dma_wait3A_512, %dma_wait3A_513] : memref<2x2x4096xi32, #tpu.memory_space<vmem>> -> memref<1x1x4096xi32, #tpu.memory_space<vmem>>
    %dma_wait3A_515 = tpu.memref_squeeze %dma_wait3A_514 : memref<1x1x4096xi32, #tpu.memory_space<vmem>> -> memref<4096xi32, #tpu.memory_space<vmem>>
    %dma_wait3A_516 = arith.constant 4096 : i32
    %dma_wait3A_517 = tpu.memref_slice %arg20[%dma_wait3A_510, %dma_wait3A_516] : memref<2x16384xi32, #tpu.memory_space<vmem_shared>> -> memref<1x4096xi32, #tpu.memory_space<vmem_shared>>
    %dma_wait3A_518 = tpu.memref_squeeze %dma_wait3A_517 : memref<1x4096xi32, #tpu.memory_space<vmem_shared>> -> memref<4096xi32, #tpu.memory_space<vmem_shared>>
    %dma_wait3A_519 = arith.constant 0 : i32
    %dma_wait3A_520 = tpu.memref_slice %arg8[%dma_wait3A_511, %dma_wait3A_512, %dma_wait3A_519] : memref<2x2x4096xi32, #tpu.memory_space<vmem>> -> memref<1x1x4096xi32, #tpu.memory_space<vmem>>
    %dma_wait3A_521 = tpu.memref_squeeze %dma_wait3A_520 : memref<1x1x4096xi32, #tpu.memory_space<vmem>> -> memref<4096xi32, #tpu.memory_space<vmem>>
    %dma_wait3A_522 = arith.constant 4096 : i32
    %dma_wait3A_523 = tpu.memref_slice %arg20[%dma_wait3A_510, %dma_wait3A_522] : memref<2x16384xi32, #tpu.memory_space<vmem_shared>> -> memref<1x4096xi32, #tpu.memory_space<vmem_shared>>
    %dma_wait3A_524 = tpu.memref_squeeze %dma_wait3A_523 : memref<1x4096xi32, #tpu.memory_space<vmem_shared>> -> memref<4096xi32, #tpu.memory_space<vmem_shared>>
    tpu.wait_dma2 semaphore(%arg17 : memref<!tpu.dma_semaphore, #tpu.memory_space<semaphore_mem>>) src(%dma_wait3A_524 : memref<4096xi32, #tpu.memory_space<vmem_shared>>) dst(%dma_wait3A_521 : memref<4096xi32, #tpu.memory_space<vmem>>)
    %scan3A_525 = arith.constant 0 : i32
    %scan3A_526 = arith.constant 32 : i32
    %scan3A_527 = arith.addi %scan3A_525, %scan3A_526 : i32
    %scan3A_528 = arith.constant 1 : i32
    scf.for %scan3A_1831 = %scan3A_525 to %scan3A_527 step %scan3A_528  : i32 {
      %mul3A_1832 = arith.constant 1 : i32
      %mul3A_1833 = arith.muli %scan3A_1831, %mul3A_1832 : i32
      %add3A_1834 = arith.constant 0 : i32
      %add3A_1835 = arith.addi %add3A_1834, %mul3A_1833 : i32
      %mul3A_1836 = arith.constant 128 : i32
      %mul3A_1837 = arith.muli %add3A_1835, %mul3A_1836 : i32
      %add3A_1838 = arith.constant 0 : i32
      %add3A_1839 = arith.addi %mul3A_1837, %add3A_1838 : i32
      %get3A_1840 = arith.constant 1 : i32
      %get3A_1841 = arith.constant 0 : i32
      %get3A_1842 = arith.index_cast %get3A_1840 : i32 to index
      %get3A_1843 = arith.index_cast %get3A_1841 : i32 to index
      %get3A_1844 = arith.index_cast %add3A_1839 : i32 to index
      %get3A_1845 = tpu.vector_load %arg8[%get3A_1842, %get3A_1843, %get3A_1844] {strides = array<i32>} : memref<2x2x4096xi32, #tpu.memory_space<vmem>>, vector<16xi32>,
      %get3A_1846 = arith.constant 1 : i32
      %get3A_1847 = arith.constant 1 : i32
      %get3A_1848 = arith.index_cast %get3A_1846 : i32 to index
      %get3A_1849 = arith.index_cast %get3A_1847 : i32 to index
      %get3A_1850 = arith.index_cast %add3A_1839 : i32 to index
      %get3A_1851 = tpu.vector_load %arg8[%get3A_1848, %get3A_1849, %get3A_1850] {strides = array<i32>} : memref<2x2x4096xi32, #tpu.memory_space<vmem>>, vector<16xi32>,
      %gather3A = tpu.vector_load_idx %arg7[%get3A_1845] : memref<100000xf32, #tpu.memory_space<vmem>>[vector<16xi32>], vector<16xf32>,
      %gather3A_1852 = tpu.vector_load_idx %arg7[%get3A_1851] : memref<100000xf32, #tpu.memory_space<vmem>>[vector<16xi32>], vector<16xf32>,
      %mul3A_1853 = arith.mulf %gather3A, %gather3A_1852 : vector<16xf32>
      %swap3A_1854 = arith.constant 1 : i32
      %swap3A_1855 = arith.index_cast %swap3A_1854 : i32 to index
      %swap3A_1856 = arith.index_cast %add3A_1835 : i32 to index
      %swap3A_1857 = arith.constant 0 : index
      %swap3A_1858 = tpu.vector_load %arg9[%swap3A_1855, %swap3A_1856, %swap3A_1857] {strides = array<i32>} : memref<2x32x128xf32, #tpu.memory_space<vmem>>, vector<16xf32>,
      tpu.vector_store %arg9[%swap3A_1855, %swap3A_1856, %swap3A_1857], %mul3A_1853 {strides = array<i32>} : memref<2x32x128xf32, #tpu.memory_space<vmem>>, vector<16xf32>,
      %add3A_1859 = arith.constant 16 : i32
      %add3A_1860 = arith.addi %mul3A_1837, %add3A_1859 : i32
      %get3A_1861 = arith.constant 1 : i32
      %get3A_1862 = arith.constant 0 : i32
      %get3A_1863 = arith.index_cast %get3A_1861 : i32 to index
      %get3A_1864 = arith.index_cast %get3A_1862 : i32 to index
      %get3A_1865 = arith.index_cast %add3A_1860 : i32 to index
      %get3A_1866 = tpu.vector_load %arg8[%get3A_1863, %get3A_1864, %get3A_1865] {strides = array<i32>} : memref<2x2x4096xi32, #tpu.memory_space<vmem>>, vector<16xi32>,
      %get3A_1867 = arith.constant 1 : i32
      %get3A_1868 = arith.constant 1 : i32
      %get3A_1869 = arith.index_cast %get3A_1867 : i32 to index
      %get3A_1870 = arith.index_cast %get3A_1868 : i32 to index
      %get3A_1871 = arith.index_cast %add3A_1860 : i32 to index
      %get3A_1872 = tpu.vector_load %arg8[%get3A_1869, %get3A_1870, %get3A_1871] {strides = array<i32>} : memref<2x2x4096xi32, #tpu.memory_space<vmem>>, vector<16xi32>,
      %gather3A_1873 = tpu.vector_load_idx %arg7[%get3A_1866] : memref<100000xf32, #tpu.memory_space<vmem>>[vector<16xi32>], vector<16xf32>,
      %gather3A_1874 = tpu.vector_load_idx %arg7[%get3A_1872] : memref<100000xf32, #tpu.memory_space<vmem>>[vector<16xi32>], vector<16xf32>,
      %mul3A_1875 = arith.mulf %gather3A_1873, %gather3A_1874 : vector<16xf32>
      %swap3A_1876 = arith.constant 1 : i32
      %swap3A_1877 = arith.index_cast %swap3A_1876 : i32 to index
      %swap3A_1878 = arith.index_cast %add3A_1835 : i32 to index
      %swap3A_1879 = arith.constant 16 : index
      %swap3A_1880 = tpu.vector_load %arg9[%swap3A_1877, %swap3A_1878, %swap3A_1879] {strides = array<i32>} : memref<2x32x128xf32, #tpu.memory_space<vmem>>, vector<16xf32>,
      tpu.vector_store %arg9[%swap3A_1877, %swap3A_1878, %swap3A_1879], %mul3A_1875 {strides = array<i32>} : memref<2x32x128xf32, #tpu.memory_space<vmem>>, vector<16xf32>,
      %add3A_1881 = arith.constant 32 : i32
      %add3A_1882 = arith.addi %mul3A_1837, %add3A_1881 : i32
      %get3A_1883 = arith.constant 1 : i32
      %get3A_1884 = arith.constant 0 : i32
      %get3A_1885 = arith.index_cast %get3A_1883 : i32 to index
      %get3A_1886 = arith.index_cast %get3A_1884 : i32 to index
      %get3A_1887 = arith.index_cast %add3A_1882 : i32 to index
      %get3A_1888 = tpu.vector_load %arg8[%get3A_1885, %get3A_1886, %get3A_1887] {strides = array<i32>} : memref<2x2x4096xi32, #tpu.memory_space<vmem>>, vector<16xi32>,
      %get3A_1889 = arith.constant 1 : i32
      %get3A_1890 = arith.constant 1 : i32
      %get3A_1891 = arith.index_cast %get3A_1889 : i32 to index
      %get3A_1892 = arith.index_cast %get3A_1890 : i32 to index
      %get3A_1893 = arith.index_cast %add3A_1882 : i32 to index
      %get3A_1894 = tpu.vector_load %arg8[%get3A_1891, %get3A_1892, %get3A_1893] {strides = array<i32>} : memref<2x2x4096xi32, #tpu.memory_space<vmem>>, vector<16xi32>,
      %gather3A_1895 = tpu.vector_load_idx %arg7[%get3A_1888] : memref<100000xf32, #tpu.memory_space<vmem>>[vector<16xi32>], vector<16xf32>,
      %gather3A_1896 = tpu.vector_load_idx %arg7[%get3A_1894] : memref<100000xf32, #tpu.memory_space<vmem>>[vector<16xi32>], vector<16xf32>,
      %mul3A_1897 = arith.mulf %gather3A_1895, %gather3A_1896 : vector<16xf32>
      %swap3A_1898 = arith.constant 1 : i32
      %swap3A_1899 = arith.index_cast %swap3A_1898 : i32 to index
      %swap3A_1900 = arith.index_cast %add3A_1835 : i32 to index
      %swap3A_1901 = arith.constant 32 : index
      %swap3A_1902 = tpu.vector_load %arg9[%swap3A_1899, %swap3A_1900, %swap3A_1901] {strides = array<i32>} : memref<2x32x128xf32, #tpu.memory_space<vmem>>, vector<16xf32>,
      tpu.vector_store %arg9[%swap3A_1899, %swap3A_1900, %swap3A_1901], %mul3A_1897 {strides = array<i32>} : memref<2x32x128xf32, #tpu.memory_space<vmem>>, vector<16xf32>,
      %add3A_1903 = arith.constant 48 : i32
      %add3A_1904 = arith.addi %mul3A_1837, %add3A_1903 : i32
      %get3A_1905 = arith.constant 1 : i32
      %get3A_1906 = arith.constant 0 : i32
      %get3A_1907 = arith.index_cast %get3A_1905 : i32 to index
      %get3A_1908 = arith.index_cast %get3A_1906 : i32 to index
      %get3A_1909 = arith.index_cast %add3A_1904 : i32 to index
      %get3A_1910 = tpu.vector_load %arg8[%get3A_1907, %get3A_1908, %get3A_1909] {strides = array<i32>} : memref<2x2x4096xi32, #tpu.memory_space<vmem>>, vector<16xi32>,
      %get3A_1911 = arith.constant 1 : i32
      %get3A_1912 = arith.constant 1 : i32
      %get3A_1913 = arith.index_cast %get3A_1911 : i32 to index
      %get3A_1914 = arith.index_cast %get3A_1912 : i32 to index
      %get3A_1915 = arith.index_cast %add3A_1904 : i32 to index
      %get3A_1916 = tpu.vector_load %arg8[%get3A_1913, %get3A_1914, %get3A_1915] {strides = array<i32>} : memref<2x2x4096xi32, #tpu.memory_space<vmem>>, vector<16xi32>,
      %gather3A_1917 = tpu.vector_load_idx %arg7[%get3A_1910] : memref<100000xf32, #tpu.memory_space<vmem>>[vector<16xi32>], vector<16xf32>,
      %gather3A_1918 = tpu.vector_load_idx %arg7[%get3A_1916] : memref<100000xf32, #tpu.memory_space<vmem>>[vector<16xi32>], vector<16xf32>,
      %mul3A_1919 = arith.mulf %gather3A_1917, %gather3A_1918 : vector<16xf32>
      %swap3A_1920 = arith.constant 1 : i32
      %swap3A_1921 = arith.index_cast %swap3A_1920 : i32 to index
      %swap3A_1922 = arith.index_cast %add3A_1835 : i32 to index
      %swap3A_1923 = arith.constant 48 : index
      %swap3A_1924 = tpu.vector_load %arg9[%swap3A_1921, %swap3A_1922, %swap3A_1923] {strides = array<i32>} : memref<2x32x128xf32, #tpu.memory_space<vmem>>, vector<16xf32>,
      tpu.vector_store %arg9[%swap3A_1921, %swap3A_1922, %swap3A_1923], %mul3A_1919 {strides = array<i32>} : memref<2x32x128xf32, #tpu.memory_space<vmem>>, vector<16xf32>,
      %add3A_1925 = arith.constant 64 : i32
      %add3A_1926 = arith.addi %mul3A_1837, %add3A_1925 : i32
      %get3A_1927 = arith.constant 1 : i32
      %get3A_1928 = arith.constant 0 : i32
      %get3A_1929 = arith.index_cast %get3A_1927 : i32 to index
      %get3A_1930 = arith.index_cast %get3A_1928 : i32 to index
      %get3A_1931 = arith.index_cast %add3A_1926 : i32 to index
      %get3A_1932 = tpu.vector_load %arg8[%get3A_1929, %get3A_1930, %get3A_1931] {strides = array<i32>} : memref<2x2x4096xi32, #tpu.memory_space<vmem>>, vector<16xi32>,
      %get3A_1933 = arith.constant 1 : i32
      %get3A_1934 = arith.constant 1 : i32
      %get3A_1935 = arith.index_cast %get3A_1933 : i32 to index
      %get3A_1936 = arith.index_cast %get3A_1934 : i32 to index
      %get3A_1937 = arith.index_cast %add3A_1926 : i32 to index
      %get3A_1938 = tpu.vector_load %arg8[%get3A_1935, %get3A_1936, %get3A_1937] {strides = array<i32>} : memref<2x2x4096xi32, #tpu.memory_space<vmem>>, vector<16xi32>,
      %gather3A_1939 = tpu.vector_load_idx %arg7[%get3A_1932] : memref<100000xf32, #tpu.memory_space<vmem>>[vector<16xi32>], vector<16xf32>,
      %gather3A_1940 = tpu.vector_load_idx %arg7[%get3A_1938] : memref<100000xf32, #tpu.memory_space<vmem>>[vector<16xi32>], vector<16xf32>,
      %mul3A_1941 = arith.mulf %gather3A_1939, %gather3A_1940 : vector<16xf32>
      %swap3A_1942 = arith.constant 1 : i32
      %swap3A_1943 = arith.index_cast %swap3A_1942 : i32 to index
      %swap3A_1944 = arith.index_cast %add3A_1835 : i32 to index
      %swap3A_1945 = arith.constant 64 : index
      %swap3A_1946 = tpu.vector_load %arg9[%swap3A_1943, %swap3A_1944, %swap3A_1945] {strides = array<i32>} : memref<2x32x128xf32, #tpu.memory_space<vmem>>, vector<16xf32>,
      tpu.vector_store %arg9[%swap3A_1943, %swap3A_1944, %swap3A_1945], %mul3A_1941 {strides = array<i32>} : memref<2x32x128xf32, #tpu.memory_space<vmem>>, vector<16xf32>,
      %add3A_1947 = arith.constant 80 : i32
      %add3A_1948 = arith.addi %mul3A_1837, %add3A_1947 : i32
      %get3A_1949 = arith.constant 1 : i32
      %get3A_1950 = arith.constant 0 : i32
      %get3A_1951 = arith.index_cast %get3A_1949 : i32 to index
      %get3A_1952 = arith.index_cast %get3A_1950 : i32 to index
      %get3A_1953 = arith.index_cast %add3A_1948 : i32 to index
      %get3A_1954 = tpu.vector_load %arg8[%get3A_1951, %get3A_1952, %get3A_1953] {strides = array<i32>} : memref<2x2x4096xi32, #tpu.memory_space<vmem>>, vector<16xi32>,
      %get3A_1955 = arith.constant 1 : i32
      %get3A_1956 = arith.constant 1 : i32
      %get3A_1957 = arith.index_cast %get3A_1955 : i32 to index
      %get3A_1958 = arith.index_cast %get3A_1956 : i32 to index
      %get3A_1959 = arith.index_cast %add3A_1948 : i32 to index
      %get3A_1960 = tpu.vector_load %arg8[%get3A_1957, %get3A_1958, %get3A_1959] {strides = array<i32>} : memref<2x2x4096xi32, #tpu.memory_space<vmem>>, vector<16xi32>,
      %gather3A_1961 = tpu.vector_load_idx %arg7[%get3A_1954] : memref<100000xf32, #tpu.memory_space<vmem>>[vector<16xi32>], vector<16xf32>,
      %gather3A_1962 = tpu.vector_load_idx %arg7[%get3A_1960] : memref<100000xf32, #tpu.memory_space<vmem>>[vector<16xi32>], vector<16xf32>,
      %mul3A_1963 = arith.mulf %gather3A_1961, %gather3A_1962 : vector<16xf32>
      %swap3A_1964 = arith.constant 1 : i32
      %swap3A_1965 = arith.index_cast %swap3A_1964 : i32 to index
      %swap3A_1966 = arith.index_cast %add3A_1835 : i32 to index
      %swap3A_1967 = arith.constant 80 : index
      %swap3A_1968 = tpu.vector_load %arg9[%swap3A_1965, %swap3A_1966, %swap3A_1967] {strides = array<i32>} : memref<2x32x128xf32, #tpu.memory_space<vmem>>, vector<16xf32>,
      tpu.vector_store %arg9[%swap3A_1965, %swap3A_1966, %swap3A_1967], %mul3A_1963 {strides = array<i32>} : memref<2x32x128xf32, #tpu.memory_space<vmem>>, vector<16xf32>,
      %add3A_1969 = arith.constant 96 : i32
      %add3A_1970 = arith.addi %mul3A_1837, %add3A_1969 : i32
      %get3A_1971 = arith.constant 1 : i32
      %get3A_1972 = arith.constant 0 : i32
      %get3A_1973 = arith.index_cast %get3A_1971 : i32 to index
      %get3A_1974 = arith.index_cast %get3A_1972 : i32 to index
      %get3A_1975 = arith.index_cast %add3A_1970 : i32 to index
      %get3A_1976 = tpu.vector_load %arg8[%get3A_1973, %get3A_1974, %get3A_1975] {strides = array<i32>} : memref<2x2x4096xi32, #tpu.memory_space<vmem>>, vector<16xi32>,
      %get3A_1977 = arith.constant 1 : i32
      %get3A_1978 = arith.constant 1 : i32
      %get3A_1979 = arith.index_cast %get3A_1977 : i32 to index
      %get3A_1980 = arith.index_cast %get3A_1978 : i32 to index
      %get3A_1981 = arith.index_cast %add3A_1970 : i32 to index
      %get3A_1982 = tpu.vector_load %arg8[%get3A_1979, %get3A_1980, %get3A_1981] {strides = array<i32>} : memref<2x2x4096xi32, #tpu.memory_space<vmem>>, vector<16xi32>,
      %gather3A_1983 = tpu.vector_load_idx %arg7[%get3A_1976] : memref<100000xf32, #tpu.memory_space<vmem>>[vector<16xi32>], vector<16xf32>,
      %gather3A_1984 = tpu.vector_load_idx %arg7[%get3A_1982] : memref<100000xf32, #tpu.memory_space<vmem>>[vector<16xi32>], vector<16xf32>,
      %mul3A_1985 = arith.mulf %gather3A_1983, %gather3A_1984 : vector<16xf32>
      %swap3A_1986 = arith.constant 1 : i32
      %swap3A_1987 = arith.index_cast %swap3A_1986 : i32 to index
      %swap3A_1988 = arith.index_cast %add3A_1835 : i32 to index
      %swap3A_1989 = arith.constant 96 : index
      %swap3A_1990 = tpu.vector_load %arg9[%swap3A_1987, %swap3A_1988, %swap3A_1989] {strides = array<i32>} : memref<2x32x128xf32, #tpu.memory_space<vmem>>, vector<16xf32>,
      tpu.vector_store %arg9[%swap3A_1987, %swap3A_1988, %swap3A_1989], %mul3A_1985 {strides = array<i32>} : memref<2x32x128xf32, #tpu.memory_space<vmem>>, vector<16xf32>,
      %add3A_1991 = arith.constant 112 : i32
      %add3A_1992 = arith.addi %mul3A_1837, %add3A_1991 : i32
      %get3A_1993 = arith.constant 1 : i32
      %get3A_1994 = arith.constant 0 : i32
      %get3A_1995 = arith.index_cast %get3A_1993 : i32 to index
      %get3A_1996 = arith.index_cast %get3A_1994 : i32 to index
      %get3A_1997 = arith.index_cast %add3A_1992 : i32 to index
      %get3A_1998 = tpu.vector_load %arg8[%get3A_1995, %get3A_1996, %get3A_1997] {strides = array<i32>} : memref<2x2x4096xi32, #tpu.memory_space<vmem>>, vector<16xi32>,
      %get3A_1999 = arith.constant 1 : i32
      %get3A_2000 = arith.constant 1 : i32
      %get3A_2001 = arith.index_cast %get3A_1999 : i32 to index
      %get3A_2002 = arith.index_cast %get3A_2000 : i32 to index
      %get3A_2003 = arith.index_cast %add3A_1992 : i32 to index
      %get3A_2004 = tpu.vector_load %arg8[%get3A_2001, %get3A_2002, %get3A_2003] {strides = array<i32>} : memref<2x2x4096xi32, #tpu.memory_space<vmem>>, vector<16xi32>,
      %gather3A_2005 = tpu.vector_load_idx %arg7[%get3A_1998] : memref<100000xf32, #tpu.memory_space<vmem>>[vector<16xi32>], vector<16xf32>,
      %gather3A_2006 = tpu.vector_load_idx %arg7[%get3A_2004] : memref<100000xf32, #tpu.memory_space<vmem>>[vector<16xi32>], vector<16xf32>,
      %mul3A_2007 = arith.mulf %gather3A_2005, %gather3A_2006 : vector<16xf32>
      %swap3A_2008 = arith.constant 1 : i32
      %swap3A_2009 = arith.index_cast %swap3A_2008 : i32 to index
      %swap3A_2010 = arith.index_cast %add3A_1835 : i32 to index
      %swap3A_2011 = arith.constant 112 : index
      %swap3A_2012 = tpu.vector_load %arg9[%swap3A_2009, %swap3A_2010, %swap3A_2011] {strides = array<i32>} : memref<2x32x128xf32, #tpu.memory_space<vmem>>, vector<16xf32>,
      tpu.vector_store %arg9[%swap3A_2009, %swap3A_2010, %swap3A_2011], %mul3A_2007 {strides = array<i32>} : memref<2x32x128xf32, #tpu.memory_space<vmem>>, vector<16xf32>,
    }
    %scan3A_529 = arith.constant 32 : i32
    %dma_start3A_530 = arith.constant 1 : i32
    %dma_start3A_531 = arith.constant 1 : i32
    %dma_start3A_532 = arith.constant 0 : i32
    %dma_start3A_533 = arith.constant 0 : i32
    %dma_start3A_534 = tpu.memref_slice %arg9[%dma_start3A_530, %dma_start3A_532, %dma_start3A_533] : memref<2x32x128xf32, #tpu.memory_space<vmem>> -> memref<1x32x128xf32, #tpu.memory_space<vmem>>
    %dma_start3A_535 = tpu.memref_squeeze %dma_start3A_534 : memref<1x32x128xf32, #tpu.memory_space<vmem>> -> memref<32x128xf32, #tpu.memory_space<vmem>>
    %dma_start3A_536 = arith.constant 0 : i32
    %dma_start3A_537 = tpu.memref_slice %arg10[%dma_start3A_531, %dma_start3A_536] : memref<4x32xi32, #tpu.memory_space<vmem>> -> memref<1x32xi32, #tpu.memory_space<vmem>>
    %dma_start3A_538 = tpu.memref_squeeze %dma_start3A_537 : memref<1x32xi32, #tpu.memory_space<vmem>> -> memref<32xi32, #tpu.memory_space<vmem>>
    %dma_start3A_539 = arith.constant 0 : i32
    %dma_start3A_540 = arith.constant 0 : i32
    %dma_start3A_541 = tpu.memref_slice %arg21[%dma_start3A_539, %dma_start3A_540] : memref<128x128xf32, #tpu.memory_space<vmem_shared>> -> memref<128x128xf32, #tpu.memory_space<vmem_shared>>
    tpu.enqueue_indirect_dma source(%dma_start3A_535 : memref<32x128xf32, #tpu.memory_space<vmem>>) target(%dma_start3A_541 : memref<128x128xf32, #tpu.memory_space<vmem_shared>>) offsets(%dma_start3A_538 : memref<32xi32, #tpu.memory_space<vmem>>) semaphore(%arg19 : memref<!tpu.dma_semaphore, #tpu.memory_space<semaphore_mem>>) {add = true}
    %dma_start3A_542 = arith.constant 0 : i32
    %dma_start3A_543 = arith.constant 1 : i32
    %dma_start3A_544 = arith.constant 0 : i32
    %dma_start3A_545 = arith.constant 0 : i32
    %dma_start3A_546 = tpu.memref_slice %arg8[%dma_start3A_543, %dma_start3A_544, %dma_start3A_545] : memref<2x2x4096xi32, #tpu.memory_space<vmem>> -> memref<1x1x4096xi32, #tpu.memory_space<vmem>>
    %dma_start3A_547 = tpu.memref_squeeze %dma_start3A_546 : memref<1x1x4096xi32, #tpu.memory_space<vmem>> -> memref<4096xi32, #tpu.memory_space<vmem>>
    %dma_start3A_548 = arith.constant 12288 : i32
    %dma_start3A_549 = tpu.memref_slice %arg20[%dma_start3A_542, %dma_start3A_548] : memref<2x16384xi32, #tpu.memory_space<vmem_shared>> -> memref<1x4096xi32, #tpu.memory_space<vmem_shared>>
    %dma_start3A_550 = tpu.memref_squeeze %dma_start3A_549 : memref<1x4096xi32, #tpu.memory_space<vmem_shared>> -> memref<4096xi32, #tpu.memory_space<vmem_shared>>
    %dma_start3A_551 = arith.constant 0 : i32
    %dma_start3A_552 = tpu.memref_slice %arg8[%dma_start3A_543, %dma_start3A_544, %dma_start3A_551] : memref<2x2x4096xi32, #tpu.memory_space<vmem>> -> memref<1x1x4096xi32, #tpu.memory_space<vmem>>
    %dma_start3A_553 = tpu.memref_squeeze %dma_start3A_552 : memref<1x1x4096xi32, #tpu.memory_space<vmem>> -> memref<4096xi32, #tpu.memory_space<vmem>>
    %dma_start3A_554 = arith.constant 12288 : i32
    %dma_start3A_555 = tpu.memref_slice %arg20[%dma_start3A_542, %dma_start3A_554] : memref<2x16384xi32, #tpu.memory_space<vmem_shared>> -> memref<1x4096xi32, #tpu.memory_space<vmem_shared>>
    %dma_start3A_556 = tpu.memref_squeeze %dma_start3A_555 : memref<1x4096xi32, #tpu.memory_space<vmem_shared>> -> memref<4096xi32, #tpu.memory_space<vmem_shared>>
    tpu.enqueue_dma source(%dma_start3A_556 : memref<4096xi32, #tpu.memory_space<vmem_shared>>) target(%dma_start3A_553 : memref<4096xi32, #tpu.memory_space<vmem>>) target_semaphore(%arg16 : memref<!tpu.dma_semaphore, #tpu.memory_space<semaphore_mem>>)
    %dma_start3A_557 = arith.constant 1 : i32
    %dma_start3A_558 = arith.constant 1 : i32
    %dma_start3A_559 = arith.constant 1 : i32
    %dma_start3A_560 = arith.constant 0 : i32
    %dma_start3A_561 = tpu.memref_slice %arg8[%dma_start3A_558, %dma_start3A_559, %dma_start3A_560] : memref<2x2x4096xi32, #tpu.memory_space<vmem>> -> memref<1x1x4096xi32, #tpu.memory_space<vmem>>
    %dma_start3A_562 = tpu.memref_squeeze %dma_start3A_561 : memref<1x1x4096xi32, #tpu.memory_space<vmem>> -> memref<4096xi32, #tpu.memory_space<vmem>>
    %dma_start3A_563 = arith.constant 12288 : i32
    %dma_start3A_564 = tpu.memref_slice %arg20[%dma_start3A_557, %dma_start3A_563] : memref<2x16384xi32, #tpu.memory_space<vmem_shared>> -> memref<1x4096xi32, #tpu.memory_space<vmem_shared>>
    %dma_start3A_565 = tpu.memref_squeeze %dma_start3A_564 : memref<1x4096xi32, #tpu.memory_space<vmem_shared>> -> memref<4096xi32, #tpu.memory_space<vmem_shared>>
    %dma_start3A_566 = arith.constant 0 : i32
    %dma_start3A_567 = tpu.memref_slice %arg8[%dma_start3A_558, %dma_start3A_559, %dma_start3A_566] : memref<2x2x4096xi32, #tpu.memory_space<vmem>> -> memref<1x1x4096xi32, #tpu.memory_space<vmem>>
    %dma_start3A_568 = tpu.memref_squeeze %dma_start3A_567 : memref<1x1x4096xi32, #tpu.memory_space<vmem>> -> memref<4096xi32, #tpu.memory_space<vmem>>
    %dma_start3A_569 = arith.constant 12288 : i32
    %dma_start3A_570 = tpu.memref_slice %arg20[%dma_start3A_557, %dma_start3A_569] : memref<2x16384xi32, #tpu.memory_space<vmem_shared>> -> memref<1x4096xi32, #tpu.memory_space<vmem_shared>>
    %dma_start3A_571 = tpu.memref_squeeze %dma_start3A_570 : memref<1x4096xi32, #tpu.memory_space<vmem_shared>> -> memref<4096xi32, #tpu.memory_space<vmem_shared>>
    tpu.enqueue_dma source(%dma_start3A_571 : memref<4096xi32, #tpu.memory_space<vmem_shared>>) target(%dma_start3A_568 : memref<4096xi32, #tpu.memory_space<vmem>>) target_semaphore(%arg17 : memref<!tpu.dma_semaphore, #tpu.memory_space<semaphore_mem>>)
    %dma_wait3A_572 = arith.constant 0 : i32
    %dma_wait3A_573 = arith.constant 0 : i32
    %dma_wait3A_574 = arith.constant 0 : i32
    %dma_wait3A_575 = arith.constant 0 : i32
    %dma_wait3A_576 = tpu.memref_slice %arg8[%dma_wait3A_573, %dma_wait3A_574, %dma_wait3A_575] : memref<2x2x4096xi32, #tpu.memory_space<vmem>> -> memref<1x1x4096xi32, #tpu.memory_space<vmem>>
    %dma_wait3A_577 = tpu.memref_squeeze %dma_wait3A_576 : memref<1x1x4096xi32, #tpu.memory_space<vmem>> -> memref<4096xi32, #tpu.memory_space<vmem>>
    %dma_wait3A_578 = arith.constant 8192 : i32
    %dma_wait3A_579 = tpu.memref_slice %arg20[%dma_wait3A_572, %dma_wait3A_578] : memref<2x16384xi32, #tpu.memory_space<vmem_shared>> -> memref<1x4096xi32, #tpu.memory_space<vmem_shared>>
    %dma_wait3A_580 = tpu.memref_squeeze %dma_wait3A_579 : memref<1x4096xi32, #tpu.memory_space<vmem_shared>> -> memref<4096xi32, #tpu.memory_space<vmem_shared>>
    %dma_wait3A_581 = arith.constant 0 : i32
    %dma_wait3A_582 = tpu.memref_slice %arg8[%dma_wait3A_573, %dma_wait3A_574, %dma_wait3A_581] : memref<2x2x4096xi32, #tpu.memory_space<vmem>> -> memref<1x1x4096xi32, #tpu.memory_space<vmem>>
    %dma_wait3A_583 = tpu.memref_squeeze %dma_wait3A_582 : memref<1x1x4096xi32, #tpu.memory_space<vmem>> -> memref<4096xi32, #tpu.memory_space<vmem>>
    %dma_wait3A_584 = arith.constant 8192 : i32
    %dma_wait3A_585 = tpu.memref_slice %arg20[%dma_wait3A_572, %dma_wait3A_584] : memref<2x16384xi32, #tpu.memory_space<vmem_shared>> -> memref<1x4096xi32, #tpu.memory_space<vmem_shared>>
    %dma_wait3A_586 = tpu.memref_squeeze %dma_wait3A_585 : memref<1x4096xi32, #tpu.memory_space<vmem_shared>> -> memref<4096xi32, #tpu.memory_space<vmem_shared>>
    tpu.wait_dma2 semaphore(%arg14 : memref<!tpu.dma_semaphore, #tpu.memory_space<semaphore_mem>>) src(%dma_wait3A_586 : memref<4096xi32, #tpu.memory_space<vmem_shared>>) dst(%dma_wait3A_583 : memref<4096xi32, #tpu.memory_space<vmem>>)
    %dma_wait3A_587 = arith.constant 1 : i32
    %dma_wait3A_588 = arith.constant 0 : i32
    %dma_wait3A_589 = arith.constant 1 : i32
    %dma_wait3A_590 = arith.constant 0 : i32
    %dma_wait3A_591 = tpu.memref_slice %arg8[%dma_wait3A_588, %dma_wait3A_589, %dma_wait3A_590] : memref<2x2x4096xi32, #tpu.memory_space<vmem>> -> memref<1x1x4096xi32, #tpu.memory_space<vmem>>
    %dma_wait3A_592 = tpu.memref_squeeze %dma_wait3A_591 : memref<1x1x4096xi32, #tpu.memory_space<vmem>> -> memref<4096xi32, #tpu.memory_space<vmem>>
    %dma_wait3A_593 = arith.constant 8192 : i32
    %dma_wait3A_594 = tpu.memref_slice %arg20[%dma_wait3A_587, %dma_wait3A_593] : memref<2x16384xi32, #tpu.memory_space<vmem_shared>> -> memref<1x4096xi32, #tpu.memory_space<vmem_shared>>
    %dma_wait3A_595 = tpu.memref_squeeze %dma_wait3A_594 : memref<1x4096xi32, #tpu.memory_space<vmem_shared>> -> memref<4096xi32, #tpu.memory_space<vmem_shared>>
    %dma_wait3A_596 = arith.constant 0 : i32
    %dma_wait3A_597 = tpu.memref_slice %arg8[%dma_wait3A_588, %dma_wait3A_589, %dma_wait3A_596] : memref<2x2x4096xi32, #tpu.memory_space<vmem>> -> memref<1x1x4096xi32, #tpu.memory_space<vmem>>
    %dma_wait3A_598 = tpu.memref_squeeze %dma_wait3A_597 : memref<1x1x4096xi32, #tpu.memory_space<vmem>> -> memref<4096xi32, #tpu.memory_space<vmem>>
    %dma_wait3A_599 = arith.constant 8192 : i32
    %dma_wait3A_600 = tpu.memref_slice %arg20[%dma_wait3A_587, %dma_wait3A_599] : memref<2x16384xi32, #tpu.memory_space<vmem_shared>> -> memref<1x4096xi32, #tpu.memory_space<vmem_shared>>
    %dma_wait3A_601 = tpu.memref_squeeze %dma_wait3A_600 : memref<1x4096xi32, #tpu.memory_space<vmem_shared>> -> memref<4096xi32, #tpu.memory_space<vmem_shared>>
    tpu.wait_dma2 semaphore(%arg15 : memref<!tpu.dma_semaphore, #tpu.memory_space<semaphore_mem>>) src(%dma_wait3A_601 : memref<4096xi32, #tpu.memory_space<vmem_shared>>) dst(%dma_wait3A_598 : memref<4096xi32, #tpu.memory_space<vmem>>)
    %dma_wait3A_602 = arith.constant 0 : i32
    %dma_wait3A_603 = arith.constant 0 : i32
    %dma_wait3A_604 = arith.constant 0 : i32
    %dma_wait3A_605 = arith.constant 0 : i32
    %dma_wait3A_606 = tpu.memref_slice %arg9[%dma_wait3A_602, %dma_wait3A_604, %dma_wait3A_605] : memref<2x32x128xf32, #tpu.memory_space<vmem>> -> memref<1x32x128xf32, #tpu.memory_space<vmem>>
    %dma_wait3A_607 = tpu.memref_squeeze %dma_wait3A_606 : memref<1x32x128xf32, #tpu.memory_space<vmem>> -> memref<32x128xf32, #tpu.memory_space<vmem>>
    %dma_wait3A_608 = arith.constant 0 : i32
    %dma_wait3A_609 = tpu.memref_slice %arg10[%dma_wait3A_603, %dma_wait3A_608] : memref<4x32xi32, #tpu.memory_space<vmem>> -> memref<1x32xi32, #tpu.memory_space<vmem>>
    %dma_wait3A_610 = tpu.memref_squeeze %dma_wait3A_609 : memref<1x32xi32, #tpu.memory_space<vmem>> -> memref<32xi32, #tpu.memory_space<vmem>>
    %dma_wait3A_611 = arith.constant 0 : i32
    %dma_wait3A_612 = arith.constant 0 : i32
    %dma_wait3A_613 = tpu.memref_slice %arg21[%dma_wait3A_611, %dma_wait3A_612] : memref<128x128xf32, #tpu.memory_space<vmem_shared>> -> memref<128x128xf32, #tpu.memory_space<vmem_shared>>
    tpu.wait_indirect_dma semaphore(%arg18 : memref<!tpu.dma_semaphore, #tpu.memory_space<semaphore_mem>>) src(%dma_wait3A_607 : memref<32x128xf32, #tpu.memory_space<vmem>>) dst(%dma_wait3A_613 : memref<128x128xf32, #tpu.memory_space<vmem_shared>>)
    %scan3A_614 = arith.constant 0 : i32
    %scan3A_615 = arith.constant 32 : i32
    %scan3A_616 = arith.addi %scan3A_614, %scan3A_615 : i32
    %scan3A_617 = arith.constant 1 : i32
    scf.for %scan3A_1831 = %scan3A_614 to %scan3A_616 step %scan3A_617  : i32 {
      %mul3A_1832 = arith.constant 1 : i32
      %mul3A_1833 = arith.muli %scan3A_1831, %mul3A_1832 : i32
      %add3A_1834 = arith.constant 0 : i32
      %add3A_1835 = arith.addi %add3A_1834, %mul3A_1833 : i32
      %mul3A_1836 = arith.constant 128 : i32
      %mul3A_1837 = arith.muli %add3A_1835, %mul3A_1836 : i32
      %add3A_1838 = arith.constant 0 : i32
      %add3A_1839 = arith.addi %mul3A_1837, %add3A_1838 : i32
      %get3A_1840 = arith.constant 0 : i32
      %get3A_1841 = arith.constant 0 : i32
      %get3A_1842 = arith.index_cast %get3A_1840 : i32 to index
      %get3A_1843 = arith.index_cast %get3A_1841 : i32 to index
      %get3A_1844 = arith.index_cast %add3A_1839 : i32 to index
      %get3A_1845 = tpu.vector_load %arg8[%get3A_1842, %get3A_1843, %get3A_1844] {strides = array<i32>} : memref<2x2x4096xi32, #tpu.memory_space<vmem>>, vector<16xi32>,
      %get3A_1846 = arith.constant 0 : i32
      %get3A_1847 = arith.constant 1 : i32
      %get3A_1848 = arith.index_cast %get3A_1846 : i32 to index
      %get3A_1849 = arith.index_cast %get3A_1847 : i32 to index
      %get3A_1850 = arith.index_cast %add3A_1839 : i32 to index
      %get3A_1851 = tpu.vector_load %arg8[%get3A_1848, %get3A_1849, %get3A_1850] {strides = array<i32>} : memref<2x2x4096xi32, #tpu.memory_space<vmem>>, vector<16xi32>,
      %gather3A = tpu.vector_load_idx %arg7[%get3A_1845] : memref<100000xf32, #tpu.memory_space<vmem>>[vector<16xi32>], vector<16xf32>,
      %gather3A_1852 = tpu.vector_load_idx %arg7[%get3A_1851] : memref<100000xf32, #tpu.memory_space<vmem>>[vector<16xi32>], vector<16xf32>,
      %mul3A_1853 = arith.mulf %gather3A, %gather3A_1852 : vector<16xf32>
      %swap3A_1854 = arith.constant 0 : i32
      %swap3A_1855 = arith.index_cast %swap3A_1854 : i32 to index
      %swap3A_1856 = arith.index_cast %add3A_1835 : i32 to index
      %swap3A_1857 = arith.constant 0 : index
      %swap3A_1858 = tpu.vector_load %arg9[%swap3A_1855, %swap3A_1856, %swap3A_1857] {strides = array<i32>} : memref<2x32x128xf32, #tpu.memory_space<vmem>>, vector<16xf32>,
      tpu.vector_store %arg9[%swap3A_1855, %swap3A_1856, %swap3A_1857], %mul3A_1853 {strides = array<i32>} : memref<2x32x128xf32, #tpu.memory_space<vmem>>, vector<16xf32>,
      %add3A_1859 = arith.constant 16 : i32
      %add3A_1860 = arith.addi %mul3A_1837, %add3A_1859 : i32
      %get3A_1861 = arith.constant 0 : i32
      %get3A_1862 = arith.constant 0 : i32
      %get3A_1863 = arith.index_cast %get3A_1861 : i32 to index
      %get3A_1864 = arith.index_cast %get3A_1862 : i32 to index
      %get3A_1865 = arith.index_cast %add3A_1860 : i32 to index
      %get3A_1866 = tpu.vector_load %arg8[%get3A_1863, %get3A_1864, %get3A_1865] {strides = array<i32>} : memref<2x2x4096xi32, #tpu.memory_space<vmem>>, vector<16xi32>,
      %get3A_1867 = arith.constant 0 : i32
      %get3A_1868 = arith.constant 1 : i32
      %get3A_1869 = arith.index_cast %get3A_1867 : i32 to index
      %get3A_1870 = arith.index_cast %get3A_1868 : i32 to index
      %get3A_1871 = arith.index_cast %add3A_1860 : i32 to index
      %get3A_1872 = tpu.vector_load %arg8[%get3A_1869, %get3A_1870, %get3A_1871] {strides = array<i32>} : memref<2x2x4096xi32, #tpu.memory_space<vmem>>, vector<16xi32>,
      %gather3A_1873 = tpu.vector_load_idx %arg7[%get3A_1866] : memref<100000xf32, #tpu.memory_space<vmem>>[vector<16xi32>], vector<16xf32>,
      %gather3A_1874 = tpu.vector_load_idx %arg7[%get3A_1872] : memref<100000xf32, #tpu.memory_space<vmem>>[vector<16xi32>], vector<16xf32>,
      %mul3A_1875 = arith.mulf %gather3A_1873, %gather3A_1874 : vector<16xf32>
      %swap3A_1876 = arith.constant 0 : i32
      %swap3A_1877 = arith.index_cast %swap3A_1876 : i32 to index
      %swap3A_1878 = arith.index_cast %add3A_1835 : i32 to index
      %swap3A_1879 = arith.constant 16 : index
      %swap3A_1880 = tpu.vector_load %arg9[%swap3A_1877, %swap3A_1878, %swap3A_1879] {strides = array<i32>} : memref<2x32x128xf32, #tpu.memory_space<vmem>>, vector<16xf32>,
      tpu.vector_store %arg9[%swap3A_1877, %swap3A_1878, %swap3A_1879], %mul3A_1875 {strides = array<i32>} : memref<2x32x128xf32, #tpu.memory_space<vmem>>, vector<16xf32>,
      %add3A_1881 = arith.constant 32 : i32
      %add3A_1882 = arith.addi %mul3A_1837, %add3A_1881 : i32
      %get3A_1883 = arith.constant 0 : i32
      %get3A_1884 = arith.constant 0 : i32
      %get3A_1885 = arith.index_cast %get3A_1883 : i32 to index
      %get3A_1886 = arith.index_cast %get3A_1884 : i32 to index
      %get3A_1887 = arith.index_cast %add3A_1882 : i32 to index
      %get3A_1888 = tpu.vector_load %arg8[%get3A_1885, %get3A_1886, %get3A_1887] {strides = array<i32>} : memref<2x2x4096xi32, #tpu.memory_space<vmem>>, vector<16xi32>,
      %get3A_1889 = arith.constant 0 : i32
      %get3A_1890 = arith.constant 1 : i32
      %get3A_1891 = arith.index_cast %get3A_1889 : i32 to index
      %get3A_1892 = arith.index_cast %get3A_1890 : i32 to index
      %get3A_1893 = arith.index_cast %add3A_1882 : i32 to index
      %get3A_1894 = tpu.vector_load %arg8[%get3A_1891, %get3A_1892, %get3A_1893] {strides = array<i32>} : memref<2x2x4096xi32, #tpu.memory_space<vmem>>, vector<16xi32>,
      %gather3A_1895 = tpu.vector_load_idx %arg7[%get3A_1888] : memref<100000xf32, #tpu.memory_space<vmem>>[vector<16xi32>], vector<16xf32>,
      %gather3A_1896 = tpu.vector_load_idx %arg7[%get3A_1894] : memref<100000xf32, #tpu.memory_space<vmem>>[vector<16xi32>], vector<16xf32>,
      %mul3A_1897 = arith.mulf %gather3A_1895, %gather3A_1896 : vector<16xf32>
      %swap3A_1898 = arith.constant 0 : i32
      %swap3A_1899 = arith.index_cast %swap3A_1898 : i32 to index
      %swap3A_1900 = arith.index_cast %add3A_1835 : i32 to index
      %swap3A_1901 = arith.constant 32 : index
      %swap3A_1902 = tpu.vector_load %arg9[%swap3A_1899, %swap3A_1900, %swap3A_1901] {strides = array<i32>} : memref<2x32x128xf32, #tpu.memory_space<vmem>>, vector<16xf32>,
      tpu.vector_store %arg9[%swap3A_1899, %swap3A_1900, %swap3A_1901], %mul3A_1897 {strides = array<i32>} : memref<2x32x128xf32, #tpu.memory_space<vmem>>, vector<16xf32>,
      %add3A_1903 = arith.constant 48 : i32
      %add3A_1904 = arith.addi %mul3A_1837, %add3A_1903 : i32
      %get3A_1905 = arith.constant 0 : i32
      %get3A_1906 = arith.constant 0 : i32
      %get3A_1907 = arith.index_cast %get3A_1905 : i32 to index
      %get3A_1908 = arith.index_cast %get3A_1906 : i32 to index
      %get3A_1909 = arith.index_cast %add3A_1904 : i32 to index
      %get3A_1910 = tpu.vector_load %arg8[%get3A_1907, %get3A_1908, %get3A_1909] {strides = array<i32>} : memref<2x2x4096xi32, #tpu.memory_space<vmem>>, vector<16xi32>,
      %get3A_1911 = arith.constant 0 : i32
      %get3A_1912 = arith.constant 1 : i32
      %get3A_1913 = arith.index_cast %get3A_1911 : i32 to index
      %get3A_1914 = arith.index_cast %get3A_1912 : i32 to index
      %get3A_1915 = arith.index_cast %add3A_1904 : i32 to index
      %get3A_1916 = tpu.vector_load %arg8[%get3A_1913, %get3A_1914, %get3A_1915] {strides = array<i32>} : memref<2x2x4096xi32, #tpu.memory_space<vmem>>, vector<16xi32>,
      %gather3A_1917 = tpu.vector_load_idx %arg7[%get3A_1910] : memref<100000xf32, #tpu.memory_space<vmem>>[vector<16xi32>], vector<16xf32>,
      %gather3A_1918 = tpu.vector_load_idx %arg7[%get3A_1916] : memref<100000xf32, #tpu.memory_space<vmem>>[vector<16xi32>], vector<16xf32>,
      %mul3A_1919 = arith.mulf %gather3A_1917, %gather3A_1918 : vector<16xf32>
      %swap3A_1920 = arith.constant 0 : i32
      %swap3A_1921 = arith.index_cast %swap3A_1920 : i32 to index
      %swap3A_1922 = arith.index_cast %add3A_1835 : i32 to index
      %swap3A_1923 = arith.constant 48 : index
      %swap3A_1924 = tpu.vector_load %arg9[%swap3A_1921, %swap3A_1922, %swap3A_1923] {strides = array<i32>} : memref<2x32x128xf32, #tpu.memory_space<vmem>>, vector<16xf32>,
      tpu.vector_store %arg9[%swap3A_1921, %swap3A_1922, %swap3A_1923], %mul3A_1919 {strides = array<i32>} : memref<2x32x128xf32, #tpu.memory_space<vmem>>, vector<16xf32>,
      %add3A_1925 = arith.constant 64 : i32
      %add3A_1926 = arith.addi %mul3A_1837, %add3A_1925 : i32
      %get3A_1927 = arith.constant 0 : i32
      %get3A_1928 = arith.constant 0 : i32
      %get3A_1929 = arith.index_cast %get3A_1927 : i32 to index
      %get3A_1930 = arith.index_cast %get3A_1928 : i32 to index
      %get3A_1931 = arith.index_cast %add3A_1926 : i32 to index
      %get3A_1932 = tpu.vector_load %arg8[%get3A_1929, %get3A_1930, %get3A_1931] {strides = array<i32>} : memref<2x2x4096xi32, #tpu.memory_space<vmem>>, vector<16xi32>,
      %get3A_1933 = arith.constant 0 : i32
      %get3A_1934 = arith.constant 1 : i32
      %get3A_1935 = arith.index_cast %get3A_1933 : i32 to index
      %get3A_1936 = arith.index_cast %get3A_1934 : i32 to index
      %get3A_1937 = arith.index_cast %add3A_1926 : i32 to index
      %get3A_1938 = tpu.vector_load %arg8[%get3A_1935, %get3A_1936, %get3A_1937] {strides = array<i32>} : memref<2x2x4096xi32, #tpu.memory_space<vmem>>, vector<16xi32>,
      %gather3A_1939 = tpu.vector_load_idx %arg7[%get3A_1932] : memref<100000xf32, #tpu.memory_space<vmem>>[vector<16xi32>], vector<16xf32>,
      %gather3A_1940 = tpu.vector_load_idx %arg7[%get3A_1938] : memref<100000xf32, #tpu.memory_space<vmem>>[vector<16xi32>], vector<16xf32>,
      %mul3A_1941 = arith.mulf %gather3A_1939, %gather3A_1940 : vector<16xf32>
      %swap3A_1942 = arith.constant 0 : i32
      %swap3A_1943 = arith.index_cast %swap3A_1942 : i32 to index
      %swap3A_1944 = arith.index_cast %add3A_1835 : i32 to index
      %swap3A_1945 = arith.constant 64 : index
      %swap3A_1946 = tpu.vector_load %arg9[%swap3A_1943, %swap3A_1944, %swap3A_1945] {strides = array<i32>} : memref<2x32x128xf32, #tpu.memory_space<vmem>>, vector<16xf32>,
      tpu.vector_store %arg9[%swap3A_1943, %swap3A_1944, %swap3A_1945], %mul3A_1941 {strides = array<i32>} : memref<2x32x128xf32, #tpu.memory_space<vmem>>, vector<16xf32>,
      %add3A_1947 = arith.constant 80 : i32
      %add3A_1948 = arith.addi %mul3A_1837, %add3A_1947 : i32
      %get3A_1949 = arith.constant 0 : i32
      %get3A_1950 = arith.constant 0 : i32
      %get3A_1951 = arith.index_cast %get3A_1949 : i32 to index
      %get3A_1952 = arith.index_cast %get3A_1950 : i32 to index
      %get3A_1953 = arith.index_cast %add3A_1948 : i32 to index
      %get3A_1954 = tpu.vector_load %arg8[%get3A_1951, %get3A_1952, %get3A_1953] {strides = array<i32>} : memref<2x2x4096xi32, #tpu.memory_space<vmem>>, vector<16xi32>,
      %get3A_1955 = arith.constant 0 : i32
      %get3A_1956 = arith.constant 1 : i32
      %get3A_1957 = arith.index_cast %get3A_1955 : i32 to index
      %get3A_1958 = arith.index_cast %get3A_1956 : i32 to index
      %get3A_1959 = arith.index_cast %add3A_1948 : i32 to index
      %get3A_1960 = tpu.vector_load %arg8[%get3A_1957, %get3A_1958, %get3A_1959] {strides = array<i32>} : memref<2x2x4096xi32, #tpu.memory_space<vmem>>, vector<16xi32>,
      %gather3A_1961 = tpu.vector_load_idx %arg7[%get3A_1954] : memref<100000xf32, #tpu.memory_space<vmem>>[vector<16xi32>], vector<16xf32>,
      %gather3A_1962 = tpu.vector_load_idx %arg7[%get3A_1960] : memref<100000xf32, #tpu.memory_space<vmem>>[vector<16xi32>], vector<16xf32>,
      %mul3A_1963 = arith.mulf %gather3A_1961, %gather3A_1962 : vector<16xf32>
      %swap3A_1964 = arith.constant 0 : i32
      %swap3A_1965 = arith.index_cast %swap3A_1964 : i32 to index
      %swap3A_1966 = arith.index_cast %add3A_1835 : i32 to index
      %swap3A_1967 = arith.constant 80 : index
      %swap3A_1968 = tpu.vector_load %arg9[%swap3A_1965, %swap3A_1966, %swap3A_1967] {strides = array<i32>} : memref<2x32x128xf32, #tpu.memory_space<vmem>>, vector<16xf32>,
      tpu.vector_store %arg9[%swap3A_1965, %swap3A_1966, %swap3A_1967], %mul3A_1963 {strides = array<i32>} : memref<2x32x128xf32, #tpu.memory_space<vmem>>, vector<16xf32>,
      %add3A_1969 = arith.constant 96 : i32
      %add3A_1970 = arith.addi %mul3A_1837, %add3A_1969 : i32
      %get3A_1971 = arith.constant 0 : i32
      %get3A_1972 = arith.constant 0 : i32
      %get3A_1973 = arith.index_cast %get3A_1971 : i32 to index
      %get3A_1974 = arith.index_cast %get3A_1972 : i32 to index
      %get3A_1975 = arith.index_cast %add3A_1970 : i32 to index
      %get3A_1976 = tpu.vector_load %arg8[%get3A_1973, %get3A_1974, %get3A_1975] {strides = array<i32>} : memref<2x2x4096xi32, #tpu.memory_space<vmem>>, vector<16xi32>,
      %get3A_1977 = arith.constant 0 : i32
      %get3A_1978 = arith.constant 1 : i32
      %get3A_1979 = arith.index_cast %get3A_1977 : i32 to index
      %get3A_1980 = arith.index_cast %get3A_1978 : i32 to index
      %get3A_1981 = arith.index_cast %add3A_1970 : i32 to index
      %get3A_1982 = tpu.vector_load %arg8[%get3A_1979, %get3A_1980, %get3A_1981] {strides = array<i32>} : memref<2x2x4096xi32, #tpu.memory_space<vmem>>, vector<16xi32>,
      %gather3A_1983 = tpu.vector_load_idx %arg7[%get3A_1976] : memref<100000xf32, #tpu.memory_space<vmem>>[vector<16xi32>], vector<16xf32>,
      %gather3A_1984 = tpu.vector_load_idx %arg7[%get3A_1982] : memref<100000xf32, #tpu.memory_space<vmem>>[vector<16xi32>], vector<16xf32>,
      %mul3A_1985 = arith.mulf %gather3A_1983, %gather3A_1984 : vector<16xf32>
      %swap3A_1986 = arith.constant 0 : i32
      %swap3A_1987 = arith.index_cast %swap3A_1986 : i32 to index
      %swap3A_1988 = arith.index_cast %add3A_1835 : i32 to index
      %swap3A_1989 = arith.constant 96 : index
      %swap3A_1990 = tpu.vector_load %arg9[%swap3A_1987, %swap3A_1988, %swap3A_1989] {strides = array<i32>} : memref<2x32x128xf32, #tpu.memory_space<vmem>>, vector<16xf32>,
      tpu.vector_store %arg9[%swap3A_1987, %swap3A_1988, %swap3A_1989], %mul3A_1985 {strides = array<i32>} : memref<2x32x128xf32, #tpu.memory_space<vmem>>, vector<16xf32>,
      %add3A_1991 = arith.constant 112 : i32
      %add3A_1992 = arith.addi %mul3A_1837, %add3A_1991 : i32
      %get3A_1993 = arith.constant 0 : i32
      %get3A_1994 = arith.constant 0 : i32
      %get3A_1995 = arith.index_cast %get3A_1993 : i32 to index
      %get3A_1996 = arith.index_cast %get3A_1994 : i32 to index
      %get3A_1997 = arith.index_cast %add3A_1992 : i32 to index
      %get3A_1998 = tpu.vector_load %arg8[%get3A_1995, %get3A_1996, %get3A_1997] {strides = array<i32>} : memref<2x2x4096xi32, #tpu.memory_space<vmem>>, vector<16xi32>,
      %get3A_1999 = arith.constant 0 : i32
      %get3A_2000 = arith.constant 1 : i32
      %get3A_2001 = arith.index_cast %get3A_1999 : i32 to index
      %get3A_2002 = arith.index_cast %get3A_2000 : i32 to index
      %get3A_2003 = arith.index_cast %add3A_1992 : i32 to index
      %get3A_2004 = tpu.vector_load %arg8[%get3A_2001, %get3A_2002, %get3A_2003] {strides = array<i32>} : memref<2x2x4096xi32, #tpu.memory_space<vmem>>, vector<16xi32>,
      %gather3A_2005 = tpu.vector_load_idx %arg7[%get3A_1998] : memref<100000xf32, #tpu.memory_space<vmem>>[vector<16xi32>], vector<16xf32>,
      %gather3A_2006 = tpu.vector_load_idx %arg7[%get3A_2004] : memref<100000xf32, #tpu.memory_space<vmem>>[vector<16xi32>], vector<16xf32>,
      %mul3A_2007 = arith.mulf %gather3A_2005, %gather3A_2006 : vector<16xf32>
      %swap3A_2008 = arith.constant 0 : i32
      %swap3A_2009 = arith.index_cast %swap3A_2008 : i32 to index
      %swap3A_2010 = arith.index_cast %add3A_1835 : i32 to index
      %swap3A_2011 = arith.constant 112 : index
      %swap3A_2012 = tpu.vector_load %arg9[%swap3A_2009, %swap3A_2010, %swap3A_2011] {strides = array<i32>} : memref<2x32x128xf32, #tpu.memory_space<vmem>>, vector<16xf32>,
      tpu.vector_store %arg9[%swap3A_2009, %swap3A_2010, %swap3A_2011], %mul3A_2007 {strides = array<i32>} : memref<2x32x128xf32, #tpu.memory_space<vmem>>, vector<16xf32>,
    }
    %scan3A_618 = arith.constant 32 : i32
    %dma_start3A_619 = arith.constant 0 : i32
    %dma_start3A_620 = arith.constant 2 : i32
    %dma_start3A_621 = arith.constant 0 : i32
    %dma_start3A_622 = arith.constant 0 : i32
    %dma_start3A_623 = tpu.memref_slice %arg9[%dma_start3A_619, %dma_start3A_621, %dma_start3A_622] : memref<2x32x128xf32, #tpu.memory_space<vmem>> -> memref<1x32x128xf32, #tpu.memory_space<vmem>>
    %dma_start3A_624 = tpu.memref_squeeze %dma_start3A_623 : memref<1x32x128xf32, #tpu.memory_space<vmem>> -> memref<32x128xf32, #tpu.memory_space<vmem>>
    %dma_start3A_625 = arith.constant 0 : i32
    %dma_start3A_626 = tpu.memref_slice %arg10[%dma_start3A_620, %dma_start3A_625] : memref<4x32xi32, #tpu.memory_space<vmem>> -> memref<1x32xi32, #tpu.memory_space<vmem>>
    %dma_start3A_627 = tpu.memref_squeeze %dma_start3A_626 : memref<1x32xi32, #tpu.memory_space<vmem>> -> memref<32xi32, #tpu.memory_space<vmem>>
    %dma_start3A_628 = arith.constant 0 : i32
    %dma_start3A_629 = arith.constant 0 : i32
    %dma_start3A_630 = tpu.memref_slice %arg21[%dma_start3A_628, %dma_start3A_629] : memref<128x128xf32, #tpu.memory_space<vmem_shared>> -> memref<128x128xf32, #tpu.memory_space<vmem_shared>>
    tpu.enqueue_indirect_dma source(%dma_start3A_624 : memref<32x128xf32, #tpu.memory_space<vmem>>) target(%dma_start3A_630 : memref<128x128xf32, #tpu.memory_space<vmem_shared>>) offsets(%dma_start3A_627 : memref<32xi32, #tpu.memory_space<vmem>>) semaphore(%arg18 : memref<!tpu.dma_semaphore, #tpu.memory_space<semaphore_mem>>) {add = true}
    %dma_start3A_631 = arith.constant 0 : i32
    %dma_start3A_632 = arith.constant 0 : i32
    %dma_start3A_633 = arith.constant 0 : i32
    %dma_start3A_634 = arith.constant 0 : i32
    %dma_start3A_635 = tpu.memref_slice %arg8[%dma_start3A_632, %dma_start3A_633, %dma_start3A_634] : memref<2x2x4096xi32, #tpu.memory_space<vmem>> -> memref<1x1x4096xi32, #tpu.memory_space<vmem>>
    %dma_start3A_636 = tpu.memref_squeeze %dma_start3A_635 : memref<1x1x4096xi32, #tpu.memory_space<vmem>> -> memref<4096xi32, #tpu.memory_space<vmem>>
    %dma_start3A_637 = arith.constant 0 : i32
    %dma_start3A_638 = tpu.memref_slice %arg20[%dma_start3A_631, %dma_start3A_637] : memref<2x16384xi32, #tpu.memory_space<vmem_shared>> -> memref<1x4096xi32, #tpu.memory_space<vmem_shared>>
    %dma_start3A_639 = tpu.memref_squeeze %dma_start3A_638 : memref<1x4096xi32, #tpu.memory_space<vmem_shared>> -> memref<4096xi32, #tpu.memory_space<vmem_shared>>
    %dma_start3A_640 = arith.constant 0 : i32
    %dma_start3A_641 = tpu.memref_slice %arg8[%dma_start3A_632, %dma_start3A_633, %dma_start3A_640] : memref<2x2x4096xi32, #tpu.memory_space<vmem>> -> memref<1x1x4096xi32, #tpu.memory_space<vmem>>
    %dma_start3A_642 = tpu.memref_squeeze %dma_start3A_641 : memref<1x1x4096xi32, #tpu.memory_space<vmem>> -> memref<4096xi32, #tpu.memory_space<vmem>>
    %dma_start3A_643 = arith.constant 0 : i32
    %dma_start3A_644 = tpu.memref_slice %arg20[%dma_start3A_631, %dma_start3A_643] : memref<2x16384xi32, #tpu.memory_space<vmem_shared>> -> memref<1x4096xi32, #tpu.memory_space<vmem_shared>>
    %dma_start3A_645 = tpu.memref_squeeze %dma_start3A_644 : memref<1x4096xi32, #tpu.memory_space<vmem_shared>> -> memref<4096xi32, #tpu.memory_space<vmem_shared>>
    tpu.enqueue_dma source(%dma_start3A_645 : memref<4096xi32, #tpu.memory_space<vmem_shared>>) target(%dma_start3A_642 : memref<4096xi32, #tpu.memory_space<vmem>>) target_semaphore(%arg14 : memref<!tpu.dma_semaphore, #tpu.memory_space<semaphore_mem>>)
    %dma_start3A_646 = arith.constant 1 : i32
    %dma_start3A_647 = arith.constant 0 : i32
    %dma_start3A_648 = arith.constant 1 : i32
    %dma_start3A_649 = arith.constant 0 : i32
    %dma_start3A_650 = tpu.memref_slice %arg8[%dma_start3A_647, %dma_start3A_648, %dma_start3A_649] : memref<2x2x4096xi32, #tpu.memory_space<vmem>> -> memref<1x1x4096xi32, #tpu.memory_space<vmem>>
    %dma_start3A_651 = tpu.memref_squeeze %dma_start3A_650 : memref<1x1x4096xi32, #tpu.memory_space<vmem>> -> memref<4096xi32, #tpu.memory_space<vmem>>
    %dma_start3A_652 = arith.constant 0 : i32
    %dma_start3A_653 = tpu.memref_slice %arg20[%dma_start3A_646, %dma_start3A_652] : memref<2x16384xi32, #tpu.memory_space<vmem_shared>> -> memref<1x4096xi32, #tpu.memory_space<vmem_shared>>
    %dma_start3A_654 = tpu.memref_squeeze %dma_start3A_653 : memref<1x4096xi32, #tpu.memory_space<vmem_shared>> -> memref<4096xi32, #tpu.memory_space<vmem_shared>>
    %dma_start3A_655 = arith.constant 0 : i32
    %dma_start3A_656 = tpu.memref_slice %arg8[%dma_start3A_647, %dma_start3A_648, %dma_start3A_655] : memref<2x2x4096xi32, #tpu.memory_space<vmem>> -> memref<1x1x4096xi32, #tpu.memory_space<vmem>>
    %dma_start3A_657 = tpu.memref_squeeze %dma_start3A_656 : memref<1x1x4096xi32, #tpu.memory_space<vmem>> -> memref<4096xi32, #tpu.memory_space<vmem>>
    %dma_start3A_658 = arith.constant 0 : i32
    %dma_start3A_659 = tpu.memref_slice %arg20[%dma_start3A_646, %dma_start3A_658] : memref<2x16384xi32, #tpu.memory_space<vmem_shared>> -> memref<1x4096xi32, #tpu.memory_space<vmem_shared>>
    %dma_start3A_660 = tpu.memref_squeeze %dma_start3A_659 : memref<1x4096xi32, #tpu.memory_space<vmem_shared>> -> memref<4096xi32, #tpu.memory_space<vmem_shared>>
    tpu.enqueue_dma source(%dma_start3A_660 : memref<4096xi32, #tpu.memory_space<vmem_shared>>) target(%dma_start3A_657 : memref<4096xi32, #tpu.memory_space<vmem>>) target_semaphore(%arg15 : memref<!tpu.dma_semaphore, #tpu.memory_space<semaphore_mem>>)
    %dma_wait3A_661 = arith.constant 0 : i32
    %dma_wait3A_662 = arith.constant 1 : i32
    %dma_wait3A_663 = arith.constant 0 : i32
    %dma_wait3A_664 = arith.constant 0 : i32
    %dma_wait3A_665 = tpu.memref_slice %arg8[%dma_wait3A_662, %dma_wait3A_663, %dma_wait3A_664] : memref<2x2x4096xi32, #tpu.memory_space<vmem>> -> memref<1x1x4096xi32, #tpu.memory_space<vmem>>
    %dma_wait3A_666 = tpu.memref_squeeze %dma_wait3A_665 : memref<1x1x4096xi32, #tpu.memory_space<vmem>> -> memref<4096xi32, #tpu.memory_space<vmem>>
    %dma_wait3A_667 = arith.constant 12288 : i32
    %dma_wait3A_668 = tpu.memref_slice %arg20[%dma_wait3A_661, %dma_wait3A_667] : memref<2x16384xi32, #tpu.memory_space<vmem_shared>> -> memref<1x4096xi32, #tpu.memory_space<vmem_shared>>
    %dma_wait3A_669 = tpu.memref_squeeze %dma_wait3A_668 : memref<1x4096xi32, #tpu.memory_space<vmem_shared>> -> memref<4096xi32, #tpu.memory_space<vmem_shared>>
    %dma_wait3A_670 = arith.constant 0 : i32
    %dma_wait3A_671 = tpu.memref_slice %arg8[%dma_wait3A_662, %dma_wait3A_663, %dma_wait3A_670] : memref<2x2x4096xi32, #tpu.memory_space<vmem>> -> memref<1x1x4096xi32, #tpu.memory_space<vmem>>
    %dma_wait3A_672 = tpu.memref_squeeze %dma_wait3A_671 : memref<1x1x4096xi32, #tpu.memory_space<vmem>> -> memref<4096xi32, #tpu.memory_space<vmem>>
    %dma_wait3A_673 = arith.constant 12288 : i32
    %dma_wait3A_674 = tpu.memref_slice %arg20[%dma_wait3A_661, %dma_wait3A_673] : memref<2x16384xi32, #tpu.memory_space<vmem_shared>> -> memref<1x4096xi32, #tpu.memory_space<vmem_shared>>
    %dma_wait3A_675 = tpu.memref_squeeze %dma_wait3A_674 : memref<1x4096xi32, #tpu.memory_space<vmem_shared>> -> memref<4096xi32, #tpu.memory_space<vmem_shared>>
    tpu.wait_dma2 semaphore(%arg16 : memref<!tpu.dma_semaphore, #tpu.memory_space<semaphore_mem>>) src(%dma_wait3A_675 : memref<4096xi32, #tpu.memory_space<vmem_shared>>) dst(%dma_wait3A_672 : memref<4096xi32, #tpu.memory_space<vmem>>)
    %dma_wait3A_676 = arith.constant 1 : i32
    %dma_wait3A_677 = arith.constant 1 : i32
    %dma_wait3A_678 = arith.constant 1 : i32
    %dma_wait3A_679 = arith.constant 0 : i32
    %dma_wait3A_680 = tpu.memref_slice %arg8[%dma_wait3A_677, %dma_wait3A_678, %dma_wait3A_679] : memref<2x2x4096xi32, #tpu.memory_space<vmem>> -> memref<1x1x4096xi32, #tpu.memory_space<vmem>>
    %dma_wait3A_681 = tpu.memref_squeeze %dma_wait3A_680 : memref<1x1x4096xi32, #tpu.memory_space<vmem>> -> memref<4096xi32, #tpu.memory_space<vmem>>
    %dma_wait3A_682 = arith.constant 12288 : i32
    %dma_wait3A_683 = tpu.memref_slice %arg20[%dma_wait3A_676, %dma_wait3A_682] : memref<2x16384xi32, #tpu.memory_space<vmem_shared>> -> memref<1x4096xi32, #tpu.memory_space<vmem_shared>>
    %dma_wait3A_684 = tpu.memref_squeeze %dma_wait3A_683 : memref<1x4096xi32, #tpu.memory_space<vmem_shared>> -> memref<4096xi32, #tpu.memory_space<vmem_shared>>
    %dma_wait3A_685 = arith.constant 0 : i32
    %dma_wait3A_686 = tpu.memref_slice %arg8[%dma_wait3A_677, %dma_wait3A_678, %dma_wait3A_685] : memref<2x2x4096xi32, #tpu.memory_space<vmem>> -> memref<1x1x4096xi32, #tpu.memory_space<vmem>>
    %dma_wait3A_687 = tpu.memref_squeeze %dma_wait3A_686 : memref<1x1x4096xi32, #tpu.memory_space<vmem>> -> memref<4096xi32, #tpu.memory_space<vmem>>
    %dma_wait3A_688 = arith.constant 12288 : i32
    %dma_wait3A_689 = tpu.memref_slice %arg20[%dma_wait3A_676, %dma_wait3A_688] : memref<2x16384xi32, #tpu.memory_space<vmem_shared>> -> memref<1x4096xi32, #tpu.memory_space<vmem_shared>>
    %dma_wait3A_690 = tpu.memref_squeeze %dma_wait3A_689 : memref<1x4096xi32, #tpu.memory_space<vmem_shared>> -> memref<4096xi32, #tpu.memory_space<vmem_shared>>
    tpu.wait_dma2 semaphore(%arg17 : memref<!tpu.dma_semaphore, #tpu.memory_space<semaphore_mem>>) src(%dma_wait3A_690 : memref<4096xi32, #tpu.memory_space<vmem_shared>>) dst(%dma_wait3A_687 : memref<4096xi32, #tpu.memory_space<vmem>>)
    %dma_wait3A_691 = arith.constant 1 : i32
    %dma_wait3A_692 = arith.constant 1 : i32
    %dma_wait3A_693 = arith.constant 0 : i32
    %dma_wait3A_694 = arith.constant 0 : i32
    %dma_wait3A_695 = tpu.memref_slice %arg9[%dma_wait3A_691, %dma_wait3A_693, %dma_wait3A_694] : memref<2x32x128xf32, #tpu.memory_space<vmem>> -> memref<1x32x128xf32, #tpu.memory_space<vmem>>
    %dma_wait3A_696 = tpu.memref_squeeze %dma_wait3A_695 : memref<1x32x128xf32, #tpu.memory_space<vmem>> -> memref<32x128xf32, #tpu.memory_space<vmem>>
    %dma_wait3A_697 = arith.constant 0 : i32
    %dma_wait3A_698 = tpu.memref_slice %arg10[%dma_wait3A_692, %dma_wait3A_697] : memref<4x32xi32, #tpu.memory_space<vmem>> -> memref<1x32xi32, #tpu.memory_space<vmem>>
    %dma_wait3A_699 = tpu.memref_squeeze %dma_wait3A_698 : memref<1x32xi32, #tpu.memory_space<vmem>> -> memref<32xi32, #tpu.memory_space<vmem>>
    %dma_wait3A_700 = arith.constant 0 : i32
    %dma_wait3A_701 = arith.constant 0 : i32
    %dma_wait3A_702 = tpu.memref_slice %arg21[%dma_wait3A_700, %dma_wait3A_701] : memref<128x128xf32, #tpu.memory_space<vmem_shared>> -> memref<128x128xf32, #tpu.memory_space<vmem_shared>>
    tpu.wait_indirect_dma semaphore(%arg19 : memref<!tpu.dma_semaphore, #tpu.memory_space<semaphore_mem>>) src(%dma_wait3A_696 : memref<32x128xf32, #tpu.memory_space<vmem>>) dst(%dma_wait3A_702 : memref<128x128xf32, #tpu.memory_space<vmem_shared>>)
    %scan3A_703 = arith.constant 0 : i32
    %scan3A_704 = arith.constant 32 : i32
    %scan3A_705 = arith.addi %scan3A_703, %scan3A_704 : i32
    %scan3A_706 = arith.constant 1 : i32
    scf.for %scan3A_1831 = %scan3A_703 to %scan3A_705 step %scan3A_706  : i32 {
      %mul3A_1832 = arith.constant 1 : i32
      %mul3A_1833 = arith.muli %scan3A_1831, %mul3A_1832 : i32
      %add3A_1834 = arith.constant 0 : i32
      %add3A_1835 = arith.addi %add3A_1834, %mul3A_1833 : i32
      %mul3A_1836 = arith.constant 128 : i32
      %mul3A_1837 = arith.muli %add3A_1835, %mul3A_1836 : i32
      %add3A_1838 = arith.constant 0 : i32
      %add3A_1839 = arith.addi %mul3A_1837, %add3A_1838 : i32
      %get3A_1840 = arith.constant 1 : i32
      %get3A_1841 = arith.constant 0 : i32
      %get3A_1842 = arith.index_cast %get3A_1840 : i32 to index
      %get3A_1843 = arith.index_cast %get3A_1841 : i32 to index
      %get3A_1844 = arith.index_cast %add3A_1839 : i32 to index
      %get3A_1845 = tpu.vector_load %arg8[%get3A_1842, %get3A_1843, %get3A_1844] {strides = array<i32>} : memref<2x2x4096xi32, #tpu.memory_space<vmem>>, vector<16xi32>,
      %get3A_1846 = arith.constant 1 : i32
      %get3A_1847 = arith.constant 1 : i32
      %get3A_1848 = arith.index_cast %get3A_1846 : i32 to index
      %get3A_1849 = arith.index_cast %get3A_1847 : i32 to index
      %get3A_1850 = arith.index_cast %add3A_1839 : i32 to index
      %get3A_1851 = tpu.vector_load %arg8[%get3A_1848, %get3A_1849, %get3A_1850] {strides = array<i32>} : memref<2x2x4096xi32, #tpu.memory_space<vmem>>, vector<16xi32>,
      %gather3A = tpu.vector_load_idx %arg7[%get3A_1845] : memref<100000xf32, #tpu.memory_space<vmem>>[vector<16xi32>], vector<16xf32>,
      %gather3A_1852 = tpu.vector_load_idx %arg7[%get3A_1851] : memref<100000xf32, #tpu.memory_space<vmem>>[vector<16xi32>], vector<16xf32>,
      %mul3A_1853 = arith.mulf %gather3A, %gather3A_1852 : vector<16xf32>
      %swap3A_1854 = arith.constant 1 : i32
      %swap3A_1855 = arith.index_cast %swap3A_1854 : i32 to index
      %swap3A_1856 = arith.index_cast %add3A_1835 : i32 to index
      %swap3A_1857 = arith.constant 0 : index
      %swap3A_1858 = tpu.vector_load %arg9[%swap3A_1855, %swap3A_1856, %swap3A_1857] {strides = array<i32>} : memref<2x32x128xf32, #tpu.memory_space<vmem>>, vector<16xf32>,
      tpu.vector_store %arg9[%swap3A_1855, %swap3A_1856, %swap3A_1857], %mul3A_1853 {strides = array<i32>} : memref<2x32x128xf32, #tpu.memory_space<vmem>>, vector<16xf32>,
      %add3A_1859 = arith.constant 16 : i32
      %add3A_1860 = arith.addi %mul3A_1837, %add3A_1859 : i32
      %get3A_1861 = arith.constant 1 : i32
      %get3A_1862 = arith.constant 0 : i32
      %get3A_1863 = arith.index_cast %get3A_1861 : i32 to index
      %get3A_1864 = arith.index_cast %get3A_1862 : i32 to index
      %get3A_1865 = arith.index_cast %add3A_1860 : i32 to index
      %get3A_1866 = tpu.vector_load %arg8[%get3A_1863, %get3A_1864, %get3A_1865] {strides = array<i32>} : memref<2x2x4096xi32, #tpu.memory_space<vmem>>, vector<16xi32>,
      %get3A_1867 = arith.constant 1 : i32
      %get3A_1868 = arith.constant 1 : i32
      %get3A_1869 = arith.index_cast %get3A_1867 : i32 to index
      %get3A_1870 = arith.index_cast %get3A_1868 : i32 to index
      %get3A_1871 = arith.index_cast %add3A_1860 : i32 to index
      %get3A_1872 = tpu.vector_load %arg8[%get3A_1869, %get3A_1870, %get3A_1871] {strides = array<i32>} : memref<2x2x4096xi32, #tpu.memory_space<vmem>>, vector<16xi32>,
      %gather3A_1873 = tpu.vector_load_idx %arg7[%get3A_1866] : memref<100000xf32, #tpu.memory_space<vmem>>[vector<16xi32>], vector<16xf32>,
      %gather3A_1874 = tpu.vector_load_idx %arg7[%get3A_1872] : memref<100000xf32, #tpu.memory_space<vmem>>[vector<16xi32>], vector<16xf32>,
      %mul3A_1875 = arith.mulf %gather3A_1873, %gather3A_1874 : vector<16xf32>
      %swap3A_1876 = arith.constant 1 : i32
      %swap3A_1877 = arith.index_cast %swap3A_1876 : i32 to index
      %swap3A_1878 = arith.index_cast %add3A_1835 : i32 to index
      %swap3A_1879 = arith.constant 16 : index
      %swap3A_1880 = tpu.vector_load %arg9[%swap3A_1877, %swap3A_1878, %swap3A_1879] {strides = array<i32>} : memref<2x32x128xf32, #tpu.memory_space<vmem>>, vector<16xf32>,
      tpu.vector_store %arg9[%swap3A_1877, %swap3A_1878, %swap3A_1879], %mul3A_1875 {strides = array<i32>} : memref<2x32x128xf32, #tpu.memory_space<vmem>>, vector<16xf32>,
      %add3A_1881 = arith.constant 32 : i32
      %add3A_1882 = arith.addi %mul3A_1837, %add3A_1881 : i32
      %get3A_1883 = arith.constant 1 : i32
      %get3A_1884 = arith.constant 0 : i32
      %get3A_1885 = arith.index_cast %get3A_1883 : i32 to index
      %get3A_1886 = arith.index_cast %get3A_1884 : i32 to index
      %get3A_1887 = arith.index_cast %add3A_1882 : i32 to index
      %get3A_1888 = tpu.vector_load %arg8[%get3A_1885, %get3A_1886, %get3A_1887] {strides = array<i32>} : memref<2x2x4096xi32, #tpu.memory_space<vmem>>, vector<16xi32>,
      %get3A_1889 = arith.constant 1 : i32
      %get3A_1890 = arith.constant 1 : i32
      %get3A_1891 = arith.index_cast %get3A_1889 : i32 to index
      %get3A_1892 = arith.index_cast %get3A_1890 : i32 to index
      %get3A_1893 = arith.index_cast %add3A_1882 : i32 to index
      %get3A_1894 = tpu.vector_load %arg8[%get3A_1891, %get3A_1892, %get3A_1893] {strides = array<i32>} : memref<2x2x4096xi32, #tpu.memory_space<vmem>>, vector<16xi32>,
      %gather3A_1895 = tpu.vector_load_idx %arg7[%get3A_1888] : memref<100000xf32, #tpu.memory_space<vmem>>[vector<16xi32>], vector<16xf32>,
      %gather3A_1896 = tpu.vector_load_idx %arg7[%get3A_1894] : memref<100000xf32, #tpu.memory_space<vmem>>[vector<16xi32>], vector<16xf32>,
      %mul3A_1897 = arith.mulf %gather3A_1895, %gather3A_1896 : vector<16xf32>
      %swap3A_1898 = arith.constant 1 : i32
      %swap3A_1899 = arith.index_cast %swap3A_1898 : i32 to index
      %swap3A_1900 = arith.index_cast %add3A_1835 : i32 to index
      %swap3A_1901 = arith.constant 32 : index
      %swap3A_1902 = tpu.vector_load %arg9[%swap3A_1899, %swap3A_1900, %swap3A_1901] {strides = array<i32>} : memref<2x32x128xf32, #tpu.memory_space<vmem>>, vector<16xf32>,
      tpu.vector_store %arg9[%swap3A_1899, %swap3A_1900, %swap3A_1901], %mul3A_1897 {strides = array<i32>} : memref<2x32x128xf32, #tpu.memory_space<vmem>>, vector<16xf32>,
      %add3A_1903 = arith.constant 48 : i32
      %add3A_1904 = arith.addi %mul3A_1837, %add3A_1903 : i32
      %get3A_1905 = arith.constant 1 : i32
      %get3A_1906 = arith.constant 0 : i32
      %get3A_1907 = arith.index_cast %get3A_1905 : i32 to index
      %get3A_1908 = arith.index_cast %get3A_1906 : i32 to index
      %get3A_1909 = arith.index_cast %add3A_1904 : i32 to index
      %get3A_1910 = tpu.vector_load %arg8[%get3A_1907, %get3A_1908, %get3A_1909] {strides = array<i32>} : memref<2x2x4096xi32, #tpu.memory_space<vmem>>, vector<16xi32>,
      %get3A_1911 = arith.constant 1 : i32
      %get3A_1912 = arith.constant 1 : i32
      %get3A_1913 = arith.index_cast %get3A_1911 : i32 to index
      %get3A_1914 = arith.index_cast %get3A_1912 : i32 to index
      %get3A_1915 = arith.index_cast %add3A_1904 : i32 to index
      %get3A_1916 = tpu.vector_load %arg8[%get3A_1913, %get3A_1914, %get3A_1915] {strides = array<i32>} : memref<2x2x4096xi32, #tpu.memory_space<vmem>>, vector<16xi32>,
      %gather3A_1917 = tpu.vector_load_idx %arg7[%get3A_1910] : memref<100000xf32, #tpu.memory_space<vmem>>[vector<16xi32>], vector<16xf32>,
      %gather3A_1918 = tpu.vector_load_idx %arg7[%get3A_1916] : memref<100000xf32, #tpu.memory_space<vmem>>[vector<16xi32>], vector<16xf32>,
      %mul3A_1919 = arith.mulf %gather3A_1917, %gather3A_1918 : vector<16xf32>
      %swap3A_1920 = arith.constant 1 : i32
      %swap3A_1921 = arith.index_cast %swap3A_1920 : i32 to index
      %swap3A_1922 = arith.index_cast %add3A_1835 : i32 to index
      %swap3A_1923 = arith.constant 48 : index
      %swap3A_1924 = tpu.vector_load %arg9[%swap3A_1921, %swap3A_1922, %swap3A_1923] {strides = array<i32>} : memref<2x32x128xf32, #tpu.memory_space<vmem>>, vector<16xf32>,
      tpu.vector_store %arg9[%swap3A_1921, %swap3A_1922, %swap3A_1923], %mul3A_1919 {strides = array<i32>} : memref<2x32x128xf32, #tpu.memory_space<vmem>>, vector<16xf32>,
      %add3A_1925 = arith.constant 64 : i32
      %add3A_1926 = arith.addi %mul3A_1837, %add3A_1925 : i32
      %get3A_1927 = arith.constant 1 : i32
      %get3A_1928 = arith.constant 0 : i32
      %get3A_1929 = arith.index_cast %get3A_1927 : i32 to index
      %get3A_1930 = arith.index_cast %get3A_1928 : i32 to index
      %get3A_1931 = arith.index_cast %add3A_1926 : i32 to index
      %get3A_1932 = tpu.vector_load %arg8[%get3A_1929, %get3A_1930, %get3A_1931] {strides = array<i32>} : memref<2x2x4096xi32, #tpu.memory_space<vmem>>, vector<16xi32>,
      %get3A_1933 = arith.constant 1 : i32
      %get3A_1934 = arith.constant 1 : i32
      %get3A_1935 = arith.index_cast %get3A_1933 : i32 to index
      %get3A_1936 = arith.index_cast %get3A_1934 : i32 to index
      %get3A_1937 = arith.index_cast %add3A_1926 : i32 to index
      %get3A_1938 = tpu.vector_load %arg8[%get3A_1935, %get3A_1936, %get3A_1937] {strides = array<i32>} : memref<2x2x4096xi32, #tpu.memory_space<vmem>>, vector<16xi32>,
      %gather3A_1939 = tpu.vector_load_idx %arg7[%get3A_1932] : memref<100000xf32, #tpu.memory_space<vmem>>[vector<16xi32>], vector<16xf32>,
      %gather3A_1940 = tpu.vector_load_idx %arg7[%get3A_1938] : memref<100000xf32, #tpu.memory_space<vmem>>[vector<16xi32>], vector<16xf32>,
      %mul3A_1941 = arith.mulf %gather3A_1939, %gather3A_1940 : vector<16xf32>
      %swap3A_1942 = arith.constant 1 : i32
      %swap3A_1943 = arith.index_cast %swap3A_1942 : i32 to index
      %swap3A_1944 = arith.index_cast %add3A_1835 : i32 to index
      %swap3A_1945 = arith.constant 64 : index
      %swap3A_1946 = tpu.vector_load %arg9[%swap3A_1943, %swap3A_1944, %swap3A_1945] {strides = array<i32>} : memref<2x32x128xf32, #tpu.memory_space<vmem>>, vector<16xf32>,
      tpu.vector_store %arg9[%swap3A_1943, %swap3A_1944, %swap3A_1945], %mul3A_1941 {strides = array<i32>} : memref<2x32x128xf32, #tpu.memory_space<vmem>>, vector<16xf32>,
      %add3A_1947 = arith.constant 80 : i32
      %add3A_1948 = arith.addi %mul3A_1837, %add3A_1947 : i32
      %get3A_1949 = arith.constant 1 : i32
      %get3A_1950 = arith.constant 0 : i32
      %get3A_1951 = arith.index_cast %get3A_1949 : i32 to index
      %get3A_1952 = arith.index_cast %get3A_1950 : i32 to index
      %get3A_1953 = arith.index_cast %add3A_1948 : i32 to index
      %get3A_1954 = tpu.vector_load %arg8[%get3A_1951, %get3A_1952, %get3A_1953] {strides = array<i32>} : memref<2x2x4096xi32, #tpu.memory_space<vmem>>, vector<16xi32>,
      %get3A_1955 = arith.constant 1 : i32
      %get3A_1956 = arith.constant 1 : i32
      %get3A_1957 = arith.index_cast %get3A_1955 : i32 to index
      %get3A_1958 = arith.index_cast %get3A_1956 : i32 to index
      %get3A_1959 = arith.index_cast %add3A_1948 : i32 to index
      %get3A_1960 = tpu.vector_load %arg8[%get3A_1957, %get3A_1958, %get3A_1959] {strides = array<i32>} : memref<2x2x4096xi32, #tpu.memory_space<vmem>>, vector<16xi32>,
      %gather3A_1961 = tpu.vector_load_idx %arg7[%get3A_1954] : memref<100000xf32, #tpu.memory_space<vmem>>[vector<16xi32>], vector<16xf32>,
      %gather3A_1962 = tpu.vector_load_idx %arg7[%get3A_1960] : memref<100000xf32, #tpu.memory_space<vmem>>[vector<16xi32>], vector<16xf32>,
      %mul3A_1963 = arith.mulf %gather3A_1961, %gather3A_1962 : vector<16xf32>
      %swap3A_1964 = arith.constant 1 : i32
      %swap3A_1965 = arith.index_cast %swap3A_1964 : i32 to index
      %swap3A_1966 = arith.index_cast %add3A_1835 : i32 to index
      %swap3A_1967 = arith.constant 80 : index
      %swap3A_1968 = tpu.vector_load %arg9[%swap3A_1965, %swap3A_1966, %swap3A_1967] {strides = array<i32>} : memref<2x32x128xf32, #tpu.memory_space<vmem>>, vector<16xf32>,
      tpu.vector_store %arg9[%swap3A_1965, %swap3A_1966, %swap3A_1967], %mul3A_1963 {strides = array<i32>} : memref<2x32x128xf32, #tpu.memory_space<vmem>>, vector<16xf32>,
      %add3A_1969 = arith.constant 96 : i32
      %add3A_1970 = arith.addi %mul3A_1837, %add3A_1969 : i32
      %get3A_1971 = arith.constant 1 : i32
      %get3A_1972 = arith.constant 0 : i32
      %get3A_1973 = arith.index_cast %get3A_1971 : i32 to index
      %get3A_1974 = arith.index_cast %get3A_1972 : i32 to index
      %get3A_1975 = arith.index_cast %add3A_1970 : i32 to index
      %get3A_1976 = tpu.vector_load %arg8[%get3A_1973, %get3A_1974, %get3A_1975] {strides = array<i32>} : memref<2x2x4096xi32, #tpu.memory_space<vmem>>, vector<16xi32>,
      %get3A_1977 = arith.constant 1 : i32
      %get3A_1978 = arith.constant 1 : i32
      %get3A_1979 = arith.index_cast %get3A_1977 : i32 to index
      %get3A_1980 = arith.index_cast %get3A_1978 : i32 to index
      %get3A_1981 = arith.index_cast %add3A_1970 : i32 to index
      %get3A_1982 = tpu.vector_load %arg8[%get3A_1979, %get3A_1980, %get3A_1981] {strides = array<i32>} : memref<2x2x4096xi32, #tpu.memory_space<vmem>>, vector<16xi32>,
      %gather3A_1983 = tpu.vector_load_idx %arg7[%get3A_1976] : memref<100000xf32, #tpu.memory_space<vmem>>[vector<16xi32>], vector<16xf32>,
      %gather3A_1984 = tpu.vector_load_idx %arg7[%get3A_1982] : memref<100000xf32, #tpu.memory_space<vmem>>[vector<16xi32>], vector<16xf32>,
      %mul3A_1985 = arith.mulf %gather3A_1983, %gather3A_1984 : vector<16xf32>
      %swap3A_1986 = arith.constant 1 : i32
      %swap3A_1987 = arith.index_cast %swap3A_1986 : i32 to index
      %swap3A_1988 = arith.index_cast %add3A_1835 : i32 to index
      %swap3A_1989 = arith.constant 96 : index
      %swap3A_1990 = tpu.vector_load %arg9[%swap3A_1987, %swap3A_1988, %swap3A_1989] {strides = array<i32>} : memref<2x32x128xf32, #tpu.memory_space<vmem>>, vector<16xf32>,
      tpu.vector_store %arg9[%swap3A_1987, %swap3A_1988, %swap3A_1989], %mul3A_1985 {strides = array<i32>} : memref<2x32x128xf32, #tpu.memory_space<vmem>>, vector<16xf32>,
      %add3A_1991 = arith.constant 112 : i32
      %add3A_1992 = arith.addi %mul3A_1837, %add3A_1991 : i32
      %get3A_1993 = arith.constant 1 : i32
      %get3A_1994 = arith.constant 0 : i32
      %get3A_1995 = arith.index_cast %get3A_1993 : i32 to index
      %get3A_1996 = arith.index_cast %get3A_1994 : i32 to index
      %get3A_1997 = arith.index_cast %add3A_1992 : i32 to index
      %get3A_1998 = tpu.vector_load %arg8[%get3A_1995, %get3A_1996, %get3A_1997] {strides = array<i32>} : memref<2x2x4096xi32, #tpu.memory_space<vmem>>, vector<16xi32>,
      %get3A_1999 = arith.constant 1 : i32
      %get3A_2000 = arith.constant 1 : i32
      %get3A_2001 = arith.index_cast %get3A_1999 : i32 to index
      %get3A_2002 = arith.index_cast %get3A_2000 : i32 to index
      %get3A_2003 = arith.index_cast %add3A_1992 : i32 to index
      %get3A_2004 = tpu.vector_load %arg8[%get3A_2001, %get3A_2002, %get3A_2003] {strides = array<i32>} : memref<2x2x4096xi32, #tpu.memory_space<vmem>>, vector<16xi32>,
      %gather3A_2005 = tpu.vector_load_idx %arg7[%get3A_1998] : memref<100000xf32, #tpu.memory_space<vmem>>[vector<16xi32>], vector<16xf32>,
      %gather3A_2006 = tpu.vector_load_idx %arg7[%get3A_2004] : memref<100000xf32, #tpu.memory_space<vmem>>[vector<16xi32>], vector<16xf32>,
      %mul3A_2007 = arith.mulf %gather3A_2005, %gather3A_2006 : vector<16xf32>
      %swap3A_2008 = arith.constant 1 : i32
      %swap3A_2009 = arith.index_cast %swap3A_2008 : i32 to index
      %swap3A_2010 = arith.index_cast %add3A_1835 : i32 to index
      %swap3A_2011 = arith.constant 112 : index
      %swap3A_2012 = tpu.vector_load %arg9[%swap3A_2009, %swap3A_2010, %swap3A_2011] {strides = array<i32>} : memref<2x32x128xf32, #tpu.memory_space<vmem>>, vector<16xf32>,
      tpu.vector_store %arg9[%swap3A_2009, %swap3A_2010, %swap3A_2011], %mul3A_2007 {strides = array<i32>} : memref<2x32x128xf32, #tpu.memory_space<vmem>>, vector<16xf32>,
    }
    %scan3A_707 = arith.constant 32 : i32
    %dma_start3A_708 = arith.constant 1 : i32
    %dma_start3A_709 = arith.constant 3 : i32
    %dma_start3A_710 = arith.constant 0 : i32
    %dma_start3A_711 = arith.constant 0 : i32
    %dma_start3A_712 = tpu.memref_slice %arg9[%dma_start3A_708, %dma_start3A_710, %dma_start3A_711] : memref<2x32x128xf32, #tpu.memory_space<vmem>> -> memref<1x32x128xf32, #tpu.memory_space<vmem>>
    %dma_start3A_713 = tpu.memref_squeeze %dma_start3A_712 : memref<1x32x128xf32, #tpu.memory_space<vmem>> -> memref<32x128xf32, #tpu.memory_space<vmem>>
    %dma_start3A_714 = arith.constant 0 : i32
    %dma_start3A_715 = tpu.memref_slice %arg10[%dma_start3A_709, %dma_start3A_714] : memref<4x32xi32, #tpu.memory_space<vmem>> -> memref<1x32xi32, #tpu.memory_space<vmem>>
    %dma_start3A_716 = tpu.memref_squeeze %dma_start3A_715 : memref<1x32xi32, #tpu.memory_space<vmem>> -> memref<32xi32, #tpu.memory_space<vmem>>
    %dma_start3A_717 = arith.constant 0 : i32
    %dma_start3A_718 = arith.constant 0 : i32
    %dma_start3A_719 = tpu.memref_slice %arg21[%dma_start3A_717, %dma_start3A_718] : memref<128x128xf32, #tpu.memory_space<vmem_shared>> -> memref<128x128xf32, #tpu.memory_space<vmem_shared>>
    tpu.enqueue_indirect_dma source(%dma_start3A_713 : memref<32x128xf32, #tpu.memory_space<vmem>>) target(%dma_start3A_719 : memref<128x128xf32, #tpu.memory_space<vmem_shared>>) offsets(%dma_start3A_716 : memref<32xi32, #tpu.memory_space<vmem>>) semaphore(%arg19 : memref<!tpu.dma_semaphore, #tpu.memory_space<semaphore_mem>>) {add = true}
    %dma_start3A_720 = arith.constant 0 : i32
    %dma_start3A_721 = arith.constant 1 : i32
    %dma_start3A_722 = arith.constant 0 : i32
    %dma_start3A_723 = arith.constant 0 : i32
    %dma_start3A_724 = tpu.memref_slice %arg8[%dma_start3A_721, %dma_start3A_722, %dma_start3A_723] : memref<2x2x4096xi32, #tpu.memory_space<vmem>> -> memref<1x1x4096xi32, #tpu.memory_space<vmem>>
    %dma_start3A_725 = tpu.memref_squeeze %dma_start3A_724 : memref<1x1x4096xi32, #tpu.memory_space<vmem>> -> memref<4096xi32, #tpu.memory_space<vmem>>
    %dma_start3A_726 = arith.constant 4096 : i32
    %dma_start3A_727 = tpu.memref_slice %arg20[%dma_start3A_720, %dma_start3A_726] : memref<2x16384xi32, #tpu.memory_space<vmem_shared>> -> memref<1x4096xi32, #tpu.memory_space<vmem_shared>>
    %dma_start3A_728 = tpu.memref_squeeze %dma_start3A_727 : memref<1x4096xi32, #tpu.memory_space<vmem_shared>> -> memref<4096xi32, #tpu.memory_space<vmem_shared>>
    %dma_start3A_729 = arith.constant 0 : i32
    %dma_start3A_730 = tpu.memref_slice %arg8[%dma_start3A_721, %dma_start3A_722, %dma_start3A_729] : memref<2x2x4096xi32, #tpu.memory_space<vmem>> -> memref<1x1x4096xi32, #tpu.memory_space<vmem>>
    %dma_start3A_731 = tpu.memref_squeeze %dma_start3A_730 : memref<1x1x4096xi32, #tpu.memory_space<vmem>> -> memref<4096xi32, #tpu.memory_space<vmem>>
    %dma_start3A_732 = arith.constant 4096 : i32
    %dma_start3A_733 = tpu.memref_slice %arg20[%dma_start3A_720, %dma_start3A_732] : memref<2x16384xi32, #tpu.memory_space<vmem_shared>> -> memref<1x4096xi32, #tpu.memory_space<vmem_shared>>
    %dma_start3A_734 = tpu.memref_squeeze %dma_start3A_733 : memref<1x4096xi32, #tpu.memory_space<vmem_shared>> -> memref<4096xi32, #tpu.memory_space<vmem_shared>>
    tpu.enqueue_dma source(%dma_start3A_734 : memref<4096xi32, #tpu.memory_space<vmem_shared>>) target(%dma_start3A_731 : memref<4096xi32, #tpu.memory_space<vmem>>) target_semaphore(%arg16 : memref<!tpu.dma_semaphore, #tpu.memory_space<semaphore_mem>>)
    %dma_start3A_735 = arith.constant 1 : i32
    %dma_start3A_736 = arith.constant 1 : i32
    %dma_start3A_737 = arith.constant 1 : i32
    %dma_start3A_738 = arith.constant 0 : i32
    %dma_start3A_739 = tpu.memref_slice %arg8[%dma_start3A_736, %dma_start3A_737, %dma_start3A_738] : memref<2x2x4096xi32, #tpu.memory_space<vmem>> -> memref<1x1x4096xi32, #tpu.memory_space<vmem>>
    %dma_start3A_740 = tpu.memref_squeeze %dma_start3A_739 : memref<1x1x4096xi32, #tpu.memory_space<vmem>> -> memref<4096xi32, #tpu.memory_space<vmem>>
    %dma_start3A_741 = arith.constant 4096 : i32
    %dma_start3A_742 = tpu.memref_slice %arg20[%dma_start3A_735, %dma_start3A_741] : memref<2x16384xi32, #tpu.memory_space<vmem_shared>> -> memref<1x4096xi32, #tpu.memory_space<vmem_shared>>
    %dma_start3A_743 = tpu.memref_squeeze %dma_start3A_742 : memref<1x4096xi32, #tpu.memory_space<vmem_shared>> -> memref<4096xi32, #tpu.memory_space<vmem_shared>>
    %dma_start3A_744 = arith.constant 0 : i32
    %dma_start3A_745 = tpu.memref_slice %arg8[%dma_start3A_736, %dma_start3A_737, %dma_start3A_744] : memref<2x2x4096xi32, #tpu.memory_space<vmem>> -> memref<1x1x4096xi32, #tpu.memory_space<vmem>>
    %dma_start3A_746 = tpu.memref_squeeze %dma_start3A_745 : memref<1x1x4096xi32, #tpu.memory_space<vmem>> -> memref<4096xi32, #tpu.memory_space<vmem>>
    %dma_start3A_747 = arith.constant 4096 : i32
    %dma_start3A_748 = tpu.memref_slice %arg20[%dma_start3A_735, %dma_start3A_747] : memref<2x16384xi32, #tpu.memory_space<vmem_shared>> -> memref<1x4096xi32, #tpu.memory_space<vmem_shared>>
    %dma_start3A_749 = tpu.memref_squeeze %dma_start3A_748 : memref<1x4096xi32, #tpu.memory_space<vmem_shared>> -> memref<4096xi32, #tpu.memory_space<vmem_shared>>
    tpu.enqueue_dma source(%dma_start3A_749 : memref<4096xi32, #tpu.memory_space<vmem_shared>>) target(%dma_start3A_746 : memref<4096xi32, #tpu.memory_space<vmem>>) target_semaphore(%arg17 : memref<!tpu.dma_semaphore, #tpu.memory_space<semaphore_mem>>)
    %mul3A_750 = arith.constant 32 : i32
    %mul3A_751 = arith.muli %arg0, %mul3A_750 : i32
    %mul3A_752 = arith.constant 2 : i32
    %mul3A_753 = arith.muli %arg1, %mul3A_752 : i32
    %add3A_754 = arith.addi %mul3A_751, %mul3A_753 : i32
    %add3A_755 = arith.constant 1 : i32
    %add3A_756 = arith.addi %add3A_754, %add3A_755 : i32
    "tpu.region"() ({
      %run_scoped3A = tpu.sem_alloc : memref<!tpu.dma_semaphore, #tpu.memory_space<semaphore_mem>>
      %dma_start3A_1831 = arith.constant 0 : i32
      %dma_start3A_1832 = tpu.memref_slice %arg3[%add3A_756, %dma_start3A_1831] : memref<64x100000xf32, #tpu.memory_space<hbm>> -> memref<1x100000xf32, #tpu.memory_space<hbm>>
      %dma_start3A_1833 = tpu.memref_squeeze %dma_start3A_1832 : memref<1x100000xf32, #tpu.memory_space<hbm>> -> memref<100000xf32, #tpu.memory_space<hbm>>
      %dma_start3A_1834 = arith.constant 0 : i32
      %dma_start3A_1835 = tpu.memref_slice %arg3[%add3A_756, %dma_start3A_1834] : memref<64x100000xf32, #tpu.memory_space<hbm>> -> memref<1x100000xf32, #tpu.memory_space<hbm>>
      %dma_start3A_1836 = tpu.memref_squeeze %dma_start3A_1835 : memref<1x100000xf32, #tpu.memory_space<hbm>> -> memref<100000xf32, #tpu.memory_space<hbm>>
      tpu.enqueue_dma source(%dma_start3A_1836 : memref<100000xf32, #tpu.memory_space<hbm>>) target(%arg7 : memref<100000xf32, #tpu.memory_space<vmem>>) target_semaphore(%run_scoped3A : memref<!tpu.dma_semaphore, #tpu.memory_space<semaphore_mem>>)
      %dma_wait3A_1837 = arith.constant 0 : i32
      %dma_wait3A_1838 = tpu.memref_slice %arg3[%add3A_756, %dma_wait3A_1837] : memref<64x100000xf32, #tpu.memory_space<hbm>> -> memref<1x100000xf32, #tpu.memory_space<hbm>>
      %dma_wait3A_1839 = tpu.memref_squeeze %dma_wait3A_1838 : memref<1x100000xf32, #tpu.memory_space<hbm>> -> memref<100000xf32, #tpu.memory_space<hbm>>
      %dma_wait3A_1840 = arith.constant 0 : i32
      %dma_wait3A_1841 = tpu.memref_slice %arg3[%add3A_756, %dma_wait3A_1840] : memref<64x100000xf32, #tpu.memory_space<hbm>> -> memref<1x100000xf32, #tpu.memory_space<hbm>>
      %dma_wait3A_1842 = tpu.memref_squeeze %dma_wait3A_1841 : memref<1x100000xf32, #tpu.memory_space<hbm>> -> memref<100000xf32, #tpu.memory_space<hbm>>
      tpu.wait_dma2 semaphore(%run_scoped3A : memref<!tpu.dma_semaphore, #tpu.memory_space<semaphore_mem>>) src(%dma_wait3A_1842 : memref<100000xf32, #tpu.memory_space<hbm>>) dst(%arg7 : memref<100000xf32, #tpu.memory_space<vmem>>)
      tpu.yield
    }) : () -> ()
    %dma_wait3A_757 = arith.constant 0 : i32
    %dma_wait3A_758 = arith.constant 0 : i32
    %dma_wait3A_759 = arith.constant 0 : i32
    %dma_wait3A_760 = arith.constant 0 : i32
    %dma_wait3A_761 = tpu.memref_slice %arg8[%dma_wait3A_758, %dma_wait3A_759, %dma_wait3A_760] : memref<2x2x4096xi32, #tpu.memory_space<vmem>> -> memref<1x1x4096xi32, #tpu.memory_space<vmem>>
    %dma_wait3A_762 = tpu.memref_squeeze %dma_wait3A_761 : memref<1x1x4096xi32, #tpu.memory_space<vmem>> -> memref<4096xi32, #tpu.memory_space<vmem>>
    %dma_wait3A_763 = arith.constant 0 : i32
    %dma_wait3A_764 = tpu.memref_slice %arg20[%dma_wait3A_757, %dma_wait3A_763] : memref<2x16384xi32, #tpu.memory_space<vmem_shared>> -> memref<1x4096xi32, #tpu.memory_space<vmem_shared>>
    %dma_wait3A_765 = tpu.memref_squeeze %dma_wait3A_764 : memref<1x4096xi32, #tpu.memory_space<vmem_shared>> -> memref<4096xi32, #tpu.memory_space<vmem_shared>>
    %dma_wait3A_766 = arith.constant 0 : i32
    %dma_wait3A_767 = tpu.memref_slice %arg8[%dma_wait3A_758, %dma_wait3A_759, %dma_wait3A_766] : memref<2x2x4096xi32, #tpu.memory_space<vmem>> -> memref<1x1x4096xi32, #tpu.memory_space<vmem>>
    %dma_wait3A_768 = tpu.memref_squeeze %dma_wait3A_767 : memref<1x1x4096xi32, #tpu.memory_space<vmem>> -> memref<4096xi32, #tpu.memory_space<vmem>>
    %dma_wait3A_769 = arith.constant 0 : i32
    %dma_wait3A_770 = tpu.memref_slice %arg20[%dma_wait3A_757, %dma_wait3A_769] : memref<2x16384xi32, #tpu.memory_space<vmem_shared>> -> memref<1x4096xi32, #tpu.memory_space<vmem_shared>>
    %dma_wait3A_771 = tpu.memref_squeeze %dma_wait3A_770 : memref<1x4096xi32, #tpu.memory_space<vmem_shared>> -> memref<4096xi32, #tpu.memory_space<vmem_shared>>
    tpu.wait_dma2 semaphore(%arg14 : memref<!tpu.dma_semaphore, #tpu.memory_space<semaphore_mem>>) src(%dma_wait3A_771 : memref<4096xi32, #tpu.memory_space<vmem_shared>>) dst(%dma_wait3A_768 : memref<4096xi32, #tpu.memory_space<vmem>>)
    %dma_wait3A_772 = arith.constant 1 : i32
    %dma_wait3A_773 = arith.constant 0 : i32
    %dma_wait3A_774 = arith.constant 1 : i32
    %dma_wait3A_775 = arith.constant 0 : i32
    %dma_wait3A_776 = tpu.memref_slice %arg8[%dma_wait3A_773, %dma_wait3A_774, %dma_wait3A_775] : memref<2x2x4096xi32, #tpu.memory_space<vmem>> -> memref<1x1x4096xi32, #tpu.memory_space<vmem>>
    %dma_wait3A_777 = tpu.memref_squeeze %dma_wait3A_776 : memref<1x1x4096xi32, #tpu.memory_space<vmem>> -> memref<4096xi32, #tpu.memory_space<vmem>>
    %dma_wait3A_778 = arith.constant 0 : i32
    %dma_wait3A_779 = tpu.memref_slice %arg20[%dma_wait3A_772, %dma_wait3A_778] : memref<2x16384xi32, #tpu.memory_space<vmem_shared>> -> memref<1x4096xi32, #tpu.memory_space<vmem_shared>>
    %dma_wait3A_780 = tpu.memref_squeeze %dma_wait3A_779 : memref<1x4096xi32, #tpu.memory_space<vmem_shared>> -> memref<4096xi32, #tpu.memory_space<vmem_shared>>
    %dma_wait3A_781 = arith.constant 0 : i32
    %dma_wait3A_782 = tpu.memref_slice %arg8[%dma_wait3A_773, %dma_wait3A_774, %dma_wait3A_781] : memref<2x2x4096xi32, #tpu.memory_space<vmem>> -> memref<1x1x4096xi32, #tpu.memory_space<vmem>>
    %dma_wait3A_783 = tpu.memref_squeeze %dma_wait3A_782 : memref<1x1x4096xi32, #tpu.memory_space<vmem>> -> memref<4096xi32, #tpu.memory_space<vmem>>
    %dma_wait3A_784 = arith.constant 0 : i32
    %dma_wait3A_785 = tpu.memref_slice %arg20[%dma_wait3A_772, %dma_wait3A_784] : memref<2x16384xi32, #tpu.memory_space<vmem_shared>> -> memref<1x4096xi32, #tpu.memory_space<vmem_shared>>
    %dma_wait3A_786 = tpu.memref_squeeze %dma_wait3A_785 : memref<1x4096xi32, #tpu.memory_space<vmem_shared>> -> memref<4096xi32, #tpu.memory_space<vmem_shared>>
    tpu.wait_dma2 semaphore(%arg15 : memref<!tpu.dma_semaphore, #tpu.memory_space<semaphore_mem>>) src(%dma_wait3A_786 : memref<4096xi32, #tpu.memory_space<vmem_shared>>) dst(%dma_wait3A_783 : memref<4096xi32, #tpu.memory_space<vmem>>)
    %dma_wait3A_787 = arith.constant 0 : i32
    %dma_wait3A_788 = arith.constant 2 : i32
    %dma_wait3A_789 = arith.constant 0 : i32
    %dma_wait3A_790 = arith.constant 0 : i32
    %dma_wait3A_791 = tpu.memref_slice %arg9[%dma_wait3A_787, %dma_wait3A_789, %dma_wait3A_790] : memref<2x32x128xf32, #tpu.memory_space<vmem>> -> memref<1x32x128xf32, #tpu.memory_space<vmem>>
    %dma_wait3A_792 = tpu.memref_squeeze %dma_wait3A_791 : memref<1x32x128xf32, #tpu.memory_space<vmem>> -> memref<32x128xf32, #tpu.memory_space<vmem>>
    %dma_wait3A_793 = arith.constant 0 : i32
    %dma_wait3A_794 = tpu.memref_slice %arg10[%dma_wait3A_788, %dma_wait3A_793] : memref<4x32xi32, #tpu.memory_space<vmem>> -> memref<1x32xi32, #tpu.memory_space<vmem>>
    %dma_wait3A_795 = tpu.memref_squeeze %dma_wait3A_794 : memref<1x32xi32, #tpu.memory_space<vmem>> -> memref<32xi32, #tpu.memory_space<vmem>>
    %dma_wait3A_796 = arith.constant 0 : i32
    %dma_wait3A_797 = arith.constant 0 : i32
    %dma_wait3A_798 = tpu.memref_slice %arg21[%dma_wait3A_796, %dma_wait3A_797] : memref<128x128xf32, #tpu.memory_space<vmem_shared>> -> memref<128x128xf32, #tpu.memory_space<vmem_shared>>
    tpu.wait_indirect_dma semaphore(%arg18 : memref<!tpu.dma_semaphore, #tpu.memory_space<semaphore_mem>>) src(%dma_wait3A_792 : memref<32x128xf32, #tpu.memory_space<vmem>>) dst(%dma_wait3A_798 : memref<128x128xf32, #tpu.memory_space<vmem_shared>>)
    %scan3A_799 = arith.constant 0 : i32
    %scan3A_800 = arith.constant 32 : i32
    %scan3A_801 = arith.addi %scan3A_799, %scan3A_800 : i32
    %scan3A_802 = arith.constant 1 : i32
    scf.for %scan3A_1831 = %scan3A_799 to %scan3A_801 step %scan3A_802  : i32 {
      %mul3A_1832 = arith.constant 1 : i32
      %mul3A_1833 = arith.muli %scan3A_1831, %mul3A_1832 : i32
      %add3A_1834 = arith.constant 0 : i32
      %add3A_1835 = arith.addi %add3A_1834, %mul3A_1833 : i32
      %mul3A_1836 = arith.constant 128 : i32
      %mul3A_1837 = arith.muli %add3A_1835, %mul3A_1836 : i32
      %add3A_1838 = arith.constant 0 : i32
      %add3A_1839 = arith.addi %mul3A_1837, %add3A_1838 : i32
      %get3A_1840 = arith.constant 0 : i32
      %get3A_1841 = arith.constant 0 : i32
      %get3A_1842 = arith.index_cast %get3A_1840 : i32 to index
      %get3A_1843 = arith.index_cast %get3A_1841 : i32 to index
      %get3A_1844 = arith.index_cast %add3A_1839 : i32 to index
      %get3A_1845 = tpu.vector_load %arg8[%get3A_1842, %get3A_1843, %get3A_1844] {strides = array<i32>} : memref<2x2x4096xi32, #tpu.memory_space<vmem>>, vector<16xi32>,
      %get3A_1846 = arith.constant 0 : i32
      %get3A_1847 = arith.constant 1 : i32
      %get3A_1848 = arith.index_cast %get3A_1846 : i32 to index
      %get3A_1849 = arith.index_cast %get3A_1847 : i32 to index
      %get3A_1850 = arith.index_cast %add3A_1839 : i32 to index
      %get3A_1851 = tpu.vector_load %arg8[%get3A_1848, %get3A_1849, %get3A_1850] {strides = array<i32>} : memref<2x2x4096xi32, #tpu.memory_space<vmem>>, vector<16xi32>,
      %gather3A = tpu.vector_load_idx %arg7[%get3A_1845] : memref<100000xf32, #tpu.memory_space<vmem>>[vector<16xi32>], vector<16xf32>,
      %gather3A_1852 = tpu.vector_load_idx %arg7[%get3A_1851] : memref<100000xf32, #tpu.memory_space<vmem>>[vector<16xi32>], vector<16xf32>,
      %mul3A_1853 = arith.mulf %gather3A, %gather3A_1852 : vector<16xf32>
      %swap3A_1854 = arith.constant 0 : i32
      %swap3A_1855 = arith.index_cast %swap3A_1854 : i32 to index
      %swap3A_1856 = arith.index_cast %add3A_1835 : i32 to index
      %swap3A_1857 = arith.constant 0 : index
      %swap3A_1858 = tpu.vector_load %arg9[%swap3A_1855, %swap3A_1856, %swap3A_1857] {strides = array<i32>} : memref<2x32x128xf32, #tpu.memory_space<vmem>>, vector<16xf32>,
      tpu.vector_store %arg9[%swap3A_1855, %swap3A_1856, %swap3A_1857], %mul3A_1853 {strides = array<i32>} : memref<2x32x128xf32, #tpu.memory_space<vmem>>, vector<16xf32>,
      %add3A_1859 = arith.constant 16 : i32
      %add3A_1860 = arith.addi %mul3A_1837, %add3A_1859 : i32
      %get3A_1861 = arith.constant 0 : i32
      %get3A_1862 = arith.constant 0 : i32
      %get3A_1863 = arith.index_cast %get3A_1861 : i32 to index
      %get3A_1864 = arith.index_cast %get3A_1862 : i32 to index
      %get3A_1865 = arith.index_cast %add3A_1860 : i32 to index
      %get3A_1866 = tpu.vector_load %arg8[%get3A_1863, %get3A_1864, %get3A_1865] {strides = array<i32>} : memref<2x2x4096xi32, #tpu.memory_space<vmem>>, vector<16xi32>,
      %get3A_1867 = arith.constant 0 : i32
      %get3A_1868 = arith.constant 1 : i32
      %get3A_1869 = arith.index_cast %get3A_1867 : i32 to index
      %get3A_1870 = arith.index_cast %get3A_1868 : i32 to index
      %get3A_1871 = arith.index_cast %add3A_1860 : i32 to index
      %get3A_1872 = tpu.vector_load %arg8[%get3A_1869, %get3A_1870, %get3A_1871] {strides = array<i32>} : memref<2x2x4096xi32, #tpu.memory_space<vmem>>, vector<16xi32>,
      %gather3A_1873 = tpu.vector_load_idx %arg7[%get3A_1866] : memref<100000xf32, #tpu.memory_space<vmem>>[vector<16xi32>], vector<16xf32>,
      %gather3A_1874 = tpu.vector_load_idx %arg7[%get3A_1872] : memref<100000xf32, #tpu.memory_space<vmem>>[vector<16xi32>], vector<16xf32>,
      %mul3A_1875 = arith.mulf %gather3A_1873, %gather3A_1874 : vector<16xf32>
      %swap3A_1876 = arith.constant 0 : i32
      %swap3A_1877 = arith.index_cast %swap3A_1876 : i32 to index
      %swap3A_1878 = arith.index_cast %add3A_1835 : i32 to index
      %swap3A_1879 = arith.constant 16 : index
      %swap3A_1880 = tpu.vector_load %arg9[%swap3A_1877, %swap3A_1878, %swap3A_1879] {strides = array<i32>} : memref<2x32x128xf32, #tpu.memory_space<vmem>>, vector<16xf32>,
      tpu.vector_store %arg9[%swap3A_1877, %swap3A_1878, %swap3A_1879], %mul3A_1875 {strides = array<i32>} : memref<2x32x128xf32, #tpu.memory_space<vmem>>, vector<16xf32>,
      %add3A_1881 = arith.constant 32 : i32
      %add3A_1882 = arith.addi %mul3A_1837, %add3A_1881 : i32
      %get3A_1883 = arith.constant 0 : i32
      %get3A_1884 = arith.constant 0 : i32
      %get3A_1885 = arith.index_cast %get3A_1883 : i32 to index
      %get3A_1886 = arith.index_cast %get3A_1884 : i32 to index
      %get3A_1887 = arith.index_cast %add3A_1882 : i32 to index
      %get3A_1888 = tpu.vector_load %arg8[%get3A_1885, %get3A_1886, %get3A_1887] {strides = array<i32>} : memref<2x2x4096xi32, #tpu.memory_space<vmem>>, vector<16xi32>,
      %get3A_1889 = arith.constant 0 : i32
      %get3A_1890 = arith.constant 1 : i32
      %get3A_1891 = arith.index_cast %get3A_1889 : i32 to index
      %get3A_1892 = arith.index_cast %get3A_1890 : i32 to index
      %get3A_1893 = arith.index_cast %add3A_1882 : i32 to index
      %get3A_1894 = tpu.vector_load %arg8[%get3A_1891, %get3A_1892, %get3A_1893] {strides = array<i32>} : memref<2x2x4096xi32, #tpu.memory_space<vmem>>, vector<16xi32>,
      %gather3A_1895 = tpu.vector_load_idx %arg7[%get3A_1888] : memref<100000xf32, #tpu.memory_space<vmem>>[vector<16xi32>], vector<16xf32>,
      %gather3A_1896 = tpu.vector_load_idx %arg7[%get3A_1894] : memref<100000xf32, #tpu.memory_space<vmem>>[vector<16xi32>], vector<16xf32>,
      %mul3A_1897 = arith.mulf %gather3A_1895, %gather3A_1896 : vector<16xf32>
      %swap3A_1898 = arith.constant 0 : i32
      %swap3A_1899 = arith.index_cast %swap3A_1898 : i32 to index
      %swap3A_1900 = arith.index_cast %add3A_1835 : i32 to index
      %swap3A_1901 = arith.constant 32 : index
      %swap3A_1902 = tpu.vector_load %arg9[%swap3A_1899, %swap3A_1900, %swap3A_1901] {strides = array<i32>} : memref<2x32x128xf32, #tpu.memory_space<vmem>>, vector<16xf32>,
      tpu.vector_store %arg9[%swap3A_1899, %swap3A_1900, %swap3A_1901], %mul3A_1897 {strides = array<i32>} : memref<2x32x128xf32, #tpu.memory_space<vmem>>, vector<16xf32>,
      %add3A_1903 = arith.constant 48 : i32
      %add3A_1904 = arith.addi %mul3A_1837, %add3A_1903 : i32
      %get3A_1905 = arith.constant 0 : i32
      %get3A_1906 = arith.constant 0 : i32
      %get3A_1907 = arith.index_cast %get3A_1905 : i32 to index
      %get3A_1908 = arith.index_cast %get3A_1906 : i32 to index
      %get3A_1909 = arith.index_cast %add3A_1904 : i32 to index
      %get3A_1910 = tpu.vector_load %arg8[%get3A_1907, %get3A_1908, %get3A_1909] {strides = array<i32>} : memref<2x2x4096xi32, #tpu.memory_space<vmem>>, vector<16xi32>,
      %get3A_1911 = arith.constant 0 : i32
      %get3A_1912 = arith.constant 1 : i32
      %get3A_1913 = arith.index_cast %get3A_1911 : i32 to index
      %get3A_1914 = arith.index_cast %get3A_1912 : i32 to index
      %get3A_1915 = arith.index_cast %add3A_1904 : i32 to index
      %get3A_1916 = tpu.vector_load %arg8[%get3A_1913, %get3A_1914, %get3A_1915] {strides = array<i32>} : memref<2x2x4096xi32, #tpu.memory_space<vmem>>, vector<16xi32>,
      %gather3A_1917 = tpu.vector_load_idx %arg7[%get3A_1910] : memref<100000xf32, #tpu.memory_space<vmem>>[vector<16xi32>], vector<16xf32>,
      %gather3A_1918 = tpu.vector_load_idx %arg7[%get3A_1916] : memref<100000xf32, #tpu.memory_space<vmem>>[vector<16xi32>], vector<16xf32>,
      %mul3A_1919 = arith.mulf %gather3A_1917, %gather3A_1918 : vector<16xf32>
      %swap3A_1920 = arith.constant 0 : i32
      %swap3A_1921 = arith.index_cast %swap3A_1920 : i32 to index
      %swap3A_1922 = arith.index_cast %add3A_1835 : i32 to index
      %swap3A_1923 = arith.constant 48 : index
      %swap3A_1924 = tpu.vector_load %arg9[%swap3A_1921, %swap3A_1922, %swap3A_1923] {strides = array<i32>} : memref<2x32x128xf32, #tpu.memory_space<vmem>>, vector<16xf32>,
      tpu.vector_store %arg9[%swap3A_1921, %swap3A_1922, %swap3A_1923], %mul3A_1919 {strides = array<i32>} : memref<2x32x128xf32, #tpu.memory_space<vmem>>, vector<16xf32>,
      %add3A_1925 = arith.constant 64 : i32
      %add3A_1926 = arith.addi %mul3A_1837, %add3A_1925 : i32
      %get3A_1927 = arith.constant 0 : i32
      %get3A_1928 = arith.constant 0 : i32
      %get3A_1929 = arith.index_cast %get3A_1927 : i32 to index
      %get3A_1930 = arith.index_cast %get3A_1928 : i32 to index
      %get3A_1931 = arith.index_cast %add3A_1926 : i32 to index
      %get3A_1932 = tpu.vector_load %arg8[%get3A_1929, %get3A_1930, %get3A_1931] {strides = array<i32>} : memref<2x2x4096xi32, #tpu.memory_space<vmem>>, vector<16xi32>,
      %get3A_1933 = arith.constant 0 : i32
      %get3A_1934 = arith.constant 1 : i32
      %get3A_1935 = arith.index_cast %get3A_1933 : i32 to index
      %get3A_1936 = arith.index_cast %get3A_1934 : i32 to index
      %get3A_1937 = arith.index_cast %add3A_1926 : i32 to index
      %get3A_1938 = tpu.vector_load %arg8[%get3A_1935, %get3A_1936, %get3A_1937] {strides = array<i32>} : memref<2x2x4096xi32, #tpu.memory_space<vmem>>, vector<16xi32>,
      %gather3A_1939 = tpu.vector_load_idx %arg7[%get3A_1932] : memref<100000xf32, #tpu.memory_space<vmem>>[vector<16xi32>], vector<16xf32>,
      %gather3A_1940 = tpu.vector_load_idx %arg7[%get3A_1938] : memref<100000xf32, #tpu.memory_space<vmem>>[vector<16xi32>], vector<16xf32>,
      %mul3A_1941 = arith.mulf %gather3A_1939, %gather3A_1940 : vector<16xf32>
      %swap3A_1942 = arith.constant 0 : i32
      %swap3A_1943 = arith.index_cast %swap3A_1942 : i32 to index
      %swap3A_1944 = arith.index_cast %add3A_1835 : i32 to index
      %swap3A_1945 = arith.constant 64 : index
      %swap3A_1946 = tpu.vector_load %arg9[%swap3A_1943, %swap3A_1944, %swap3A_1945] {strides = array<i32>} : memref<2x32x128xf32, #tpu.memory_space<vmem>>, vector<16xf32>,
      tpu.vector_store %arg9[%swap3A_1943, %swap3A_1944, %swap3A_1945], %mul3A_1941 {strides = array<i32>} : memref<2x32x128xf32, #tpu.memory_space<vmem>>, vector<16xf32>,
      %add3A_1947 = arith.constant 80 : i32
      %add3A_1948 = arith.addi %mul3A_1837, %add3A_1947 : i32
      %get3A_1949 = arith.constant 0 : i32
      %get3A_1950 = arith.constant 0 : i32
      %get3A_1951 = arith.index_cast %get3A_1949 : i32 to index
      %get3A_1952 = arith.index_cast %get3A_1950 : i32 to index
      %get3A_1953 = arith.index_cast %add3A_1948 : i32 to index
      %get3A_1954 = tpu.vector_load %arg8[%get3A_1951, %get3A_1952, %get3A_1953] {strides = array<i32>} : memref<2x2x4096xi32, #tpu.memory_space<vmem>>, vector<16xi32>,
      %get3A_1955 = arith.constant 0 : i32
      %get3A_1956 = arith.constant 1 : i32
      %get3A_1957 = arith.index_cast %get3A_1955 : i32 to index
      %get3A_1958 = arith.index_cast %get3A_1956 : i32 to index
      %get3A_1959 = arith.index_cast %add3A_1948 : i32 to index
      %get3A_1960 = tpu.vector_load %arg8[%get3A_1957, %get3A_1958, %get3A_1959] {strides = array<i32>} : memref<2x2x4096xi32, #tpu.memory_space<vmem>>, vector<16xi32>,
      %gather3A_1961 = tpu.vector_load_idx %arg7[%get3A_1954] : memref<100000xf32, #tpu.memory_space<vmem>>[vector<16xi32>], vector<16xf32>,
      %gather3A_1962 = tpu.vector_load_idx %arg7[%get3A_1960] : memref<100000xf32, #tpu.memory_space<vmem>>[vector<16xi32>], vector<16xf32>,
      %mul3A_1963 = arith.mulf %gather3A_1961, %gather3A_1962 : vector<16xf32>
      %swap3A_1964 = arith.constant 0 : i32
      %swap3A_1965 = arith.index_cast %swap3A_1964 : i32 to index
      %swap3A_1966 = arith.index_cast %add3A_1835 : i32 to index
      %swap3A_1967 = arith.constant 80 : index
      %swap3A_1968 = tpu.vector_load %arg9[%swap3A_1965, %swap3A_1966, %swap3A_1967] {strides = array<i32>} : memref<2x32x128xf32, #tpu.memory_space<vmem>>, vector<16xf32>,
      tpu.vector_store %arg9[%swap3A_1965, %swap3A_1966, %swap3A_1967], %mul3A_1963 {strides = array<i32>} : memref<2x32x128xf32, #tpu.memory_space<vmem>>, vector<16xf32>,
      %add3A_1969 = arith.constant 96 : i32
      %add3A_1970 = arith.addi %mul3A_1837, %add3A_1969 : i32
      %get3A_1971 = arith.constant 0 : i32
      %get3A_1972 = arith.constant 0 : i32
      %get3A_1973 = arith.index_cast %get3A_1971 : i32 to index
      %get3A_1974 = arith.index_cast %get3A_1972 : i32 to index
      %get3A_1975 = arith.index_cast %add3A_1970 : i32 to index
      %get3A_1976 = tpu.vector_load %arg8[%get3A_1973, %get3A_1974, %get3A_1975] {strides = array<i32>} : memref<2x2x4096xi32, #tpu.memory_space<vmem>>, vector<16xi32>,
      %get3A_1977 = arith.constant 0 : i32
      %get3A_1978 = arith.constant 1 : i32
      %get3A_1979 = arith.index_cast %get3A_1977 : i32 to index
      %get3A_1980 = arith.index_cast %get3A_1978 : i32 to index
      %get3A_1981 = arith.index_cast %add3A_1970 : i32 to index
      %get3A_1982 = tpu.vector_load %arg8[%get3A_1979, %get3A_1980, %get3A_1981] {strides = array<i32>} : memref<2x2x4096xi32, #tpu.memory_space<vmem>>, vector<16xi32>,
      %gather3A_1983 = tpu.vector_load_idx %arg7[%get3A_1976] : memref<100000xf32, #tpu.memory_space<vmem>>[vector<16xi32>], vector<16xf32>,
      %gather3A_1984 = tpu.vector_load_idx %arg7[%get3A_1982] : memref<100000xf32, #tpu.memory_space<vmem>>[vector<16xi32>], vector<16xf32>,
      %mul3A_1985 = arith.mulf %gather3A_1983, %gather3A_1984 : vector<16xf32>
      %swap3A_1986 = arith.constant 0 : i32
      %swap3A_1987 = arith.index_cast %swap3A_1986 : i32 to index
      %swap3A_1988 = arith.index_cast %add3A_1835 : i32 to index
      %swap3A_1989 = arith.constant 96 : index
      %swap3A_1990 = tpu.vector_load %arg9[%swap3A_1987, %swap3A_1988, %swap3A_1989] {strides = array<i32>} : memref<2x32x128xf32, #tpu.memory_space<vmem>>, vector<16xf32>,
      tpu.vector_store %arg9[%swap3A_1987, %swap3A_1988, %swap3A_1989], %mul3A_1985 {strides = array<i32>} : memref<2x32x128xf32, #tpu.memory_space<vmem>>, vector<16xf32>,
      %add3A_1991 = arith.constant 112 : i32
      %add3A_1992 = arith.addi %mul3A_1837, %add3A_1991 : i32
      %get3A_1993 = arith.constant 0 : i32
      %get3A_1994 = arith.constant 0 : i32
      %get3A_1995 = arith.index_cast %get3A_1993 : i32 to index
      %get3A_1996 = arith.index_cast %get3A_1994 : i32 to index
      %get3A_1997 = arith.index_cast %add3A_1992 : i32 to index
      %get3A_1998 = tpu.vector_load %arg8[%get3A_1995, %get3A_1996, %get3A_1997] {strides = array<i32>} : memref<2x2x4096xi32, #tpu.memory_space<vmem>>, vector<16xi32>,
      %get3A_1999 = arith.constant 0 : i32
      %get3A_2000 = arith.constant 1 : i32
      %get3A_2001 = arith.index_cast %get3A_1999 : i32 to index
      %get3A_2002 = arith.index_cast %get3A_2000 : i32 to index
      %get3A_2003 = arith.index_cast %add3A_1992 : i32 to index
      %get3A_2004 = tpu.vector_load %arg8[%get3A_2001, %get3A_2002, %get3A_2003] {strides = array<i32>} : memref<2x2x4096xi32, #tpu.memory_space<vmem>>, vector<16xi32>,
      %gather3A_2005 = tpu.vector_load_idx %arg7[%get3A_1998] : memref<100000xf32, #tpu.memory_space<vmem>>[vector<16xi32>], vector<16xf32>,
      %gather3A_2006 = tpu.vector_load_idx %arg7[%get3A_2004] : memref<100000xf32, #tpu.memory_space<vmem>>[vector<16xi32>], vector<16xf32>,
      %mul3A_2007 = arith.mulf %gather3A_2005, %gather3A_2006 : vector<16xf32>
      %swap3A_2008 = arith.constant 0 : i32
      %swap3A_2009 = arith.index_cast %swap3A_2008 : i32 to index
      %swap3A_2010 = arith.index_cast %add3A_1835 : i32 to index
      %swap3A_2011 = arith.constant 112 : index
      %swap3A_2012 = tpu.vector_load %arg9[%swap3A_2009, %swap3A_2010, %swap3A_2011] {strides = array<i32>} : memref<2x32x128xf32, #tpu.memory_space<vmem>>, vector<16xf32>,
      tpu.vector_store %arg9[%swap3A_2009, %swap3A_2010, %swap3A_2011], %mul3A_2007 {strides = array<i32>} : memref<2x32x128xf32, #tpu.memory_space<vmem>>, vector<16xf32>,
    }
    %scan3A_803 = arith.constant 32 : i32
    %dma_start3A_804 = arith.constant 0 : i32
    %dma_start3A_805 = arith.constant 0 : i32
    %dma_start3A_806 = arith.constant 0 : i32
    %dma_start3A_807 = arith.constant 0 : i32
    %dma_start3A_808 = tpu.memref_slice %arg9[%dma_start3A_804, %dma_start3A_806, %dma_start3A_807] : memref<2x32x128xf32, #tpu.memory_space<vmem>> -> memref<1x32x128xf32, #tpu.memory_space<vmem>>
    %dma_start3A_809 = tpu.memref_squeeze %dma_start3A_808 : memref<1x32x128xf32, #tpu.memory_space<vmem>> -> memref<32x128xf32, #tpu.memory_space<vmem>>
    %dma_start3A_810 = arith.constant 0 : i32
    %dma_start3A_811 = tpu.memref_slice %arg10[%dma_start3A_805, %dma_start3A_810] : memref<4x32xi32, #tpu.memory_space<vmem>> -> memref<1x32xi32, #tpu.memory_space<vmem>>
    %dma_start3A_812 = tpu.memref_squeeze %dma_start3A_811 : memref<1x32xi32, #tpu.memory_space<vmem>> -> memref<32xi32, #tpu.memory_space<vmem>>
    %dma_start3A_813 = arith.constant 0 : i32
    %dma_start3A_814 = arith.constant 0 : i32
    %dma_start3A_815 = tpu.memref_slice %arg21[%dma_start3A_813, %dma_start3A_814] : memref<128x128xf32, #tpu.memory_space<vmem_shared>> -> memref<128x128xf32, #tpu.memory_space<vmem_shared>>
    tpu.enqueue_indirect_dma source(%dma_start3A_809 : memref<32x128xf32, #tpu.memory_space<vmem>>) target(%dma_start3A_815 : memref<128x128xf32, #tpu.memory_space<vmem_shared>>) offsets(%dma_start3A_812 : memref<32xi32, #tpu.memory_space<vmem>>) semaphore(%arg18 : memref<!tpu.dma_semaphore, #tpu.memory_space<semaphore_mem>>) {add = true}
    %dma_start3A_816 = arith.constant 0 : i32
    %dma_start3A_817 = arith.constant 0 : i32
    %dma_start3A_818 = arith.constant 0 : i32
    %dma_start3A_819 = arith.constant 0 : i32
    %dma_start3A_820 = tpu.memref_slice %arg8[%dma_start3A_817, %dma_start3A_818, %dma_start3A_819] : memref<2x2x4096xi32, #tpu.memory_space<vmem>> -> memref<1x1x4096xi32, #tpu.memory_space<vmem>>
    %dma_start3A_821 = tpu.memref_squeeze %dma_start3A_820 : memref<1x1x4096xi32, #tpu.memory_space<vmem>> -> memref<4096xi32, #tpu.memory_space<vmem>>
    %dma_start3A_822 = arith.constant 8192 : i32
    %dma_start3A_823 = tpu.memref_slice %arg20[%dma_start3A_816, %dma_start3A_822] : memref<2x16384xi32, #tpu.memory_space<vmem_shared>> -> memref<1x4096xi32, #tpu.memory_space<vmem_shared>>
    %dma_start3A_824 = tpu.memref_squeeze %dma_start3A_823 : memref<1x4096xi32, #tpu.memory_space<vmem_shared>> -> memref<4096xi32, #tpu.memory_space<vmem_shared>>
    %dma_start3A_825 = arith.constant 0 : i32
    %dma_start3A_826 = tpu.memref_slice %arg8[%dma_start3A_817, %dma_start3A_818, %dma_start3A_825] : memref<2x2x4096xi32, #tpu.memory_space<vmem>> -> memref<1x1x4096xi32, #tpu.memory_space<vmem>>
    %dma_start3A_827 = tpu.memref_squeeze %dma_start3A_826 : memref<1x1x4096xi32, #tpu.memory_space<vmem>> -> memref<4096xi32, #tpu.memory_space<vmem>>
    %dma_start3A_828 = arith.constant 8192 : i32
    %dma_start3A_829 = tpu.memref_slice %arg20[%dma_start3A_816, %dma_start3A_828] : memref<2x16384xi32, #tpu.memory_space<vmem_shared>> -> memref<1x4096xi32, #tpu.memory_space<vmem_shared>>
    %dma_start3A_830 = tpu.memref_squeeze %dma_start3A_829 : memref<1x4096xi32, #tpu.memory_space<vmem_shared>> -> memref<4096xi32, #tpu.memory_space<vmem_shared>>
    tpu.enqueue_dma source(%dma_start3A_830 : memref<4096xi32, #tpu.memory_space<vmem_shared>>) target(%dma_start3A_827 : memref<4096xi32, #tpu.memory_space<vmem>>) target_semaphore(%arg14 : memref<!tpu.dma_semaphore, #tpu.memory_space<semaphore_mem>>)
    %dma_start3A_831 = arith.constant 1 : i32
    %dma_start3A_832 = arith.constant 0 : i32
    %dma_start3A_833 = arith.constant 1 : i32
    %dma_start3A_834 = arith.constant 0 : i32
    %dma_start3A_835 = tpu.memref_slice %arg8[%dma_start3A_832, %dma_start3A_833, %dma_start3A_834] : memref<2x2x4096xi32, #tpu.memory_space<vmem>> -> memref<1x1x4096xi32, #tpu.memory_space<vmem>>
    %dma_start3A_836 = tpu.memref_squeeze %dma_start3A_835 : memref<1x1x4096xi32, #tpu.memory_space<vmem>> -> memref<4096xi32, #tpu.memory_space<vmem>>
    %dma_start3A_837 = arith.constant 8192 : i32
    %dma_start3A_838 = tpu.memref_slice %arg20[%dma_start3A_831, %dma_start3A_837] : memref<2x16384xi32, #tpu.memory_space<vmem_shared>> -> memref<1x4096xi32, #tpu.memory_space<vmem_shared>>
    %dma_start3A_839 = tpu.memref_squeeze %dma_start3A_838 : memref<1x4096xi32, #tpu.memory_space<vmem_shared>> -> memref<4096xi32, #tpu.memory_space<vmem_shared>>
    %dma_start3A_840 = arith.constant 0 : i32
    %dma_start3A_841 = tpu.memref_slice %arg8[%dma_start3A_832, %dma_start3A_833, %dma_start3A_840] : memref<2x2x4096xi32, #tpu.memory_space<vmem>> -> memref<1x1x4096xi32, #tpu.memory_space<vmem>>
    %dma_start3A_842 = tpu.memref_squeeze %dma_start3A_841 : memref<1x1x4096xi32, #tpu.memory_space<vmem>> -> memref<4096xi32, #tpu.memory_space<vmem>>
    %dma_start3A_843 = arith.constant 8192 : i32
    %dma_start3A_844 = tpu.memref_slice %arg20[%dma_start3A_831, %dma_start3A_843] : memref<2x16384xi32, #tpu.memory_space<vmem_shared>> -> memref<1x4096xi32, #tpu.memory_space<vmem_shared>>
    %dma_start3A_845 = tpu.memref_squeeze %dma_start3A_844 : memref<1x4096xi32, #tpu.memory_space<vmem_shared>> -> memref<4096xi32, #tpu.memory_space<vmem_shared>>
    tpu.enqueue_dma source(%dma_start3A_845 : memref<4096xi32, #tpu.memory_space<vmem_shared>>) target(%dma_start3A_842 : memref<4096xi32, #tpu.memory_space<vmem>>) target_semaphore(%arg15 : memref<!tpu.dma_semaphore, #tpu.memory_space<semaphore_mem>>)
    %dma_wait3A_846 = arith.constant 0 : i32
    %dma_wait3A_847 = arith.constant 1 : i32
    %dma_wait3A_848 = arith.constant 0 : i32
    %dma_wait3A_849 = arith.constant 0 : i32
    %dma_wait3A_850 = tpu.memref_slice %arg8[%dma_wait3A_847, %dma_wait3A_848, %dma_wait3A_849] : memref<2x2x4096xi32, #tpu.memory_space<vmem>> -> memref<1x1x4096xi32, #tpu.memory_space<vmem>>
    %dma_wait3A_851 = tpu.memref_squeeze %dma_wait3A_850 : memref<1x1x4096xi32, #tpu.memory_space<vmem>> -> memref<4096xi32, #tpu.memory_space<vmem>>
    %dma_wait3A_852 = arith.constant 4096 : i32
    %dma_wait3A_853 = tpu.memref_slice %arg20[%dma_wait3A_846, %dma_wait3A_852] : memref<2x16384xi32, #tpu.memory_space<vmem_shared>> -> memref<1x4096xi32, #tpu.memory_space<vmem_shared>>
    %dma_wait3A_854 = tpu.memref_squeeze %dma_wait3A_853 : memref<1x4096xi32, #tpu.memory_space<vmem_shared>> -> memref<4096xi32, #tpu.memory_space<vmem_shared>>
    %dma_wait3A_855 = arith.constant 0 : i32
    %dma_wait3A_856 = tpu.memref_slice %arg8[%dma_wait3A_847, %dma_wait3A_848, %dma_wait3A_855] : memref<2x2x4096xi32, #tpu.memory_space<vmem>> -> memref<1x1x4096xi32, #tpu.memory_space<vmem>>
    %dma_wait3A_857 = tpu.memref_squeeze %dma_wait3A_856 : memref<1x1x4096xi32, #tpu.memory_space<vmem>> -> memref<4096xi32, #tpu.memory_space<vmem>>
    %dma_wait3A_858 = arith.constant 4096 : i32
    %dma_wait3A_859 = tpu.memref_slice %arg20[%dma_wait3A_846, %dma_wait3A_858] : memref<2x16384xi32, #tpu.memory_space<vmem_shared>> -> memref<1x4096xi32, #tpu.memory_space<vmem_shared>>
    %dma_wait3A_860 = tpu.memref_squeeze %dma_wait3A_859 : memref<1x4096xi32, #tpu.memory_space<vmem_shared>> -> memref<4096xi32, #tpu.memory_space<vmem_shared>>
    tpu.wait_dma2 semaphore(%arg16 : memref<!tpu.dma_semaphore, #tpu.memory_space<semaphore_mem>>) src(%dma_wait3A_860 : memref<4096xi32, #tpu.memory_space<vmem_shared>>) dst(%dma_wait3A_857 : memref<4096xi32, #tpu.memory_space<vmem>>)
    %dma_wait3A_861 = arith.constant 1 : i32
    %dma_wait3A_862 = arith.constant 1 : i32
    %dma_wait3A_863 = arith.constant 1 : i32
    %dma_wait3A_864 = arith.constant 0 : i32
    %dma_wait3A_865 = tpu.memref_slice %arg8[%dma_wait3A_862, %dma_wait3A_863, %dma_wait3A_864] : memref<2x2x4096xi32, #tpu.memory_space<vmem>> -> memref<1x1x4096xi32, #tpu.memory_space<vmem>>
    %dma_wait3A_866 = tpu.memref_squeeze %dma_wait3A_865 : memref<1x1x4096xi32, #tpu.memory_space<vmem>> -> memref<4096xi32, #tpu.memory_space<vmem>>
    %dma_wait3A_867 = arith.constant 4096 : i32
    %dma_wait3A_868 = tpu.memref_slice %arg20[%dma_wait3A_861, %dma_wait3A_867] : memref<2x16384xi32, #tpu.memory_space<vmem_shared>> -> memref<1x4096xi32, #tpu.memory_space<vmem_shared>>
    %dma_wait3A_869 = tpu.memref_squeeze %dma_wait3A_868 : memref<1x4096xi32, #tpu.memory_space<vmem_shared>> -> memref<4096xi32, #tpu.memory_space<vmem_shared>>
    %dma_wait3A_870 = arith.constant 0 : i32
    %dma_wait3A_871 = tpu.memref_slice %arg8[%dma_wait3A_862, %dma_wait3A_863, %dma_wait3A_870] : memref<2x2x4096xi32, #tpu.memory_space<vmem>> -> memref<1x1x4096xi32, #tpu.memory_space<vmem>>
    %dma_wait3A_872 = tpu.memref_squeeze %dma_wait3A_871 : memref<1x1x4096xi32, #tpu.memory_space<vmem>> -> memref<4096xi32, #tpu.memory_space<vmem>>
    %dma_wait3A_873 = arith.constant 4096 : i32
    %dma_wait3A_874 = tpu.memref_slice %arg20[%dma_wait3A_861, %dma_wait3A_873] : memref<2x16384xi32, #tpu.memory_space<vmem_shared>> -> memref<1x4096xi32, #tpu.memory_space<vmem_shared>>
    %dma_wait3A_875 = tpu.memref_squeeze %dma_wait3A_874 : memref<1x4096xi32, #tpu.memory_space<vmem_shared>> -> memref<4096xi32, #tpu.memory_space<vmem_shared>>
    tpu.wait_dma2 semaphore(%arg17 : memref<!tpu.dma_semaphore, #tpu.memory_space<semaphore_mem>>) src(%dma_wait3A_875 : memref<4096xi32, #tpu.memory_space<vmem_shared>>) dst(%dma_wait3A_872 : memref<4096xi32, #tpu.memory_space<vmem>>)
    %dma_wait3A_876 = arith.constant 1 : i32
    %dma_wait3A_877 = arith.constant 3 : i32
    %dma_wait3A_878 = arith.constant 0 : i32
    %dma_wait3A_879 = arith.constant 0 : i32
    %dma_wait3A_880 = tpu.memref_slice %arg9[%dma_wait3A_876, %dma_wait3A_878, %dma_wait3A_879] : memref<2x32x128xf32, #tpu.memory_space<vmem>> -> memref<1x32x128xf32, #tpu.memory_space<vmem>>
    %dma_wait3A_881 = tpu.memref_squeeze %dma_wait3A_880 : memref<1x32x128xf32, #tpu.memory_space<vmem>> -> memref<32x128xf32, #tpu.memory_space<vmem>>
    %dma_wait3A_882 = arith.constant 0 : i32
    %dma_wait3A_883 = tpu.memref_slice %arg10[%dma_wait3A_877, %dma_wait3A_882] : memref<4x32xi32, #tpu.memory_space<vmem>> -> memref<1x32xi32, #tpu.memory_space<vmem>>
    %dma_wait3A_884 = tpu.memref_squeeze %dma_wait3A_883 : memref<1x32xi32, #tpu.memory_space<vmem>> -> memref<32xi32, #tpu.memory_space<vmem>>
    %dma_wait3A_885 = arith.constant 0 : i32
    %dma_wait3A_886 = arith.constant 0 : i32
    %dma_wait3A_887 = tpu.memref_slice %arg21[%dma_wait3A_885, %dma_wait3A_886] : memref<128x128xf32, #tpu.memory_space<vmem_shared>> -> memref<128x128xf32, #tpu.memory_space<vmem_shared>>
    tpu.wait_indirect_dma semaphore(%arg19 : memref<!tpu.dma_semaphore, #tpu.memory_space<semaphore_mem>>) src(%dma_wait3A_881 : memref<32x128xf32, #tpu.memory_space<vmem>>) dst(%dma_wait3A_887 : memref<128x128xf32, #tpu.memory_space<vmem_shared>>)
    %scan3A_888 = arith.constant 0 : i32
    %scan3A_889 = arith.constant 32 : i32
    %scan3A_890 = arith.addi %scan3A_888, %scan3A_889 : i32
    %scan3A_891 = arith.constant 1 : i32
    scf.for %scan3A_1831 = %scan3A_888 to %scan3A_890 step %scan3A_891  : i32 {
      %mul3A_1832 = arith.constant 1 : i32
      %mul3A_1833 = arith.muli %scan3A_1831, %mul3A_1832 : i32
      %add3A_1834 = arith.constant 0 : i32
      %add3A_1835 = arith.addi %add3A_1834, %mul3A_1833 : i32
      %mul3A_1836 = arith.constant 128 : i32
      %mul3A_1837 = arith.muli %add3A_1835, %mul3A_1836 : i32
      %add3A_1838 = arith.constant 0 : i32
      %add3A_1839 = arith.addi %mul3A_1837, %add3A_1838 : i32
      %get3A_1840 = arith.constant 1 : i32
      %get3A_1841 = arith.constant 0 : i32
      %get3A_1842 = arith.index_cast %get3A_1840 : i32 to index
      %get3A_1843 = arith.index_cast %get3A_1841 : i32 to index
      %get3A_1844 = arith.index_cast %add3A_1839 : i32 to index
      %get3A_1845 = tpu.vector_load %arg8[%get3A_1842, %get3A_1843, %get3A_1844] {strides = array<i32>} : memref<2x2x4096xi32, #tpu.memory_space<vmem>>, vector<16xi32>,
      %get3A_1846 = arith.constant 1 : i32
      %get3A_1847 = arith.constant 1 : i32
      %get3A_1848 = arith.index_cast %get3A_1846 : i32 to index
      %get3A_1849 = arith.index_cast %get3A_1847 : i32 to index
      %get3A_1850 = arith.index_cast %add3A_1839 : i32 to index
      %get3A_1851 = tpu.vector_load %arg8[%get3A_1848, %get3A_1849, %get3A_1850] {strides = array<i32>} : memref<2x2x4096xi32, #tpu.memory_space<vmem>>, vector<16xi32>,
      %gather3A = tpu.vector_load_idx %arg7[%get3A_1845] : memref<100000xf32, #tpu.memory_space<vmem>>[vector<16xi32>], vector<16xf32>,
      %gather3A_1852 = tpu.vector_load_idx %arg7[%get3A_1851] : memref<100000xf32, #tpu.memory_space<vmem>>[vector<16xi32>], vector<16xf32>,
      %mul3A_1853 = arith.mulf %gather3A, %gather3A_1852 : vector<16xf32>
      %swap3A_1854 = arith.constant 1 : i32
      %swap3A_1855 = arith.index_cast %swap3A_1854 : i32 to index
      %swap3A_1856 = arith.index_cast %add3A_1835 : i32 to index
      %swap3A_1857 = arith.constant 0 : index
      %swap3A_1858 = tpu.vector_load %arg9[%swap3A_1855, %swap3A_1856, %swap3A_1857] {strides = array<i32>} : memref<2x32x128xf32, #tpu.memory_space<vmem>>, vector<16xf32>,
      tpu.vector_store %arg9[%swap3A_1855, %swap3A_1856, %swap3A_1857], %mul3A_1853 {strides = array<i32>} : memref<2x32x128xf32, #tpu.memory_space<vmem>>, vector<16xf32>,
      %add3A_1859 = arith.constant 16 : i32
      %add3A_1860 = arith.addi %mul3A_1837, %add3A_1859 : i32
      %get3A_1861 = arith.constant 1 : i32
      %get3A_1862 = arith.constant 0 : i32
      %get3A_1863 = arith.index_cast %get3A_1861 : i32 to index
      %get3A_1864 = arith.index_cast %get3A_1862 : i32 to index
      %get3A_1865 = arith.index_cast %add3A_1860 : i32 to index
      %get3A_1866 = tpu.vector_load %arg8[%get3A_1863, %get3A_1864, %get3A_1865] {strides = array<i32>} : memref<2x2x4096xi32, #tpu.memory_space<vmem>>, vector<16xi32>,
      %get3A_1867 = arith.constant 1 : i32
      %get3A_1868 = arith.constant 1 : i32
      %get3A_1869 = arith.index_cast %get3A_1867 : i32 to index
      %get3A_1870 = arith.index_cast %get3A_1868 : i32 to index
      %get3A_1871 = arith.index_cast %add3A_1860 : i32 to index
      %get3A_1872 = tpu.vector_load %arg8[%get3A_1869, %get3A_1870, %get3A_1871] {strides = array<i32>} : memref<2x2x4096xi32, #tpu.memory_space<vmem>>, vector<16xi32>,
      %gather3A_1873 = tpu.vector_load_idx %arg7[%get3A_1866] : memref<100000xf32, #tpu.memory_space<vmem>>[vector<16xi32>], vector<16xf32>,
      %gather3A_1874 = tpu.vector_load_idx %arg7[%get3A_1872] : memref<100000xf32, #tpu.memory_space<vmem>>[vector<16xi32>], vector<16xf32>,
      %mul3A_1875 = arith.mulf %gather3A_1873, %gather3A_1874 : vector<16xf32>
      %swap3A_1876 = arith.constant 1 : i32
      %swap3A_1877 = arith.index_cast %swap3A_1876 : i32 to index
      %swap3A_1878 = arith.index_cast %add3A_1835 : i32 to index
      %swap3A_1879 = arith.constant 16 : index
      %swap3A_1880 = tpu.vector_load %arg9[%swap3A_1877, %swap3A_1878, %swap3A_1879] {strides = array<i32>} : memref<2x32x128xf32, #tpu.memory_space<vmem>>, vector<16xf32>,
      tpu.vector_store %arg9[%swap3A_1877, %swap3A_1878, %swap3A_1879], %mul3A_1875 {strides = array<i32>} : memref<2x32x128xf32, #tpu.memory_space<vmem>>, vector<16xf32>,
      %add3A_1881 = arith.constant 32 : i32
      %add3A_1882 = arith.addi %mul3A_1837, %add3A_1881 : i32
      %get3A_1883 = arith.constant 1 : i32
      %get3A_1884 = arith.constant 0 : i32
      %get3A_1885 = arith.index_cast %get3A_1883 : i32 to index
      %get3A_1886 = arith.index_cast %get3A_1884 : i32 to index
      %get3A_1887 = arith.index_cast %add3A_1882 : i32 to index
      %get3A_1888 = tpu.vector_load %arg8[%get3A_1885, %get3A_1886, %get3A_1887] {strides = array<i32>} : memref<2x2x4096xi32, #tpu.memory_space<vmem>>, vector<16xi32>,
      %get3A_1889 = arith.constant 1 : i32
      %get3A_1890 = arith.constant 1 : i32
      %get3A_1891 = arith.index_cast %get3A_1889 : i32 to index
      %get3A_1892 = arith.index_cast %get3A_1890 : i32 to index
      %get3A_1893 = arith.index_cast %add3A_1882 : i32 to index
      %get3A_1894 = tpu.vector_load %arg8[%get3A_1891, %get3A_1892, %get3A_1893] {strides = array<i32>} : memref<2x2x4096xi32, #tpu.memory_space<vmem>>, vector<16xi32>,
      %gather3A_1895 = tpu.vector_load_idx %arg7[%get3A_1888] : memref<100000xf32, #tpu.memory_space<vmem>>[vector<16xi32>], vector<16xf32>,
      %gather3A_1896 = tpu.vector_load_idx %arg7[%get3A_1894] : memref<100000xf32, #tpu.memory_space<vmem>>[vector<16xi32>], vector<16xf32>,
      %mul3A_1897 = arith.mulf %gather3A_1895, %gather3A_1896 : vector<16xf32>
      %swap3A_1898 = arith.constant 1 : i32
      %swap3A_1899 = arith.index_cast %swap3A_1898 : i32 to index
      %swap3A_1900 = arith.index_cast %add3A_1835 : i32 to index
      %swap3A_1901 = arith.constant 32 : index
      %swap3A_1902 = tpu.vector_load %arg9[%swap3A_1899, %swap3A_1900, %swap3A_1901] {strides = array<i32>} : memref<2x32x128xf32, #tpu.memory_space<vmem>>, vector<16xf32>,
      tpu.vector_store %arg9[%swap3A_1899, %swap3A_1900, %swap3A_1901], %mul3A_1897 {strides = array<i32>} : memref<2x32x128xf32, #tpu.memory_space<vmem>>, vector<16xf32>,
      %add3A_1903 = arith.constant 48 : i32
      %add3A_1904 = arith.addi %mul3A_1837, %add3A_1903 : i32
      %get3A_1905 = arith.constant 1 : i32
      %get3A_1906 = arith.constant 0 : i32
      %get3A_1907 = arith.index_cast %get3A_1905 : i32 to index
      %get3A_1908 = arith.index_cast %get3A_1906 : i32 to index
      %get3A_1909 = arith.index_cast %add3A_1904 : i32 to index
      %get3A_1910 = tpu.vector_load %arg8[%get3A_1907, %get3A_1908, %get3A_1909] {strides = array<i32>} : memref<2x2x4096xi32, #tpu.memory_space<vmem>>, vector<16xi32>,
      %get3A_1911 = arith.constant 1 : i32
      %get3A_1912 = arith.constant 1 : i32
      %get3A_1913 = arith.index_cast %get3A_1911 : i32 to index
      %get3A_1914 = arith.index_cast %get3A_1912 : i32 to index
      %get3A_1915 = arith.index_cast %add3A_1904 : i32 to index
      %get3A_1916 = tpu.vector_load %arg8[%get3A_1913, %get3A_1914, %get3A_1915] {strides = array<i32>} : memref<2x2x4096xi32, #tpu.memory_space<vmem>>, vector<16xi32>,
      %gather3A_1917 = tpu.vector_load_idx %arg7[%get3A_1910] : memref<100000xf32, #tpu.memory_space<vmem>>[vector<16xi32>], vector<16xf32>,
      %gather3A_1918 = tpu.vector_load_idx %arg7[%get3A_1916] : memref<100000xf32, #tpu.memory_space<vmem>>[vector<16xi32>], vector<16xf32>,
      %mul3A_1919 = arith.mulf %gather3A_1917, %gather3A_1918 : vector<16xf32>
      %swap3A_1920 = arith.constant 1 : i32
      %swap3A_1921 = arith.index_cast %swap3A_1920 : i32 to index
      %swap3A_1922 = arith.index_cast %add3A_1835 : i32 to index
      %swap3A_1923 = arith.constant 48 : index
      %swap3A_1924 = tpu.vector_load %arg9[%swap3A_1921, %swap3A_1922, %swap3A_1923] {strides = array<i32>} : memref<2x32x128xf32, #tpu.memory_space<vmem>>, vector<16xf32>,
      tpu.vector_store %arg9[%swap3A_1921, %swap3A_1922, %swap3A_1923], %mul3A_1919 {strides = array<i32>} : memref<2x32x128xf32, #tpu.memory_space<vmem>>, vector<16xf32>,
      %add3A_1925 = arith.constant 64 : i32
      %add3A_1926 = arith.addi %mul3A_1837, %add3A_1925 : i32
      %get3A_1927 = arith.constant 1 : i32
      %get3A_1928 = arith.constant 0 : i32
      %get3A_1929 = arith.index_cast %get3A_1927 : i32 to index
      %get3A_1930 = arith.index_cast %get3A_1928 : i32 to index
      %get3A_1931 = arith.index_cast %add3A_1926 : i32 to index
      %get3A_1932 = tpu.vector_load %arg8[%get3A_1929, %get3A_1930, %get3A_1931] {strides = array<i32>} : memref<2x2x4096xi32, #tpu.memory_space<vmem>>, vector<16xi32>,
      %get3A_1933 = arith.constant 1 : i32
      %get3A_1934 = arith.constant 1 : i32
      %get3A_1935 = arith.index_cast %get3A_1933 : i32 to index
      %get3A_1936 = arith.index_cast %get3A_1934 : i32 to index
      %get3A_1937 = arith.index_cast %add3A_1926 : i32 to index
      %get3A_1938 = tpu.vector_load %arg8[%get3A_1935, %get3A_1936, %get3A_1937] {strides = array<i32>} : memref<2x2x4096xi32, #tpu.memory_space<vmem>>, vector<16xi32>,
      %gather3A_1939 = tpu.vector_load_idx %arg7[%get3A_1932] : memref<100000xf32, #tpu.memory_space<vmem>>[vector<16xi32>], vector<16xf32>,
      %gather3A_1940 = tpu.vector_load_idx %arg7[%get3A_1938] : memref<100000xf32, #tpu.memory_space<vmem>>[vector<16xi32>], vector<16xf32>,
      %mul3A_1941 = arith.mulf %gather3A_1939, %gather3A_1940 : vector<16xf32>
      %swap3A_1942 = arith.constant 1 : i32
      %swap3A_1943 = arith.index_cast %swap3A_1942 : i32 to index
      %swap3A_1944 = arith.index_cast %add3A_1835 : i32 to index
      %swap3A_1945 = arith.constant 64 : index
      %swap3A_1946 = tpu.vector_load %arg9[%swap3A_1943, %swap3A_1944, %swap3A_1945] {strides = array<i32>} : memref<2x32x128xf32, #tpu.memory_space<vmem>>, vector<16xf32>,
      tpu.vector_store %arg9[%swap3A_1943, %swap3A_1944, %swap3A_1945], %mul3A_1941 {strides = array<i32>} : memref<2x32x128xf32, #tpu.memory_space<vmem>>, vector<16xf32>,
      %add3A_1947 = arith.constant 80 : i32
      %add3A_1948 = arith.addi %mul3A_1837, %add3A_1947 : i32
      %get3A_1949 = arith.constant 1 : i32
      %get3A_1950 = arith.constant 0 : i32
      %get3A_1951 = arith.index_cast %get3A_1949 : i32 to index
      %get3A_1952 = arith.index_cast %get3A_1950 : i32 to index
      %get3A_1953 = arith.index_cast %add3A_1948 : i32 to index
      %get3A_1954 = tpu.vector_load %arg8[%get3A_1951, %get3A_1952, %get3A_1953] {strides = array<i32>} : memref<2x2x4096xi32, #tpu.memory_space<vmem>>, vector<16xi32>,
      %get3A_1955 = arith.constant 1 : i32
      %get3A_1956 = arith.constant 1 : i32
      %get3A_1957 = arith.index_cast %get3A_1955 : i32 to index
      %get3A_1958 = arith.index_cast %get3A_1956 : i32 to index
      %get3A_1959 = arith.index_cast %add3A_1948 : i32 to index
      %get3A_1960 = tpu.vector_load %arg8[%get3A_1957, %get3A_1958, %get3A_1959] {strides = array<i32>} : memref<2x2x4096xi32, #tpu.memory_space<vmem>>, vector<16xi32>,
      %gather3A_1961 = tpu.vector_load_idx %arg7[%get3A_1954] : memref<100000xf32, #tpu.memory_space<vmem>>[vector<16xi32>], vector<16xf32>,
      %gather3A_1962 = tpu.vector_load_idx %arg7[%get3A_1960] : memref<100000xf32, #tpu.memory_space<vmem>>[vector<16xi32>], vector<16xf32>,
      %mul3A_1963 = arith.mulf %gather3A_1961, %gather3A_1962 : vector<16xf32>
      %swap3A_1964 = arith.constant 1 : i32
      %swap3A_1965 = arith.index_cast %swap3A_1964 : i32 to index
      %swap3A_1966 = arith.index_cast %add3A_1835 : i32 to index
      %swap3A_1967 = arith.constant 80 : index
      %swap3A_1968 = tpu.vector_load %arg9[%swap3A_1965, %swap3A_1966, %swap3A_1967] {strides = array<i32>} : memref<2x32x128xf32, #tpu.memory_space<vmem>>, vector<16xf32>,
      tpu.vector_store %arg9[%swap3A_1965, %swap3A_1966, %swap3A_1967], %mul3A_1963 {strides = array<i32>} : memref<2x32x128xf32, #tpu.memory_space<vmem>>, vector<16xf32>,
      %add3A_1969 = arith.constant 96 : i32
      %add3A_1970 = arith.addi %mul3A_1837, %add3A_1969 : i32
      %get3A_1971 = arith.constant 1 : i32
      %get3A_1972 = arith.constant 0 : i32
      %get3A_1973 = arith.index_cast %get3A_1971 : i32 to index
      %get3A_1974 = arith.index_cast %get3A_1972 : i32 to index
      %get3A_1975 = arith.index_cast %add3A_1970 : i32 to index
      %get3A_1976 = tpu.vector_load %arg8[%get3A_1973, %get3A_1974, %get3A_1975] {strides = array<i32>} : memref<2x2x4096xi32, #tpu.memory_space<vmem>>, vector<16xi32>,
      %get3A_1977 = arith.constant 1 : i32
      %get3A_1978 = arith.constant 1 : i32
      %get3A_1979 = arith.index_cast %get3A_1977 : i32 to index
      %get3A_1980 = arith.index_cast %get3A_1978 : i32 to index
      %get3A_1981 = arith.index_cast %add3A_1970 : i32 to index
      %get3A_1982 = tpu.vector_load %arg8[%get3A_1979, %get3A_1980, %get3A_1981] {strides = array<i32>} : memref<2x2x4096xi32, #tpu.memory_space<vmem>>, vector<16xi32>,
      %gather3A_1983 = tpu.vector_load_idx %arg7[%get3A_1976] : memref<100000xf32, #tpu.memory_space<vmem>>[vector<16xi32>], vector<16xf32>,
      %gather3A_1984 = tpu.vector_load_idx %arg7[%get3A_1982] : memref<100000xf32, #tpu.memory_space<vmem>>[vector<16xi32>], vector<16xf32>,
      %mul3A_1985 = arith.mulf %gather3A_1983, %gather3A_1984 : vector<16xf32>
      %swap3A_1986 = arith.constant 1 : i32
      %swap3A_1987 = arith.index_cast %swap3A_1986 : i32 to index
      %swap3A_1988 = arith.index_cast %add3A_1835 : i32 to index
      %swap3A_1989 = arith.constant 96 : index
      %swap3A_1990 = tpu.vector_load %arg9[%swap3A_1987, %swap3A_1988, %swap3A_1989] {strides = array<i32>} : memref<2x32x128xf32, #tpu.memory_space<vmem>>, vector<16xf32>,
      tpu.vector_store %arg9[%swap3A_1987, %swap3A_1988, %swap3A_1989], %mul3A_1985 {strides = array<i32>} : memref<2x32x128xf32, #tpu.memory_space<vmem>>, vector<16xf32>,
      %add3A_1991 = arith.constant 112 : i32
      %add3A_1992 = arith.addi %mul3A_1837, %add3A_1991 : i32
      %get3A_1993 = arith.constant 1 : i32
      %get3A_1994 = arith.constant 0 : i32
      %get3A_1995 = arith.index_cast %get3A_1993 : i32 to index
      %get3A_1996 = arith.index_cast %get3A_1994 : i32 to index
      %get3A_1997 = arith.index_cast %add3A_1992 : i32 to index
      %get3A_1998 = tpu.vector_load %arg8[%get3A_1995, %get3A_1996, %get3A_1997] {strides = array<i32>} : memref<2x2x4096xi32, #tpu.memory_space<vmem>>, vector<16xi32>,
      %get3A_1999 = arith.constant 1 : i32
      %get3A_2000 = arith.constant 1 : i32
      %get3A_2001 = arith.index_cast %get3A_1999 : i32 to index
      %get3A_2002 = arith.index_cast %get3A_2000 : i32 to index
      %get3A_2003 = arith.index_cast %add3A_1992 : i32 to index
      %get3A_2004 = tpu.vector_load %arg8[%get3A_2001, %get3A_2002, %get3A_2003] {strides = array<i32>} : memref<2x2x4096xi32, #tpu.memory_space<vmem>>, vector<16xi32>,
      %gather3A_2005 = tpu.vector_load_idx %arg7[%get3A_1998] : memref<100000xf32, #tpu.memory_space<vmem>>[vector<16xi32>], vector<16xf32>,
      %gather3A_2006 = tpu.vector_load_idx %arg7[%get3A_2004] : memref<100000xf32, #tpu.memory_space<vmem>>[vector<16xi32>], vector<16xf32>,
      %mul3A_2007 = arith.mulf %gather3A_2005, %gather3A_2006 : vector<16xf32>
      %swap3A_2008 = arith.constant 1 : i32
      %swap3A_2009 = arith.index_cast %swap3A_2008 : i32 to index
      %swap3A_2010 = arith.index_cast %add3A_1835 : i32 to index
      %swap3A_2011 = arith.constant 112 : index
      %swap3A_2012 = tpu.vector_load %arg9[%swap3A_2009, %swap3A_2010, %swap3A_2011] {strides = array<i32>} : memref<2x32x128xf32, #tpu.memory_space<vmem>>, vector<16xf32>,
      tpu.vector_store %arg9[%swap3A_2009, %swap3A_2010, %swap3A_2011], %mul3A_2007 {strides = array<i32>} : memref<2x32x128xf32, #tpu.memory_space<vmem>>, vector<16xf32>,
    }
    %scan3A_892 = arith.constant 32 : i32
    %dma_start3A_893 = arith.constant 1 : i32
    %dma_start3A_894 = arith.constant 1 : i32
    %dma_start3A_895 = arith.constant 0 : i32
    %dma_start3A_896 = arith.constant 0 : i32
    %dma_start3A_897 = tpu.memref_slice %arg9[%dma_start3A_893, %dma_start3A_895, %dma_start3A_896] : memref<2x32x128xf32, #tpu.memory_space<vmem>> -> memref<1x32x128xf32, #tpu.memory_space<vmem>>
    %dma_start3A_898 = tpu.memref_squeeze %dma_start3A_897 : memref<1x32x128xf32, #tpu.memory_space<vmem>> -> memref<32x128xf32, #tpu.memory_space<vmem>>
    %dma_start3A_899 = arith.constant 0 : i32
    %dma_start3A_900 = tpu.memref_slice %arg10[%dma_start3A_894, %dma_start3A_899] : memref<4x32xi32, #tpu.memory_space<vmem>> -> memref<1x32xi32, #tpu.memory_space<vmem>>
    %dma_start3A_901 = tpu.memref_squeeze %dma_start3A_900 : memref<1x32xi32, #tpu.memory_space<vmem>> -> memref<32xi32, #tpu.memory_space<vmem>>
    %dma_start3A_902 = arith.constant 0 : i32
    %dma_start3A_903 = arith.constant 0 : i32
    %dma_start3A_904 = tpu.memref_slice %arg21[%dma_start3A_902, %dma_start3A_903] : memref<128x128xf32, #tpu.memory_space<vmem_shared>> -> memref<128x128xf32, #tpu.memory_space<vmem_shared>>
    tpu.enqueue_indirect_dma source(%dma_start3A_898 : memref<32x128xf32, #tpu.memory_space<vmem>>) target(%dma_start3A_904 : memref<128x128xf32, #tpu.memory_space<vmem_shared>>) offsets(%dma_start3A_901 : memref<32xi32, #tpu.memory_space<vmem>>) semaphore(%arg19 : memref<!tpu.dma_semaphore, #tpu.memory_space<semaphore_mem>>) {add = true}
    %dma_start3A_905 = arith.constant 0 : i32
    %dma_start3A_906 = arith.constant 1 : i32
    %dma_start3A_907 = arith.constant 0 : i32
    %dma_start3A_908 = arith.constant 0 : i32
    %dma_start3A_909 = tpu.memref_slice %arg8[%dma_start3A_906, %dma_start3A_907, %dma_start3A_908] : memref<2x2x4096xi32, #tpu.memory_space<vmem>> -> memref<1x1x4096xi32, #tpu.memory_space<vmem>>
    %dma_start3A_910 = tpu.memref_squeeze %dma_start3A_909 : memref<1x1x4096xi32, #tpu.memory_space<vmem>> -> memref<4096xi32, #tpu.memory_space<vmem>>
    %dma_start3A_911 = arith.constant 12288 : i32
    %dma_start3A_912 = tpu.memref_slice %arg20[%dma_start3A_905, %dma_start3A_911] : memref<2x16384xi32, #tpu.memory_space<vmem_shared>> -> memref<1x4096xi32, #tpu.memory_space<vmem_shared>>
    %dma_start3A_913 = tpu.memref_squeeze %dma_start3A_912 : memref<1x4096xi32, #tpu.memory_space<vmem_shared>> -> memref<4096xi32, #tpu.memory_space<vmem_shared>>
    %dma_start3A_914 = arith.constant 0 : i32
    %dma_start3A_915 = tpu.memref_slice %arg8[%dma_start3A_906, %dma_start3A_907, %dma_start3A_914] : memref<2x2x4096xi32, #tpu.memory_space<vmem>> -> memref<1x1x4096xi32, #tpu.memory_space<vmem>>
    %dma_start3A_916 = tpu.memref_squeeze %dma_start3A_915 : memref<1x1x4096xi32, #tpu.memory_space<vmem>> -> memref<4096xi32, #tpu.memory_space<vmem>>
    %dma_start3A_917 = arith.constant 12288 : i32
    %dma_start3A_918 = tpu.memref_slice %arg20[%dma_start3A_905, %dma_start3A_917] : memref<2x16384xi32, #tpu.memory_space<vmem_shared>> -> memref<1x4096xi32, #tpu.memory_space<vmem_shared>>
    %dma_start3A_919 = tpu.memref_squeeze %dma_start3A_918 : memref<1x4096xi32, #tpu.memory_space<vmem_shared>> -> memref<4096xi32, #tpu.memory_space<vmem_shared>>
    tpu.enqueue_dma source(%dma_start3A_919 : memref<4096xi32, #tpu.memory_space<vmem_shared>>) target(%dma_start3A_916 : memref<4096xi32, #tpu.memory_space<vmem>>) target_semaphore(%arg16 : memref<!tpu.dma_semaphore, #tpu.memory_space<semaphore_mem>>)
    %dma_start3A_920 = arith.constant 1 : i32
    %dma_start3A_921 = arith.constant 1 : i32
    %dma_start3A_922 = arith.constant 1 : i32
    %dma_start3A_923 = arith.constant 0 : i32
    %dma_start3A_924 = tpu.memref_slice %arg8[%dma_start3A_921, %dma_start3A_922, %dma_start3A_923] : memref<2x2x4096xi32, #tpu.memory_space<vmem>> -> memref<1x1x4096xi32, #tpu.memory_space<vmem>>
    %dma_start3A_925 = tpu.memref_squeeze %dma_start3A_924 : memref<1x1x4096xi32, #tpu.memory_space<vmem>> -> memref<4096xi32, #tpu.memory_space<vmem>>
    %dma_start3A_926 = arith.constant 12288 : i32
    %dma_start3A_927 = tpu.memref_slice %arg20[%dma_start3A_920, %dma_start3A_926] : memref<2x16384xi32, #tpu.memory_space<vmem_shared>> -> memref<1x4096xi32, #tpu.memory_space<vmem_shared>>
    %dma_start3A_928 = tpu.memref_squeeze %dma_start3A_927 : memref<1x4096xi32, #tpu.memory_space<vmem_shared>> -> memref<4096xi32, #tpu.memory_space<vmem_shared>>
    %dma_start3A_929 = arith.constant 0 : i32
    %dma_start3A_930 = tpu.memref_slice %arg8[%dma_start3A_921, %dma_start3A_922, %dma_start3A_929] : memref<2x2x4096xi32, #tpu.memory_space<vmem>> -> memref<1x1x4096xi32, #tpu.memory_space<vmem>>
    %dma_start3A_931 = tpu.memref_squeeze %dma_start3A_930 : memref<1x1x4096xi32, #tpu.memory_space<vmem>> -> memref<4096xi32, #tpu.memory_space<vmem>>
    %dma_start3A_932 = arith.constant 12288 : i32
    %dma_start3A_933 = tpu.memref_slice %arg20[%dma_start3A_920, %dma_start3A_932] : memref<2x16384xi32, #tpu.memory_space<vmem_shared>> -> memref<1x4096xi32, #tpu.memory_space<vmem_shared>>
    %dma_start3A_934 = tpu.memref_squeeze %dma_start3A_933 : memref<1x4096xi32, #tpu.memory_space<vmem_shared>> -> memref<4096xi32, #tpu.memory_space<vmem_shared>>
    tpu.enqueue_dma source(%dma_start3A_934 : memref<4096xi32, #tpu.memory_space<vmem_shared>>) target(%dma_start3A_931 : memref<4096xi32, #tpu.memory_space<vmem>>) target_semaphore(%arg17 : memref<!tpu.dma_semaphore, #tpu.memory_space<semaphore_mem>>)
    %dma_wait3A_935 = arith.constant 0 : i32
    %dma_wait3A_936 = arith.constant 0 : i32
    %dma_wait3A_937 = arith.constant 0 : i32
    %dma_wait3A_938 = arith.constant 0 : i32
    %dma_wait3A_939 = tpu.memref_slice %arg8[%dma_wait3A_936, %dma_wait3A_937, %dma_wait3A_938] : memref<2x2x4096xi32, #tpu.memory_space<vmem>> -> memref<1x1x4096xi32, #tpu.memory_space<vmem>>
    %dma_wait3A_940 = tpu.memref_squeeze %dma_wait3A_939 : memref<1x1x4096xi32, #tpu.memory_space<vmem>> -> memref<4096xi32, #tpu.memory_space<vmem>>
    %dma_wait3A_941 = arith.constant 8192 : i32
    %dma_wait3A_942 = tpu.memref_slice %arg20[%dma_wait3A_935, %dma_wait3A_941] : memref<2x16384xi32, #tpu.memory_space<vmem_shared>> -> memref<1x4096xi32, #tpu.memory_space<vmem_shared>>
    %dma_wait3A_943 = tpu.memref_squeeze %dma_wait3A_942 : memref<1x4096xi32, #tpu.memory_space<vmem_shared>> -> memref<4096xi32, #tpu.memory_space<vmem_shared>>
    %dma_wait3A_944 = arith.constant 0 : i32
    %dma_wait3A_945 = tpu.memref_slice %arg8[%dma_wait3A_936, %dma_wait3A_937, %dma_wait3A_944] : memref<2x2x4096xi32, #tpu.memory_space<vmem>> -> memref<1x1x4096xi32, #tpu.memory_space<vmem>>
    %dma_wait3A_946 = tpu.memref_squeeze %dma_wait3A_945 : memref<1x1x4096xi32, #tpu.memory_space<vmem>> -> memref<4096xi32, #tpu.memory_space<vmem>>
    %dma_wait3A_947 = arith.constant 8192 : i32
    %dma_wait3A_948 = tpu.memref_slice %arg20[%dma_wait3A_935, %dma_wait3A_947] : memref<2x16384xi32, #tpu.memory_space<vmem_shared>> -> memref<1x4096xi32, #tpu.memory_space<vmem_shared>>
    %dma_wait3A_949 = tpu.memref_squeeze %dma_wait3A_948 : memref<1x4096xi32, #tpu.memory_space<vmem_shared>> -> memref<4096xi32, #tpu.memory_space<vmem_shared>>
    tpu.wait_dma2 semaphore(%arg14 : memref<!tpu.dma_semaphore, #tpu.memory_space<semaphore_mem>>) src(%dma_wait3A_949 : memref<4096xi32, #tpu.memory_space<vmem_shared>>) dst(%dma_wait3A_946 : memref<4096xi32, #tpu.memory_space<vmem>>)
    %dma_wait3A_950 = arith.constant 1 : i32
    %dma_wait3A_951 = arith.constant 0 : i32
    %dma_wait3A_952 = arith.constant 1 : i32
    %dma_wait3A_953 = arith.constant 0 : i32
    %dma_wait3A_954 = tpu.memref_slice %arg8[%dma_wait3A_951, %dma_wait3A_952, %dma_wait3A_953] : memref<2x2x4096xi32, #tpu.memory_space<vmem>> -> memref<1x1x4096xi32, #tpu.memory_space<vmem>>
    %dma_wait3A_955 = tpu.memref_squeeze %dma_wait3A_954 : memref<1x1x4096xi32, #tpu.memory_space<vmem>> -> memref<4096xi32, #tpu.memory_space<vmem>>
    %dma_wait3A_956 = arith.constant 8192 : i32
    %dma_wait3A_957 = tpu.memref_slice %arg20[%dma_wait3A_950, %dma_wait3A_956] : memref<2x16384xi32, #tpu.memory_space<vmem_shared>> -> memref<1x4096xi32, #tpu.memory_space<vmem_shared>>
    %dma_wait3A_958 = tpu.memref_squeeze %dma_wait3A_957 : memref<1x4096xi32, #tpu.memory_space<vmem_shared>> -> memref<4096xi32, #tpu.memory_space<vmem_shared>>
    %dma_wait3A_959 = arith.constant 0 : i32
    %dma_wait3A_960 = tpu.memref_slice %arg8[%dma_wait3A_951, %dma_wait3A_952, %dma_wait3A_959] : memref<2x2x4096xi32, #tpu.memory_space<vmem>> -> memref<1x1x4096xi32, #tpu.memory_space<vmem>>
    %dma_wait3A_961 = tpu.memref_squeeze %dma_wait3A_960 : memref<1x1x4096xi32, #tpu.memory_space<vmem>> -> memref<4096xi32, #tpu.memory_space<vmem>>
    %dma_wait3A_962 = arith.constant 8192 : i32
    %dma_wait3A_963 = tpu.memref_slice %arg20[%dma_wait3A_950, %dma_wait3A_962] : memref<2x16384xi32, #tpu.memory_space<vmem_shared>> -> memref<1x4096xi32, #tpu.memory_space<vmem_shared>>
    %dma_wait3A_964 = tpu.memref_squeeze %dma_wait3A_963 : memref<1x4096xi32, #tpu.memory_space<vmem_shared>> -> memref<4096xi32, #tpu.memory_space<vmem_shared>>
    tpu.wait_dma2 semaphore(%arg15 : memref<!tpu.dma_semaphore, #tpu.memory_space<semaphore_mem>>) src(%dma_wait3A_964 : memref<4096xi32, #tpu.memory_space<vmem_shared>>) dst(%dma_wait3A_961 : memref<4096xi32, #tpu.memory_space<vmem>>)
    %dma_wait3A_965 = arith.constant 0 : i32
    %dma_wait3A_966 = arith.constant 0 : i32
    %dma_wait3A_967 = arith.constant 0 : i32
    %dma_wait3A_968 = arith.constant 0 : i32
    %dma_wait3A_969 = tpu.memref_slice %arg9[%dma_wait3A_965, %dma_wait3A_967, %dma_wait3A_968] : memref<2x32x128xf32, #tpu.memory_space<vmem>> -> memref<1x32x128xf32, #tpu.memory_space<vmem>>
    %dma_wait3A_970 = tpu.memref_squeeze %dma_wait3A_969 : memref<1x32x128xf32, #tpu.memory_space<vmem>> -> memref<32x128xf32, #tpu.memory_space<vmem>>
    %dma_wait3A_971 = arith.constant 0 : i32
    %dma_wait3A_972 = tpu.memref_slice %arg10[%dma_wait3A_966, %dma_wait3A_971] : memref<4x32xi32, #tpu.memory_space<vmem>> -> memref<1x32xi32, #tpu.memory_space<vmem>>
    %dma_wait3A_973 = tpu.memref_squeeze %dma_wait3A_972 : memref<1x32xi32, #tpu.memory_space<vmem>> -> memref<32xi32, #tpu.memory_space<vmem>>
    %dma_wait3A_974 = arith.constant 0 : i32
    %dma_wait3A_975 = arith.constant 0 : i32
    %dma_wait3A_976 = tpu.memref_slice %arg21[%dma_wait3A_974, %dma_wait3A_975] : memref<128x128xf32, #tpu.memory_space<vmem_shared>> -> memref<128x128xf32, #tpu.memory_space<vmem_shared>>
    tpu.wait_indirect_dma semaphore(%arg18 : memref<!tpu.dma_semaphore, #tpu.memory_space<semaphore_mem>>) src(%dma_wait3A_970 : memref<32x128xf32, #tpu.memory_space<vmem>>) dst(%dma_wait3A_976 : memref<128x128xf32, #tpu.memory_space<vmem_shared>>)
    %scan3A_977 = arith.constant 0 : i32
    %scan3A_978 = arith.constant 32 : i32
    %scan3A_979 = arith.addi %scan3A_977, %scan3A_978 : i32
    %scan3A_980 = arith.constant 1 : i32
    scf.for %scan3A_1831 = %scan3A_977 to %scan3A_979 step %scan3A_980  : i32 {
      %mul3A_1832 = arith.constant 1 : i32
      %mul3A_1833 = arith.muli %scan3A_1831, %mul3A_1832 : i32
      %add3A_1834 = arith.constant 0 : i32
      %add3A_1835 = arith.addi %add3A_1834, %mul3A_1833 : i32
      %mul3A_1836 = arith.constant 128 : i32
      %mul3A_1837 = arith.muli %add3A_1835, %mul3A_1836 : i32
      %add3A_1838 = arith.constant 0 : i32
      %add3A_1839 = arith.addi %mul3A_1837, %add3A_1838 : i32
      %get3A_1840 = arith.constant 0 : i32
      %get3A_1841 = arith.constant 0 : i32
      %get3A_1842 = arith.index_cast %get3A_1840 : i32 to index
      %get3A_1843 = arith.index_cast %get3A_1841 : i32 to index
      %get3A_1844 = arith.index_cast %add3A_1839 : i32 to index
      %get3A_1845 = tpu.vector_load %arg8[%get3A_1842, %get3A_1843, %get3A_1844] {strides = array<i32>} : memref<2x2x4096xi32, #tpu.memory_space<vmem>>, vector<16xi32>,
      %get3A_1846 = arith.constant 0 : i32
      %get3A_1847 = arith.constant 1 : i32
      %get3A_1848 = arith.index_cast %get3A_1846 : i32 to index
      %get3A_1849 = arith.index_cast %get3A_1847 : i32 to index
      %get3A_1850 = arith.index_cast %add3A_1839 : i32 to index
      %get3A_1851 = tpu.vector_load %arg8[%get3A_1848, %get3A_1849, %get3A_1850] {strides = array<i32>} : memref<2x2x4096xi32, #tpu.memory_space<vmem>>, vector<16xi32>,
      %gather3A = tpu.vector_load_idx %arg7[%get3A_1845] : memref<100000xf32, #tpu.memory_space<vmem>>[vector<16xi32>], vector<16xf32>,
      %gather3A_1852 = tpu.vector_load_idx %arg7[%get3A_1851] : memref<100000xf32, #tpu.memory_space<vmem>>[vector<16xi32>], vector<16xf32>,
      %mul3A_1853 = arith.mulf %gather3A, %gather3A_1852 : vector<16xf32>
      %swap3A_1854 = arith.constant 0 : i32
      %swap3A_1855 = arith.index_cast %swap3A_1854 : i32 to index
      %swap3A_1856 = arith.index_cast %add3A_1835 : i32 to index
      %swap3A_1857 = arith.constant 0 : index
      %swap3A_1858 = tpu.vector_load %arg9[%swap3A_1855, %swap3A_1856, %swap3A_1857] {strides = array<i32>} : memref<2x32x128xf32, #tpu.memory_space<vmem>>, vector<16xf32>,
      tpu.vector_store %arg9[%swap3A_1855, %swap3A_1856, %swap3A_1857], %mul3A_1853 {strides = array<i32>} : memref<2x32x128xf32, #tpu.memory_space<vmem>>, vector<16xf32>,
      %add3A_1859 = arith.constant 16 : i32
      %add3A_1860 = arith.addi %mul3A_1837, %add3A_1859 : i32
      %get3A_1861 = arith.constant 0 : i32
      %get3A_1862 = arith.constant 0 : i32
      %get3A_1863 = arith.index_cast %get3A_1861 : i32 to index
      %get3A_1864 = arith.index_cast %get3A_1862 : i32 to index
      %get3A_1865 = arith.index_cast %add3A_1860 : i32 to index
      %get3A_1866 = tpu.vector_load %arg8[%get3A_1863, %get3A_1864, %get3A_1865] {strides = array<i32>} : memref<2x2x4096xi32, #tpu.memory_space<vmem>>, vector<16xi32>,
      %get3A_1867 = arith.constant 0 : i32
      %get3A_1868 = arith.constant 1 : i32
      %get3A_1869 = arith.index_cast %get3A_1867 : i32 to index
      %get3A_1870 = arith.index_cast %get3A_1868 : i32 to index
      %get3A_1871 = arith.index_cast %add3A_1860 : i32 to index
      %get3A_1872 = tpu.vector_load %arg8[%get3A_1869, %get3A_1870, %get3A_1871] {strides = array<i32>} : memref<2x2x4096xi32, #tpu.memory_space<vmem>>, vector<16xi32>,
      %gather3A_1873 = tpu.vector_load_idx %arg7[%get3A_1866] : memref<100000xf32, #tpu.memory_space<vmem>>[vector<16xi32>], vector<16xf32>,
      %gather3A_1874 = tpu.vector_load_idx %arg7[%get3A_1872] : memref<100000xf32, #tpu.memory_space<vmem>>[vector<16xi32>], vector<16xf32>,
      %mul3A_1875 = arith.mulf %gather3A_1873, %gather3A_1874 : vector<16xf32>
      %swap3A_1876 = arith.constant 0 : i32
      %swap3A_1877 = arith.index_cast %swap3A_1876 : i32 to index
      %swap3A_1878 = arith.index_cast %add3A_1835 : i32 to index
      %swap3A_1879 = arith.constant 16 : index
      %swap3A_1880 = tpu.vector_load %arg9[%swap3A_1877, %swap3A_1878, %swap3A_1879] {strides = array<i32>} : memref<2x32x128xf32, #tpu.memory_space<vmem>>, vector<16xf32>,
      tpu.vector_store %arg9[%swap3A_1877, %swap3A_1878, %swap3A_1879], %mul3A_1875 {strides = array<i32>} : memref<2x32x128xf32, #tpu.memory_space<vmem>>, vector<16xf32>,
      %add3A_1881 = arith.constant 32 : i32
      %add3A_1882 = arith.addi %mul3A_1837, %add3A_1881 : i32
      %get3A_1883 = arith.constant 0 : i32
      %get3A_1884 = arith.constant 0 : i32
      %get3A_1885 = arith.index_cast %get3A_1883 : i32 to index
      %get3A_1886 = arith.index_cast %get3A_1884 : i32 to index
      %get3A_1887 = arith.index_cast %add3A_1882 : i32 to index
      %get3A_1888 = tpu.vector_load %arg8[%get3A_1885, %get3A_1886, %get3A_1887] {strides = array<i32>} : memref<2x2x4096xi32, #tpu.memory_space<vmem>>, vector<16xi32>,
      %get3A_1889 = arith.constant 0 : i32
      %get3A_1890 = arith.constant 1 : i32
      %get3A_1891 = arith.index_cast %get3A_1889 : i32 to index
      %get3A_1892 = arith.index_cast %get3A_1890 : i32 to index
      %get3A_1893 = arith.index_cast %add3A_1882 : i32 to index
      %get3A_1894 = tpu.vector_load %arg8[%get3A_1891, %get3A_1892, %get3A_1893] {strides = array<i32>} : memref<2x2x4096xi32, #tpu.memory_space<vmem>>, vector<16xi32>,
      %gather3A_1895 = tpu.vector_load_idx %arg7[%get3A_1888] : memref<100000xf32, #tpu.memory_space<vmem>>[vector<16xi32>], vector<16xf32>,
      %gather3A_1896 = tpu.vector_load_idx %arg7[%get3A_1894] : memref<100000xf32, #tpu.memory_space<vmem>>[vector<16xi32>], vector<16xf32>,
      %mul3A_1897 = arith.mulf %gather3A_1895, %gather3A_1896 : vector<16xf32>
      %swap3A_1898 = arith.constant 0 : i32
      %swap3A_1899 = arith.index_cast %swap3A_1898 : i32 to index
      %swap3A_1900 = arith.index_cast %add3A_1835 : i32 to index
      %swap3A_1901 = arith.constant 32 : index
      %swap3A_1902 = tpu.vector_load %arg9[%swap3A_1899, %swap3A_1900, %swap3A_1901] {strides = array<i32>} : memref<2x32x128xf32, #tpu.memory_space<vmem>>, vector<16xf32>,
      tpu.vector_store %arg9[%swap3A_1899, %swap3A_1900, %swap3A_1901], %mul3A_1897 {strides = array<i32>} : memref<2x32x128xf32, #tpu.memory_space<vmem>>, vector<16xf32>,
      %add3A_1903 = arith.constant 48 : i32
      %add3A_1904 = arith.addi %mul3A_1837, %add3A_1903 : i32
      %get3A_1905 = arith.constant 0 : i32
      %get3A_1906 = arith.constant 0 : i32
      %get3A_1907 = arith.index_cast %get3A_1905 : i32 to index
      %get3A_1908 = arith.index_cast %get3A_1906 : i32 to index
      %get3A_1909 = arith.index_cast %add3A_1904 : i32 to index
      %get3A_1910 = tpu.vector_load %arg8[%get3A_1907, %get3A_1908, %get3A_1909] {strides = array<i32>} : memref<2x2x4096xi32, #tpu.memory_space<vmem>>, vector<16xi32>,
      %get3A_1911 = arith.constant 0 : i32
      %get3A_1912 = arith.constant 1 : i32
      %get3A_1913 = arith.index_cast %get3A_1911 : i32 to index
      %get3A_1914 = arith.index_cast %get3A_1912 : i32 to index
      %get3A_1915 = arith.index_cast %add3A_1904 : i32 to index
      %get3A_1916 = tpu.vector_load %arg8[%get3A_1913, %get3A_1914, %get3A_1915] {strides = array<i32>} : memref<2x2x4096xi32, #tpu.memory_space<vmem>>, vector<16xi32>,
      %gather3A_1917 = tpu.vector_load_idx %arg7[%get3A_1910] : memref<100000xf32, #tpu.memory_space<vmem>>[vector<16xi32>], vector<16xf32>,
      %gather3A_1918 = tpu.vector_load_idx %arg7[%get3A_1916] : memref<100000xf32, #tpu.memory_space<vmem>>[vector<16xi32>], vector<16xf32>,
      %mul3A_1919 = arith.mulf %gather3A_1917, %gather3A_1918 : vector<16xf32>
      %swap3A_1920 = arith.constant 0 : i32
      %swap3A_1921 = arith.index_cast %swap3A_1920 : i32 to index
      %swap3A_1922 = arith.index_cast %add3A_1835 : i32 to index
      %swap3A_1923 = arith.constant 48 : index
      %swap3A_1924 = tpu.vector_load %arg9[%swap3A_1921, %swap3A_1922, %swap3A_1923] {strides = array<i32>} : memref<2x32x128xf32, #tpu.memory_space<vmem>>, vector<16xf32>,
      tpu.vector_store %arg9[%swap3A_1921, %swap3A_1922, %swap3A_1923], %mul3A_1919 {strides = array<i32>} : memref<2x32x128xf32, #tpu.memory_space<vmem>>, vector<16xf32>,
      %add3A_1925 = arith.constant 64 : i32
      %add3A_1926 = arith.addi %mul3A_1837, %add3A_1925 : i32
      %get3A_1927 = arith.constant 0 : i32
      %get3A_1928 = arith.constant 0 : i32
      %get3A_1929 = arith.index_cast %get3A_1927 : i32 to index
      %get3A_1930 = arith.index_cast %get3A_1928 : i32 to index
      %get3A_1931 = arith.index_cast %add3A_1926 : i32 to index
      %get3A_1932 = tpu.vector_load %arg8[%get3A_1929, %get3A_1930, %get3A_1931] {strides = array<i32>} : memref<2x2x4096xi32, #tpu.memory_space<vmem>>, vector<16xi32>,
      %get3A_1933 = arith.constant 0 : i32
      %get3A_1934 = arith.constant 1 : i32
      %get3A_1935 = arith.index_cast %get3A_1933 : i32 to index
      %get3A_1936 = arith.index_cast %get3A_1934 : i32 to index
      %get3A_1937 = arith.index_cast %add3A_1926 : i32 to index
      %get3A_1938 = tpu.vector_load %arg8[%get3A_1935, %get3A_1936, %get3A_1937] {strides = array<i32>} : memref<2x2x4096xi32, #tpu.memory_space<vmem>>, vector<16xi32>,
      %gather3A_1939 = tpu.vector_load_idx %arg7[%get3A_1932] : memref<100000xf32, #tpu.memory_space<vmem>>[vector<16xi32>], vector<16xf32>,
      %gather3A_1940 = tpu.vector_load_idx %arg7[%get3A_1938] : memref<100000xf32, #tpu.memory_space<vmem>>[vector<16xi32>], vector<16xf32>,
      %mul3A_1941 = arith.mulf %gather3A_1939, %gather3A_1940 : vector<16xf32>
      %swap3A_1942 = arith.constant 0 : i32
      %swap3A_1943 = arith.index_cast %swap3A_1942 : i32 to index
      %swap3A_1944 = arith.index_cast %add3A_1835 : i32 to index
      %swap3A_1945 = arith.constant 64 : index
      %swap3A_1946 = tpu.vector_load %arg9[%swap3A_1943, %swap3A_1944, %swap3A_1945] {strides = array<i32>} : memref<2x32x128xf32, #tpu.memory_space<vmem>>, vector<16xf32>,
      tpu.vector_store %arg9[%swap3A_1943, %swap3A_1944, %swap3A_1945], %mul3A_1941 {strides = array<i32>} : memref<2x32x128xf32, #tpu.memory_space<vmem>>, vector<16xf32>,
      %add3A_1947 = arith.constant 80 : i32
      %add3A_1948 = arith.addi %mul3A_1837, %add3A_1947 : i32
      %get3A_1949 = arith.constant 0 : i32
      %get3A_1950 = arith.constant 0 : i32
      %get3A_1951 = arith.index_cast %get3A_1949 : i32 to index
      %get3A_1952 = arith.index_cast %get3A_1950 : i32 to index
      %get3A_1953 = arith.index_cast %add3A_1948 : i32 to index
      %get3A_1954 = tpu.vector_load %arg8[%get3A_1951, %get3A_1952, %get3A_1953] {strides = array<i32>} : memref<2x2x4096xi32, #tpu.memory_space<vmem>>, vector<16xi32>,
      %get3A_1955 = arith.constant 0 : i32
      %get3A_1956 = arith.constant 1 : i32
      %get3A_1957 = arith.index_cast %get3A_1955 : i32 to index
      %get3A_1958 = arith.index_cast %get3A_1956 : i32 to index
      %get3A_1959 = arith.index_cast %add3A_1948 : i32 to index
      %get3A_1960 = tpu.vector_load %arg8[%get3A_1957, %get3A_1958, %get3A_1959] {strides = array<i32>} : memref<2x2x4096xi32, #tpu.memory_space<vmem>>, vector<16xi32>,
      %gather3A_1961 = tpu.vector_load_idx %arg7[%get3A_1954] : memref<100000xf32, #tpu.memory_space<vmem>>[vector<16xi32>], vector<16xf32>,
      %gather3A_1962 = tpu.vector_load_idx %arg7[%get3A_1960] : memref<100000xf32, #tpu.memory_space<vmem>>[vector<16xi32>], vector<16xf32>,
      %mul3A_1963 = arith.mulf %gather3A_1961, %gather3A_1962 : vector<16xf32>
      %swap3A_1964 = arith.constant 0 : i32
      %swap3A_1965 = arith.index_cast %swap3A_1964 : i32 to index
      %swap3A_1966 = arith.index_cast %add3A_1835 : i32 to index
      %swap3A_1967 = arith.constant 80 : index
      %swap3A_1968 = tpu.vector_load %arg9[%swap3A_1965, %swap3A_1966, %swap3A_1967] {strides = array<i32>} : memref<2x32x128xf32, #tpu.memory_space<vmem>>, vector<16xf32>,
      tpu.vector_store %arg9[%swap3A_1965, %swap3A_1966, %swap3A_1967], %mul3A_1963 {strides = array<i32>} : memref<2x32x128xf32, #tpu.memory_space<vmem>>, vector<16xf32>,
      %add3A_1969 = arith.constant 96 : i32
      %add3A_1970 = arith.addi %mul3A_1837, %add3A_1969 : i32
      %get3A_1971 = arith.constant 0 : i32
      %get3A_1972 = arith.constant 0 : i32
      %get3A_1973 = arith.index_cast %get3A_1971 : i32 to index
      %get3A_1974 = arith.index_cast %get3A_1972 : i32 to index
      %get3A_1975 = arith.index_cast %add3A_1970 : i32 to index
      %get3A_1976 = tpu.vector_load %arg8[%get3A_1973, %get3A_1974, %get3A_1975] {strides = array<i32>} : memref<2x2x4096xi32, #tpu.memory_space<vmem>>, vector<16xi32>,
      %get3A_1977 = arith.constant 0 : i32
      %get3A_1978 = arith.constant 1 : i32
      %get3A_1979 = arith.index_cast %get3A_1977 : i32 to index
      %get3A_1980 = arith.index_cast %get3A_1978 : i32 to index
      %get3A_1981 = arith.index_cast %add3A_1970 : i32 to index
      %get3A_1982 = tpu.vector_load %arg8[%get3A_1979, %get3A_1980, %get3A_1981] {strides = array<i32>} : memref<2x2x4096xi32, #tpu.memory_space<vmem>>, vector<16xi32>,
      %gather3A_1983 = tpu.vector_load_idx %arg7[%get3A_1976] : memref<100000xf32, #tpu.memory_space<vmem>>[vector<16xi32>], vector<16xf32>,
      %gather3A_1984 = tpu.vector_load_idx %arg7[%get3A_1982] : memref<100000xf32, #tpu.memory_space<vmem>>[vector<16xi32>], vector<16xf32>,
      %mul3A_1985 = arith.mulf %gather3A_1983, %gather3A_1984 : vector<16xf32>
      %swap3A_1986 = arith.constant 0 : i32
      %swap3A_1987 = arith.index_cast %swap3A_1986 : i32 to index
      %swap3A_1988 = arith.index_cast %add3A_1835 : i32 to index
      %swap3A_1989 = arith.constant 96 : index
      %swap3A_1990 = tpu.vector_load %arg9[%swap3A_1987, %swap3A_1988, %swap3A_1989] {strides = array<i32>} : memref<2x32x128xf32, #tpu.memory_space<vmem>>, vector<16xf32>,
      tpu.vector_store %arg9[%swap3A_1987, %swap3A_1988, %swap3A_1989], %mul3A_1985 {strides = array<i32>} : memref<2x32x128xf32, #tpu.memory_space<vmem>>, vector<16xf32>,
      %add3A_1991 = arith.constant 112 : i32
      %add3A_1992 = arith.addi %mul3A_1837, %add3A_1991 : i32
      %get3A_1993 = arith.constant 0 : i32
      %get3A_1994 = arith.constant 0 : i32
      %get3A_1995 = arith.index_cast %get3A_1993 : i32 to index
      %get3A_1996 = arith.index_cast %get3A_1994 : i32 to index
      %get3A_1997 = arith.index_cast %add3A_1992 : i32 to index
      %get3A_1998 = tpu.vector_load %arg8[%get3A_1995, %get3A_1996, %get3A_1997] {strides = array<i32>} : memref<2x2x4096xi32, #tpu.memory_space<vmem>>, vector<16xi32>,
      %get3A_1999 = arith.constant 0 : i32
      %get3A_2000 = arith.constant 1 : i32
      %get3A_2001 = arith.index_cast %get3A_1999 : i32 to index
      %get3A_2002 = arith.index_cast %get3A_2000 : i32 to index
      %get3A_2003 = arith.index_cast %add3A_1992 : i32 to index
      %get3A_2004 = tpu.vector_load %arg8[%get3A_2001, %get3A_2002, %get3A_2003] {strides = array<i32>} : memref<2x2x4096xi32, #tpu.memory_space<vmem>>, vector<16xi32>,
      %gather3A_2005 = tpu.vector_load_idx %arg7[%get3A_1998] : memref<100000xf32, #tpu.memory_space<vmem>>[vector<16xi32>], vector<16xf32>,
      %gather3A_2006 = tpu.vector_load_idx %arg7[%get3A_2004] : memref<100000xf32, #tpu.memory_space<vmem>>[vector<16xi32>], vector<16xf32>,
      %mul3A_2007 = arith.mulf %gather3A_2005, %gather3A_2006 : vector<16xf32>
      %swap3A_2008 = arith.constant 0 : i32
      %swap3A_2009 = arith.index_cast %swap3A_2008 : i32 to index
      %swap3A_2010 = arith.index_cast %add3A_1835 : i32 to index
      %swap3A_2011 = arith.constant 112 : index
      %swap3A_2012 = tpu.vector_load %arg9[%swap3A_2009, %swap3A_2010, %swap3A_2011] {strides = array<i32>} : memref<2x32x128xf32, #tpu.memory_space<vmem>>, vector<16xf32>,
      tpu.vector_store %arg9[%swap3A_2009, %swap3A_2010, %swap3A_2011], %mul3A_2007 {strides = array<i32>} : memref<2x32x128xf32, #tpu.memory_space<vmem>>, vector<16xf32>,
    }
    %scan3A_981 = arith.constant 32 : i32
    %dma_start3A_982 = arith.constant 0 : i32
    %dma_start3A_983 = arith.constant 2 : i32
    %dma_start3A_984 = arith.constant 0 : i32
    %dma_start3A_985 = arith.constant 0 : i32
    %dma_start3A_986 = tpu.memref_slice %arg9[%dma_start3A_982, %dma_start3A_984, %dma_start3A_985] : memref<2x32x128xf32, #tpu.memory_space<vmem>> -> memref<1x32x128xf32, #tpu.memory_space<vmem>>
    %dma_start3A_987 = tpu.memref_squeeze %dma_start3A_986 : memref<1x32x128xf32, #tpu.memory_space<vmem>> -> memref<32x128xf32, #tpu.memory_space<vmem>>
    %dma_start3A_988 = arith.constant 0 : i32
    %dma_start3A_989 = tpu.memref_slice %arg10[%dma_start3A_983, %dma_start3A_988] : memref<4x32xi32, #tpu.memory_space<vmem>> -> memref<1x32xi32, #tpu.memory_space<vmem>>
    %dma_start3A_990 = tpu.memref_squeeze %dma_start3A_989 : memref<1x32xi32, #tpu.memory_space<vmem>> -> memref<32xi32, #tpu.memory_space<vmem>>
    %dma_start3A_991 = arith.constant 0 : i32
    %dma_start3A_992 = arith.constant 0 : i32
    %dma_start3A_993 = tpu.memref_slice %arg21[%dma_start3A_991, %dma_start3A_992] : memref<128x128xf32, #tpu.memory_space<vmem_shared>> -> memref<128x128xf32, #tpu.memory_space<vmem_shared>>
    tpu.enqueue_indirect_dma source(%dma_start3A_987 : memref<32x128xf32, #tpu.memory_space<vmem>>) target(%dma_start3A_993 : memref<128x128xf32, #tpu.memory_space<vmem_shared>>) offsets(%dma_start3A_990 : memref<32xi32, #tpu.memory_space<vmem>>) semaphore(%arg18 : memref<!tpu.dma_semaphore, #tpu.memory_space<semaphore_mem>>) {add = true}
    %dma_wait3A_994 = arith.constant 0 : i32
    %dma_wait3A_995 = arith.constant 1 : i32
    %dma_wait3A_996 = arith.constant 0 : i32
    %dma_wait3A_997 = arith.constant 0 : i32
    %dma_wait3A_998 = tpu.memref_slice %arg8[%dma_wait3A_995, %dma_wait3A_996, %dma_wait3A_997] : memref<2x2x4096xi32, #tpu.memory_space<vmem>> -> memref<1x1x4096xi32, #tpu.memory_space<vmem>>
    %dma_wait3A_999 = tpu.memref_squeeze %dma_wait3A_998 : memref<1x1x4096xi32, #tpu.memory_space<vmem>> -> memref<4096xi32, #tpu.memory_space<vmem>>
    %dma_wait3A_1000 = arith.constant 12288 : i32
    %dma_wait3A_1001 = tpu.memref_slice %arg20[%dma_wait3A_994, %dma_wait3A_1000] : memref<2x16384xi32, #tpu.memory_space<vmem_shared>> -> memref<1x4096xi32, #tpu.memory_space<vmem_shared>>
    %dma_wait3A_1002 = tpu.memref_squeeze %dma_wait3A_1001 : memref<1x4096xi32, #tpu.memory_space<vmem_shared>> -> memref<4096xi32, #tpu.memory_space<vmem_shared>>
    %dma_wait3A_1003 = arith.constant 0 : i32
    %dma_wait3A_1004 = tpu.memref_slice %arg8[%dma_wait3A_995, %dma_wait3A_996, %dma_wait3A_1003] : memref<2x2x4096xi32, #tpu.memory_space<vmem>> -> memref<1x1x4096xi32, #tpu.memory_space<vmem>>
    %dma_wait3A_1005 = tpu.memref_squeeze %dma_wait3A_1004 : memref<1x1x4096xi32, #tpu.memory_space<vmem>> -> memref<4096xi32, #tpu.memory_space<vmem>>
    %dma_wait3A_1006 = arith.constant 12288 : i32
    %dma_wait3A_1007 = tpu.memref_slice %arg20[%dma_wait3A_994, %dma_wait3A_1006] : memref<2x16384xi32, #tpu.memory_space<vmem_shared>> -> memref<1x4096xi32, #tpu.memory_space<vmem_shared>>
    %dma_wait3A_1008 = tpu.memref_squeeze %dma_wait3A_1007 : memref<1x4096xi32, #tpu.memory_space<vmem_shared>> -> memref<4096xi32, #tpu.memory_space<vmem_shared>>
    tpu.wait_dma2 semaphore(%arg16 : memref<!tpu.dma_semaphore, #tpu.memory_space<semaphore_mem>>) src(%dma_wait3A_1008 : memref<4096xi32, #tpu.memory_space<vmem_shared>>) dst(%dma_wait3A_1005 : memref<4096xi32, #tpu.memory_space<vmem>>)
    %dma_wait3A_1009 = arith.constant 1 : i32
    %dma_wait3A_1010 = arith.constant 1 : i32
    %dma_wait3A_1011 = arith.constant 1 : i32
    %dma_wait3A_1012 = arith.constant 0 : i32
    %dma_wait3A_1013 = tpu.memref_slice %arg8[%dma_wait3A_1010, %dma_wait3A_1011, %dma_wait3A_1012] : memref<2x2x4096xi32, #tpu.memory_space<vmem>> -> memref<1x1x4096xi32, #tpu.memory_space<vmem>>
    %dma_wait3A_1014 = tpu.memref_squeeze %dma_wait3A_1013 : memref<1x1x4096xi32, #tpu.memory_space<vmem>> -> memref<4096xi32, #tpu.memory_space<vmem>>
    %dma_wait3A_1015 = arith.constant 12288 : i32
    %dma_wait3A_1016 = tpu.memref_slice %arg20[%dma_wait3A_1009, %dma_wait3A_1015] : memref<2x16384xi32, #tpu.memory_space<vmem_shared>> -> memref<1x4096xi32, #tpu.memory_space<vmem_shared>>
    %dma_wait3A_1017 = tpu.memref_squeeze %dma_wait3A_1016 : memref<1x4096xi32, #tpu.memory_space<vmem_shared>> -> memref<4096xi32, #tpu.memory_space<vmem_shared>>
    %dma_wait3A_1018 = arith.constant 0 : i32
    %dma_wait3A_1019 = tpu.memref_slice %arg8[%dma_wait3A_1010, %dma_wait3A_1011, %dma_wait3A_1018] : memref<2x2x4096xi32, #tpu.memory_space<vmem>> -> memref<1x1x4096xi32, #tpu.memory_space<vmem>>
    %dma_wait3A_1020 = tpu.memref_squeeze %dma_wait3A_1019 : memref<1x1x4096xi32, #tpu.memory_space<vmem>> -> memref<4096xi32, #tpu.memory_space<vmem>>
    %dma_wait3A_1021 = arith.constant 12288 : i32
    %dma_wait3A_1022 = tpu.memref_slice %arg20[%dma_wait3A_1009, %dma_wait3A_1021] : memref<2x16384xi32, #tpu.memory_space<vmem_shared>> -> memref<1x4096xi32, #tpu.memory_space<vmem_shared>>
    %dma_wait3A_1023 = tpu.memref_squeeze %dma_wait3A_1022 : memref<1x4096xi32, #tpu.memory_space<vmem_shared>> -> memref<4096xi32, #tpu.memory_space<vmem_shared>>
    tpu.wait_dma2 semaphore(%arg17 : memref<!tpu.dma_semaphore, #tpu.memory_space<semaphore_mem>>) src(%dma_wait3A_1023 : memref<4096xi32, #tpu.memory_space<vmem_shared>>) dst(%dma_wait3A_1020 : memref<4096xi32, #tpu.memory_space<vmem>>)
    %dma_wait3A_1024 = arith.constant 1 : i32
    %dma_wait3A_1025 = arith.constant 1 : i32
    %dma_wait3A_1026 = arith.constant 0 : i32
    %dma_wait3A_1027 = arith.constant 0 : i32
    %dma_wait3A_1028 = tpu.memref_slice %arg9[%dma_wait3A_1024, %dma_wait3A_1026, %dma_wait3A_1027] : memref<2x32x128xf32, #tpu.memory_space<vmem>> -> memref<1x32x128xf32, #tpu.memory_space<vmem>>
    %dma_wait3A_1029 = tpu.memref_squeeze %dma_wait3A_1028 : memref<1x32x128xf32, #tpu.memory_space<vmem>> -> memref<32x128xf32, #tpu.memory_space<vmem>>
    %dma_wait3A_1030 = arith.constant 0 : i32
    %dma_wait3A_1031 = tpu.memref_slice %arg10[%dma_wait3A_1025, %dma_wait3A_1030] : memref<4x32xi32, #tpu.memory_space<vmem>> -> memref<1x32xi32, #tpu.memory_space<vmem>>
    %dma_wait3A_1032 = tpu.memref_squeeze %dma_wait3A_1031 : memref<1x32xi32, #tpu.memory_space<vmem>> -> memref<32xi32, #tpu.memory_space<vmem>>
    %dma_wait3A_1033 = arith.constant 0 : i32
    %dma_wait3A_1034 = arith.constant 0 : i32
    %dma_wait3A_1035 = tpu.memref_slice %arg21[%dma_wait3A_1033, %dma_wait3A_1034] : memref<128x128xf32, #tpu.memory_space<vmem_shared>> -> memref<128x128xf32, #tpu.memory_space<vmem_shared>>
    tpu.wait_indirect_dma semaphore(%arg19 : memref<!tpu.dma_semaphore, #tpu.memory_space<semaphore_mem>>) src(%dma_wait3A_1029 : memref<32x128xf32, #tpu.memory_space<vmem>>) dst(%dma_wait3A_1035 : memref<128x128xf32, #tpu.memory_space<vmem_shared>>)
    %scan3A_1036 = arith.constant 0 : i32
    %scan3A_1037 = arith.constant 32 : i32
    %scan3A_1038 = arith.addi %scan3A_1036, %scan3A_1037 : i32
    %scan3A_1039 = arith.constant 1 : i32
    scf.for %scan3A_1831 = %scan3A_1036 to %scan3A_1038 step %scan3A_1039  : i32 {
      %mul3A_1832 = arith.constant 1 : i32
      %mul3A_1833 = arith.muli %scan3A_1831, %mul3A_1832 : i32
      %add3A_1834 = arith.constant 0 : i32
      %add3A_1835 = arith.addi %add3A_1834, %mul3A_1833 : i32
      %mul3A_1836 = arith.constant 128 : i32
      %mul3A_1837 = arith.muli %add3A_1835, %mul3A_1836 : i32
      %add3A_1838 = arith.constant 0 : i32
      %add3A_1839 = arith.addi %mul3A_1837, %add3A_1838 : i32
      %get3A_1840 = arith.constant 1 : i32
      %get3A_1841 = arith.constant 0 : i32
      %get3A_1842 = arith.index_cast %get3A_1840 : i32 to index
      %get3A_1843 = arith.index_cast %get3A_1841 : i32 to index
      %get3A_1844 = arith.index_cast %add3A_1839 : i32 to index
      %get3A_1845 = tpu.vector_load %arg8[%get3A_1842, %get3A_1843, %get3A_1844] {strides = array<i32>} : memref<2x2x4096xi32, #tpu.memory_space<vmem>>, vector<16xi32>,
      %get3A_1846 = arith.constant 1 : i32
      %get3A_1847 = arith.constant 1 : i32
      %get3A_1848 = arith.index_cast %get3A_1846 : i32 to index
      %get3A_1849 = arith.index_cast %get3A_1847 : i32 to index
      %get3A_1850 = arith.index_cast %add3A_1839 : i32 to index
      %get3A_1851 = tpu.vector_load %arg8[%get3A_1848, %get3A_1849, %get3A_1850] {strides = array<i32>} : memref<2x2x4096xi32, #tpu.memory_space<vmem>>, vector<16xi32>,
      %gather3A = tpu.vector_load_idx %arg7[%get3A_1845] : memref<100000xf32, #tpu.memory_space<vmem>>[vector<16xi32>], vector<16xf32>,
      %gather3A_1852 = tpu.vector_load_idx %arg7[%get3A_1851] : memref<100000xf32, #tpu.memory_space<vmem>>[vector<16xi32>], vector<16xf32>,
      %mul3A_1853 = arith.mulf %gather3A, %gather3A_1852 : vector<16xf32>
      %swap3A_1854 = arith.constant 1 : i32
      %swap3A_1855 = arith.index_cast %swap3A_1854 : i32 to index
      %swap3A_1856 = arith.index_cast %add3A_1835 : i32 to index
      %swap3A_1857 = arith.constant 0 : index
      %swap3A_1858 = tpu.vector_load %arg9[%swap3A_1855, %swap3A_1856, %swap3A_1857] {strides = array<i32>} : memref<2x32x128xf32, #tpu.memory_space<vmem>>, vector<16xf32>,
      tpu.vector_store %arg9[%swap3A_1855, %swap3A_1856, %swap3A_1857], %mul3A_1853 {strides = array<i32>} : memref<2x32x128xf32, #tpu.memory_space<vmem>>, vector<16xf32>,
      %add3A_1859 = arith.constant 16 : i32
      %add3A_1860 = arith.addi %mul3A_1837, %add3A_1859 : i32
      %get3A_1861 = arith.constant 1 : i32
      %get3A_1862 = arith.constant 0 : i32
      %get3A_1863 = arith.index_cast %get3A_1861 : i32 to index
      %get3A_1864 = arith.index_cast %get3A_1862 : i32 to index
      %get3A_1865 = arith.index_cast %add3A_1860 : i32 to index
      %get3A_1866 = tpu.vector_load %arg8[%get3A_1863, %get3A_1864, %get3A_1865] {strides = array<i32>} : memref<2x2x4096xi32, #tpu.memory_space<vmem>>, vector<16xi32>,
      %get3A_1867 = arith.constant 1 : i32
      %get3A_1868 = arith.constant 1 : i32
      %get3A_1869 = arith.index_cast %get3A_1867 : i32 to index
      %get3A_1870 = arith.index_cast %get3A_1868 : i32 to index
      %get3A_1871 = arith.index_cast %add3A_1860 : i32 to index
      %get3A_1872 = tpu.vector_load %arg8[%get3A_1869, %get3A_1870, %get3A_1871] {strides = array<i32>} : memref<2x2x4096xi32, #tpu.memory_space<vmem>>, vector<16xi32>,
      %gather3A_1873 = tpu.vector_load_idx %arg7[%get3A_1866] : memref<100000xf32, #tpu.memory_space<vmem>>[vector<16xi32>], vector<16xf32>,
      %gather3A_1874 = tpu.vector_load_idx %arg7[%get3A_1872] : memref<100000xf32, #tpu.memory_space<vmem>>[vector<16xi32>], vector<16xf32>,
      %mul3A_1875 = arith.mulf %gather3A_1873, %gather3A_1874 : vector<16xf32>
      %swap3A_1876 = arith.constant 1 : i32
      %swap3A_1877 = arith.index_cast %swap3A_1876 : i32 to index
      %swap3A_1878 = arith.index_cast %add3A_1835 : i32 to index
      %swap3A_1879 = arith.constant 16 : index
      %swap3A_1880 = tpu.vector_load %arg9[%swap3A_1877, %swap3A_1878, %swap3A_1879] {strides = array<i32>} : memref<2x32x128xf32, #tpu.memory_space<vmem>>, vector<16xf32>,
      tpu.vector_store %arg9[%swap3A_1877, %swap3A_1878, %swap3A_1879], %mul3A_1875 {strides = array<i32>} : memref<2x32x128xf32, #tpu.memory_space<vmem>>, vector<16xf32>,
      %add3A_1881 = arith.constant 32 : i32
      %add3A_1882 = arith.addi %mul3A_1837, %add3A_1881 : i32
      %get3A_1883 = arith.constant 1 : i32
      %get3A_1884 = arith.constant 0 : i32
      %get3A_1885 = arith.index_cast %get3A_1883 : i32 to index
      %get3A_1886 = arith.index_cast %get3A_1884 : i32 to index
      %get3A_1887 = arith.index_cast %add3A_1882 : i32 to index
      %get3A_1888 = tpu.vector_load %arg8[%get3A_1885, %get3A_1886, %get3A_1887] {strides = array<i32>} : memref<2x2x4096xi32, #tpu.memory_space<vmem>>, vector<16xi32>,
      %get3A_1889 = arith.constant 1 : i32
      %get3A_1890 = arith.constant 1 : i32
      %get3A_1891 = arith.index_cast %get3A_1889 : i32 to index
      %get3A_1892 = arith.index_cast %get3A_1890 : i32 to index
      %get3A_1893 = arith.index_cast %add3A_1882 : i32 to index
      %get3A_1894 = tpu.vector_load %arg8[%get3A_1891, %get3A_1892, %get3A_1893] {strides = array<i32>} : memref<2x2x4096xi32, #tpu.memory_space<vmem>>, vector<16xi32>,
      %gather3A_1895 = tpu.vector_load_idx %arg7[%get3A_1888] : memref<100000xf32, #tpu.memory_space<vmem>>[vector<16xi32>], vector<16xf32>,
      %gather3A_1896 = tpu.vector_load_idx %arg7[%get3A_1894] : memref<100000xf32, #tpu.memory_space<vmem>>[vector<16xi32>], vector<16xf32>,
      %mul3A_1897 = arith.mulf %gather3A_1895, %gather3A_1896 : vector<16xf32>
      %swap3A_1898 = arith.constant 1 : i32
      %swap3A_1899 = arith.index_cast %swap3A_1898 : i32 to index
      %swap3A_1900 = arith.index_cast %add3A_1835 : i32 to index
      %swap3A_1901 = arith.constant 32 : index
      %swap3A_1902 = tpu.vector_load %arg9[%swap3A_1899, %swap3A_1900, %swap3A_1901] {strides = array<i32>} : memref<2x32x128xf32, #tpu.memory_space<vmem>>, vector<16xf32>,
      tpu.vector_store %arg9[%swap3A_1899, %swap3A_1900, %swap3A_1901], %mul3A_1897 {strides = array<i32>} : memref<2x32x128xf32, #tpu.memory_space<vmem>>, vector<16xf32>,
      %add3A_1903 = arith.constant 48 : i32
      %add3A_1904 = arith.addi %mul3A_1837, %add3A_1903 : i32
      %get3A_1905 = arith.constant 1 : i32
      %get3A_1906 = arith.constant 0 : i32
      %get3A_1907 = arith.index_cast %get3A_1905 : i32 to index
      %get3A_1908 = arith.index_cast %get3A_1906 : i32 to index
      %get3A_1909 = arith.index_cast %add3A_1904 : i32 to index
      %get3A_1910 = tpu.vector_load %arg8[%get3A_1907, %get3A_1908, %get3A_1909] {strides = array<i32>} : memref<2x2x4096xi32, #tpu.memory_space<vmem>>, vector<16xi32>,
      %get3A_1911 = arith.constant 1 : i32
      %get3A_1912 = arith.constant 1 : i32
      %get3A_1913 = arith.index_cast %get3A_1911 : i32 to index
      %get3A_1914 = arith.index_cast %get3A_1912 : i32 to index
      %get3A_1915 = arith.index_cast %add3A_1904 : i32 to index
      %get3A_1916 = tpu.vector_load %arg8[%get3A_1913, %get3A_1914, %get3A_1915] {strides = array<i32>} : memref<2x2x4096xi32, #tpu.memory_space<vmem>>, vector<16xi32>,
      %gather3A_1917 = tpu.vector_load_idx %arg7[%get3A_1910] : memref<100000xf32, #tpu.memory_space<vmem>>[vector<16xi32>], vector<16xf32>,
      %gather3A_1918 = tpu.vector_load_idx %arg7[%get3A_1916] : memref<100000xf32, #tpu.memory_space<vmem>>[vector<16xi32>], vector<16xf32>,
      %mul3A_1919 = arith.mulf %gather3A_1917, %gather3A_1918 : vector<16xf32>
      %swap3A_1920 = arith.constant 1 : i32
      %swap3A_1921 = arith.index_cast %swap3A_1920 : i32 to index
      %swap3A_1922 = arith.index_cast %add3A_1835 : i32 to index
      %swap3A_1923 = arith.constant 48 : index
      %swap3A_1924 = tpu.vector_load %arg9[%swap3A_1921, %swap3A_1922, %swap3A_1923] {strides = array<i32>} : memref<2x32x128xf32, #tpu.memory_space<vmem>>, vector<16xf32>,
      tpu.vector_store %arg9[%swap3A_1921, %swap3A_1922, %swap3A_1923], %mul3A_1919 {strides = array<i32>} : memref<2x32x128xf32, #tpu.memory_space<vmem>>, vector<16xf32>,
      %add3A_1925 = arith.constant 64 : i32
      %add3A_1926 = arith.addi %mul3A_1837, %add3A_1925 : i32
      %get3A_1927 = arith.constant 1 : i32
      %get3A_1928 = arith.constant 0 : i32
      %get3A_1929 = arith.index_cast %get3A_1927 : i32 to index
      %get3A_1930 = arith.index_cast %get3A_1928 : i32 to index
      %get3A_1931 = arith.index_cast %add3A_1926 : i32 to index
      %get3A_1932 = tpu.vector_load %arg8[%get3A_1929, %get3A_1930, %get3A_1931] {strides = array<i32>} : memref<2x2x4096xi32, #tpu.memory_space<vmem>>, vector<16xi32>,
      %get3A_1933 = arith.constant 1 : i32
      %get3A_1934 = arith.constant 1 : i32
      %get3A_1935 = arith.index_cast %get3A_1933 : i32 to index
      %get3A_1936 = arith.index_cast %get3A_1934 : i32 to index
      %get3A_1937 = arith.index_cast %add3A_1926 : i32 to index
      %get3A_1938 = tpu.vector_load %arg8[%get3A_1935, %get3A_1936, %get3A_1937] {strides = array<i32>} : memref<2x2x4096xi32, #tpu.memory_space<vmem>>, vector<16xi32>,
      %gather3A_1939 = tpu.vector_load_idx %arg7[%get3A_1932] : memref<100000xf32, #tpu.memory_space<vmem>>[vector<16xi32>], vector<16xf32>,
      %gather3A_1940 = tpu.vector_load_idx %arg7[%get3A_1938] : memref<100000xf32, #tpu.memory_space<vmem>>[vector<16xi32>], vector<16xf32>,
      %mul3A_1941 = arith.mulf %gather3A_1939, %gather3A_1940 : vector<16xf32>
      %swap3A_1942 = arith.constant 1 : i32
      %swap3A_1943 = arith.index_cast %swap3A_1942 : i32 to index
      %swap3A_1944 = arith.index_cast %add3A_1835 : i32 to index
      %swap3A_1945 = arith.constant 64 : index
      %swap3A_1946 = tpu.vector_load %arg9[%swap3A_1943, %swap3A_1944, %swap3A_1945] {strides = array<i32>} : memref<2x32x128xf32, #tpu.memory_space<vmem>>, vector<16xf32>,
      tpu.vector_store %arg9[%swap3A_1943, %swap3A_1944, %swap3A_1945], %mul3A_1941 {strides = array<i32>} : memref<2x32x128xf32, #tpu.memory_space<vmem>>, vector<16xf32>,
      %add3A_1947 = arith.constant 80 : i32
      %add3A_1948 = arith.addi %mul3A_1837, %add3A_1947 : i32
      %get3A_1949 = arith.constant 1 : i32
      %get3A_1950 = arith.constant 0 : i32
      %get3A_1951 = arith.index_cast %get3A_1949 : i32 to index
      %get3A_1952 = arith.index_cast %get3A_1950 : i32 to index
      %get3A_1953 = arith.index_cast %add3A_1948 : i32 to index
      %get3A_1954 = tpu.vector_load %arg8[%get3A_1951, %get3A_1952, %get3A_1953] {strides = array<i32>} : memref<2x2x4096xi32, #tpu.memory_space<vmem>>, vector<16xi32>,
      %get3A_1955 = arith.constant 1 : i32
      %get3A_1956 = arith.constant 1 : i32
      %get3A_1957 = arith.index_cast %get3A_1955 : i32 to index
      %get3A_1958 = arith.index_cast %get3A_1956 : i32 to index
      %get3A_1959 = arith.index_cast %add3A_1948 : i32 to index
      %get3A_1960 = tpu.vector_load %arg8[%get3A_1957, %get3A_1958, %get3A_1959] {strides = array<i32>} : memref<2x2x4096xi32, #tpu.memory_space<vmem>>, vector<16xi32>,
      %gather3A_1961 = tpu.vector_load_idx %arg7[%get3A_1954] : memref<100000xf32, #tpu.memory_space<vmem>>[vector<16xi32>], vector<16xf32>,
      %gather3A_1962 = tpu.vector_load_idx %arg7[%get3A_1960] : memref<100000xf32, #tpu.memory_space<vmem>>[vector<16xi32>], vector<16xf32>,
      %mul3A_1963 = arith.mulf %gather3A_1961, %gather3A_1962 : vector<16xf32>
      %swap3A_1964 = arith.constant 1 : i32
      %swap3A_1965 = arith.index_cast %swap3A_1964 : i32 to index
      %swap3A_1966 = arith.index_cast %add3A_1835 : i32 to index
      %swap3A_1967 = arith.constant 80 : index
      %swap3A_1968 = tpu.vector_load %arg9[%swap3A_1965, %swap3A_1966, %swap3A_1967] {strides = array<i32>} : memref<2x32x128xf32, #tpu.memory_space<vmem>>, vector<16xf32>,
      tpu.vector_store %arg9[%swap3A_1965, %swap3A_1966, %swap3A_1967], %mul3A_1963 {strides = array<i32>} : memref<2x32x128xf32, #tpu.memory_space<vmem>>, vector<16xf32>,
      %add3A_1969 = arith.constant 96 : i32
      %add3A_1970 = arith.addi %mul3A_1837, %add3A_1969 : i32
      %get3A_1971 = arith.constant 1 : i32
      %get3A_1972 = arith.constant 0 : i32
      %get3A_1973 = arith.index_cast %get3A_1971 : i32 to index
      %get3A_1974 = arith.index_cast %get3A_1972 : i32 to index
      %get3A_1975 = arith.index_cast %add3A_1970 : i32 to index
      %get3A_1976 = tpu.vector_load %arg8[%get3A_1973, %get3A_1974, %get3A_1975] {strides = array<i32>} : memref<2x2x4096xi32, #tpu.memory_space<vmem>>, vector<16xi32>,
      %get3A_1977 = arith.constant 1 : i32
      %get3A_1978 = arith.constant 1 : i32
      %get3A_1979 = arith.index_cast %get3A_1977 : i32 to index
      %get3A_1980 = arith.index_cast %get3A_1978 : i32 to index
      %get3A_1981 = arith.index_cast %add3A_1970 : i32 to index
      %get3A_1982 = tpu.vector_load %arg8[%get3A_1979, %get3A_1980, %get3A_1981] {strides = array<i32>} : memref<2x2x4096xi32, #tpu.memory_space<vmem>>, vector<16xi32>,
      %gather3A_1983 = tpu.vector_load_idx %arg7[%get3A_1976] : memref<100000xf32, #tpu.memory_space<vmem>>[vector<16xi32>], vector<16xf32>,
      %gather3A_1984 = tpu.vector_load_idx %arg7[%get3A_1982] : memref<100000xf32, #tpu.memory_space<vmem>>[vector<16xi32>], vector<16xf32>,
      %mul3A_1985 = arith.mulf %gather3A_1983, %gather3A_1984 : vector<16xf32>
      %swap3A_1986 = arith.constant 1 : i32
      %swap3A_1987 = arith.index_cast %swap3A_1986 : i32 to index
      %swap3A_1988 = arith.index_cast %add3A_1835 : i32 to index
      %swap3A_1989 = arith.constant 96 : index
      %swap3A_1990 = tpu.vector_load %arg9[%swap3A_1987, %swap3A_1988, %swap3A_1989] {strides = array<i32>} : memref<2x32x128xf32, #tpu.memory_space<vmem>>, vector<16xf32>,
      tpu.vector_store %arg9[%swap3A_1987, %swap3A_1988, %swap3A_1989], %mul3A_1985 {strides = array<i32>} : memref<2x32x128xf32, #tpu.memory_space<vmem>>, vector<16xf32>,
      %add3A_1991 = arith.constant 112 : i32
      %add3A_1992 = arith.addi %mul3A_1837, %add3A_1991 : i32
      %get3A_1993 = arith.constant 1 : i32
      %get3A_1994 = arith.constant 0 : i32
      %get3A_1995 = arith.index_cast %get3A_1993 : i32 to index
      %get3A_1996 = arith.index_cast %get3A_1994 : i32 to index
      %get3A_1997 = arith.index_cast %add3A_1992 : i32 to index
      %get3A_1998 = tpu.vector_load %arg8[%get3A_1995, %get3A_1996, %get3A_1997] {strides = array<i32>} : memref<2x2x4096xi32, #tpu.memory_space<vmem>>, vector<16xi32>,
      %get3A_1999 = arith.constant 1 : i32
      %get3A_2000 = arith.constant 1 : i32
      %get3A_2001 = arith.index_cast %get3A_1999 : i32 to index
      %get3A_2002 = arith.index_cast %get3A_2000 : i32 to index
      %get3A_2003 = arith.index_cast %add3A_1992 : i32 to index
      %get3A_2004 = tpu.vector_load %arg8[%get3A_2001, %get3A_2002, %get3A_2003] {strides = array<i32>} : memref<2x2x4096xi32, #tpu.memory_space<vmem>>, vector<16xi32>,
      %gather3A_2005 = tpu.vector_load_idx %arg7[%get3A_1998] : memref<100000xf32, #tpu.memory_space<vmem>>[vector<16xi32>], vector<16xf32>,
      %gather3A_2006 = tpu.vector_load_idx %arg7[%get3A_2004] : memref<100000xf32, #tpu.memory_space<vmem>>[vector<16xi32>], vector<16xf32>,
      %mul3A_2007 = arith.mulf %gather3A_2005, %gather3A_2006 : vector<16xf32>
      %swap3A_2008 = arith.constant 1 : i32
      %swap3A_2009 = arith.index_cast %swap3A_2008 : i32 to index
      %swap3A_2010 = arith.index_cast %add3A_1835 : i32 to index
      %swap3A_2011 = arith.constant 112 : index
      %swap3A_2012 = tpu.vector_load %arg9[%swap3A_2009, %swap3A_2010, %swap3A_2011] {strides = array<i32>} : memref<2x32x128xf32, #tpu.memory_space<vmem>>, vector<16xf32>,
      tpu.vector_store %arg9[%swap3A_2009, %swap3A_2010, %swap3A_2011], %mul3A_2007 {strides = array<i32>} : memref<2x32x128xf32, #tpu.memory_space<vmem>>, vector<16xf32>,
    }
    %scan3A_1040 = arith.constant 32 : i32
    %dma_start3A_1041 = arith.constant 1 : i32
    %dma_start3A_1042 = arith.constant 3 : i32
    %dma_start3A_1043 = arith.constant 0 : i32
    %dma_start3A_1044 = arith.constant 0 : i32
    %dma_start3A_1045 = tpu.memref_slice %arg9[%dma_start3A_1041, %dma_start3A_1043, %dma_start3A_1044] : memref<2x32x128xf32, #tpu.memory_space<vmem>> -> memref<1x32x128xf32, #tpu.memory_space<vmem>>
    %dma_start3A_1046 = tpu.memref_squeeze %dma_start3A_1045 : memref<1x32x128xf32, #tpu.memory_space<vmem>> -> memref<32x128xf32, #tpu.memory_space<vmem>>
    %dma_start3A_1047 = arith.constant 0 : i32
    %dma_start3A_1048 = tpu.memref_slice %arg10[%dma_start3A_1042, %dma_start3A_1047] : memref<4x32xi32, #tpu.memory_space<vmem>> -> memref<1x32xi32, #tpu.memory_space<vmem>>
    %dma_start3A_1049 = tpu.memref_squeeze %dma_start3A_1048 : memref<1x32xi32, #tpu.memory_space<vmem>> -> memref<32xi32, #tpu.memory_space<vmem>>
    %dma_start3A_1050 = arith.constant 0 : i32
    %dma_start3A_1051 = arith.constant 0 : i32
    %dma_start3A_1052 = tpu.memref_slice %arg21[%dma_start3A_1050, %dma_start3A_1051] : memref<128x128xf32, #tpu.memory_space<vmem_shared>> -> memref<128x128xf32, #tpu.memory_space<vmem_shared>>
    tpu.enqueue_indirect_dma source(%dma_start3A_1046 : memref<32x128xf32, #tpu.memory_space<vmem>>) target(%dma_start3A_1052 : memref<128x128xf32, #tpu.memory_space<vmem_shared>>) offsets(%dma_start3A_1049 : memref<32xi32, #tpu.memory_space<vmem>>) semaphore(%arg19 : memref<!tpu.dma_semaphore, #tpu.memory_space<semaphore_mem>>) {add = true}
    %dma_wait3A_1053 = arith.constant 0 : i32
    %dma_wait3A_1054 = arith.constant 2 : i32
    %dma_wait3A_1055 = arith.constant 0 : i32
    %dma_wait3A_1056 = arith.constant 0 : i32
    %dma_wait3A_1057 = tpu.memref_slice %arg9[%dma_wait3A_1053, %dma_wait3A_1055, %dma_wait3A_1056] : memref<2x32x128xf32, #tpu.memory_space<vmem>> -> memref<1x32x128xf32, #tpu.memory_space<vmem>>
    %dma_wait3A_1058 = tpu.memref_squeeze %dma_wait3A_1057 : memref<1x32x128xf32, #tpu.memory_space<vmem>> -> memref<32x128xf32, #tpu.memory_space<vmem>>
    %dma_wait3A_1059 = arith.constant 0 : i32
    %dma_wait3A_1060 = tpu.memref_slice %arg10[%dma_wait3A_1054, %dma_wait3A_1059] : memref<4x32xi32, #tpu.memory_space<vmem>> -> memref<1x32xi32, #tpu.memory_space<vmem>>
    %dma_wait3A_1061 = tpu.memref_squeeze %dma_wait3A_1060 : memref<1x32xi32, #tpu.memory_space<vmem>> -> memref<32xi32, #tpu.memory_space<vmem>>
    %dma_wait3A_1062 = arith.constant 0 : i32
    %dma_wait3A_1063 = arith.constant 0 : i32
    %dma_wait3A_1064 = tpu.memref_slice %arg21[%dma_wait3A_1062, %dma_wait3A_1063] : memref<128x128xf32, #tpu.memory_space<vmem_shared>> -> memref<128x128xf32, #tpu.memory_space<vmem_shared>>
    tpu.wait_indirect_dma semaphore(%arg18 : memref<!tpu.dma_semaphore, #tpu.memory_space<semaphore_mem>>) src(%dma_wait3A_1058 : memref<32x128xf32, #tpu.memory_space<vmem>>) dst(%dma_wait3A_1064 : memref<128x128xf32, #tpu.memory_space<vmem_shared>>)
    %dma_wait3A_1065 = arith.constant 1 : i32
    %dma_wait3A_1066 = arith.constant 3 : i32
    %dma_wait3A_1067 = arith.constant 0 : i32
    %dma_wait3A_1068 = arith.constant 0 : i32
    %dma_wait3A_1069 = tpu.memref_slice %arg9[%dma_wait3A_1065, %dma_wait3A_1067, %dma_wait3A_1068] : memref<2x32x128xf32, #tpu.memory_space<vmem>> -> memref<1x32x128xf32, #tpu.memory_space<vmem>>
    %dma_wait3A_1070 = tpu.memref_squeeze %dma_wait3A_1069 : memref<1x32x128xf32, #tpu.memory_space<vmem>> -> memref<32x128xf32, #tpu.memory_space<vmem>>
    %dma_wait3A_1071 = arith.constant 0 : i32
    %dma_wait3A_1072 = tpu.memref_slice %arg10[%dma_wait3A_1066, %dma_wait3A_1071] : memref<4x32xi32, #tpu.memory_space<vmem>> -> memref<1x32xi32, #tpu.memory_space<vmem>>
    %dma_wait3A_1073 = tpu.memref_squeeze %dma_wait3A_1072 : memref<1x32xi32, #tpu.memory_space<vmem>> -> memref<32xi32, #tpu.memory_space<vmem>>
    %dma_wait3A_1074 = arith.constant 0 : i32
    %dma_wait3A_1075 = arith.constant 0 : i32
    %dma_wait3A_1076 = tpu.memref_slice %arg21[%dma_wait3A_1074, %dma_wait3A_1075] : memref<128x128xf32, #tpu.memory_space<vmem_shared>> -> memref<128x128xf32, #tpu.memory_space<vmem_shared>>
    tpu.wait_indirect_dma semaphore(%arg19 : memref<!tpu.dma_semaphore, #tpu.memory_space<semaphore_mem>>) src(%dma_wait3A_1070 : memref<32x128xf32, #tpu.memory_space<vmem>>) dst(%dma_wait3A_1076 : memref<128x128xf32, #tpu.memory_space<vmem_shared>>)
    %barrier3A_1077 = arith.constant 0 : index
    tpu.barrier barrier_id(%barrier3A_1077)
    %mul3A_1078 = arith.constant 8 : i32
    %mul3A_1079 = arith.muli %arg1, %mul3A_1078 : i32
    %mul3A_1080 = arith.constant 8 : i32
    %mul3A_1081 = arith.muli %arg1, %mul3A_1080 : i32
    "tpu.region"() ({
      %run_scoped3A = tpu.sem_alloc : memref<!tpu.dma_semaphore, #tpu.memory_space<semaphore_mem>>
      %dma_start3A_1831 = arith.constant 0 : i32
      %dma_start3A_1832 = tpu.memref_slice %arg5[%arg0, %mul3A_1081, %dma_start3A_1831] : memref<2x128x128xf32, #tpu.memory_space<hbm>> -> memref<1x8x128xf32, #tpu.memory_space<hbm>>
      %dma_start3A_1833 = tpu.memref_squeeze %dma_start3A_1832 : memref<1x8x128xf32, #tpu.memory_space<hbm>> -> memref<8x128xf32, #tpu.memory_space<hbm>>
      %dma_start3A_1834 = arith.constant 0 : i32
      %dma_start3A_1835 = tpu.memref_slice %arg21[%mul3A_1079, %dma_start3A_1834] : memref<128x128xf32, #tpu.memory_space<vmem_shared>> -> memref<8x128xf32, #tpu.memory_space<vmem_shared>>
      tpu.enqueue_dma source(%dma_start3A_1835 : memref<8x128xf32, #tpu.memory_space<vmem_shared>>) target(%dma_start3A_1833 : memref<8x128xf32, #tpu.memory_space<hbm>>) target_semaphore(%run_scoped3A : memref<!tpu.dma_semaphore, #tpu.memory_space<semaphore_mem>>)
      %dma_wait3A_1836 = arith.constant 0 : i32
      %dma_wait3A_1837 = tpu.memref_slice %arg5[%arg0, %mul3A_1081, %dma_wait3A_1836] : memref<2x128x128xf32, #tpu.memory_space<hbm>> -> memref<1x8x128xf32, #tpu.memory_space<hbm>>
      %dma_wait3A_1838 = tpu.memref_squeeze %dma_wait3A_1837 : memref<1x8x128xf32, #tpu.memory_space<hbm>> -> memref<8x128xf32, #tpu.memory_space<hbm>>
      %dma_wait3A_1839 = arith.constant 0 : i32
      %dma_wait3A_1840 = tpu.memref_slice %arg21[%mul3A_1079, %dma_wait3A_1839] : memref<128x128xf32, #tpu.memory_space<vmem_shared>> -> memref<8x128xf32, #tpu.memory_space<vmem_shared>>
      tpu.wait_dma2 semaphore(%run_scoped3A : memref<!tpu.dma_semaphore, #tpu.memory_space<semaphore_mem>>) src(%dma_wait3A_1840 : memref<8x128xf32, #tpu.memory_space<vmem_shared>>) dst(%dma_wait3A_1838 : memref<8x128xf32, #tpu.memory_space<hbm>>)
      tpu.yield
    }) : () -> ()
    %barrier3A_1082 = arith.constant 0 : index
    tpu.barrier barrier_id(%barrier3A_1082)
    %eq3A_1083 = arith.constant 0 : i32
    %eq3A_1084 = arith.cmpi eq, %arg1, %eq3A_1083 : i32
    %convert_element_type3A_1085 = arith.extui %eq3A_1084 : i1 to i32
    %cond3A_1086 = arith.constant 0 : i32
    %cond3A_1087 = arith.cmpi ne, %convert_element_type3A_1085, %cond3A_1086 : i32
    scf.if %cond3A_1087 {
      %broadcast_in_dim3A_1831 = arith.constant 1 : i32
      %broadcast_in_dim3A_1832 = vector.broadcast %broadcast_in_dim3A_1831 : i32 to vector<16xi32>
      %swap3A_1833 = arith.constant 0 : index
      %swap3A_1834 = tpu.vector_load %arg13[%swap3A_1833] {strides = array<i32>} : memref<128xi32, #tpu.memory_space<vmem>>, vector<16xi32>,
      tpu.vector_store %arg13[%swap3A_1833], %broadcast_in_dim3A_1832 {strides = array<i32>} : memref<128xi32, #tpu.memory_space<vmem>>, vector<16xi32>,
      %swap3A_1835 = arith.constant 16 : index
      %swap3A_1836 = tpu.vector_load %arg13[%swap3A_1835] {strides = array<i32>} : memref<128xi32, #tpu.memory_space<vmem>>, vector<16xi32>,
      tpu.vector_store %arg13[%swap3A_1835], %broadcast_in_dim3A_1832 {strides = array<i32>} : memref<128xi32, #tpu.memory_space<vmem>>, vector<16xi32>,
      %swap3A_1837 = arith.constant 32 : index
      %swap3A_1838 = tpu.vector_load %arg13[%swap3A_1837] {strides = array<i32>} : memref<128xi32, #tpu.memory_space<vmem>>, vector<16xi32>,
      tpu.vector_store %arg13[%swap3A_1837], %broadcast_in_dim3A_1832 {strides = array<i32>} : memref<128xi32, #tpu.memory_space<vmem>>, vector<16xi32>,
      %swap3A_1839 = arith.constant 48 : index
      %swap3A_1840 = tpu.vector_load %arg13[%swap3A_1839] {strides = array<i32>} : memref<128xi32, #tpu.memory_space<vmem>>, vector<16xi32>,
      tpu.vector_store %arg13[%swap3A_1839], %broadcast_in_dim3A_1832 {strides = array<i32>} : memref<128xi32, #tpu.memory_space<vmem>>, vector<16xi32>,
      %swap3A_1841 = arith.constant 64 : index
      %swap3A_1842 = tpu.vector_load %arg13[%swap3A_1841] {strides = array<i32>} : memref<128xi32, #tpu.memory_space<vmem>>, vector<16xi32>,
      tpu.vector_store %arg13[%swap3A_1841], %broadcast_in_dim3A_1832 {strides = array<i32>} : memref<128xi32, #tpu.memory_space<vmem>>, vector<16xi32>,
      %swap3A_1843 = arith.constant 80 : index
      %swap3A_1844 = tpu.vector_load %arg13[%swap3A_1843] {strides = array<i32>} : memref<128xi32, #tpu.memory_space<vmem>>, vector<16xi32>,
      tpu.vector_store %arg13[%swap3A_1843], %broadcast_in_dim3A_1832 {strides = array<i32>} : memref<128xi32, #tpu.memory_space<vmem>>, vector<16xi32>,
      %swap3A_1845 = arith.constant 96 : index
      %swap3A_1846 = tpu.vector_load %arg13[%swap3A_1845] {strides = array<i32>} : memref<128xi32, #tpu.memory_space<vmem>>, vector<16xi32>,
      tpu.vector_store %arg13[%swap3A_1845], %broadcast_in_dim3A_1832 {strides = array<i32>} : memref<128xi32, #tpu.memory_space<vmem>>, vector<16xi32>,
      %swap3A_1847 = arith.constant 112 : index
      %swap3A_1848 = tpu.vector_load %arg13[%swap3A_1847] {strides = array<i32>} : memref<128xi32, #tpu.memory_space<vmem>>, vector<16xi32>,
      tpu.vector_store %arg13[%swap3A_1847], %broadcast_in_dim3A_1832 {strides = array<i32>} : memref<128xi32, #tpu.memory_space<vmem>>, vector<16xi32>,
      "tpu.region"() ({
        %run_scoped3A = tpu.sem_alloc : memref<!tpu.dma_semaphore, #tpu.memory_space<semaphore_mem>>
        %dma_start3A_1850 = arith.constant 0 : i32
        %dma_start3A_1851 = tpu.memref_slice %arg6[%arg0, %dma_start3A_1850] : memref<2x128xi32, #tpu.memory_space<hbm>> -> memref<1x128xi32, #tpu.memory_space<hbm>>
        %dma_start3A_1852 = tpu.memref_squeeze %dma_start3A_1851 : memref<1x128xi32, #tpu.memory_space<hbm>> -> memref<128xi32, #tpu.memory_space<hbm>>
        %dma_start3A_1853 = arith.constant 0 : i32
        %dma_start3A_1854 = tpu.memref_slice %arg6[%arg0, %dma_start3A_1853] : memref<2x128xi32, #tpu.memory_space<hbm>> -> memref<1x128xi32, #tpu.memory_space<hbm>>
        %dma_start3A_1855 = tpu.memref_squeeze %dma_start3A_1854 : memref<1x128xi32, #tpu.memory_space<hbm>> -> memref<128xi32, #tpu.memory_space<hbm>>
        tpu.enqueue_dma source(%arg13 : memref<128xi32, #tpu.memory_space<vmem>>) target(%dma_start3A_1855 : memref<128xi32, #tpu.memory_space<hbm>>) target_semaphore(%run_scoped3A : memref<!tpu.dma_semaphore, #tpu.memory_space<semaphore_mem>>)
        %dma_wait3A_1856 = arith.constant 0 : i32
        %dma_wait3A_1857 = tpu.memref_slice %arg6[%arg0, %dma_wait3A_1856] : memref<2x128xi32, #tpu.memory_space<hbm>> -> memref<1x128xi32, #tpu.memory_space<hbm>>
        %dma_wait3A_1858 = tpu.memref_squeeze %dma_wait3A_1857 : memref<1x128xi32, #tpu.memory_space<hbm>> -> memref<128xi32, #tpu.memory_space<hbm>>
        %dma_wait3A_1859 = arith.constant 0 : i32
        %dma_wait3A_1860 = tpu.memref_slice %arg6[%arg0, %dma_wait3A_1859] : memref<2x128xi32, #tpu.memory_space<hbm>> -> memref<1x128xi32, #tpu.memory_space<hbm>>
        %dma_wait3A_1861 = tpu.memref_squeeze %dma_wait3A_1860 : memref<1x128xi32, #tpu.memory_space<hbm>> -> memref<128xi32, #tpu.memory_space<hbm>>
        tpu.wait_dma2 semaphore(%run_scoped3A : memref<!tpu.dma_semaphore, #tpu.memory_space<semaphore_mem>>) src(%arg13 : memref<128xi32, #tpu.memory_space<vmem>>) dst(%dma_wait3A_1861 : memref<128xi32, #tpu.memory_space<hbm>>)
        tpu.yield
      }) : () -> ()
      %while3A = arith.constant 0 : i32
      %while3A_1849 = scf.while (%while3A_1850 = %while3A) : (i32) -> i32 {
        %eq3A_1851 = arith.constant 0 : i32
        %eq3A_1852 = arith.cmpi eq, %while3A_1850, %eq3A_1851 : i32
        scf.condition(%eq3A_1852) %while3A_1850 : i32
      } do {
      ^bb0(%while3A_1850: i32):
        %sub3A_1851 = arith.constant 1 : i32
        %sub3A_1852 = arith.subi %sub3A_1851, %arg0 : i32
        "tpu.region"() ({
          %run_scoped3A = tpu.sem_alloc : memref<!tpu.dma_semaphore, #tpu.memory_space<semaphore_mem>>
          %dma_start3A_1855 = arith.constant 0 : i32
          %dma_start3A_1856 = tpu.memref_slice %arg6[%sub3A_1852, %dma_start3A_1855] : memref<2x128xi32, #tpu.memory_space<hbm>> -> memref<1x128xi32, #tpu.memory_space<hbm>>
          %dma_start3A_1857 = tpu.memref_squeeze %dma_start3A_1856 : memref<1x128xi32, #tpu.memory_space<hbm>> -> memref<128xi32, #tpu.memory_space<hbm>>
          %dma_start3A_1858 = arith.constant 0 : i32
          %dma_start3A_1859 = tpu.memref_slice %arg6[%sub3A_1852, %dma_start3A_1858] : memref<2x128xi32, #tpu.memory_space<hbm>> -> memref<1x128xi32, #tpu.memory_space<hbm>>
          %dma_start3A_1860 = tpu.memref_squeeze %dma_start3A_1859 : memref<1x128xi32, #tpu.memory_space<hbm>> -> memref<128xi32, #tpu.memory_space<hbm>>
          tpu.enqueue_dma source(%dma_start3A_1860 : memref<128xi32, #tpu.memory_space<hbm>>) target(%arg13 : memref<128xi32, #tpu.memory_space<vmem>>) target_semaphore(%run_scoped3A : memref<!tpu.dma_semaphore, #tpu.memory_space<semaphore_mem>>)
          %dma_wait3A_1861 = arith.constant 0 : i32
          %dma_wait3A_1862 = tpu.memref_slice %arg6[%sub3A_1852, %dma_wait3A_1861] : memref<2x128xi32, #tpu.memory_space<hbm>> -> memref<1x128xi32, #tpu.memory_space<hbm>>
          %dma_wait3A_1863 = tpu.memref_squeeze %dma_wait3A_1862 : memref<1x128xi32, #tpu.memory_space<hbm>> -> memref<128xi32, #tpu.memory_space<hbm>>
          %dma_wait3A_1864 = arith.constant 0 : i32
          %dma_wait3A_1865 = tpu.memref_slice %arg6[%sub3A_1852, %dma_wait3A_1864] : memref<2x128xi32, #tpu.memory_space<hbm>> -> memref<1x128xi32, #tpu.memory_space<hbm>>
          %dma_wait3A_1866 = tpu.memref_squeeze %dma_wait3A_1865 : memref<1x128xi32, #tpu.memory_space<hbm>> -> memref<128xi32, #tpu.memory_space<hbm>>
          tpu.wait_dma2 semaphore(%run_scoped3A : memref<!tpu.dma_semaphore, #tpu.memory_space<semaphore_mem>>) src(%dma_wait3A_1866 : memref<128xi32, #tpu.memory_space<hbm>>) dst(%arg13 : memref<128xi32, #tpu.memory_space<vmem>>)
          tpu.yield
        }) : () -> ()
        %get3A_1853 = arith.constant 0 : index
        %get3A_1854 = tpu.vector_load %arg13[%get3A_1853] {strides = array<i32>} : memref<128xi32, #tpu.memory_space<vmem>>, vector<16xi32>,
        %slice3A = vector.extract_strided_slice %get3A_1854 {offsets = [0], sizes = [1], strides = [1]} : vector<16xi32> to vector<1xi32>
        %squeeze3A = vector.extract %slice3A[0] : i32 from vector<1xi32>
        scf.yield %squeeze3A : i32
      }
    } else {
    }
    %barrier3A_1088 = arith.constant 0 : index
    tpu.barrier barrier_id(%barrier3A_1088)
    %mul3A_1089 = arith.constant 16 : i32
    %mul3A_1090 = arith.muli %arg0, %mul3A_1089 : i32
    %mul3A_1091 = arith.constant 4 : i32
    %mul3A_1092 = arith.muli %mul3A_1090, %mul3A_1091 : i32
    %mul3A_1093 = arith.constant 4 : i32
    %mul3A_1094 = arith.muli %arg1, %mul3A_1093 : i32
    %add3A_1095 = arith.addi %mul3A_1092, %mul3A_1094 : i32
    "tpu.region"() ({
      %run_scoped3A = tpu.sem_alloc : memref<!tpu.dma_semaphore, #tpu.memory_space<semaphore_mem>>
      %dma_start3A_1831 = arith.constant 0 : i32
      %dma_start3A_1832 = arith.constant 0 : i32
      %dma_start3A_1833 = tpu.memref_slice %arg11[%dma_start3A_1831, %dma_start3A_1832] : memref<8x128xf32, #tpu.memory_space<vmem>> -> memref<4x128xf32, #tpu.memory_space<vmem>>
      %dma_start3A_1834 = arith.constant 0 : i32
      %dma_start3A_1835 = tpu.memref_slice %arg21[%add3A_1095, %dma_start3A_1834] : memref<128x128xf32, #tpu.memory_space<vmem_shared>> -> memref<4x128xf32, #tpu.memory_space<vmem_shared>>
      %dma_start3A_1836 = arith.constant 0 : i32
      %dma_start3A_1837 = arith.constant 0 : i32
      %dma_start3A_1838 = tpu.memref_slice %arg11[%dma_start3A_1836, %dma_start3A_1837] : memref<8x128xf32, #tpu.memory_space<vmem>> -> memref<4x128xf32, #tpu.memory_space<vmem>>
      %dma_start3A_1839 = arith.constant 0 : i32
      %dma_start3A_1840 = tpu.memref_slice %arg21[%add3A_1095, %dma_start3A_1839] : memref<128x128xf32, #tpu.memory_space<vmem_shared>> -> memref<4x128xf32, #tpu.memory_space<vmem_shared>>
      tpu.enqueue_dma source(%dma_start3A_1840 : memref<4x128xf32, #tpu.memory_space<vmem_shared>>) target(%dma_start3A_1838 : memref<4x128xf32, #tpu.memory_space<vmem>>) target_semaphore(%run_scoped3A : memref<!tpu.dma_semaphore, #tpu.memory_space<semaphore_mem>>)
      %dma_wait3A_1841 = arith.constant 0 : i32
      %dma_wait3A_1842 = arith.constant 0 : i32
      %dma_wait3A_1843 = tpu.memref_slice %arg11[%dma_wait3A_1841, %dma_wait3A_1842] : memref<8x128xf32, #tpu.memory_space<vmem>> -> memref<4x128xf32, #tpu.memory_space<vmem>>
      %dma_wait3A_1844 = arith.constant 0 : i32
      %dma_wait3A_1845 = tpu.memref_slice %arg21[%add3A_1095, %dma_wait3A_1844] : memref<128x128xf32, #tpu.memory_space<vmem_shared>> -> memref<4x128xf32, #tpu.memory_space<vmem_shared>>
      %dma_wait3A_1846 = arith.constant 0 : i32
      %dma_wait3A_1847 = arith.constant 0 : i32
      %dma_wait3A_1848 = tpu.memref_slice %arg11[%dma_wait3A_1846, %dma_wait3A_1847] : memref<8x128xf32, #tpu.memory_space<vmem>> -> memref<4x128xf32, #tpu.memory_space<vmem>>
      %dma_wait3A_1849 = arith.constant 0 : i32
      %dma_wait3A_1850 = tpu.memref_slice %arg21[%add3A_1095, %dma_wait3A_1849] : memref<128x128xf32, #tpu.memory_space<vmem_shared>> -> memref<4x128xf32, #tpu.memory_space<vmem_shared>>
      tpu.wait_dma2 semaphore(%run_scoped3A : memref<!tpu.dma_semaphore, #tpu.memory_space<semaphore_mem>>) src(%dma_wait3A_1850 : memref<4x128xf32, #tpu.memory_space<vmem_shared>>) dst(%dma_wait3A_1848 : memref<4x128xf32, #tpu.memory_space<vmem>>)
      tpu.yield
    }) : () -> ()
    %sub3A_1096 = arith.constant 1 : i32
    %sub3A_1097 = arith.subi %sub3A_1096, %arg0 : i32
    "tpu.region"() ({
      %run_scoped3A = tpu.sem_alloc : memref<!tpu.dma_semaphore, #tpu.memory_space<semaphore_mem>>
      %dma_start3A_1831 = arith.constant 0 : i32
      %dma_start3A_1832 = tpu.memref_slice %arg5[%sub3A_1097, %add3A_1095, %dma_start3A_1831] : memref<2x128x128xf32, #tpu.memory_space<hbm>> -> memref<1x4x128xf32, #tpu.memory_space<hbm>>
      %dma_start3A_1833 = tpu.memref_squeeze %dma_start3A_1832 : memref<1x4x128xf32, #tpu.memory_space<hbm>> -> memref<4x128xf32, #tpu.memory_space<hbm>>
      %dma_start3A_1834 = arith.constant 0 : i32
      %dma_start3A_1835 = tpu.memref_slice %arg5[%sub3A_1097, %add3A_1095, %dma_start3A_1834] : memref<2x128x128xf32, #tpu.memory_space<hbm>> -> memref<1x4x128xf32, #tpu.memory_space<hbm>>
      %dma_start3A_1836 = tpu.memref_squeeze %dma_start3A_1835 : memref<1x4x128xf32, #tpu.memory_space<hbm>> -> memref<4x128xf32, #tpu.memory_space<hbm>>
      tpu.enqueue_dma source(%dma_start3A_1836 : memref<4x128xf32, #tpu.memory_space<hbm>>) target(%arg12 : memref<4x128xf32, #tpu.memory_space<vmem>>) target_semaphore(%run_scoped3A : memref<!tpu.dma_semaphore, #tpu.memory_space<semaphore_mem>>)
      %dma_wait3A_1837 = arith.constant 0 : i32
      %dma_wait3A_1838 = tpu.memref_slice %arg5[%sub3A_1097, %add3A_1095, %dma_wait3A_1837] : memref<2x128x128xf32, #tpu.memory_space<hbm>> -> memref<1x4x128xf32, #tpu.memory_space<hbm>>
      %dma_wait3A_1839 = tpu.memref_squeeze %dma_wait3A_1838 : memref<1x4x128xf32, #tpu.memory_space<hbm>> -> memref<4x128xf32, #tpu.memory_space<hbm>>
      %dma_wait3A_1840 = arith.constant 0 : i32
      %dma_wait3A_1841 = tpu.memref_slice %arg5[%sub3A_1097, %add3A_1095, %dma_wait3A_1840] : memref<2x128x128xf32, #tpu.memory_space<hbm>> -> memref<1x4x128xf32, #tpu.memory_space<hbm>>
      %dma_wait3A_1842 = tpu.memref_squeeze %dma_wait3A_1841 : memref<1x4x128xf32, #tpu.memory_space<hbm>> -> memref<4x128xf32, #tpu.memory_space<hbm>>
      tpu.wait_dma2 semaphore(%run_scoped3A : memref<!tpu.dma_semaphore, #tpu.memory_space<semaphore_mem>>) src(%dma_wait3A_1842 : memref<4x128xf32, #tpu.memory_space<hbm>>) dst(%arg12 : memref<4x128xf32, #tpu.memory_space<vmem>>)
      tpu.yield
    }) : () -> ()
    %get3A = arith.constant 0 : i32
    %get3A_1098 = arith.index_cast %get3A : i32 to index
    %get3A_1099 = arith.constant 0 : index
    %get3A_1100 = tpu.vector_load %arg11[%get3A_1098, %get3A_1099] {strides = array<i32>} : memref<8x128xf32, #tpu.memory_space<vmem>>, vector<16xf32>,
    %get3A_1101 = arith.constant 0 : i32
    %get3A_1102 = arith.index_cast %get3A_1101 : i32 to index
    %get3A_1103 = arith.constant 0 : index
    %get3A_1104 = tpu.vector_load %arg12[%get3A_1102, %get3A_1103] {strides = array<i32>} : memref<4x128xf32, #tpu.memory_space<vmem>>, vector<16xf32>,
    %add3A_1105 = arith.addf %get3A_1100, %get3A_1104 : vector<16xf32>
    %neg3A = arith.constant 0.000000e+00 : f32
    %neg3A_1106 = vector.broadcast %neg3A : f32 to vector<16xf32>
    %neg3A_1107 = arith.subf %neg3A_1106, %add3A_1105 : vector<16xf32>
    %exp3A = math.exp %neg3A_1107 : vector<16xf32>
    %add3A_1108 = arith.constant 1.000000e+00 : f32
    %add3A_1109 = vector.broadcast %add3A_1108 : f32 to vector<16xf32>
    %add3A_1110 = arith.addf %add3A_1109, %exp3A : vector<16xf32>
    %div3A_1111 = arith.constant 1.000000e+00 : f32
    %div3A_1112 = vector.broadcast %div3A_1111 : f32 to vector<16xf32>
    %div3A_1113 = arith.divf %div3A_1112, %add3A_1110 : vector<16xf32>
    %swap3A_1114 = arith.constant 0 : i32
    %swap3A_1115 = arith.index_cast %swap3A_1114 : i32 to index
    %swap3A_1116 = arith.constant 0 : index
    %swap3A_1117 = tpu.vector_load %arg11[%swap3A_1115, %swap3A_1116] {strides = array<i32>} : memref<8x128xf32, #tpu.memory_space<vmem>>, vector<16xf32>,
    tpu.vector_store %arg11[%swap3A_1115, %swap3A_1116], %div3A_1113 {strides = array<i32>} : memref<8x128xf32, #tpu.memory_space<vmem>>, vector<16xf32>,
    %get3A_1118 = arith.constant 0 : i32
    %get3A_1119 = arith.index_cast %get3A_1118 : i32 to index
    %get3A_1120 = arith.constant 16 : index
    %get3A_1121 = tpu.vector_load %arg11[%get3A_1119, %get3A_1120] {strides = array<i32>} : memref<8x128xf32, #tpu.memory_space<vmem>>, vector<16xf32>,
    %get3A_1122 = arith.constant 0 : i32
    %get3A_1123 = arith.index_cast %get3A_1122 : i32 to index
    %get3A_1124 = arith.constant 16 : index
    %get3A_1125 = tpu.vector_load %arg12[%get3A_1123, %get3A_1124] {strides = array<i32>} : memref<4x128xf32, #tpu.memory_space<vmem>>, vector<16xf32>,
    %add3A_1126 = arith.addf %get3A_1121, %get3A_1125 : vector<16xf32>
    %neg3A_1127 = arith.constant 0.000000e+00 : f32
    %neg3A_1128 = vector.broadcast %neg3A_1127 : f32 to vector<16xf32>
    %neg3A_1129 = arith.subf %neg3A_1128, %add3A_1126 : vector<16xf32>
    %exp3A_1130 = math.exp %neg3A_1129 : vector<16xf32>
    %add3A_1131 = arith.constant 1.000000e+00 : f32
    %add3A_1132 = vector.broadcast %add3A_1131 : f32 to vector<16xf32>
    %add3A_1133 = arith.addf %add3A_1132, %exp3A_1130 : vector<16xf32>
    %div3A_1134 = arith.constant 1.000000e+00 : f32
    %div3A_1135 = vector.broadcast %div3A_1134 : f32 to vector<16xf32>
    %div3A_1136 = arith.divf %div3A_1135, %add3A_1133 : vector<16xf32>
    %swap3A_1137 = arith.constant 0 : i32
    %swap3A_1138 = arith.index_cast %swap3A_1137 : i32 to index
    %swap3A_1139 = arith.constant 16 : index
    %swap3A_1140 = tpu.vector_load %arg11[%swap3A_1138, %swap3A_1139] {strides = array<i32>} : memref<8x128xf32, #tpu.memory_space<vmem>>, vector<16xf32>,
    tpu.vector_store %arg11[%swap3A_1138, %swap3A_1139], %div3A_1136 {strides = array<i32>} : memref<8x128xf32, #tpu.memory_space<vmem>>, vector<16xf32>,
    %get3A_1141 = arith.constant 0 : i32
    %get3A_1142 = arith.index_cast %get3A_1141 : i32 to index
    %get3A_1143 = arith.constant 32 : index
    %get3A_1144 = tpu.vector_load %arg11[%get3A_1142, %get3A_1143] {strides = array<i32>} : memref<8x128xf32, #tpu.memory_space<vmem>>, vector<16xf32>,
    %get3A_1145 = arith.constant 0 : i32
    %get3A_1146 = arith.index_cast %get3A_1145 : i32 to index
    %get3A_1147 = arith.constant 32 : index
    %get3A_1148 = tpu.vector_load %arg12[%get3A_1146, %get3A_1147] {strides = array<i32>} : memref<4x128xf32, #tpu.memory_space<vmem>>, vector<16xf32>,
    %add3A_1149 = arith.addf %get3A_1144, %get3A_1148 : vector<16xf32>
    %neg3A_1150 = arith.constant 0.000000e+00 : f32
    %neg3A_1151 = vector.broadcast %neg3A_1150 : f32 to vector<16xf32>
    %neg3A_1152 = arith.subf %neg3A_1151, %add3A_1149 : vector<16xf32>
    %exp3A_1153 = math.exp %neg3A_1152 : vector<16xf32>
    %add3A_1154 = arith.constant 1.000000e+00 : f32
    %add3A_1155 = vector.broadcast %add3A_1154 : f32 to vector<16xf32>
    %add3A_1156 = arith.addf %add3A_1155, %exp3A_1153 : vector<16xf32>
    %div3A_1157 = arith.constant 1.000000e+00 : f32
    %div3A_1158 = vector.broadcast %div3A_1157 : f32 to vector<16xf32>
    %div3A_1159 = arith.divf %div3A_1158, %add3A_1156 : vector<16xf32>
    %swap3A_1160 = arith.constant 0 : i32
    %swap3A_1161 = arith.index_cast %swap3A_1160 : i32 to index
    %swap3A_1162 = arith.constant 32 : index
    %swap3A_1163 = tpu.vector_load %arg11[%swap3A_1161, %swap3A_1162] {strides = array<i32>} : memref<8x128xf32, #tpu.memory_space<vmem>>, vector<16xf32>,
    tpu.vector_store %arg11[%swap3A_1161, %swap3A_1162], %div3A_1159 {strides = array<i32>} : memref<8x128xf32, #tpu.memory_space<vmem>>, vector<16xf32>,
    %get3A_1164 = arith.constant 0 : i32
    %get3A_1165 = arith.index_cast %get3A_1164 : i32 to index
    %get3A_1166 = arith.constant 48 : index
    %get3A_1167 = tpu.vector_load %arg11[%get3A_1165, %get3A_1166] {strides = array<i32>} : memref<8x128xf32, #tpu.memory_space<vmem>>, vector<16xf32>,
    %get3A_1168 = arith.constant 0 : i32
    %get3A_1169 = arith.index_cast %get3A_1168 : i32 to index
    %get3A_1170 = arith.constant 48 : index
    %get3A_1171 = tpu.vector_load %arg12[%get3A_1169, %get3A_1170] {strides = array<i32>} : memref<4x128xf32, #tpu.memory_space<vmem>>, vector<16xf32>,
    %add3A_1172 = arith.addf %get3A_1167, %get3A_1171 : vector<16xf32>
    %neg3A_1173 = arith.constant 0.000000e+00 : f32
    %neg3A_1174 = vector.broadcast %neg3A_1173 : f32 to vector<16xf32>
    %neg3A_1175 = arith.subf %neg3A_1174, %add3A_1172 : vector<16xf32>
    %exp3A_1176 = math.exp %neg3A_1175 : vector<16xf32>
    %add3A_1177 = arith.constant 1.000000e+00 : f32
    %add3A_1178 = vector.broadcast %add3A_1177 : f32 to vector<16xf32>
    %add3A_1179 = arith.addf %add3A_1178, %exp3A_1176 : vector<16xf32>
    %div3A_1180 = arith.constant 1.000000e+00 : f32
    %div3A_1181 = vector.broadcast %div3A_1180 : f32 to vector<16xf32>
    %div3A_1182 = arith.divf %div3A_1181, %add3A_1179 : vector<16xf32>
    %swap3A_1183 = arith.constant 0 : i32
    %swap3A_1184 = arith.index_cast %swap3A_1183 : i32 to index
    %swap3A_1185 = arith.constant 48 : index
    %swap3A_1186 = tpu.vector_load %arg11[%swap3A_1184, %swap3A_1185] {strides = array<i32>} : memref<8x128xf32, #tpu.memory_space<vmem>>, vector<16xf32>,
    tpu.vector_store %arg11[%swap3A_1184, %swap3A_1185], %div3A_1182 {strides = array<i32>} : memref<8x128xf32, #tpu.memory_space<vmem>>, vector<16xf32>,
    %get3A_1187 = arith.constant 0 : i32
    %get3A_1188 = arith.index_cast %get3A_1187 : i32 to index
    %get3A_1189 = arith.constant 64 : index
    %get3A_1190 = tpu.vector_load %arg11[%get3A_1188, %get3A_1189] {strides = array<i32>} : memref<8x128xf32, #tpu.memory_space<vmem>>, vector<16xf32>,
    %get3A_1191 = arith.constant 0 : i32
    %get3A_1192 = arith.index_cast %get3A_1191 : i32 to index
    %get3A_1193 = arith.constant 64 : index
    %get3A_1194 = tpu.vector_load %arg12[%get3A_1192, %get3A_1193] {strides = array<i32>} : memref<4x128xf32, #tpu.memory_space<vmem>>, vector<16xf32>,
    %add3A_1195 = arith.addf %get3A_1190, %get3A_1194 : vector<16xf32>
    %neg3A_1196 = arith.constant 0.000000e+00 : f32
    %neg3A_1197 = vector.broadcast %neg3A_1196 : f32 to vector<16xf32>
    %neg3A_1198 = arith.subf %neg3A_1197, %add3A_1195 : vector<16xf32>
    %exp3A_1199 = math.exp %neg3A_1198 : vector<16xf32>
    %add3A_1200 = arith.constant 1.000000e+00 : f32
    %add3A_1201 = vector.broadcast %add3A_1200 : f32 to vector<16xf32>
    %add3A_1202 = arith.addf %add3A_1201, %exp3A_1199 : vector<16xf32>
    %div3A_1203 = arith.constant 1.000000e+00 : f32
    %div3A_1204 = vector.broadcast %div3A_1203 : f32 to vector<16xf32>
    %div3A_1205 = arith.divf %div3A_1204, %add3A_1202 : vector<16xf32>
    %swap3A_1206 = arith.constant 0 : i32
    %swap3A_1207 = arith.index_cast %swap3A_1206 : i32 to index
    %swap3A_1208 = arith.constant 64 : index
    %swap3A_1209 = tpu.vector_load %arg11[%swap3A_1207, %swap3A_1208] {strides = array<i32>} : memref<8x128xf32, #tpu.memory_space<vmem>>, vector<16xf32>,
    tpu.vector_store %arg11[%swap3A_1207, %swap3A_1208], %div3A_1205 {strides = array<i32>} : memref<8x128xf32, #tpu.memory_space<vmem>>, vector<16xf32>,
    %get3A_1210 = arith.constant 0 : i32
    %get3A_1211 = arith.index_cast %get3A_1210 : i32 to index
    %get3A_1212 = arith.constant 80 : index
    %get3A_1213 = tpu.vector_load %arg11[%get3A_1211, %get3A_1212] {strides = array<i32>} : memref<8x128xf32, #tpu.memory_space<vmem>>, vector<16xf32>,
    %get3A_1214 = arith.constant 0 : i32
    %get3A_1215 = arith.index_cast %get3A_1214 : i32 to index
    %get3A_1216 = arith.constant 80 : index
    %get3A_1217 = tpu.vector_load %arg12[%get3A_1215, %get3A_1216] {strides = array<i32>} : memref<4x128xf32, #tpu.memory_space<vmem>>, vector<16xf32>,
    %add3A_1218 = arith.addf %get3A_1213, %get3A_1217 : vector<16xf32>
    %neg3A_1219 = arith.constant 0.000000e+00 : f32
    %neg3A_1220 = vector.broadcast %neg3A_1219 : f32 to vector<16xf32>
    %neg3A_1221 = arith.subf %neg3A_1220, %add3A_1218 : vector<16xf32>
    %exp3A_1222 = math.exp %neg3A_1221 : vector<16xf32>
    %add3A_1223 = arith.constant 1.000000e+00 : f32
    %add3A_1224 = vector.broadcast %add3A_1223 : f32 to vector<16xf32>
    %add3A_1225 = arith.addf %add3A_1224, %exp3A_1222 : vector<16xf32>
    %div3A_1226 = arith.constant 1.000000e+00 : f32
    %div3A_1227 = vector.broadcast %div3A_1226 : f32 to vector<16xf32>
    %div3A_1228 = arith.divf %div3A_1227, %add3A_1225 : vector<16xf32>
    %swap3A_1229 = arith.constant 0 : i32
    %swap3A_1230 = arith.index_cast %swap3A_1229 : i32 to index
    %swap3A_1231 = arith.constant 80 : index
    %swap3A_1232 = tpu.vector_load %arg11[%swap3A_1230, %swap3A_1231] {strides = array<i32>} : memref<8x128xf32, #tpu.memory_space<vmem>>, vector<16xf32>,
    tpu.vector_store %arg11[%swap3A_1230, %swap3A_1231], %div3A_1228 {strides = array<i32>} : memref<8x128xf32, #tpu.memory_space<vmem>>, vector<16xf32>,
    %get3A_1233 = arith.constant 0 : i32
    %get3A_1234 = arith.index_cast %get3A_1233 : i32 to index
    %get3A_1235 = arith.constant 96 : index
    %get3A_1236 = tpu.vector_load %arg11[%get3A_1234, %get3A_1235] {strides = array<i32>} : memref<8x128xf32, #tpu.memory_space<vmem>>, vector<16xf32>,
    %get3A_1237 = arith.constant 0 : i32
    %get3A_1238 = arith.index_cast %get3A_1237 : i32 to index
    %get3A_1239 = arith.constant 96 : index
    %get3A_1240 = tpu.vector_load %arg12[%get3A_1238, %get3A_1239] {strides = array<i32>} : memref<4x128xf32, #tpu.memory_space<vmem>>, vector<16xf32>,
    %add3A_1241 = arith.addf %get3A_1236, %get3A_1240 : vector<16xf32>
    %neg3A_1242 = arith.constant 0.000000e+00 : f32
    %neg3A_1243 = vector.broadcast %neg3A_1242 : f32 to vector<16xf32>
    %neg3A_1244 = arith.subf %neg3A_1243, %add3A_1241 : vector<16xf32>
    %exp3A_1245 = math.exp %neg3A_1244 : vector<16xf32>
    %add3A_1246 = arith.constant 1.000000e+00 : f32
    %add3A_1247 = vector.broadcast %add3A_1246 : f32 to vector<16xf32>
    %add3A_1248 = arith.addf %add3A_1247, %exp3A_1245 : vector<16xf32>
    %div3A_1249 = arith.constant 1.000000e+00 : f32
    %div3A_1250 = vector.broadcast %div3A_1249 : f32 to vector<16xf32>
    %div3A_1251 = arith.divf %div3A_1250, %add3A_1248 : vector<16xf32>
    %swap3A_1252 = arith.constant 0 : i32
    %swap3A_1253 = arith.index_cast %swap3A_1252 : i32 to index
    %swap3A_1254 = arith.constant 96 : index
    %swap3A_1255 = tpu.vector_load %arg11[%swap3A_1253, %swap3A_1254] {strides = array<i32>} : memref<8x128xf32, #tpu.memory_space<vmem>>, vector<16xf32>,
    tpu.vector_store %arg11[%swap3A_1253, %swap3A_1254], %div3A_1251 {strides = array<i32>} : memref<8x128xf32, #tpu.memory_space<vmem>>, vector<16xf32>,
    %get3A_1256 = arith.constant 0 : i32
    %get3A_1257 = arith.index_cast %get3A_1256 : i32 to index
    %get3A_1258 = arith.constant 112 : index
    %get3A_1259 = tpu.vector_load %arg11[%get3A_1257, %get3A_1258] {strides = array<i32>} : memref<8x128xf32, #tpu.memory_space<vmem>>, vector<16xf32>,
    %get3A_1260 = arith.constant 0 : i32
    %get3A_1261 = arith.index_cast %get3A_1260 : i32 to index
    %get3A_1262 = arith.constant 112 : index
    %get3A_1263 = tpu.vector_load %arg12[%get3A_1261, %get3A_1262] {strides = array<i32>} : memref<4x128xf32, #tpu.memory_space<vmem>>, vector<16xf32>,
    %add3A_1264 = arith.addf %get3A_1259, %get3A_1263 : vector<16xf32>
    %neg3A_1265 = arith.constant 0.000000e+00 : f32
    %neg3A_1266 = vector.broadcast %neg3A_1265 : f32 to vector<16xf32>
    %neg3A_1267 = arith.subf %neg3A_1266, %add3A_1264 : vector<16xf32>
    %exp3A_1268 = math.exp %neg3A_1267 : vector<16xf32>
    %add3A_1269 = arith.constant 1.000000e+00 : f32
    %add3A_1270 = vector.broadcast %add3A_1269 : f32 to vector<16xf32>
    %add3A_1271 = arith.addf %add3A_1270, %exp3A_1268 : vector<16xf32>
    %div3A_1272 = arith.constant 1.000000e+00 : f32
    %div3A_1273 = vector.broadcast %div3A_1272 : f32 to vector<16xf32>
    %div3A_1274 = arith.divf %div3A_1273, %add3A_1271 : vector<16xf32>
    %swap3A_1275 = arith.constant 0 : i32
    %swap3A_1276 = arith.index_cast %swap3A_1275 : i32 to index
    %swap3A_1277 = arith.constant 112 : index
    %swap3A_1278 = tpu.vector_load %arg11[%swap3A_1276, %swap3A_1277] {strides = array<i32>} : memref<8x128xf32, #tpu.memory_space<vmem>>, vector<16xf32>,
    tpu.vector_store %arg11[%swap3A_1276, %swap3A_1277], %div3A_1274 {strides = array<i32>} : memref<8x128xf32, #tpu.memory_space<vmem>>, vector<16xf32>,
    %get3A_1279 = arith.constant 1 : i32
    %get3A_1280 = arith.index_cast %get3A_1279 : i32 to index
    %get3A_1281 = arith.constant 0 : index
    %get3A_1282 = tpu.vector_load %arg11[%get3A_1280, %get3A_1281] {strides = array<i32>} : memref<8x128xf32, #tpu.memory_space<vmem>>, vector<16xf32>,
    %get3A_1283 = arith.constant 1 : i32
    %get3A_1284 = arith.index_cast %get3A_1283 : i32 to index
    %get3A_1285 = arith.constant 0 : index
    %get3A_1286 = tpu.vector_load %arg12[%get3A_1284, %get3A_1285] {strides = array<i32>} : memref<4x128xf32, #tpu.memory_space<vmem>>, vector<16xf32>,
    %add3A_1287 = arith.addf %get3A_1282, %get3A_1286 : vector<16xf32>
    %neg3A_1288 = arith.constant 0.000000e+00 : f32
    %neg3A_1289 = vector.broadcast %neg3A_1288 : f32 to vector<16xf32>
    %neg3A_1290 = arith.subf %neg3A_1289, %add3A_1287 : vector<16xf32>
    %exp3A_1291 = math.exp %neg3A_1290 : vector<16xf32>
    %add3A_1292 = arith.constant 1.000000e+00 : f32
    %add3A_1293 = vector.broadcast %add3A_1292 : f32 to vector<16xf32>
    %add3A_1294 = arith.addf %add3A_1293, %exp3A_1291 : vector<16xf32>
    %div3A_1295 = arith.constant 1.000000e+00 : f32
    %div3A_1296 = vector.broadcast %div3A_1295 : f32 to vector<16xf32>
    %div3A_1297 = arith.divf %div3A_1296, %add3A_1294 : vector<16xf32>
    %swap3A_1298 = arith.constant 1 : i32
    %swap3A_1299 = arith.index_cast %swap3A_1298 : i32 to index
    %swap3A_1300 = arith.constant 0 : index
    %swap3A_1301 = tpu.vector_load %arg11[%swap3A_1299, %swap3A_1300] {strides = array<i32>} : memref<8x128xf32, #tpu.memory_space<vmem>>, vector<16xf32>,
    tpu.vector_store %arg11[%swap3A_1299, %swap3A_1300], %div3A_1297 {strides = array<i32>} : memref<8x128xf32, #tpu.memory_space<vmem>>, vector<16xf32>,
    %get3A_1302 = arith.constant 1 : i32
    %get3A_1303 = arith.index_cast %get3A_1302 : i32 to index
    %get3A_1304 = arith.constant 16 : index
    %get3A_1305 = tpu.vector_load %arg11[%get3A_1303, %get3A_1304] {strides = array<i32>} : memref<8x128xf32, #tpu.memory_space<vmem>>, vector<16xf32>,
    %get3A_1306 = arith.constant 1 : i32
    %get3A_1307 = arith.index_cast %get3A_1306 : i32 to index
    %get3A_1308 = arith.constant 16 : index
    %get3A_1309 = tpu.vector_load %arg12[%get3A_1307, %get3A_1308] {strides = array<i32>} : memref<4x128xf32, #tpu.memory_space<vmem>>, vector<16xf32>,
    %add3A_1310 = arith.addf %get3A_1305, %get3A_1309 : vector<16xf32>
    %neg3A_1311 = arith.constant 0.000000e+00 : f32
    %neg3A_1312 = vector.broadcast %neg3A_1311 : f32 to vector<16xf32>
    %neg3A_1313 = arith.subf %neg3A_1312, %add3A_1310 : vector<16xf32>
    %exp3A_1314 = math.exp %neg3A_1313 : vector<16xf32>
    %add3A_1315 = arith.constant 1.000000e+00 : f32
    %add3A_1316 = vector.broadcast %add3A_1315 : f32 to vector<16xf32>
    %add3A_1317 = arith.addf %add3A_1316, %exp3A_1314 : vector<16xf32>
    %div3A_1318 = arith.constant 1.000000e+00 : f32
    %div3A_1319 = vector.broadcast %div3A_1318 : f32 to vector<16xf32>
    %div3A_1320 = arith.divf %div3A_1319, %add3A_1317 : vector<16xf32>
    %swap3A_1321 = arith.constant 1 : i32
    %swap3A_1322 = arith.index_cast %swap3A_1321 : i32 to index
    %swap3A_1323 = arith.constant 16 : index
    %swap3A_1324 = tpu.vector_load %arg11[%swap3A_1322, %swap3A_1323] {strides = array<i32>} : memref<8x128xf32, #tpu.memory_space<vmem>>, vector<16xf32>,
    tpu.vector_store %arg11[%swap3A_1322, %swap3A_1323], %div3A_1320 {strides = array<i32>} : memref<8x128xf32, #tpu.memory_space<vmem>>, vector<16xf32>,
    %get3A_1325 = arith.constant 1 : i32
    %get3A_1326 = arith.index_cast %get3A_1325 : i32 to index
    %get3A_1327 = arith.constant 32 : index
    %get3A_1328 = tpu.vector_load %arg11[%get3A_1326, %get3A_1327] {strides = array<i32>} : memref<8x128xf32, #tpu.memory_space<vmem>>, vector<16xf32>,
    %get3A_1329 = arith.constant 1 : i32
    %get3A_1330 = arith.index_cast %get3A_1329 : i32 to index
    %get3A_1331 = arith.constant 32 : index
    %get3A_1332 = tpu.vector_load %arg12[%get3A_1330, %get3A_1331] {strides = array<i32>} : memref<4x128xf32, #tpu.memory_space<vmem>>, vector<16xf32>,
    %add3A_1333 = arith.addf %get3A_1328, %get3A_1332 : vector<16xf32>
    %neg3A_1334 = arith.constant 0.000000e+00 : f32
    %neg3A_1335 = vector.broadcast %neg3A_1334 : f32 to vector<16xf32>
    %neg3A_1336 = arith.subf %neg3A_1335, %add3A_1333 : vector<16xf32>
    %exp3A_1337 = math.exp %neg3A_1336 : vector<16xf32>
    %add3A_1338 = arith.constant 1.000000e+00 : f32
    %add3A_1339 = vector.broadcast %add3A_1338 : f32 to vector<16xf32>
    %add3A_1340 = arith.addf %add3A_1339, %exp3A_1337 : vector<16xf32>
    %div3A_1341 = arith.constant 1.000000e+00 : f32
    %div3A_1342 = vector.broadcast %div3A_1341 : f32 to vector<16xf32>
    %div3A_1343 = arith.divf %div3A_1342, %add3A_1340 : vector<16xf32>
    %swap3A_1344 = arith.constant 1 : i32
    %swap3A_1345 = arith.index_cast %swap3A_1344 : i32 to index
    %swap3A_1346 = arith.constant 32 : index
    %swap3A_1347 = tpu.vector_load %arg11[%swap3A_1345, %swap3A_1346] {strides = array<i32>} : memref<8x128xf32, #tpu.memory_space<vmem>>, vector<16xf32>,
    tpu.vector_store %arg11[%swap3A_1345, %swap3A_1346], %div3A_1343 {strides = array<i32>} : memref<8x128xf32, #tpu.memory_space<vmem>>, vector<16xf32>,
    %get3A_1348 = arith.constant 1 : i32
    %get3A_1349 = arith.index_cast %get3A_1348 : i32 to index
    %get3A_1350 = arith.constant 48 : index
    %get3A_1351 = tpu.vector_load %arg11[%get3A_1349, %get3A_1350] {strides = array<i32>} : memref<8x128xf32, #tpu.memory_space<vmem>>, vector<16xf32>,
    %get3A_1352 = arith.constant 1 : i32
    %get3A_1353 = arith.index_cast %get3A_1352 : i32 to index
    %get3A_1354 = arith.constant 48 : index
    %get3A_1355 = tpu.vector_load %arg12[%get3A_1353, %get3A_1354] {strides = array<i32>} : memref<4x128xf32, #tpu.memory_space<vmem>>, vector<16xf32>,
    %add3A_1356 = arith.addf %get3A_1351, %get3A_1355 : vector<16xf32>
    %neg3A_1357 = arith.constant 0.000000e+00 : f32
    %neg3A_1358 = vector.broadcast %neg3A_1357 : f32 to vector<16xf32>
    %neg3A_1359 = arith.subf %neg3A_1358, %add3A_1356 : vector<16xf32>
    %exp3A_1360 = math.exp %neg3A_1359 : vector<16xf32>
    %add3A_1361 = arith.constant 1.000000e+00 : f32
    %add3A_1362 = vector.broadcast %add3A_1361 : f32 to vector<16xf32>
    %add3A_1363 = arith.addf %add3A_1362, %exp3A_1360 : vector<16xf32>
    %div3A_1364 = arith.constant 1.000000e+00 : f32
    %div3A_1365 = vector.broadcast %div3A_1364 : f32 to vector<16xf32>
    %div3A_1366 = arith.divf %div3A_1365, %add3A_1363 : vector<16xf32>
    %swap3A_1367 = arith.constant 1 : i32
    %swap3A_1368 = arith.index_cast %swap3A_1367 : i32 to index
    %swap3A_1369 = arith.constant 48 : index
    %swap3A_1370 = tpu.vector_load %arg11[%swap3A_1368, %swap3A_1369] {strides = array<i32>} : memref<8x128xf32, #tpu.memory_space<vmem>>, vector<16xf32>,
    tpu.vector_store %arg11[%swap3A_1368, %swap3A_1369], %div3A_1366 {strides = array<i32>} : memref<8x128xf32, #tpu.memory_space<vmem>>, vector<16xf32>,
    %get3A_1371 = arith.constant 1 : i32
    %get3A_1372 = arith.index_cast %get3A_1371 : i32 to index
    %get3A_1373 = arith.constant 64 : index
    %get3A_1374 = tpu.vector_load %arg11[%get3A_1372, %get3A_1373] {strides = array<i32>} : memref<8x128xf32, #tpu.memory_space<vmem>>, vector<16xf32>,
    %get3A_1375 = arith.constant 1 : i32
    %get3A_1376 = arith.index_cast %get3A_1375 : i32 to index
    %get3A_1377 = arith.constant 64 : index
    %get3A_1378 = tpu.vector_load %arg12[%get3A_1376, %get3A_1377] {strides = array<i32>} : memref<4x128xf32, #tpu.memory_space<vmem>>, vector<16xf32>,
    %add3A_1379 = arith.addf %get3A_1374, %get3A_1378 : vector<16xf32>
    %neg3A_1380 = arith.constant 0.000000e+00 : f32
    %neg3A_1381 = vector.broadcast %neg3A_1380 : f32 to vector<16xf32>
    %neg3A_1382 = arith.subf %neg3A_1381, %add3A_1379 : vector<16xf32>
    %exp3A_1383 = math.exp %neg3A_1382 : vector<16xf32>
    %add3A_1384 = arith.constant 1.000000e+00 : f32
    %add3A_1385 = vector.broadcast %add3A_1384 : f32 to vector<16xf32>
    %add3A_1386 = arith.addf %add3A_1385, %exp3A_1383 : vector<16xf32>
    %div3A_1387 = arith.constant 1.000000e+00 : f32
    %div3A_1388 = vector.broadcast %div3A_1387 : f32 to vector<16xf32>
    %div3A_1389 = arith.divf %div3A_1388, %add3A_1386 : vector<16xf32>
    %swap3A_1390 = arith.constant 1 : i32
    %swap3A_1391 = arith.index_cast %swap3A_1390 : i32 to index
    %swap3A_1392 = arith.constant 64 : index
    %swap3A_1393 = tpu.vector_load %arg11[%swap3A_1391, %swap3A_1392] {strides = array<i32>} : memref<8x128xf32, #tpu.memory_space<vmem>>, vector<16xf32>,
    tpu.vector_store %arg11[%swap3A_1391, %swap3A_1392], %div3A_1389 {strides = array<i32>} : memref<8x128xf32, #tpu.memory_space<vmem>>, vector<16xf32>,
    %get3A_1394 = arith.constant 1 : i32
    %get3A_1395 = arith.index_cast %get3A_1394 : i32 to index
    %get3A_1396 = arith.constant 80 : index
    %get3A_1397 = tpu.vector_load %arg11[%get3A_1395, %get3A_1396] {strides = array<i32>} : memref<8x128xf32, #tpu.memory_space<vmem>>, vector<16xf32>,
    %get3A_1398 = arith.constant 1 : i32
    %get3A_1399 = arith.index_cast %get3A_1398 : i32 to index
    %get3A_1400 = arith.constant 80 : index
    %get3A_1401 = tpu.vector_load %arg12[%get3A_1399, %get3A_1400] {strides = array<i32>} : memref<4x128xf32, #tpu.memory_space<vmem>>, vector<16xf32>,
    %add3A_1402 = arith.addf %get3A_1397, %get3A_1401 : vector<16xf32>
    %neg3A_1403 = arith.constant 0.000000e+00 : f32
    %neg3A_1404 = vector.broadcast %neg3A_1403 : f32 to vector<16xf32>
    %neg3A_1405 = arith.subf %neg3A_1404, %add3A_1402 : vector<16xf32>
    %exp3A_1406 = math.exp %neg3A_1405 : vector<16xf32>
    %add3A_1407 = arith.constant 1.000000e+00 : f32
    %add3A_1408 = vector.broadcast %add3A_1407 : f32 to vector<16xf32>
    %add3A_1409 = arith.addf %add3A_1408, %exp3A_1406 : vector<16xf32>
    %div3A_1410 = arith.constant 1.000000e+00 : f32
    %div3A_1411 = vector.broadcast %div3A_1410 : f32 to vector<16xf32>
    %div3A_1412 = arith.divf %div3A_1411, %add3A_1409 : vector<16xf32>
    %swap3A_1413 = arith.constant 1 : i32
    %swap3A_1414 = arith.index_cast %swap3A_1413 : i32 to index
    %swap3A_1415 = arith.constant 80 : index
    %swap3A_1416 = tpu.vector_load %arg11[%swap3A_1414, %swap3A_1415] {strides = array<i32>} : memref<8x128xf32, #tpu.memory_space<vmem>>, vector<16xf32>,
    tpu.vector_store %arg11[%swap3A_1414, %swap3A_1415], %div3A_1412 {strides = array<i32>} : memref<8x128xf32, #tpu.memory_space<vmem>>, vector<16xf32>,
    %get3A_1417 = arith.constant 1 : i32
    %get3A_1418 = arith.index_cast %get3A_1417 : i32 to index
    %get3A_1419 = arith.constant 96 : index
    %get3A_1420 = tpu.vector_load %arg11[%get3A_1418, %get3A_1419] {strides = array<i32>} : memref<8x128xf32, #tpu.memory_space<vmem>>, vector<16xf32>,
    %get3A_1421 = arith.constant 1 : i32
    %get3A_1422 = arith.index_cast %get3A_1421 : i32 to index
    %get3A_1423 = arith.constant 96 : index
    %get3A_1424 = tpu.vector_load %arg12[%get3A_1422, %get3A_1423] {strides = array<i32>} : memref<4x128xf32, #tpu.memory_space<vmem>>, vector<16xf32>,
    %add3A_1425 = arith.addf %get3A_1420, %get3A_1424 : vector<16xf32>
    %neg3A_1426 = arith.constant 0.000000e+00 : f32
    %neg3A_1427 = vector.broadcast %neg3A_1426 : f32 to vector<16xf32>
    %neg3A_1428 = arith.subf %neg3A_1427, %add3A_1425 : vector<16xf32>
    %exp3A_1429 = math.exp %neg3A_1428 : vector<16xf32>
    %add3A_1430 = arith.constant 1.000000e+00 : f32
    %add3A_1431 = vector.broadcast %add3A_1430 : f32 to vector<16xf32>
    %add3A_1432 = arith.addf %add3A_1431, %exp3A_1429 : vector<16xf32>
    %div3A_1433 = arith.constant 1.000000e+00 : f32
    %div3A_1434 = vector.broadcast %div3A_1433 : f32 to vector<16xf32>
    %div3A_1435 = arith.divf %div3A_1434, %add3A_1432 : vector<16xf32>
    %swap3A_1436 = arith.constant 1 : i32
    %swap3A_1437 = arith.index_cast %swap3A_1436 : i32 to index
    %swap3A_1438 = arith.constant 96 : index
    %swap3A_1439 = tpu.vector_load %arg11[%swap3A_1437, %swap3A_1438] {strides = array<i32>} : memref<8x128xf32, #tpu.memory_space<vmem>>, vector<16xf32>,
    tpu.vector_store %arg11[%swap3A_1437, %swap3A_1438], %div3A_1435 {strides = array<i32>} : memref<8x128xf32, #tpu.memory_space<vmem>>, vector<16xf32>,
    %get3A_1440 = arith.constant 1 : i32
    %get3A_1441 = arith.index_cast %get3A_1440 : i32 to index
    %get3A_1442 = arith.constant 112 : index
    %get3A_1443 = tpu.vector_load %arg11[%get3A_1441, %get3A_1442] {strides = array<i32>} : memref<8x128xf32, #tpu.memory_space<vmem>>, vector<16xf32>,
    %get3A_1444 = arith.constant 1 : i32
    %get3A_1445 = arith.index_cast %get3A_1444 : i32 to index
    %get3A_1446 = arith.constant 112 : index
    %get3A_1447 = tpu.vector_load %arg12[%get3A_1445, %get3A_1446] {strides = array<i32>} : memref<4x128xf32, #tpu.memory_space<vmem>>, vector<16xf32>,
    %add3A_1448 = arith.addf %get3A_1443, %get3A_1447 : vector<16xf32>
    %neg3A_1449 = arith.constant 0.000000e+00 : f32
    %neg3A_1450 = vector.broadcast %neg3A_1449 : f32 to vector<16xf32>
    %neg3A_1451 = arith.subf %neg3A_1450, %add3A_1448 : vector<16xf32>
    %exp3A_1452 = math.exp %neg3A_1451 : vector<16xf32>
    %add3A_1453 = arith.constant 1.000000e+00 : f32
    %add3A_1454 = vector.broadcast %add3A_1453 : f32 to vector<16xf32>
    %add3A_1455 = arith.addf %add3A_1454, %exp3A_1452 : vector<16xf32>
    %div3A_1456 = arith.constant 1.000000e+00 : f32
    %div3A_1457 = vector.broadcast %div3A_1456 : f32 to vector<16xf32>
    %div3A_1458 = arith.divf %div3A_1457, %add3A_1455 : vector<16xf32>
    %swap3A_1459 = arith.constant 1 : i32
    %swap3A_1460 = arith.index_cast %swap3A_1459 : i32 to index
    %swap3A_1461 = arith.constant 112 : index
    %swap3A_1462 = tpu.vector_load %arg11[%swap3A_1460, %swap3A_1461] {strides = array<i32>} : memref<8x128xf32, #tpu.memory_space<vmem>>, vector<16xf32>,
    tpu.vector_store %arg11[%swap3A_1460, %swap3A_1461], %div3A_1458 {strides = array<i32>} : memref<8x128xf32, #tpu.memory_space<vmem>>, vector<16xf32>,
    %get3A_1463 = arith.constant 2 : i32
    %get3A_1464 = arith.index_cast %get3A_1463 : i32 to index
    %get3A_1465 = arith.constant 0 : index
    %get3A_1466 = tpu.vector_load %arg11[%get3A_1464, %get3A_1465] {strides = array<i32>} : memref<8x128xf32, #tpu.memory_space<vmem>>, vector<16xf32>,
    %get3A_1467 = arith.constant 2 : i32
    %get3A_1468 = arith.index_cast %get3A_1467 : i32 to index
    %get3A_1469 = arith.constant 0 : index
    %get3A_1470 = tpu.vector_load %arg12[%get3A_1468, %get3A_1469] {strides = array<i32>} : memref<4x128xf32, #tpu.memory_space<vmem>>, vector<16xf32>,
    %add3A_1471 = arith.addf %get3A_1466, %get3A_1470 : vector<16xf32>
    %neg3A_1472 = arith.constant 0.000000e+00 : f32
    %neg3A_1473 = vector.broadcast %neg3A_1472 : f32 to vector<16xf32>
    %neg3A_1474 = arith.subf %neg3A_1473, %add3A_1471 : vector<16xf32>
    %exp3A_1475 = math.exp %neg3A_1474 : vector<16xf32>
    %add3A_1476 = arith.constant 1.000000e+00 : f32
    %add3A_1477 = vector.broadcast %add3A_1476 : f32 to vector<16xf32>
    %add3A_1478 = arith.addf %add3A_1477, %exp3A_1475 : vector<16xf32>
    %div3A_1479 = arith.constant 1.000000e+00 : f32
    %div3A_1480 = vector.broadcast %div3A_1479 : f32 to vector<16xf32>
    %div3A_1481 = arith.divf %div3A_1480, %add3A_1478 : vector<16xf32>
    %swap3A_1482 = arith.constant 2 : i32
    %swap3A_1483 = arith.index_cast %swap3A_1482 : i32 to index
    %swap3A_1484 = arith.constant 0 : index
    %swap3A_1485 = tpu.vector_load %arg11[%swap3A_1483, %swap3A_1484] {strides = array<i32>} : memref<8x128xf32, #tpu.memory_space<vmem>>, vector<16xf32>,
    tpu.vector_store %arg11[%swap3A_1483, %swap3A_1484], %div3A_1481 {strides = array<i32>} : memref<8x128xf32, #tpu.memory_space<vmem>>, vector<16xf32>,
    %get3A_1486 = arith.constant 2 : i32
    %get3A_1487 = arith.index_cast %get3A_1486 : i32 to index
    %get3A_1488 = arith.constant 16 : index
    %get3A_1489 = tpu.vector_load %arg11[%get3A_1487, %get3A_1488] {strides = array<i32>} : memref<8x128xf32, #tpu.memory_space<vmem>>, vector<16xf32>,
    %get3A_1490 = arith.constant 2 : i32
    %get3A_1491 = arith.index_cast %get3A_1490 : i32 to index
    %get3A_1492 = arith.constant 16 : index
    %get3A_1493 = tpu.vector_load %arg12[%get3A_1491, %get3A_1492] {strides = array<i32>} : memref<4x128xf32, #tpu.memory_space<vmem>>, vector<16xf32>,
    %add3A_1494 = arith.addf %get3A_1489, %get3A_1493 : vector<16xf32>
    %neg3A_1495 = arith.constant 0.000000e+00 : f32
    %neg3A_1496 = vector.broadcast %neg3A_1495 : f32 to vector<16xf32>
    %neg3A_1497 = arith.subf %neg3A_1496, %add3A_1494 : vector<16xf32>
    %exp3A_1498 = math.exp %neg3A_1497 : vector<16xf32>
    %add3A_1499 = arith.constant 1.000000e+00 : f32
    %add3A_1500 = vector.broadcast %add3A_1499 : f32 to vector<16xf32>
    %add3A_1501 = arith.addf %add3A_1500, %exp3A_1498 : vector<16xf32>
    %div3A_1502 = arith.constant 1.000000e+00 : f32
    %div3A_1503 = vector.broadcast %div3A_1502 : f32 to vector<16xf32>
    %div3A_1504 = arith.divf %div3A_1503, %add3A_1501 : vector<16xf32>
    %swap3A_1505 = arith.constant 2 : i32
    %swap3A_1506 = arith.index_cast %swap3A_1505 : i32 to index
    %swap3A_1507 = arith.constant 16 : index
    %swap3A_1508 = tpu.vector_load %arg11[%swap3A_1506, %swap3A_1507] {strides = array<i32>} : memref<8x128xf32, #tpu.memory_space<vmem>>, vector<16xf32>,
    tpu.vector_store %arg11[%swap3A_1506, %swap3A_1507], %div3A_1504 {strides = array<i32>} : memref<8x128xf32, #tpu.memory_space<vmem>>, vector<16xf32>,
    %get3A_1509 = arith.constant 2 : i32
    %get3A_1510 = arith.index_cast %get3A_1509 : i32 to index
    %get3A_1511 = arith.constant 32 : index
    %get3A_1512 = tpu.vector_load %arg11[%get3A_1510, %get3A_1511] {strides = array<i32>} : memref<8x128xf32, #tpu.memory_space<vmem>>, vector<16xf32>,
    %get3A_1513 = arith.constant 2 : i32
    %get3A_1514 = arith.index_cast %get3A_1513 : i32 to index
    %get3A_1515 = arith.constant 32 : index
    %get3A_1516 = tpu.vector_load %arg12[%get3A_1514, %get3A_1515] {strides = array<i32>} : memref<4x128xf32, #tpu.memory_space<vmem>>, vector<16xf32>,
    %add3A_1517 = arith.addf %get3A_1512, %get3A_1516 : vector<16xf32>
    %neg3A_1518 = arith.constant 0.000000e+00 : f32
    %neg3A_1519 = vector.broadcast %neg3A_1518 : f32 to vector<16xf32>
    %neg3A_1520 = arith.subf %neg3A_1519, %add3A_1517 : vector<16xf32>
    %exp3A_1521 = math.exp %neg3A_1520 : vector<16xf32>
    %add3A_1522 = arith.constant 1.000000e+00 : f32
    %add3A_1523 = vector.broadcast %add3A_1522 : f32 to vector<16xf32>
    %add3A_1524 = arith.addf %add3A_1523, %exp3A_1521 : vector<16xf32>
    %div3A_1525 = arith.constant 1.000000e+00 : f32
    %div3A_1526 = vector.broadcast %div3A_1525 : f32 to vector<16xf32>
    %div3A_1527 = arith.divf %div3A_1526, %add3A_1524 : vector<16xf32>
    %swap3A_1528 = arith.constant 2 : i32
    %swap3A_1529 = arith.index_cast %swap3A_1528 : i32 to index
    %swap3A_1530 = arith.constant 32 : index
    %swap3A_1531 = tpu.vector_load %arg11[%swap3A_1529, %swap3A_1530] {strides = array<i32>} : memref<8x128xf32, #tpu.memory_space<vmem>>, vector<16xf32>,
    tpu.vector_store %arg11[%swap3A_1529, %swap3A_1530], %div3A_1527 {strides = array<i32>} : memref<8x128xf32, #tpu.memory_space<vmem>>, vector<16xf32>,
    %get3A_1532 = arith.constant 2 : i32
    %get3A_1533 = arith.index_cast %get3A_1532 : i32 to index
    %get3A_1534 = arith.constant 48 : index
    %get3A_1535 = tpu.vector_load %arg11[%get3A_1533, %get3A_1534] {strides = array<i32>} : memref<8x128xf32, #tpu.memory_space<vmem>>, vector<16xf32>,
    %get3A_1536 = arith.constant 2 : i32
    %get3A_1537 = arith.index_cast %get3A_1536 : i32 to index
    %get3A_1538 = arith.constant 48 : index
    %get3A_1539 = tpu.vector_load %arg12[%get3A_1537, %get3A_1538] {strides = array<i32>} : memref<4x128xf32, #tpu.memory_space<vmem>>, vector<16xf32>,
    %add3A_1540 = arith.addf %get3A_1535, %get3A_1539 : vector<16xf32>
    %neg3A_1541 = arith.constant 0.000000e+00 : f32
    %neg3A_1542 = vector.broadcast %neg3A_1541 : f32 to vector<16xf32>
    %neg3A_1543 = arith.subf %neg3A_1542, %add3A_1540 : vector<16xf32>
    %exp3A_1544 = math.exp %neg3A_1543 : vector<16xf32>
    %add3A_1545 = arith.constant 1.000000e+00 : f32
    %add3A_1546 = vector.broadcast %add3A_1545 : f32 to vector<16xf32>
    %add3A_1547 = arith.addf %add3A_1546, %exp3A_1544 : vector<16xf32>
    %div3A_1548 = arith.constant 1.000000e+00 : f32
    %div3A_1549 = vector.broadcast %div3A_1548 : f32 to vector<16xf32>
    %div3A_1550 = arith.divf %div3A_1549, %add3A_1547 : vector<16xf32>
    %swap3A_1551 = arith.constant 2 : i32
    %swap3A_1552 = arith.index_cast %swap3A_1551 : i32 to index
    %swap3A_1553 = arith.constant 48 : index
    %swap3A_1554 = tpu.vector_load %arg11[%swap3A_1552, %swap3A_1553] {strides = array<i32>} : memref<8x128xf32, #tpu.memory_space<vmem>>, vector<16xf32>,
    tpu.vector_store %arg11[%swap3A_1552, %swap3A_1553], %div3A_1550 {strides = array<i32>} : memref<8x128xf32, #tpu.memory_space<vmem>>, vector<16xf32>,
    %get3A_1555 = arith.constant 2 : i32
    %get3A_1556 = arith.index_cast %get3A_1555 : i32 to index
    %get3A_1557 = arith.constant 64 : index
    %get3A_1558 = tpu.vector_load %arg11[%get3A_1556, %get3A_1557] {strides = array<i32>} : memref<8x128xf32, #tpu.memory_space<vmem>>, vector<16xf32>,
    %get3A_1559 = arith.constant 2 : i32
    %get3A_1560 = arith.index_cast %get3A_1559 : i32 to index
    %get3A_1561 = arith.constant 64 : index
    %get3A_1562 = tpu.vector_load %arg12[%get3A_1560, %get3A_1561] {strides = array<i32>} : memref<4x128xf32, #tpu.memory_space<vmem>>, vector<16xf32>,
    %add3A_1563 = arith.addf %get3A_1558, %get3A_1562 : vector<16xf32>
    %neg3A_1564 = arith.constant 0.000000e+00 : f32
    %neg3A_1565 = vector.broadcast %neg3A_1564 : f32 to vector<16xf32>
    %neg3A_1566 = arith.subf %neg3A_1565, %add3A_1563 : vector<16xf32>
    %exp3A_1567 = math.exp %neg3A_1566 : vector<16xf32>
    %add3A_1568 = arith.constant 1.000000e+00 : f32
    %add3A_1569 = vector.broadcast %add3A_1568 : f32 to vector<16xf32>
    %add3A_1570 = arith.addf %add3A_1569, %exp3A_1567 : vector<16xf32>
    %div3A_1571 = arith.constant 1.000000e+00 : f32
    %div3A_1572 = vector.broadcast %div3A_1571 : f32 to vector<16xf32>
    %div3A_1573 = arith.divf %div3A_1572, %add3A_1570 : vector<16xf32>
    %swap3A_1574 = arith.constant 2 : i32
    %swap3A_1575 = arith.index_cast %swap3A_1574 : i32 to index
    %swap3A_1576 = arith.constant 64 : index
    %swap3A_1577 = tpu.vector_load %arg11[%swap3A_1575, %swap3A_1576] {strides = array<i32>} : memref<8x128xf32, #tpu.memory_space<vmem>>, vector<16xf32>,
    tpu.vector_store %arg11[%swap3A_1575, %swap3A_1576], %div3A_1573 {strides = array<i32>} : memref<8x128xf32, #tpu.memory_space<vmem>>, vector<16xf32>,
    %get3A_1578 = arith.constant 2 : i32
    %get3A_1579 = arith.index_cast %get3A_1578 : i32 to index
    %get3A_1580 = arith.constant 80 : index
    %get3A_1581 = tpu.vector_load %arg11[%get3A_1579, %get3A_1580] {strides = array<i32>} : memref<8x128xf32, #tpu.memory_space<vmem>>, vector<16xf32>,
    %get3A_1582 = arith.constant 2 : i32
    %get3A_1583 = arith.index_cast %get3A_1582 : i32 to index
    %get3A_1584 = arith.constant 80 : index
    %get3A_1585 = tpu.vector_load %arg12[%get3A_1583, %get3A_1584] {strides = array<i32>} : memref<4x128xf32, #tpu.memory_space<vmem>>, vector<16xf32>,
    %add3A_1586 = arith.addf %get3A_1581, %get3A_1585 : vector<16xf32>
    %neg3A_1587 = arith.constant 0.000000e+00 : f32
    %neg3A_1588 = vector.broadcast %neg3A_1587 : f32 to vector<16xf32>
    %neg3A_1589 = arith.subf %neg3A_1588, %add3A_1586 : vector<16xf32>
    %exp3A_1590 = math.exp %neg3A_1589 : vector<16xf32>
    %add3A_1591 = arith.constant 1.000000e+00 : f32
    %add3A_1592 = vector.broadcast %add3A_1591 : f32 to vector<16xf32>
    %add3A_1593 = arith.addf %add3A_1592, %exp3A_1590 : vector<16xf32>
    %div3A_1594 = arith.constant 1.000000e+00 : f32
    %div3A_1595 = vector.broadcast %div3A_1594 : f32 to vector<16xf32>
    %div3A_1596 = arith.divf %div3A_1595, %add3A_1593 : vector<16xf32>
    %swap3A_1597 = arith.constant 2 : i32
    %swap3A_1598 = arith.index_cast %swap3A_1597 : i32 to index
    %swap3A_1599 = arith.constant 80 : index
    %swap3A_1600 = tpu.vector_load %arg11[%swap3A_1598, %swap3A_1599] {strides = array<i32>} : memref<8x128xf32, #tpu.memory_space<vmem>>, vector<16xf32>,
    tpu.vector_store %arg11[%swap3A_1598, %swap3A_1599], %div3A_1596 {strides = array<i32>} : memref<8x128xf32, #tpu.memory_space<vmem>>, vector<16xf32>,
    %get3A_1601 = arith.constant 2 : i32
    %get3A_1602 = arith.index_cast %get3A_1601 : i32 to index
    %get3A_1603 = arith.constant 96 : index
    %get3A_1604 = tpu.vector_load %arg11[%get3A_1602, %get3A_1603] {strides = array<i32>} : memref<8x128xf32, #tpu.memory_space<vmem>>, vector<16xf32>,
    %get3A_1605 = arith.constant 2 : i32
    %get3A_1606 = arith.index_cast %get3A_1605 : i32 to index
    %get3A_1607 = arith.constant 96 : index
    %get3A_1608 = tpu.vector_load %arg12[%get3A_1606, %get3A_1607] {strides = array<i32>} : memref<4x128xf32, #tpu.memory_space<vmem>>, vector<16xf32>,
    %add3A_1609 = arith.addf %get3A_1604, %get3A_1608 : vector<16xf32>
    %neg3A_1610 = arith.constant 0.000000e+00 : f32
    %neg3A_1611 = vector.broadcast %neg3A_1610 : f32 to vector<16xf32>
    %neg3A_1612 = arith.subf %neg3A_1611, %add3A_1609 : vector<16xf32>
    %exp3A_1613 = math.exp %neg3A_1612 : vector<16xf32>
    %add3A_1614 = arith.constant 1.000000e+00 : f32
    %add3A_1615 = vector.broadcast %add3A_1614 : f32 to vector<16xf32>
    %add3A_1616 = arith.addf %add3A_1615, %exp3A_1613 : vector<16xf32>
    %div3A_1617 = arith.constant 1.000000e+00 : f32
    %div3A_1618 = vector.broadcast %div3A_1617 : f32 to vector<16xf32>
    %div3A_1619 = arith.divf %div3A_1618, %add3A_1616 : vector<16xf32>
    %swap3A_1620 = arith.constant 2 : i32
    %swap3A_1621 = arith.index_cast %swap3A_1620 : i32 to index
    %swap3A_1622 = arith.constant 96 : index
    %swap3A_1623 = tpu.vector_load %arg11[%swap3A_1621, %swap3A_1622] {strides = array<i32>} : memref<8x128xf32, #tpu.memory_space<vmem>>, vector<16xf32>,
    tpu.vector_store %arg11[%swap3A_1621, %swap3A_1622], %div3A_1619 {strides = array<i32>} : memref<8x128xf32, #tpu.memory_space<vmem>>, vector<16xf32>,
    %get3A_1624 = arith.constant 2 : i32
    %get3A_1625 = arith.index_cast %get3A_1624 : i32 to index
    %get3A_1626 = arith.constant 112 : index
    %get3A_1627 = tpu.vector_load %arg11[%get3A_1625, %get3A_1626] {strides = array<i32>} : memref<8x128xf32, #tpu.memory_space<vmem>>, vector<16xf32>,
    %get3A_1628 = arith.constant 2 : i32
    %get3A_1629 = arith.index_cast %get3A_1628 : i32 to index
    %get3A_1630 = arith.constant 112 : index
    %get3A_1631 = tpu.vector_load %arg12[%get3A_1629, %get3A_1630] {strides = array<i32>} : memref<4x128xf32, #tpu.memory_space<vmem>>, vector<16xf32>,
    %add3A_1632 = arith.addf %get3A_1627, %get3A_1631 : vector<16xf32>
    %neg3A_1633 = arith.constant 0.000000e+00 : f32
    %neg3A_1634 = vector.broadcast %neg3A_1633 : f32 to vector<16xf32>
    %neg3A_1635 = arith.subf %neg3A_1634, %add3A_1632 : vector<16xf32>
    %exp3A_1636 = math.exp %neg3A_1635 : vector<16xf32>
    %add3A_1637 = arith.constant 1.000000e+00 : f32
    %add3A_1638 = vector.broadcast %add3A_1637 : f32 to vector<16xf32>
    %add3A_1639 = arith.addf %add3A_1638, %exp3A_1636 : vector<16xf32>
    %div3A_1640 = arith.constant 1.000000e+00 : f32
    %div3A_1641 = vector.broadcast %div3A_1640 : f32 to vector<16xf32>
    %div3A_1642 = arith.divf %div3A_1641, %add3A_1639 : vector<16xf32>
    %swap3A_1643 = arith.constant 2 : i32
    %swap3A_1644 = arith.index_cast %swap3A_1643 : i32 to index
    %swap3A_1645 = arith.constant 112 : index
    %swap3A_1646 = tpu.vector_load %arg11[%swap3A_1644, %swap3A_1645] {strides = array<i32>} : memref<8x128xf32, #tpu.memory_space<vmem>>, vector<16xf32>,
    tpu.vector_store %arg11[%swap3A_1644, %swap3A_1645], %div3A_1642 {strides = array<i32>} : memref<8x128xf32, #tpu.memory_space<vmem>>, vector<16xf32>,
    %get3A_1647 = arith.constant 3 : i32
    %get3A_1648 = arith.index_cast %get3A_1647 : i32 to index
    %get3A_1649 = arith.constant 0 : index
    %get3A_1650 = tpu.vector_load %arg11[%get3A_1648, %get3A_1649] {strides = array<i32>} : memref<8x128xf32, #tpu.memory_space<vmem>>, vector<16xf32>,
    %get3A_1651 = arith.constant 3 : i32
    %get3A_1652 = arith.index_cast %get3A_1651 : i32 to index
    %get3A_1653 = arith.constant 0 : index
    %get3A_1654 = tpu.vector_load %arg12[%get3A_1652, %get3A_1653] {strides = array<i32>} : memref<4x128xf32, #tpu.memory_space<vmem>>, vector<16xf32>,
    %add3A_1655 = arith.addf %get3A_1650, %get3A_1654 : vector<16xf32>
    %neg3A_1656 = arith.constant 0.000000e+00 : f32
    %neg3A_1657 = vector.broadcast %neg3A_1656 : f32 to vector<16xf32>
    %neg3A_1658 = arith.subf %neg3A_1657, %add3A_1655 : vector<16xf32>
    %exp3A_1659 = math.exp %neg3A_1658 : vector<16xf32>
    %add3A_1660 = arith.constant 1.000000e+00 : f32
    %add3A_1661 = vector.broadcast %add3A_1660 : f32 to vector<16xf32>
    %add3A_1662 = arith.addf %add3A_1661, %exp3A_1659 : vector<16xf32>
    %div3A_1663 = arith.constant 1.000000e+00 : f32
    %div3A_1664 = vector.broadcast %div3A_1663 : f32 to vector<16xf32>
    %div3A_1665 = arith.divf %div3A_1664, %add3A_1662 : vector<16xf32>
    %swap3A_1666 = arith.constant 3 : i32
    %swap3A_1667 = arith.index_cast %swap3A_1666 : i32 to index
    %swap3A_1668 = arith.constant 0 : index
    %swap3A_1669 = tpu.vector_load %arg11[%swap3A_1667, %swap3A_1668] {strides = array<i32>} : memref<8x128xf32, #tpu.memory_space<vmem>>, vector<16xf32>,
    tpu.vector_store %arg11[%swap3A_1667, %swap3A_1668], %div3A_1665 {strides = array<i32>} : memref<8x128xf32, #tpu.memory_space<vmem>>, vector<16xf32>,
    %get3A_1670 = arith.constant 3 : i32
    %get3A_1671 = arith.index_cast %get3A_1670 : i32 to index
    %get3A_1672 = arith.constant 16 : index
    %get3A_1673 = tpu.vector_load %arg11[%get3A_1671, %get3A_1672] {strides = array<i32>} : memref<8x128xf32, #tpu.memory_space<vmem>>, vector<16xf32>,
    %get3A_1674 = arith.constant 3 : i32
    %get3A_1675 = arith.index_cast %get3A_1674 : i32 to index
    %get3A_1676 = arith.constant 16 : index
    %get3A_1677 = tpu.vector_load %arg12[%get3A_1675, %get3A_1676] {strides = array<i32>} : memref<4x128xf32, #tpu.memory_space<vmem>>, vector<16xf32>,
    %add3A_1678 = arith.addf %get3A_1673, %get3A_1677 : vector<16xf32>
    %neg3A_1679 = arith.constant 0.000000e+00 : f32
    %neg3A_1680 = vector.broadcast %neg3A_1679 : f32 to vector<16xf32>
    %neg3A_1681 = arith.subf %neg3A_1680, %add3A_1678 : vector<16xf32>
    %exp3A_1682 = math.exp %neg3A_1681 : vector<16xf32>
    %add3A_1683 = arith.constant 1.000000e+00 : f32
    %add3A_1684 = vector.broadcast %add3A_1683 : f32 to vector<16xf32>
    %add3A_1685 = arith.addf %add3A_1684, %exp3A_1682 : vector<16xf32>
    %div3A_1686 = arith.constant 1.000000e+00 : f32
    %div3A_1687 = vector.broadcast %div3A_1686 : f32 to vector<16xf32>
    %div3A_1688 = arith.divf %div3A_1687, %add3A_1685 : vector<16xf32>
    %swap3A_1689 = arith.constant 3 : i32
    %swap3A_1690 = arith.index_cast %swap3A_1689 : i32 to index
    %swap3A_1691 = arith.constant 16 : index
    %swap3A_1692 = tpu.vector_load %arg11[%swap3A_1690, %swap3A_1691] {strides = array<i32>} : memref<8x128xf32, #tpu.memory_space<vmem>>, vector<16xf32>,
    tpu.vector_store %arg11[%swap3A_1690, %swap3A_1691], %div3A_1688 {strides = array<i32>} : memref<8x128xf32, #tpu.memory_space<vmem>>, vector<16xf32>,
    %get3A_1693 = arith.constant 3 : i32
    %get3A_1694 = arith.index_cast %get3A_1693 : i32 to index
    %get3A_1695 = arith.constant 32 : index
    %get3A_1696 = tpu.vector_load %arg11[%get3A_1694, %get3A_1695] {strides = array<i32>} : memref<8x128xf32, #tpu.memory_space<vmem>>, vector<16xf32>,
    %get3A_1697 = arith.constant 3 : i32
    %get3A_1698 = arith.index_cast %get3A_1697 : i32 to index
    %get3A_1699 = arith.constant 32 : index
    %get3A_1700 = tpu.vector_load %arg12[%get3A_1698, %get3A_1699] {strides = array<i32>} : memref<4x128xf32, #tpu.memory_space<vmem>>, vector<16xf32>,
    %add3A_1701 = arith.addf %get3A_1696, %get3A_1700 : vector<16xf32>
    %neg3A_1702 = arith.constant 0.000000e+00 : f32
    %neg3A_1703 = vector.broadcast %neg3A_1702 : f32 to vector<16xf32>
    %neg3A_1704 = arith.subf %neg3A_1703, %add3A_1701 : vector<16xf32>
    %exp3A_1705 = math.exp %neg3A_1704 : vector<16xf32>
    %add3A_1706 = arith.constant 1.000000e+00 : f32
    %add3A_1707 = vector.broadcast %add3A_1706 : f32 to vector<16xf32>
    %add3A_1708 = arith.addf %add3A_1707, %exp3A_1705 : vector<16xf32>
    %div3A_1709 = arith.constant 1.000000e+00 : f32
    %div3A_1710 = vector.broadcast %div3A_1709 : f32 to vector<16xf32>
    %div3A_1711 = arith.divf %div3A_1710, %add3A_1708 : vector<16xf32>
    %swap3A_1712 = arith.constant 3 : i32
    %swap3A_1713 = arith.index_cast %swap3A_1712 : i32 to index
    %swap3A_1714 = arith.constant 32 : index
    %swap3A_1715 = tpu.vector_load %arg11[%swap3A_1713, %swap3A_1714] {strides = array<i32>} : memref<8x128xf32, #tpu.memory_space<vmem>>, vector<16xf32>,
    tpu.vector_store %arg11[%swap3A_1713, %swap3A_1714], %div3A_1711 {strides = array<i32>} : memref<8x128xf32, #tpu.memory_space<vmem>>, vector<16xf32>,
    %get3A_1716 = arith.constant 3 : i32
    %get3A_1717 = arith.index_cast %get3A_1716 : i32 to index
    %get3A_1718 = arith.constant 48 : index
    %get3A_1719 = tpu.vector_load %arg11[%get3A_1717, %get3A_1718] {strides = array<i32>} : memref<8x128xf32, #tpu.memory_space<vmem>>, vector<16xf32>,
    %get3A_1720 = arith.constant 3 : i32
    %get3A_1721 = arith.index_cast %get3A_1720 : i32 to index
    %get3A_1722 = arith.constant 48 : index
    %get3A_1723 = tpu.vector_load %arg12[%get3A_1721, %get3A_1722] {strides = array<i32>} : memref<4x128xf32, #tpu.memory_space<vmem>>, vector<16xf32>,
    %add3A_1724 = arith.addf %get3A_1719, %get3A_1723 : vector<16xf32>
    %neg3A_1725 = arith.constant 0.000000e+00 : f32
    %neg3A_1726 = vector.broadcast %neg3A_1725 : f32 to vector<16xf32>
    %neg3A_1727 = arith.subf %neg3A_1726, %add3A_1724 : vector<16xf32>
    %exp3A_1728 = math.exp %neg3A_1727 : vector<16xf32>
    %add3A_1729 = arith.constant 1.000000e+00 : f32
    %add3A_1730 = vector.broadcast %add3A_1729 : f32 to vector<16xf32>
    %add3A_1731 = arith.addf %add3A_1730, %exp3A_1728 : vector<16xf32>
    %div3A_1732 = arith.constant 1.000000e+00 : f32
    %div3A_1733 = vector.broadcast %div3A_1732 : f32 to vector<16xf32>
    %div3A_1734 = arith.divf %div3A_1733, %add3A_1731 : vector<16xf32>
    %swap3A_1735 = arith.constant 3 : i32
    %swap3A_1736 = arith.index_cast %swap3A_1735 : i32 to index
    %swap3A_1737 = arith.constant 48 : index
    %swap3A_1738 = tpu.vector_load %arg11[%swap3A_1736, %swap3A_1737] {strides = array<i32>} : memref<8x128xf32, #tpu.memory_space<vmem>>, vector<16xf32>,
    tpu.vector_store %arg11[%swap3A_1736, %swap3A_1737], %div3A_1734 {strides = array<i32>} : memref<8x128xf32, #tpu.memory_space<vmem>>, vector<16xf32>,
    %get3A_1739 = arith.constant 3 : i32
    %get3A_1740 = arith.index_cast %get3A_1739 : i32 to index
    %get3A_1741 = arith.constant 64 : index
    %get3A_1742 = tpu.vector_load %arg11[%get3A_1740, %get3A_1741] {strides = array<i32>} : memref<8x128xf32, #tpu.memory_space<vmem>>, vector<16xf32>,
    %get3A_1743 = arith.constant 3 : i32
    %get3A_1744 = arith.index_cast %get3A_1743 : i32 to index
    %get3A_1745 = arith.constant 64 : index
    %get3A_1746 = tpu.vector_load %arg12[%get3A_1744, %get3A_1745] {strides = array<i32>} : memref<4x128xf32, #tpu.memory_space<vmem>>, vector<16xf32>,
    %add3A_1747 = arith.addf %get3A_1742, %get3A_1746 : vector<16xf32>
    %neg3A_1748 = arith.constant 0.000000e+00 : f32
    %neg3A_1749 = vector.broadcast %neg3A_1748 : f32 to vector<16xf32>
    %neg3A_1750 = arith.subf %neg3A_1749, %add3A_1747 : vector<16xf32>
    %exp3A_1751 = math.exp %neg3A_1750 : vector<16xf32>
    %add3A_1752 = arith.constant 1.000000e+00 : f32
    %add3A_1753 = vector.broadcast %add3A_1752 : f32 to vector<16xf32>
    %add3A_1754 = arith.addf %add3A_1753, %exp3A_1751 : vector<16xf32>
    %div3A_1755 = arith.constant 1.000000e+00 : f32
    %div3A_1756 = vector.broadcast %div3A_1755 : f32 to vector<16xf32>
    %div3A_1757 = arith.divf %div3A_1756, %add3A_1754 : vector<16xf32>
    %swap3A_1758 = arith.constant 3 : i32
    %swap3A_1759 = arith.index_cast %swap3A_1758 : i32 to index
    %swap3A_1760 = arith.constant 64 : index
    %swap3A_1761 = tpu.vector_load %arg11[%swap3A_1759, %swap3A_1760] {strides = array<i32>} : memref<8x128xf32, #tpu.memory_space<vmem>>, vector<16xf32>,
    tpu.vector_store %arg11[%swap3A_1759, %swap3A_1760], %div3A_1757 {strides = array<i32>} : memref<8x128xf32, #tpu.memory_space<vmem>>, vector<16xf32>,
    %get3A_1762 = arith.constant 3 : i32
    %get3A_1763 = arith.index_cast %get3A_1762 : i32 to index
    %get3A_1764 = arith.constant 80 : index
    %get3A_1765 = tpu.vector_load %arg11[%get3A_1763, %get3A_1764] {strides = array<i32>} : memref<8x128xf32, #tpu.memory_space<vmem>>, vector<16xf32>,
    %get3A_1766 = arith.constant 3 : i32
    %get3A_1767 = arith.index_cast %get3A_1766 : i32 to index
    %get3A_1768 = arith.constant 80 : index
    %get3A_1769 = tpu.vector_load %arg12[%get3A_1767, %get3A_1768] {strides = array<i32>} : memref<4x128xf32, #tpu.memory_space<vmem>>, vector<16xf32>,
    %add3A_1770 = arith.addf %get3A_1765, %get3A_1769 : vector<16xf32>
    %neg3A_1771 = arith.constant 0.000000e+00 : f32
    %neg3A_1772 = vector.broadcast %neg3A_1771 : f32 to vector<16xf32>
    %neg3A_1773 = arith.subf %neg3A_1772, %add3A_1770 : vector<16xf32>
    %exp3A_1774 = math.exp %neg3A_1773 : vector<16xf32>
    %add3A_1775 = arith.constant 1.000000e+00 : f32
    %add3A_1776 = vector.broadcast %add3A_1775 : f32 to vector<16xf32>
    %add3A_1777 = arith.addf %add3A_1776, %exp3A_1774 : vector<16xf32>
    %div3A_1778 = arith.constant 1.000000e+00 : f32
    %div3A_1779 = vector.broadcast %div3A_1778 : f32 to vector<16xf32>
    %div3A_1780 = arith.divf %div3A_1779, %add3A_1777 : vector<16xf32>
    %swap3A_1781 = arith.constant 3 : i32
    %swap3A_1782 = arith.index_cast %swap3A_1781 : i32 to index
    %swap3A_1783 = arith.constant 80 : index
    %swap3A_1784 = tpu.vector_load %arg11[%swap3A_1782, %swap3A_1783] {strides = array<i32>} : memref<8x128xf32, #tpu.memory_space<vmem>>, vector<16xf32>,
    tpu.vector_store %arg11[%swap3A_1782, %swap3A_1783], %div3A_1780 {strides = array<i32>} : memref<8x128xf32, #tpu.memory_space<vmem>>, vector<16xf32>,
    %get3A_1785 = arith.constant 3 : i32
    %get3A_1786 = arith.index_cast %get3A_1785 : i32 to index
    %get3A_1787 = arith.constant 96 : index
    %get3A_1788 = tpu.vector_load %arg11[%get3A_1786, %get3A_1787] {strides = array<i32>} : memref<8x128xf32, #tpu.memory_space<vmem>>, vector<16xf32>,
    %get3A_1789 = arith.constant 3 : i32
    %get3A_1790 = arith.index_cast %get3A_1789 : i32 to index
    %get3A_1791 = arith.constant 96 : index
    %get3A_1792 = tpu.vector_load %arg12[%get3A_1790, %get3A_1791] {strides = array<i32>} : memref<4x128xf32, #tpu.memory_space<vmem>>, vector<16xf32>,
    %add3A_1793 = arith.addf %get3A_1788, %get3A_1792 : vector<16xf32>
    %neg3A_1794 = arith.constant 0.000000e+00 : f32
    %neg3A_1795 = vector.broadcast %neg3A_1794 : f32 to vector<16xf32>
    %neg3A_1796 = arith.subf %neg3A_1795, %add3A_1793 : vector<16xf32>
    %exp3A_1797 = math.exp %neg3A_1796 : vector<16xf32>
    %add3A_1798 = arith.constant 1.000000e+00 : f32
    %add3A_1799 = vector.broadcast %add3A_1798 : f32 to vector<16xf32>
    %add3A_1800 = arith.addf %add3A_1799, %exp3A_1797 : vector<16xf32>
    %div3A_1801 = arith.constant 1.000000e+00 : f32
    %div3A_1802 = vector.broadcast %div3A_1801 : f32 to vector<16xf32>
    %div3A_1803 = arith.divf %div3A_1802, %add3A_1800 : vector<16xf32>
    %swap3A_1804 = arith.constant 3 : i32
    %swap3A_1805 = arith.index_cast %swap3A_1804 : i32 to index
    %swap3A_1806 = arith.constant 96 : index
    %swap3A_1807 = tpu.vector_load %arg11[%swap3A_1805, %swap3A_1806] {strides = array<i32>} : memref<8x128xf32, #tpu.memory_space<vmem>>, vector<16xf32>,
    tpu.vector_store %arg11[%swap3A_1805, %swap3A_1806], %div3A_1803 {strides = array<i32>} : memref<8x128xf32, #tpu.memory_space<vmem>>, vector<16xf32>,
    %get3A_1808 = arith.constant 3 : i32
    %get3A_1809 = arith.index_cast %get3A_1808 : i32 to index
    %get3A_1810 = arith.constant 112 : index
    %get3A_1811 = tpu.vector_load %arg11[%get3A_1809, %get3A_1810] {strides = array<i32>} : memref<8x128xf32, #tpu.memory_space<vmem>>, vector<16xf32>,
    %get3A_1812 = arith.constant 3 : i32
    %get3A_1813 = arith.index_cast %get3A_1812 : i32 to index
    %get3A_1814 = arith.constant 112 : index
    %get3A_1815 = tpu.vector_load %arg12[%get3A_1813, %get3A_1814] {strides = array<i32>} : memref<4x128xf32, #tpu.memory_space<vmem>>, vector<16xf32>,
    %add3A_1816 = arith.addf %get3A_1811, %get3A_1815 : vector<16xf32>
    %neg3A_1817 = arith.constant 0.000000e+00 : f32
    %neg3A_1818 = vector.broadcast %neg3A_1817 : f32 to vector<16xf32>
    %neg3A_1819 = arith.subf %neg3A_1818, %add3A_1816 : vector<16xf32>
    %exp3A_1820 = math.exp %neg3A_1819 : vector<16xf32>
    %add3A_1821 = arith.constant 1.000000e+00 : f32
    %add3A_1822 = vector.broadcast %add3A_1821 : f32 to vector<16xf32>
    %add3A_1823 = arith.addf %add3A_1822, %exp3A_1820 : vector<16xf32>
    %div3A_1824 = arith.constant 1.000000e+00 : f32
    %div3A_1825 = vector.broadcast %div3A_1824 : f32 to vector<16xf32>
    %div3A_1826 = arith.divf %div3A_1825, %add3A_1823 : vector<16xf32>
    %swap3A_1827 = arith.constant 3 : i32
    %swap3A_1828 = arith.index_cast %swap3A_1827 : i32 to index
    %swap3A_1829 = arith.constant 112 : index
    %swap3A_1830 = tpu.vector_load %arg11[%swap3A_1828, %swap3A_1829] {strides = array<i32>} : memref<8x128xf32, #tpu.memory_space<vmem>>, vector<16xf32>,
    tpu.vector_store %arg11[%swap3A_1828, %swap3A_1829], %div3A_1826 {strides = array<i32>} : memref<8x128xf32, #tpu.memory_space<vmem>>, vector<16xf32>,
    "tpu.region"() ({
      %run_scoped3A = tpu.sem_alloc : memref<!tpu.dma_semaphore, #tpu.memory_space<semaphore_mem>>
      %dma_start3A_1831 = arith.constant 0 : i32
      %dma_start3A_1832 = arith.constant 0 : i32
      %dma_start3A_1833 = tpu.memref_slice %arg11[%dma_start3A_1831, %dma_start3A_1832] : memref<8x128xf32, #tpu.memory_space<vmem>> -> memref<4x128xf32, #tpu.memory_space<vmem>>
      %dma_start3A_1834 = arith.constant 0 : i32
      %dma_start3A_1835 = arith.constant 0 : i32
      %dma_start3A_1836 = tpu.memref_slice %arg4[%arg0, %arg1, %dma_start3A_1834, %dma_start3A_1835] : memref<2x16x4x128xf32, #tpu.memory_space<hbm>> -> memref<1x1x4x128xf32, #tpu.memory_space<hbm>>
      %dma_start3A_1837 = tpu.memref_squeeze %dma_start3A_1836 : memref<1x1x4x128xf32, #tpu.memory_space<hbm>> -> memref<4x128xf32, #tpu.memory_space<hbm>>
      %dma_start3A_1838 = arith.constant 0 : i32
      %dma_start3A_1839 = arith.constant 0 : i32
      %dma_start3A_1840 = tpu.memref_slice %arg4[%arg0, %arg1, %dma_start3A_1838, %dma_start3A_1839] : memref<2x16x4x128xf32, #tpu.memory_space<hbm>> -> memref<1x1x4x128xf32, #tpu.memory_space<hbm>>
      %dma_start3A_1841 = tpu.memref_squeeze %dma_start3A_1840 : memref<1x1x4x128xf32, #tpu.memory_space<hbm>> -> memref<4x128xf32, #tpu.memory_space<hbm>>
      %dma_start3A_1842 = arith.constant 0 : i32
      %dma_start3A_1843 = arith.constant 0 : i32
      %dma_start3A_1844 = tpu.memref_slice %arg11[%dma_start3A_1842, %dma_start3A_1843] : memref<8x128xf32, #tpu.memory_space<vmem>> -> memref<4x128xf32, #tpu.memory_space<vmem>>
      tpu.enqueue_dma source(%dma_start3A_1844 : memref<4x128xf32, #tpu.memory_space<vmem>>) target(%dma_start3A_1841 : memref<4x128xf32, #tpu.memory_space<hbm>>) target_semaphore(%run_scoped3A : memref<!tpu.dma_semaphore, #tpu.memory_space<semaphore_mem>>)
      %dma_wait3A_1845 = arith.constant 0 : i32
      %dma_wait3A_1846 = arith.constant 0 : i32
      %dma_wait3A_1847 = tpu.memref_slice %arg11[%dma_wait3A_1845, %dma_wait3A_1846] : memref<8x128xf32, #tpu.memory_space<vmem>> -> memref<4x128xf32, #tpu.memory_space<vmem>>
      %dma_wait3A_1848 = arith.constant 0 : i32
      %dma_wait3A_1849 = arith.constant 0 : i32
      %dma_wait3A_1850 = tpu.memref_slice %arg4[%arg0, %arg1, %dma_wait3A_1848, %dma_wait3A_1849] : memref<2x16x4x128xf32, #tpu.memory_space<hbm>> -> memref<1x1x4x128xf32, #tpu.memory_space<hbm>>
      %dma_wait3A_1851 = tpu.memref_squeeze %dma_wait3A_1850 : memref<1x1x4x128xf32, #tpu.memory_space<hbm>> -> memref<4x128xf32, #tpu.memory_space<hbm>>
      %dma_wait3A_1852 = arith.constant 0 : i32
      %dma_wait3A_1853 = arith.constant 0 : i32
      %dma_wait3A_1854 = tpu.memref_slice %arg4[%arg0, %arg1, %dma_wait3A_1852, %dma_wait3A_1853] : memref<2x16x4x128xf32, #tpu.memory_space<hbm>> -> memref<1x1x4x128xf32, #tpu.memory_space<hbm>>
      %dma_wait3A_1855 = tpu.memref_squeeze %dma_wait3A_1854 : memref<1x1x4x128xf32, #tpu.memory_space<hbm>> -> memref<4x128xf32, #tpu.memory_space<hbm>>
      %dma_wait3A_1856 = arith.constant 0 : i32
      %dma_wait3A_1857 = arith.constant 0 : i32
      %dma_wait3A_1858 = tpu.memref_slice %arg11[%dma_wait3A_1856, %dma_wait3A_1857] : memref<8x128xf32, #tpu.memory_space<vmem>> -> memref<4x128xf32, #tpu.memory_space<vmem>>
      tpu.wait_dma2 semaphore(%run_scoped3A : memref<!tpu.dma_semaphore, #tpu.memory_space<semaphore_mem>>) src(%dma_wait3A_1858 : memref<4x128xf32, #tpu.memory_space<vmem>>) dst(%dma_wait3A_1855 : memref<4x128xf32, #tpu.memory_space<hbm>>)
      tpu.yield
    }) : () -> ()
    return
  }
}

</mosaic_0001>

<sc_bundles>
// kernel: kernel.3.cloned.1.call-start
scs
__scs_entry_jumppad:
0x0: {  	(pc) =	sbr.rel $0x88, $3  }
0x1: {  	(tag) =	ssettag $0x0;
	lr =	simm.s32 $0x1  }
0x2: {  	[smem:$0x3F9F] =	sst lr;
	_ =	strace $0xD0000000  }
0x3: {  	_ = 	snop  }
0x4: {  	_ = 	snop  }
0x5: {  	_ = 	snop  }
0x6: {  	_ = 	snop  }
0x7: {  	_ = 	snop  }
__scs_overlays_trampoline_lowered:
0x8: {  	[smem:$0x3FAE] =	sst s0  }
0x9: {  	[smem:$0x3FAF] =	sst s1  }
0xa: {  	[smem:$0x3FB0] =	sst s2  }
0xb: {  	[smem:$0x3FB1] =	sst s3  }
0xc: {  	[smem:$0x3FB2] =	sst s4  }
0xd: {  	[smem:$0x3FB3] =	sst s5  }
0xe: {  	[smem:$0x3FB4] =	sst s6  }
0xf: {  	[smem:$0x3FB5] =	sst s7  }
0x10: {  	[smem:$0x3FB6] =	sst s8  }
0x11: {  	[smem:$0x3FB7] =	sst s9;
	s0 =	simm.s32 @!p0 $0x0  }
0x12: {  	s1 =	sld [smem:$0x3F9D];
	s0 =	simm.s32 @p0 $0x1  }
0x13: {  	[smem:$0x3FB8] =	sst s0;
	s0 =	simm.s32 @!p1 $0x0  }
0x14: {  	s2 =	sld [smem:$0x3F9C];
	s0 =	simm.s32 @p1 $0x1  }
0x15: {  	[smem:$0x3FB9] =	sst s0;
	s0 =	simm.s32 @!p2 $0x0  }
0x16: {  	s3 =	sld [smem:$0x3FDB];
	s0 =	simm.s32 @p2 $0x1  }
0x17: {  	s4 =	simm.s32 $0x1BF5;
	[smem:$0x3FBB] =	sst s0  }
0x18: {  	s0 =	sld [smem:$0x3F9E];
	_ =	swait.ge [sflag:s4], $0x0  }
0x19: {  	s7 =	sld [smem:$0x3F9F]  }
0x1a: {  	s8 =	sadd.s32 $0xFFFFE003, lr  }
0x1b: {  	s9 =	sadd.s32 $0xFFFFFEF7, lr;
	s5 =	simm.s32 $0xFFFFFFFF;
	p2 =	slt.u32 s8, $0xFFFFF086  }
0x1c: {  	p1 =	slt.u32 s9, $0xF7A;
	s5 =	simm.s32 @!p2 $0x0  }
0x1d: {  	s5 =	simm.s32 @p1 $0x1;
	p0 =	seq.s32 s7, s2  }
0x1e: {  	s7 =	smul.u32 @!p0 $0xF7A, s2;
	p2 =	seq.s32 @!p0 s5, $0x0  }
0x1f: {  	s9 =	smul.u32 $0xF7A, s1;
	s8 =	simm.s32 @!p0 $0x1BF5;
	p2 =	por !p2, p0  }
0x20: {  	[sflag:s8] =	ssyncset.s32 @!p0 $0xFFFFF086;
	s6 =	sadd.s32 @!p0 s3, s7;
	s7 =	simm.s32 @!p0 $0x108  }
0x21: {  	s3 =	sadd.s32 s3, s9;
	s6 =	sadd.s32 @!p0 $0x88, s6;
	s7 =	simm.s32 @p2 $0x1082  }
0x22: {  	[simem:s7], [sflag:s8] =	dma.local @!p0 [hbm:s6], $0xF7A  }
0x23: {  	s9 =	sor.u32 $0xD0000000, s2;
	s6 =	simm.s32 $0x108;
	_ =	swait.ge @!p0 [sflag:s8], $0x0  }
0x24: {  	s3 =	sadd.s32 $0x88, s3;
	s6 =	simm.s32 @!p1 $0x1082;
	[sflag:s4] =	ssyncset.s32 $0xFFFFF086  }
0x25: {  	[simem:s6], [sflag:s4] =	dma.local [hbm:s3], $0xF7A  }
0x26: {  	[smem:$0x3F9F] =	sst s1;
	(tag) =	ssettag s2;
	_ =	strace s9  }
0x27: {  	s1 =	sld [smem:$0x3FAF]  }
0x28: {  	s2 =	sld [smem:$0x3FB0]  }
0x29: {  	s4 =	sld [smem:$0x3FB2]  }
0x2a: {  	p0 =	seq.s32 s5, $0x0;
	s5 =	sld [smem:$0x3FB3]  }
0x2b: {  	s6 =	sld [smem:$0x3FB4]  }
0x2c: {  	s7 =	sld [smem:$0x3FB5]  }
0x2d: {  	s3 =	simm.s32 $0x108;
	s8 =	sld [smem:$0x3FB6]  }
0x2e: {  	s3 =	simm.s32 @!p0 $0x1082;
	s9 =	sld [smem:$0x3FB7]  }
0x2f: {  	lr =	sadd.s32 s0, s3;
	s0 =	sld [smem:$0x3FAE]  }
0x30: {  	s3 =	sld [smem:$0x3FB1]  }
0x31: {  	[smem:$0x3FBA] =	sst s10  }
0x32: {  	s10 =	sld [smem:$0x3FB8];
	_ =	sdelay $0x3  }
0x33: {  	p0 =	seq.s32 s10, $0x1;
	s10 =	sld [smem:$0x3FBA];
	_ =	sdelay $0x3  }
0x34: {  	[smem:$0x3FBA] =	sst s10  }
0x35: {  	s10 =	sld [smem:$0x3FB9];
	_ =	sdelay $0x3  }
0x36: {  	p1 =	seq.s32 s10, $0x1;
	s10 =	sld [smem:$0x3FBA];
	_ =	sdelay $0x3  }
0x37: {  	[smem:$0x3FBA] =	sst s10  }
0x38: {  	s10 =	sld [smem:$0x3FBB]  }
0x39: {  	_ = 	snop;
	(pc) =	sbr.ind lr, $3  }
0x3a: {  	_ = 	snop  }
0x3b: {  	_ = 	snop  }
0x3c: {  	p2 =	seq.s32 s10, $0x1;
	s10 =	sld [smem:$0x3FBA]  }
0x3d: {  	_ =	shalt  }
0x3e: {  	_ =	shalt  }
0x3f: {  	_ =	shalt  }
0x40: {  	_ =	shalt  }
0x41: {  	_ =	shalt  }
0x42: {  	_ =	shalt  }
0x43: {  	_ =	shalt  }
0x44: {  	_ =	shalt  }
0x45: {  	_ =	shalt  }
0x46: {  	_ =	shalt  }
0x47: {  	_ =	shalt  }
0x48: {  	_ =	shalt  }
0x49: {  	_ =	shalt  }
0x4a: {  	_ =	shalt  }
0x4b: {  	_ =	shalt  }
0x4c: {  	_ =	shalt  }
0x4d: {  	_ =	shalt  }
0x4e: {  	_ =	shalt  }
0x4f: {  	_ =	shalt  }
0x50: {  	_ =	shalt  }
0x51: {  	_ =	shalt  }
0x52: {  	_ =	shalt  }
0x53: {  	_ =	shalt  }
0x54: {  	_ =	shalt  }
0x55: {  	_ =	shalt  }
0x56: {  	_ =	shalt  }
0x57: {  	_ =	shalt  }
0x58: {  	_ =	shalt  }
0x59: {  	_ =	shalt  }
0x5a: {  	_ =	shalt  }
0x5b: {  	_ =	shalt  }
0x5c: {  	_ =	shalt  }
0x5d: {  	_ =	shalt  }
0x5e: {  	_ =	shalt  }
0x5f: {  	_ =	shalt  }
0x60: {  	_ =	shalt  }
0x61: {  	_ =	shalt  }
0x62: {  	_ =	shalt  }
0x63: {  	_ =	shalt  }
0x64: {  	_ =	shalt  }
0x65: {  	_ =	shalt  }
0x66: {  	_ =	shalt  }
0x67: {  	_ =	shalt  }
0x68: {  	_ =	shalt  }
0x69: {  	_ =	shalt  }
0x6a: {  	_ =	shalt  }
0x6b: {  	_ =	shalt  }
0x6c: {  	_ =	shalt  }
0x6d: {  	_ =	shalt  }
0x6e: {  	_ =	shalt  }
0x6f: {  	_ =	shalt  }
0x70: {  	_ =	shalt  }
0x71: {  	_ =	shalt  }
0x72: {  	_ =	shalt  }
0x73: {  	_ =	shalt  }
0x74: {  	_ =	shalt  }
0x75: {  	_ =	shalt  }
0x76: {  	_ =	shalt  }
0x77: {  	_ =	shalt  }
0x78: {  	_ =	shalt  }
0x79: {  	_ =	shalt  }
0x7a: {  	_ =	shalt  }
0x7b: {  	_ =	shalt  }
0x7c: {  	_ =	shalt  }
0x7d: {  	_ =	shalt  }
0x7e: {  	_ =	shalt  }
0x7f: {  	_ =	shalt  }
0x80: {  	_ =	shalt  }
0x81: {  	_ =	shalt  }
0x82: {  	_ =	shalt  }
0x83: {  	_ =	shalt  }
0x84: {  	_ =	shalt  }
0x85: {  	_ =	shalt  }
0x86: {  	_ =	shalt  }
0x87: {  	_ =	shalt  }
.Lfunc_end0:
.L_simem_size_0:
called_computation_lowered:
.L_overlay_start_0:
0x88: {  	s2 =	sld [smem:$0x3FD9]  }
0x89: {  	s3 =	sld [smem:$0x3FFE];
	_ =	sdelay $0x1  }
0x8a: {  	s1 =	srdreg.scid  }
0x8b: {  	s0 =	sand.u32 $0x1, s1  }
0x8c: {  	s17 =	sshll.u32 s0, $0xA;
	s2 =	sadd.s32 s3, s2  }
0x8d: {  	s2 =	sadd.s32 s2, s17  }
0x8e: {  	[smem:$0x3FC6] =	sst s2  }
0x8f: {  	_ = 	snop  }
0x90: {  	s2 =	sld [smem:$0x3FC8]  }
0x91: {  	s18 =	sld [smem:$0x3FD0];
	(tm) =	ssettm $0x1  }
0x92: {  	s4 =	sld [smem:$0x3FFB];
	_ =	sdelay $0x3  }
0x93: {  	_ =	strace s4  }
0x94: {  	s4 =	sld [smem:$0x3FFC];
	_ =	sdelay $0x3  }
0x95: {  	_ =	strace s4  }
0x96: {  	s4 =	sld [smem:$0x3FFD];
	_ =	sdelay $0x3  }
0x97: {  	_ =	strace s4  }
0x98: {  	_ =	strace $0x8FFFFFFF  }
0x99: {  	s19 =	sld [smem:$0x3FDB];
	_ =	sdelay $0x1  }
0x9a: {  	s5 =	simm.s32 $_scs_section_size  }
0x9b: {  	s6 =	simm.s32 $_size__tile_overlayer_lowered;
	s7 =	simm.s32 $_tile_overlayer_lowered  }
0x9c: {  	s22 =	simm.s32 $0x1BFF;
	s21 =	sshll.u32 s7, $0x1;
	s4 =	sadd.s32 s5, s19  }
0x9d: {  	s8 =	simm.s32 $0x0;
	s20 =	sshll.u32 s6, $0x1;
	s6 =	sadd.s32 s21, s4  }
0x9e: {  	[timem:s8], [sflag:s22] =	dma.local [hbm:s6], s20  }
0x9f: {  	_ =	swait.ge [sflag:s22], s20  }
0xa0: {  	s5 =	ssub.s32 $0x0, s20;
	[sflag:s22] =	ssyncset.done $0x0  }
0xa1: {  	[sflag:s22] =	ssyncadd.s32 s5;
	_ =	sdelay $0x1  }
0xa2: {  	s23 =	simm.s32 $0x1B8B  }
0xa3: {  	_ =	swait.ge [sflag:s23], $0x1  }
0xa4: {  	[sflag:s23] =	ssyncset.done $0x0  }
0xa5: {  	s25 =	simm.s32 $0x1B8E;
	s24 =	sld [smem:$0x3FFE];
	[sflag:s23] =	ssyncadd.s32 $0xFFFFFFFF  }
0xa6: {  	s26 =	simm.s32 $execute0_lowered;
	[smem:$0x3FD2] =	sst s25  }
0xa7: {  	s6 =	sshll.u32 s26, $0x1;
	_ =	strace $0x80000046;
	[dreg:$0x1] =	wrdreg $0xFFFFFFFF  }
0xa8: {  	s28 =	simm.s32 $_size_execute0_lowered;
	s4 =	sadd.s32 s4, s6;
	[dreg:$0x0] =	wrdreg $0x0  }
0xa9: {  	s6 =	sshll.u32 s28, $0x1;
	[dreg:$0x2] =	wrdreg s4  }
0xaa: {  	[dreg:$0x3] =	wrdreg s6  }
0xab: {  	[dreg:$0x4] =	wrdreg $0xC0  }
0xac: {  	_ =	task [dreg:s8], $0x5FFFF  }
0xad: {  	[dreg:$0x1] =	wrdreg $0xFFFFFFFF  }
0xae: {  	[dreg:$0x0] =	wrdreg $0x60  }
0xaf: {  	[dreg:$0x2] =	wrdreg s24  }
0xb0: {  	[dreg:$0x3] =	wrdreg s2  }
0xb1: {  	[dreg:$0x4] =	wrdreg s18  }
0xb2: {  	[dreg:$0x5] =	wrdreg $0x1F7800  }
0xb3: {  	[dreg:$0x6] =	wrdreg $0x1EF800  }
0xb4: {  	[dreg:$0x7] =	wrdreg $0x9  }
0xb5: {  	_ =	task.clear_ibuf [dreg:s8], $0x8FFFF;
	_ =	strace $0x90000046  }
0xb6: {  	s29 =	simm.s32 $0x9;
	_ =	strace $0x80000048  }
0xb7: {  	_ =	swait.ge [sflag:s29], $0x1  }
0xb8: {  	[sflag:s29] =	ssyncadd.s32 $0xFFFFFFFF  }
0xb9: {  	_ =	strace $0x90000048  }
0xba: {  	_ =	sfence  }
0xbb: {  	s30 =	sld [smem:$0x0];
	_ =	sdelay $0x2  }
0xbc: {  	s31 =	sshll.u32 s1, $0xD;
	s1 =	sshrl.u32 s1, $0x2  }
0xbd: {  	s3 =	sand.u32 $0x4000, s31;
	s1 =	sadd.s32 s1, s30  }
0xbe: {  	s0 =	sor.u32 s3, s0;
	s1 =	sshll.u32 s1, $0x11  }
0xbf: {  	s0 =	sor.u32 s1, s0  }
0xc0: {  	s0 =	sadd.s32 $0x8F2B, s0  }
0xc1: {  	[sflag:s0] =	ssyncadd.remote.s32 $0x1  }
0xc2: {  	_ =	sfence.sel $0xFFFF  }
0xc3: {  	[dreg:$0x0] =	wrdreg $0xFFFFFFFF;
	(pc) =	sbr.abs _section_cstart, $3  }
0xc4: {  	[dreg:$0x1] =	wrdreg $0xFFFFFFFF  }
0xc5: {  	_ =	task.clear_ibuf [dreg:s8], $0x2FFFF;
	_ =	strace $0x9FFFFFFF  }
0xc6: {  	(tm) =	ssettm $0x7FFFFFFF  }
0xc7: {  	_ =	shalt  }
tec
execute0_lowered:
.L_overlay_start_1:
0x0: {  	(tag) =	ssettag $0x1  }
0x1: {  	s4 =	rddreg [dreg:$0x0]  }
0x2: {  	s6 =	rddreg [dreg:$0x1]  }
0x3: {  	s0 =	rddreg [dreg:$0x2]  }
0x4: {  	s1 =	rddreg [dreg:$0x3]  }
0x5: {  	s2 =	rddreg [dreg:$0x4];
	s3 =	simm.s32 $0x0;
	s22 =	stileid.u32  }
0x6: {  	s5 =	srdreg.scid;
	s28 =	simm.s32 $0x7;
	s29 =	simm.s32 $0x1E900  }
0x7: {  	s30 =	simm.s32 $0x4;
	[smem:$0x7FF] =	sst s3;
	s7 =	sand.u32 $0x7, s22  }
0x8: {  	s11 =	sand.u32 $0x1, s5;
	s16 =	sadd.s32 $0x1800, s4;
	s10 =	sshll.u32 s22, $0x1  }
0x9: {  	s12 =	sshrl.u32 s22, $0x3;
	s24 =	sshll.u32 s22, $0x9;
	p0 =	sne.s32 s22, $0x0  }
0xa: {  	_ =	strace $0x80000047;
	s13 =	sshll.u32 s7, $0x8;
	s8 =	ssub.s32 $0x2, s11  }
0xb: {  	s18 =	sshll.u32 s11, $0x4;
	s15 =	sshll.u32 s11, $0x5;
	s7 =	sshll.u32 s7, $0xC  }
0xc: {  	s19 =	sshll.u32 s12, $0x7;
	s12 =	sshll.u32 s12, $0xB;
	s9 =	sadd.s32 s13, s4  }
0xd: {  	s14 =	sshrl.u32 s8, $0x1;
	s4 =	sadd.s32 $0x2800, s4;
	s7 =	sadd.s32 s7, s2  }
0xe: {  	s13 =	sshll.u32 s22, $0x8;
	s17 =	ssub.s32 s8, s14;
	s5 =	sadd.s32 s4, s18  }
0xf: {  	s8 =	sor.u32 s10, s15;
	s19 =	sadd.s32 s19, s7;
	s20 =	sadd.s32 s12, s9  }
0x10: {  	s21 =	sand.u32 $0x300, s13;
	s10 =	sadd.s32 $0x2080, s2;
	s12 =	sadd.s32 $0x4000, s2  }
0x11: {  	s13 =	sadd.s32 $0x4080, s2;
	s14 =	sadd.s32 $0x6000, s2;
	s8 =	sshrl.u32 s8, $0x3  }
0x12: {  	s7 =	sadd.s32 $0x800, s20;
	s20 =	sshll.u32 s22, $0xA;
	s8 =	smul.u32 $0xC3800, s8  }
0x13: {  	s15 =	sadd.s32 $0x6080, s2;
	[dreg:$0x6] =	wrdreg s7;
	s7 =	sadd.s32 s20, s1  }
0x14: {  	s9 =	sor.u32 s21, s8;
	s8 =	sadd.s32 $0x80, s2;
	s21 =	sshll.u32 s11, $0xD  }
0x15: {  	s11 =	sshll.u32 s11, $0xE;
	s23 =	sshrl.u32 s9, $0x3;
	s9 =	sadd.s32 $0x2000, s2  }
0x16: {  	s21 =	sor.u32 s24, s21;
	s20 =	sor.u32 s20, s11;
	s23 =	sadd.s32 s6, s23  }
0x17: {  	s6 =	sand.u32 $0x200, s24;
	s25 =	sand.u32 $0x3C00, s21;
	s31 =	sshrl.u32 s20, $0x3  }
0x18: {  	s20 =	sxor.u32 $0x10, s18;
	s24 =	sshrl.u32 s21, $0x3;
	s6 =	ssub.s32 s6, s11  }
0x19: {  	[dreg:$0x7] =	wrdreg s23;
	s26 =	sadd.s32 $0x10, s23;
	s11 =	sadd.s32 s16, s31  }
0x1a: {  	s18 =	sadd.s32 s4, s20;
	s0 =	sadd.s32 s0, s24;
	s31 =	sshrl.u32 s19, $0x3  }
0x1b: {  	s24 =	simm.s32 $0x1;
	s19 =	simm.s32 $0x6;
	[dreg:$0x8] =	wrdreg s26  }
0x1c: {  	s20 =	simm.s32 $0x1EF00;
	s6 =	sor.u32 s25, s6;
	[dreg:$0x9] =	wrdreg s11  }
0x1d: {  	s25 =	sadd.s32 s21, s1;
	[dreg:$0xc] =	wrdreg s0;
	s26 =	smax.u32 s17, $0x1  }
.Ltmp0:
0x1e: {  	[dreg:$0xe] =	wrdreg s31;
	s0 =	simm.s32 $0x2;
	(pc) =	sbr.rel .LBB2_1-.Ltmp0, $4  }
0x1f: {  	v0 =	vlaneseq.u32;
	s21 =	simm.s32 $0x0;
	s6 =	sadd.s32 $0x4000, s6;
	[dreg:$0xa] =	wrdreg s25  }
0x20: {  	v8 =	vimm.f32 $0.0e+00;
	v9 =	vimm.s32 $0x1;
	v1 =	vor.u32 $0x10, v0;
	[dreg:$0xd] =	wrdreg s26;
	s25 =	simm.s32 $0x20;
	s23 =	sshrl.u32 s6, $0x3  }
0x21: {  	v2 =	vor.u32 $0x20, v0;
	v3 =	vor.u32 $0x30, v0;
	v4 =	vor.u32 $0x40, v0;
	s26 =	simm.s32 $0x5;
	s6 =	simm.s32 $0x3;
	s4 =	sadd.s32 s16, s23  }
0x22: {  	v5 =	vor.u32 $0x50, v0;
	v6 =	vor.u32 $0x60, v0;
	v7 =	vor.u32 $0x70, v0;
	s16 =	simm.s32 $0x1D700;
	[dreg:$0xb] =	wrdreg s4;
	s4 =	simm.s32 $0x1C700  }
.LBB2_52:
0x23: {  	[bflag:$0x0] =	sbarrier.arrive $0xFFFF  }
0x24: {  	s11 =	rddreg [dreg:$0xa]  }
0x25: {  	[tilespmem:s29], [sflag:$0x7] =	stream.linear.gather [spmem:s11], $0x200, $0x38;
	[tilespmem:$0x1FB80] =	vst v63  }
0x26: {  	_ =	swait.ge [sflag:s28], $0x200  }
0x27: {  	[sflag:s28] =	ssyncset.done $0x0  }
0x28: {  	s17 =	simm.s32 $0x1ED00;
	s22 =	rddreg [dreg:$0xb];
	[sflag:s28] =	ssyncadd.s32 $0xFFFFFE00  }
0x29: {  	[tilespmem:s17], [sflag:$0x7] =	stream.linear.gather [hbm4b:s22+s3], $0x200, $0x38;
	[tilespmem:$0x1FB80] =	vst v63  }
0x2a: {  	_ =	swait.ge [sflag:s28], $0x200  }
0x2b: {  	[sflag:s28] =	ssyncset.done $0x0  }
0x2c: {  	[sflag:s28] =	ssyncadd.s32 $0xFFFFFE00  }
0x2d: {  	v10 =	vld [tilespmem:$0x1E900]  }
0x2e: {  	v11 =	vld [tilespmem:$0x1ED00];
	_ =	sdelay $0x4  }
0x2f: {  	v10 =	vadd.f32 v11, v10;
	_ =	sdelay $0x1  }
0x30: {  	v10 =	vsub.f32 $0.0e+00, v10;
	_ =	sdelay $0x1  }
0x31: {  	v10 =	vmul.f32 $1.442695020e+00, v10;
	_ =	sdelay $0x1  }
0x32: {  	(erf) = vpow2.f32 v10  }
0x33: {  	v11 =	vld [tilespmem:$0x1ED10]  }
0x34: {  	v10 =	vld [tilespmem:$0x1E910];
	_ =	sdelay $0x4  }
0x35: {  	v10 =	vadd.f32 v11, v10;
	_ =	sdelay $0x1  }
0x36: {  	v10 =	vsub.f32 $0.0e+00, v10;
	v11 =	vpop (erf)  }
0x37: {  	v11 =	vadd.f32 $1.000000000e+00, v11  }
0x38: {  	v10 =	vmul.f32 $1.442695020e+00, v10  }
0x39: {  	(erf) = vrcp.f32 v11  }
0x3a: {  	(erf) = vpow2.f32 v10  }
0x3b: {  	v11 =	vld [tilespmem:$0x1ED20]  }
0x3c: {  	v10 =	vld [tilespmem:$0x1E920];
	_ =	sdelay $0x4  }
0x3d: {  	v11 =	vadd.f32 v11, v10  }
0x3e: {  	v10 =	vpop (erf)  }
0x3f: {  	v11 =	vsub.f32 $0.0e+00, v11;
	v12 =	vpop (erf)  }
0x40: {  	v12 =	vadd.f32 $1.000000000e+00, v12  }
0x41: {  	v11 =	vmul.f32 $1.442695020e+00, v11  }
0x42: {  	(erf) = vrcp.f32 v12  }
0x43: {  	(erf) = vpow2.f32 v11  }
0x44: {  	v28 =	vld [tilespmem:$0x1ED30]  }
0x45: {  	v11 =	vld [tilespmem:$0x1E930];
	_ =	sdelay $0x4  }
0x46: {  	v12 =	vadd.f32 v28, v11  }
0x47: {  	v11 =	vpop (erf)  }
0x48: {  	v12 =	vsub.f32 $0.0e+00, v12;
	v13 =	vpop (erf)  }
0x49: {  	v13 =	vadd.f32 $1.000000000e+00, v13  }
0x4a: {  	v12 =	vmul.f32 $1.442695020e+00, v12  }
0x4b: {  	(erf) = vrcp.f32 v13  }
0x4c: {  	(erf) = vpow2.f32 v12  }
0x4d: {  	v29 =	vld [tilespmem:$0x1E940]  }
0x4e: {  	v30 =	vld [tilespmem:$0x1ED40];
	_ =	sdelay $0x4  }
0x4f: {  	v13 =	vadd.f32 v30, v29  }
0x50: {  	v12 =	vpop (erf)  }
0x51: {  	v13 =	vsub.f32 $0.0e+00, v13;
	v14 =	vpop (erf)  }
0x52: {  	v14 =	vadd.f32 $1.000000000e+00, v14  }
0x53: {  	v13 =	vmul.f32 $1.442695020e+00, v13  }
0x54: {  	(erf) = vrcp.f32 v14  }
0x55: {  	(erf) = vpow2.f32 v13  }
0x56: {  	v31 =	vld [tilespmem:$0x1E950]  }
0x57: {  	v32 =	vld [tilespmem:$0x1ED50];
	_ =	sdelay $0x4  }
0x58: {  	v14 =	vadd.f32 v32, v31  }
0x59: {  	v13 =	vpop (erf)  }
0x5a: {  	v14 =	vsub.f32 $0.0e+00, v14;
	v15 =	vpop (erf)  }
0x5b: {  	v15 =	vadd.f32 $1.000000000e+00, v15  }
0x5c: {  	v14 =	vmul.f32 $1.442695020e+00, v14  }
0x5d: {  	(erf) = vrcp.f32 v15  }
0x5e: {  	(erf) = vpow2.f32 v14  }
0x5f: {  	v33 =	vld [tilespmem:$0x1E960]  }
0x60: {  	v34 =	vld [tilespmem:$0x1ED60];
	_ =	sdelay $0x4  }
0x61: {  	v15 =	vadd.f32 v34, v33  }
0x62: {  	v14 =	vpop (erf)  }
0x63: {  	v15 =	vsub.f32 $0.0e+00, v15;
	v16 =	vpop (erf)  }
0x64: {  	v16 =	vadd.f32 $1.000000000e+00, v16  }
0x65: {  	v15 =	vmul.f32 $1.442695020e+00, v15  }
0x66: {  	(erf) = vrcp.f32 v16  }
0x67: {  	(erf) = vpow2.f32 v15  }
0x68: {  	v35 =	vld [tilespmem:$0x1E970]  }
0x69: {  	v36 =	vld [tilespmem:$0x1ED70];
	_ =	sdelay $0x4  }
0x6a: {  	v16 =	vadd.f32 v36, v35  }
0x6b: {  	v15 =	vpop (erf)  }
0x6c: {  	v16 =	vsub.f32 $0.0e+00, v16;
	v17 =	vpop (erf)  }
0x6d: {  	v17 =	vadd.f32 $1.000000000e+00, v17  }
0x6e: {  	v16 =	vmul.f32 $1.442695020e+00, v16  }
0x6f: {  	(erf) = vrcp.f32 v17  }
0x70: {  	(erf) = vpow2.f32 v16  }
0x71: {  	v37 =	vld [tilespmem:$0x1E980]  }
0x72: {  	v38 =	vld [tilespmem:$0x1ED80];
	_ =	sdelay $0x4  }
0x73: {  	v17 =	vadd.f32 v38, v37  }
0x74: {  	v16 =	vpop (erf)  }
0x75: {  	v17 =	vsub.f32 $0.0e+00, v17;
	v18 =	vpop (erf)  }
0x76: {  	v18 =	vadd.f32 $1.000000000e+00, v18  }
0x77: {  	v17 =	vmul.f32 $1.442695020e+00, v17  }
0x78: {  	(erf) = vrcp.f32 v18  }
0x79: {  	(erf) = vpow2.f32 v17  }
0x7a: {  	v39 =	vld [tilespmem:$0x1E990]  }
0x7b: {  	v40 =	vld [tilespmem:$0x1ED90];
	_ =	sdelay $0x4  }
0x7c: {  	v18 =	vadd.f32 v40, v39  }
0x7d: {  	v17 =	vpop (erf)  }
0x7e: {  	v18 =	vsub.f32 $0.0e+00, v18;
	v19 =	vpop (erf)  }
0x7f: {  	v19 =	vadd.f32 $1.000000000e+00, v19  }
0x80: {  	v18 =	vmul.f32 $1.442695020e+00, v18  }
0x81: {  	(erf) = vrcp.f32 v19  }
0x82: {  	(erf) = vpow2.f32 v18  }
0x83: {  	v41 =	vld [tilespmem:$0x1E9A0]  }
0x84: {  	v42 =	vld [tilespmem:$0x1EDA0];
	_ =	sdelay $0x4  }
0x85: {  	v19 =	vadd.f32 v42, v41  }
0x86: {  	v18 =	vpop (erf)  }
0x87: {  	v19 =	vsub.f32 $0.0e+00, v19;
	v20 =	vpop (erf)  }
0x88: {  	v20 =	vadd.f32 $1.000000000e+00, v20  }
0x89: {  	v19 =	vmul.f32 $1.442695020e+00, v19  }
0x8a: {  	(erf) = vrcp.f32 v20  }
0x8b: {  	(erf) = vpow2.f32 v19  }
0x8c: {  	v43 =	vld [tilespmem:$0x1E9B0]  }
0x8d: {  	v44 =	vld [tilespmem:$0x1EDB0];
	_ =	sdelay $0x4  }
0x8e: {  	v20 =	vadd.f32 v44, v43  }
0x8f: {  	v19 =	vpop (erf)  }
0x90: {  	v20 =	vsub.f32 $0.0e+00, v20;
	v21 =	vpop (erf)  }
0x91: {  	v21 =	vadd.f32 $1.000000000e+00, v21  }
0x92: {  	v20 =	vmul.f32 $1.442695020e+00, v20  }
0x93: {  	(erf) = vrcp.f32 v21  }
0x94: {  	(erf) = vpow2.f32 v20  }
0x95: {  	v45 =	vld [tilespmem:$0x1E9C0]  }
0x96: {  	v46 =	vld [tilespmem:$0x1EDC0];
	_ =	sdelay $0x4  }
0x97: {  	v21 =	vadd.f32 v46, v45  }
0x98: {  	v20 =	vpop (erf)  }
0x99: {  	v21 =	vsub.f32 $0.0e+00, v21;
	v22 =	vpop (erf)  }
0x9a: {  	v22 =	vadd.f32 $1.000000000e+00, v22  }
0x9b: {  	v21 =	vmul.f32 $1.442695020e+00, v21  }
0x9c: {  	(erf) = vrcp.f32 v22  }
0x9d: {  	(erf) = vpow2.f32 v21  }
0x9e: {  	v47 =	vld [tilespmem:$0x1E9D0]  }
0x9f: {  	v48 =	vld [tilespmem:$0x1EDD0];
	_ =	sdelay $0x4  }
0xa0: {  	v22 =	vadd.f32 v48, v47  }
0xa1: {  	v21 =	vpop (erf)  }
0xa2: {  	v22 =	vsub.f32 $0.0e+00, v22;
	v23 =	vpop (erf)  }
0xa3: {  	v23 =	vadd.f32 $1.000000000e+00, v23  }
0xa4: {  	v22 =	vmul.f32 $1.442695020e+00, v22  }
0xa5: {  	(erf) = vrcp.f32 v23  }
0xa6: {  	(erf) = vpow2.f32 v22  }
0xa7: {  	v49 =	vld [tilespmem:$0x1E9E0]  }
0xa8: {  	v50 =	vld [tilespmem:$0x1EDE0];
	_ =	sdelay $0x4  }
0xa9: {  	v23 =	vadd.f32 v50, v49  }
0xaa: {  	v22 =	vpop (erf)  }
0xab: {  	v23 =	vsub.f32 $0.0e+00, v23;
	v24 =	vpop (erf)  }
0xac: {  	v24 =	vadd.f32 $1.000000000e+00, v24  }
0xad: {  	v23 =	vmul.f32 $1.442695020e+00, v23  }
0xae: {  	(erf) = vrcp.f32 v24  }
0xaf: {  	(erf) = vpow2.f32 v23  }
0xb0: {  	v51 =	vld [tilespmem:$0x1E9F0]  }
0xb1: {  	v52 =	vld [tilespmem:$0x1EDF0];
	_ =	sdelay $0x4  }
0xb2: {  	v24 =	vadd.f32 v52, v51  }
0xb3: {  	v23 =	vpop (erf)  }
0xb4: {  	v24 =	vsub.f32 $0.0e+00, v24;
	v25 =	vpop (erf)  }
0xb5: {  	v25 =	vadd.f32 $1.000000000e+00, v25  }
0xb6: {  	v24 =	vmul.f32 $1.442695020e+00, v24  }
0xb7: {  	(erf) = vrcp.f32 v25  }
0xb8: {  	(erf) = vpow2.f32 v24  }
0xb9: {  	v53 =	vld [tilespmem:$0x1EA00]  }
0xba: {  	v54 =	vld [tilespmem:$0x1EE00];
	_ =	sdelay $0x4  }
0xbb: {  	v25 =	vadd.f32 v54, v53  }
0xbc: {  	v24 =	vpop (erf)  }
0xbd: {  	v25 =	vsub.f32 $0.0e+00, v25;
	v26 =	vpop (erf)  }
0xbe: {  	v26 =	vadd.f32 $1.000000000e+00, v26  }
0xbf: {  	v25 =	vmul.f32 $1.442695020e+00, v25  }
0xc0: {  	(erf) = vrcp.f32 v26  }
0xc1: {  	(erf) = vpow2.f32 v25  }
0xc2: {  	v55 =	vld [tilespmem:$0x1EA10]  }
0xc3: {  	v56 =	vld [tilespmem:$0x1EE10];
	_ =	sdelay $0x4  }
0xc4: {  	v26 =	vadd.f32 v56, v55  }
0xc5: {  	v25 =	vpop (erf)  }
0xc6: {  	v26 =	vsub.f32 $0.0e+00, v26;
	v27 =	vpop (erf)  }
0xc7: {  	v27 =	vadd.f32 $1.000000000e+00, v27  }
0xc8: {  	v26 =	vmul.f32 $1.442695020e+00, v26  }
0xc9: {  	(erf) = vrcp.f32 v27  }
0xca: {  	(erf) = vpow2.f32 v26  }
0xcb: {  	v57 =	vld [tilespmem:$0x1EA20]  }
0xcc: {  	v58 =	vld [tilespmem:$0x1EE20];
	_ =	sdelay $0x4  }
0xcd: {  	v27 =	vadd.f32 v58, v57  }
0xce: {  	v26 =	vpop (erf)  }
0xcf: {  	v27 =	vsub.f32 $0.0e+00, v27;
	v28 =	vpop (erf)  }
0xd0: {  	v28 =	vadd.f32 $1.000000000e+00, v28  }
0xd1: {  	v27 =	vmul.f32 $1.442695020e+00, v27  }
0xd2: {  	(erf) = vrcp.f32 v28  }
0xd3: {  	(erf) = vpow2.f32 v27  }
0xd4: {  	v59 =	vld [tilespmem:$0x1EA30]  }
0xd5: {  	v60 =	vld [tilespmem:$0x1EE30];
	_ =	sdelay $0x4  }
0xd6: {  	v28 =	vadd.f32 v60, v59  }
0xd7: {  	v27 =	vpop (erf)  }
0xd8: {  	v28 =	vsub.f32 $0.0e+00, v28;
	v29 =	vpop (erf)  }
0xd9: {  	v29 =	vadd.f32 $1.000000000e+00, v29  }
0xda: {  	v28 =	vmul.f32 $1.442695020e+00, v28  }
0xdb: {  	(erf) = vrcp.f32 v29  }
0xdc: {  	(erf) = vpow2.f32 v28  }
0xdd: {  	v61 =	vld [tilespmem:$0x1EA40]  }
0xde: {  	v62 =	vld [tilespmem:$0x1EE40];
	_ =	sdelay $0x4  }
0xdf: {  	v29 =	vadd.f32 v62, v61  }
0xe0: {  	v63 =	vpop (erf)  }
0xe1: {  	v29 =	vsub.f32 $0.0e+00, v29;
	v30 =	vpop (erf)  }
0xe2: {  	v30 =	vadd.f32 $1.000000000e+00, v30  }
0xe3: {  	v29 =	vmul.f32 $1.442695020e+00, v29  }
0xe4: {  	(erf) = vrcp.f32 v30  }
0xe5: {  	(erf) = vpow2.f32 v29  }
0xe6: {  	v34 =	vld [tilespmem:$0x1EA50]  }
0xe7: {  	v35 =	vld [tilespmem:$0x1EE50];
	_ =	sdelay $0x4  }
0xe8: {  	v29 =	vadd.f32 v35, v34  }
0xe9: {  	v30 =	vpop (erf)  }
0xea: {  	v29 =	vsub.f32 $0.0e+00, v29;
	v31 =	vpop (erf)  }
0xeb: {  	v31 =	vadd.f32 $1.000000000e+00, v31  }
0xec: {  	v29 =	vmul.f32 $1.442695020e+00, v29  }
0xed: {  	(erf) = vrcp.f32 v31  }
0xee: {  	(erf) = vpow2.f32 v29  }
0xef: {  	v36 =	vld [tilespmem:$0x1EA60]  }
0xf0: {  	v37 =	vld [tilespmem:$0x1EE60];
	_ =	sdelay $0x4  }
0xf1: {  	v29 =	vadd.f32 v37, v36  }
0xf2: {  	v31 =	vpop (erf)  }
0xf3: {  	v29 =	vsub.f32 $0.0e+00, v29;
	v32 =	vpop (erf)  }
0xf4: {  	v32 =	vadd.f32 $1.000000000e+00, v32  }
0xf5: {  	v29 =	vmul.f32 $1.442695020e+00, v29  }
0xf6: {  	(erf) = vrcp.f32 v32  }
0xf7: {  	(erf) = vpow2.f32 v29  }
0xf8: {  	v38 =	vld [tilespmem:$0x1EA70]  }
0xf9: {  	v39 =	vld [tilespmem:$0x1EE70];
	_ =	sdelay $0x4  }
0xfa: {  	v29 =	vadd.f32 v39, v38  }
0xfb: {  	v32 =	vpop (erf)  }
0xfc: {  	v29 =	vsub.f32 $0.0e+00, v29;
	v33 =	vpop (erf)  }
0xfd: {  	v33 =	vadd.f32 $1.000000000e+00, v33  }
0xfe: {  	v29 =	vmul.f32 $1.442695020e+00, v29  }
0xff: {  	(erf) = vrcp.f32 v33  }
0x100: {  	(erf) = vpow2.f32 v29  }
0x101: {  	v40 =	vld [tilespmem:$0x1EA80]  }
0x102: {  	v41 =	vld [tilespmem:$0x1EE80];
	_ =	sdelay $0x4  }
0x103: {  	v29 =	vadd.f32 v41, v40  }
0x104: {  	v33 =	vpop (erf)  }
0x105: {  	v29 =	vsub.f32 $0.0e+00, v29;
	v34 =	vpop (erf)  }
0x106: {  	v34 =	vadd.f32 $1.000000000e+00, v34  }
0x107: {  	v29 =	vmul.f32 $1.442695020e+00, v29  }
0x108: {  	(erf) = vrcp.f32 v34  }
0x109: {  	(erf) = vpow2.f32 v29  }
0x10a: {  	v42 =	vld [tilespmem:$0x1EA90]  }
0x10b: {  	v43 =	vld [tilespmem:$0x1EE90];
	_ =	sdelay $0x4  }
0x10c: {  	v29 =	vadd.f32 v43, v42  }
0x10d: {  	v44 =	vpop (erf)  }
0x10e: {  	v29 =	vsub.f32 $0.0e+00, v29;
	v35 =	vpop (erf)  }
0x10f: {  	v35 =	vadd.f32 $1.000000000e+00, v35  }
0x110: {  	v29 =	vmul.f32 $1.442695020e+00, v29  }
0x111: {  	(erf) = vrcp.f32 v35  }
0x112: {  	(erf) = vpow2.f32 v29  }
0x113: {  	v45 =	vld [tilespmem:$0x1EAA0]  }
0x114: {  	v46 =	vld [tilespmem:$0x1EEA0];
	_ =	sdelay $0x4  }
0x115: {  	v29 =	vadd.f32 v46, v45  }
0x116: {  	v47 =	vpop (erf)  }
0x117: {  	v29 =	vsub.f32 $0.0e+00, v29;
	v36 =	vpop (erf)  }
0x118: {  	v36 =	vadd.f32 $1.000000000e+00, v36  }
0x119: {  	v29 =	vmul.f32 $1.442695020e+00, v29  }
0x11a: {  	(erf) = vrcp.f32 v36  }
0x11b: {  	(erf) = vpow2.f32 v29  }
0x11c: {  	v48 =	vld [tilespmem:$0x1EAB0]  }
0x11d: {  	v49 =	vld [tilespmem:$0x1EEB0];
	_ =	sdelay $0x4  }
0x11e: {  	v29 =	vadd.f32 v49, v48  }
0x11f: {  	v50 =	vpop (erf)  }
0x120: {  	v29 =	vsub.f32 $0.0e+00, v29;
	v37 =	vpop (erf)  }
0x121: {  	v37 =	vadd.f32 $1.000000000e+00, v37  }
0x122: {  	v29 =	vmul.f32 $1.442695020e+00, v29  }
0x123: {  	(erf) = vrcp.f32 v37  }
0x124: {  	(erf) = vpow2.f32 v29  }
0x125: {  	v51 =	vld [tilespmem:$0x1EAC0]  }
0x126: {  	v52 =	vld [tilespmem:$0x1EEC0];
	_ =	sdelay $0x4  }
0x127: {  	v29 =	vadd.f32 v52, v51  }
0x128: {  	v53 =	vpop (erf)  }
0x129: {  	v29 =	vsub.f32 $0.0e+00, v29;
	v38 =	vpop (erf)  }
0x12a: {  	v38 =	vadd.f32 $1.000000000e+00, v38  }
0x12b: {  	v29 =	vmul.f32 $1.442695020e+00, v29  }
0x12c: {  	(erf) = vrcp.f32 v38  }
0x12d: {  	(erf) = vpow2.f32 v29  }
0x12e: {  	v54 =	vld [tilespmem:$0x1EAD0]  }
0x12f: {  	v55 =	vld [tilespmem:$0x1EED0];
	_ =	sdelay $0x4  }
0x130: {  	v29 =	vadd.f32 v55, v54  }
0x131: {  	v56 =	vpop (erf)  }
0x132: {  	v29 =	vsub.f32 $0.0e+00, v29;
	v39 =	vpop (erf)  }
0x133: {  	v39 =	vadd.f32 $1.000000000e+00, v39  }
0x134: {  	v29 =	vmul.f32 $1.442695020e+00, v29  }
0x135: {  	(erf) = vrcp.f32 v39  }
0x136: {  	(erf) = vpow2.f32 v29  }
0x137: {  	v57 =	vld [tilespmem:$0x1EAE0]  }
0x138: {  	v58 =	vld [tilespmem:$0x1EEE0];
	_ =	sdelay $0x4  }
0x139: {  	v29 =	vadd.f32 v58, v57  }
0x13a: {  	v59 =	vpop (erf)  }
0x13b: {  	v29 =	vsub.f32 $0.0e+00, v29;
	v40 =	vpop (erf)  }
0x13c: {  	v40 =	vadd.f32 $1.000000000e+00, v40  }
0x13d: {  	v29 =	vmul.f32 $1.442695020e+00, v29  }
0x13e: {  	(erf) = vrcp.f32 v40  }
0x13f: {  	(erf) = vpow2.f32 v29  }
0x140: {  	v60 =	vld [tilespmem:$0x1EAF0]  }
0x141: {  	v61 =	vld [tilespmem:$0x1EEF0];
	_ =	sdelay $0x1  }
0x142: {  	[tilespmem:$0x1E900] =	vst v10  }
0x143: {  	[tilespmem:$0x1E910] =	vst v11  }
0x144: {  	[tilespmem:$0x1E920] =	vst v12  }
0x145: {  	[tilespmem:$0x1E930] =	vst v13;
	v10 =	vadd.f32 v61, v60  }
0x146: {  	[tilespmem:$0x1E940] =	vst v14;
	v11 =	vpop (erf)  }
0x147: {  	[tilespmem:$0x1E950] =	vst v15;
	v10 =	vsub.f32 $0.0e+00, v10;
	v62 =	vpop (erf)  }
0x148: {  	[tilespmem:$0x1E960] =	vst v16;
	v12 =	vadd.f32 $1.000000000e+00, v62  }
0x149: {  	[tilespmem:$0x1E970] =	vst v17;
	v10 =	vmul.f32 $1.442695020e+00, v10  }
0x14a: {  	[tilespmem:$0x1E980] =	vst v18;
	(erf) = vrcp.f32 v12  }
0x14b: {  	[tilespmem:$0x1E990] =	vst v19;
	(erf) = vpow2.f32 v10  }
0x14c: {  	[tilespmem:$0x1E9A0] =	vst v20  }
0x14d: {  	[tilespmem:$0x1E9B0] =	vst v21  }
0x14e: {  	[tilespmem:$0x1E9C0] =	vst v22  }
0x14f: {  	[tilespmem:$0x1E9D0] =	vst v23  }
0x150: {  	[tilespmem:$0x1E9E0] =	vst v24  }
0x151: {  	[tilespmem:$0x1E9F0] =	vst v25  }
0x152: {  	[tilespmem:$0x1EA00] =	vst v26  }
0x153: {  	[tilespmem:$0x1EA10] =	vst v27;
	v10 =	vpop (erf)  }
0x154: {  	[tilespmem:$0x1EA20] =	vst v63;
	v63 =	vpop (erf)  }
0x155: {  	[tilespmem:$0x1EA30] =	vst v30;
	v12 =	vadd.f32 $1.000000000e+00, v63  }
0x156: {  	[tilespmem:$0x1EA40] =	vst v31  }
0x157: {  	[tilespmem:$0x1EA50] =	vst v32;
	(erf) = vrcp.f32 v12  }
0x158: {  	[tilespmem:$0x1EA60] =	vst v33  }
0x159: {  	[tilespmem:$0x1EA70] =	vst v44  }
0x15a: {  	[tilespmem:$0x1EA80] =	vst v47  }
0x15b: {  	[tilespmem:$0x1EA90] =	vst v50  }
0x15c: {  	[tilespmem:$0x1EAA0] =	vst v53  }
0x15d: {  	[tilespmem:$0x1EAB0] =	vst v56  }
0x15e: {  	[tilespmem:$0x1EAC0] =	vst v59  }
0x15f: {  	[tilespmem:$0x1EAD0] =	vst v11  }
0x160: {  	[tilespmem:$0x1EAE0] =	vst v10;
	v10 =	vpop (erf)  }
0x161: {  	s23 =	rddreg [dreg:$0xc];
	[tilespmem:$0x1EAF0] =	vst v10  }
0x162: {  	[hbm4b:s23+s3] =	stream.linear.scatter [tilespmem:s29], [sflag:$0x7], $0x200, $0x38;
	[tilespmem:$0x1FB80] =	vst v63  }
0x163: {  	_ =	swait.ge [sflag:s28], $0x200  }
0x164: {  	s21 =	sadd.s32 $0x1, s21;
	s31 =	rddreg [dreg:$0xd]  }
0x165: {  	p1 =	sne.s32 s21, s31  }
.Ltmp1:
0x166: {  	_ = 	snop;
	(pc) =	sbr.rel @!p1 .LBB2_53-.Ltmp1, $3  }
0x167: {  	_ =	sdelay $0x1  }
0x168: {  	[sflag:s28] =	ssyncset.done $0x0  }
0x169: {  	[sflag:s28] =	ssyncadd.s32 $0xFFFFFE00  }
.LBB2_1:
0x16a: {  	v10 =	vimm.s32 @!p0 $0x0  }
0x16b: {  	[tilespmem:$0x1EF00] =	vst @!p0 v10  }
0x16c: {  	[tilespmem:$0x1EF10] =	vst @!p0 v10  }
0x16d: {  	[tilespmem:$0x1EF20] =	vst @!p0 v10  }
0x16e: {  	[tilespmem:$0x1EF30] =	vst @!p0 v10  }
0x16f: {  	[tilespmem:$0x1EF40] =	vst @!p0 v10  }
0x170: {  	[tilespmem:$0x1EF50] =	vst @!p0 v10  }
0x171: {  	[tilespmem:$0x1EF60] =	vst @!p0 v10  }
0x172: {  	s11 =	simm.s32 @!p0 $0x0;
	s17 =	simm.s32 @!p0 $0x1EF00;
	[tilespmem:$0x1EF70] =	vst @!p0 v10  }
0x173: {  	[hbm4b:s5+s11] =	stream.linear.scatter @!p0 [tilespmem:s17], [sflag:$0x7], $0x80, $0x38;
	[tilespmem:$0x1FB80] =	vst v63  }
0x174: {  	s23 =	stileid.u32;
	s11 =	simm.s32 @!p0 $0x7  }
0x175: {  	s17 =	sshll.u32 s23, $0x6;
	_ =	swait.ge @!p0 [sflag:s11], $0x80  }
0x176: {  	s22 =	sor.u32 $0x1C07, s17;
	[sflag:s11] =	ssyncset.done @!p0 $0x0;
	s17 =	rddreg [dreg:$0xe]  }
0x177: {  	s23 =	simm.s32 $0x10;
	[sflag:s11] =	ssyncadd.s32 @!p0 $0xFFFFFF80;
	s11 =	rddreg [dreg:$0x6]  }
0x178: {  	[spmem:s17@s25], [sflag:s22] =	dma.strided [hbm:s11@s23], $0x100, s24, $0x10   }
0x179: {  	_ =	swait.ge [sflag:s28], $0x100  }
0x17a: {  	[sflag:s28] =	ssyncset.done $0x0  }
0x17b: {  	[sflag:s28] =	ssyncadd.s32 $0xFFFFFF00  }
0x17c: {  	[tilespmem:$0x1E700] =	vst v0  }
0x17d: {  	[tilespmem:$0x1E710] =	vst v1  }
0x17e: {  	[tilespmem:$0x1E780] =	vst v2  }
0x17f: {  	[tilespmem:$0x1E790] =	vst v3  }
0x180: {  	[tilespmem:$0x1E800] =	vst v4  }
0x181: {  	[tilespmem:$0x1E810] =	vst v5  }
0x182: {  	[tilespmem:$0x1E880] =	vst v6  }
0x183: {  	[tilespmem:$0x1E890] =	vst v7  }
0x184: {  	[tilespmem:$0x1E900] =	vst v8  }
0x185: {  	[tilespmem:$0x1E910] =	vst v8  }
0x186: {  	[tilespmem:$0x1E920] =	vst v8  }
0x187: {  	[tilespmem:$0x1E930] =	vst v8  }
0x188: {  	[tilespmem:$0x1E940] =	vst v8  }
0x189: {  	[tilespmem:$0x1E950] =	vst v8  }
0x18a: {  	[tilespmem:$0x1E960] =	vst v8  }
0x18b: {  	[tilespmem:$0x1E970] =	vst v8  }
0x18c: {  	[tilespmem:$0x1E980] =	vst v8  }
0x18d: {  	[tilespmem:$0x1E990] =	vst v8  }
0x18e: {  	[tilespmem:$0x1E9A0] =	vst v8  }
0x18f: {  	[tilespmem:$0x1E9B0] =	vst v8  }
0x190: {  	[tilespmem:$0x1E9C0] =	vst v8  }
0x191: {  	[tilespmem:$0x1E9D0] =	vst v8  }
0x192: {  	[tilespmem:$0x1E9E0] =	vst v8  }
0x193: {  	[tilespmem:$0x1E9F0] =	vst v8  }
0x194: {  	[tilespmem:$0x1EA00] =	vst v8  }
0x195: {  	[tilespmem:$0x1EA10] =	vst v8  }
0x196: {  	[tilespmem:$0x1EA20] =	vst v8  }
0x197: {  	[tilespmem:$0x1EA30] =	vst v8  }
0x198: {  	[tilespmem:$0x1EA40] =	vst v8  }
0x199: {  	[tilespmem:$0x1EA50] =	vst v8  }
0x19a: {  	[tilespmem:$0x1EA60] =	vst v8  }
0x19b: {  	[tilespmem:$0x1EA70] =	vst v8  }
0x19c: {  	[tilespmem:$0x1EA80] =	vst v8  }
0x19d: {  	[tilespmem:$0x1EA90] =	vst v8  }
0x19e: {  	[tilespmem:$0x1EAA0] =	vst v8  }
0x19f: {  	[tilespmem:$0x1EAB0] =	vst v8  }
0x1a0: {  	[tilespmem:$0x1EAC0] =	vst v8  }
0x1a1: {  	[tilespmem:$0x1EAD0] =	vst v8  }
0x1a2: {  	[tilespmem:$0x1EAE0] =	vst v8  }
0x1a3: {  	[tilespmem:$0x1EAF0] =	vst v8  }
0x1a4: {  	[tilespmem:$0x1EB00] =	vst v8  }
0x1a5: {  	[tilespmem:$0x1EB10] =	vst v8  }
0x1a6: {  	[tilespmem:$0x1EB20] =	vst v8  }
0x1a7: {  	[tilespmem:$0x1EB30] =	vst v8  }
0x1a8: {  	[tilespmem:$0x1EB40] =	vst v8  }
0x1a9: {  	[tilespmem:$0x1EB50] =	vst v8  }
0x1aa: {  	[tilespmem:$0x1EB60] =	vst v8  }
0x1ab: {  	[tilespmem:$0x1EB70] =	vst v8  }
0x1ac: {  	[tilespmem:$0x1EB80] =	vst v8  }
0x1ad: {  	[tilespmem:$0x1EB90] =	vst v8  }
0x1ae: {  	[tilespmem:$0x1EBA0] =	vst v8  }
0x1af: {  	[tilespmem:$0x1EBB0] =	vst v8  }
0x1b0: {  	[tilespmem:$0x1EBC0] =	vst v8  }
0x1b1: {  	[tilespmem:$0x1EBD0] =	vst v8  }
0x1b2: {  	[tilespmem:$0x1EBE0] =	vst v8  }
0x1b3: {  	[tilespmem:$0x1EBF0] =	vst v8  }
0x1b4: {  	[tilespmem:$0x1EC00] =	vst v8  }
0x1b5: {  	[tilespmem:$0x1EC10] =	vst v8  }
0x1b6: {  	[tilespmem:$0x1EC20] =	vst v8  }
0x1b7: {  	[tilespmem:$0x1EC30] =	vst v8  }
0x1b8: {  	[tilespmem:$0x1EC40] =	vst v8  }
0x1b9: {  	[tilespmem:$0x1EC50] =	vst v8  }
0x1ba: {  	[tilespmem:$0x1EC60] =	vst v8  }
0x1bb: {  	[tilespmem:$0x1EC70] =	vst v8  }
0x1bc: {  	[tilespmem:$0x1EC80] =	vst v8  }
0x1bd: {  	[tilespmem:$0x1EC90] =	vst v8  }
0x1be: {  	[tilespmem:$0x1ECA0] =	vst v8  }
0x1bf: {  	[tilespmem:$0x1ECB0] =	vst v8  }
0x1c0: {  	[tilespmem:$0x1ECC0] =	vst v8  }
0x1c1: {  	[tilespmem:$0x1ECD0] =	vst v8  }
0x1c2: {  	[tilespmem:$0x1ECE0] =	vst v8  }
0x1c3: {  	[tilespmem:$0x1ECF0] =	vst v8  }
0x1c4: {  	[spmem:s7] =	stream.linear.scatter [tilespmem:s29], [sflag:$0x7], $0x400, $0x38;
	[tilespmem:$0x1FB80] =	vst v63  }
0x1c5: {  	_ =	swait.ge [sflag:s28], $0x400  }
0x1c6: {  	[sflag:s28] =	ssyncset.done $0x0  }
0x1c7: {  	s31 =	sadd.s32 $0x0, s2;
	[sflag:s28] =	ssyncadd.s32 $0xFFFFFC00  }
0x1c8: {  	s23 =	simm.s32 $0x400;
	s11 =	simm.s32 $0x18700;
	[bflag:$0x0] =	sbarrier.arrive $0xFFFF  }
.LBB2_2:
0x1c9: {  	[tilespmem:s11], [sflag:$0x1] =	stream.linear.gather [spmem:s31], $0x80, $0x38;
	[tilespmem:$0x1FB80] =	vst v63  }
0x1ca: {  	s11 =	smov.u32 s23;
	p1 =	sne.s32 s23, $0x7C00  }
.Ltmp2:
0x1cb: {  	s23 =	sadd.s32 $0x400, s23;
	(pc) =	sbr.rel @p1 .LBB2_2-.Ltmp2, $3  }
0x1cc: {  	_ =	sdelay $0x1  }
0x1cd: {  	s11 =	sshra.s32 s11, $0x2  }
0x1ce: {  	s17 =	simm.s32 $0x0;
	s31 =	sadd.s32 s11, s2;
	s11 =	sadd.s32 $0x18700, s11  }
0x1cf: {  	[tilespmem:s11], [sflag:$0x1] =	stream.linear.gather [spmem:s31], $0x80, $0x38;
	[tilespmem:$0x1FB80] =	vst v63  }
0x1d0: {  	s23 =	simm.s32 $0x400;
	s31 =	sadd.s32 $0x0, s8;
	s11 =	simm.s32 $0x18780  }
.LBB2_4:
0x1d1: {  	[tilespmem:s11], [sflag:$0x2] =	stream.linear.gather [spmem:s31], $0x80, $0x38;
	[tilespmem:$0x1FB80] =	vst v63  }
0x1d2: {  	s11 =	smov.u32 s23;
	p1 =	sne.s32 s23, $0x7C00  }
.Ltmp3:
0x1d3: {  	s23 =	sadd.s32 $0x400, s23;
	(pc) =	sbr.rel @p1 .LBB2_4-.Ltmp3, $3  }
0x1d4: {  	_ =	sdelay $0x1  }
0x1d5: {  	s11 =	sshra.s32 s11, $0x2  }
0x1d6: {  	s31 =	sadd.s32 s11, s8;
	s11 =	sadd.s32 $0x18780, s11  }
0x1d7: {  	[tilespmem:s11], [sflag:$0x2] =	stream.linear.gather [spmem:s31], $0x80, $0x38;
	[tilespmem:$0x1FB80] =	vst v63  }
.LBB2_6:
0x1d8: {  	p1 =	sne.s32 s17, $0x7C00  }
.Ltmp4:
0x1d9: {  	_ = 	snop;
	(pc) =	sbr.rel @p1 .LBB2_6-.Ltmp4, $4  }
0x1da: {  	_ = 	snop  }
0x1db: {  	s11 =	sshra.s32 s17, $0x2  }
0x1dc: {  	s17 =	sadd.s32 $0x400, s17;
	s23 =	sadd.s32 s11, s9;
	s11 =	sadd.s32 $0x1A700, s11  }
0x1dd: {  	[tilespmem:s11], [sflag:$0x3] =	stream.linear.gather [spmem:s23], $0x80, $0x38;
	[tilespmem:$0x1FB80] =	vst v63  }
0x1de: {  	s17 =	simm.s32 $0x400  }
0x1df: {  	s23 =	sadd.s32 $0x0, s10;
	s11 =	simm.s32 $0x1A780;
	s31 =	simm.s32 $0x80  }
.LBB2_8:
0x1e0: {  	[tilespmem:s11], [sflag:$0x4] =	stream.linear.gather [spmem:s23], $0x80, $0x38;
	[tilespmem:$0x1FB80] =	vst v63  }
0x1e1: {  	s11 =	smov.u32 s17;
	p1 =	sne.s32 s17, $0x7C00  }
.Ltmp5:
0x1e2: {  	s17 =	sadd.s32 $0x400, s17;
	(pc) =	sbr.rel @p1 .LBB2_8-.Ltmp5, $3  }
0x1e3: {  	_ =	sdelay $0x1  }
0x1e4: {  	s11 =	sshra.s32 s11, $0x2  }
0x1e5: {  	s23 =	sadd.s32 s11, s10;
	s11 =	sadd.s32 $0x1A780, s11  }
0x1e6: {  	[tilespmem:s11], [sflag:$0x4] =	stream.linear.gather [spmem:s23], $0x80, $0x38;
	[tilespmem:$0x1FB80] =	vst v63  }
0x1e7: {  	s23 =	simm.s32 $0x0;
	s11 =	rddreg [dreg:$0x7];
	s17 =	simm.s32 $0x400  }
0x1e8: {  	[tilespmem:s23], [sflag:$0x7] =	stream.strided.gather [hbm4b:s11+s31], $0x18700, s17, s31, $0x38;
	[tilespmem:$0x1FB80] =	vst v63  }
0x1e9: {  	_ =	swait.ge [sflag:s28], $0x18700  }
0x1ea: {  	[sflag:s28] =	ssyncset.done $0x0  }
0x1eb: {  	[sflag:s28] =	ssyncadd.s32 $0xFFFE7900  }
0x1ec: {  	_ =	swait.ge [sflag:s24], $0x1000  }
0x1ed: {  	[sflag:s24] =	ssyncset.done $0x0  }
0x1ee: {  	[sflag:s24] =	ssyncadd.s32 $0xFFFFF000  }
0x1ef: {  	_ =	swait.ge [sflag:s0], $0x1000  }
0x1f0: {  	[sflag:s0] =	ssyncset.done $0x0  }
0x1f1: {  	s17 =	simm.s32 $0x18780;
	[sflag:s0] =	ssyncadd.s32 $0xFFFFF000  }
.LBB2_10:
0x1f2: {  	v10 =	vld [tilespmem:s17+$0xFFFFFF80]  }
0x1f3: {  	v11 =	vld [tilespmem:s17+$0x0];
	_ =	sdelay $0x6  }
0x1f4: {  	v10 =	vld.idx.msk [tilespmem:v10+s3+$0x0], $0xffff  }
0x1f5: {  	v11 =	vld.idx.msk [tilespmem:v11+s3+$0x0], $0xffff;
	_ =	sdelay $0x4  }
0x1f6: {  	v10 =	vmul.f32 v11, v10  }
0x1f7: {  	s11 =	sshra.s32 s23, $0x2  }
0x1f8: {  	[tilespmem:s11+$0x1C700] =	vst v10  }
0x1f9: {  	v10 =	vld [tilespmem:s17+$0xFFFFFF90]  }
0x1fa: {  	v11 =	vld [tilespmem:s17+$0x10];
	_ =	sdelay $0x6  }
0x1fb: {  	v10 =	vld.idx.msk [tilespmem:v10+s3+$0x0], $0xffff  }
0x1fc: {  	v11 =	vld.idx.msk [tilespmem:v11+s3+$0x0], $0xffff;
	_ =	sdelay $0x4  }
0x1fd: {  	v10 =	vmul.f32 v11, v10;
	_ =	sdelay $0x1  }
0x1fe: {  	[tilespmem:s11+$0x1C710] =	vst v10  }
0x1ff: {  	v10 =	vld [tilespmem:s17+$0xFFFFFFA0]  }
0x200: {  	v11 =	vld [tilespmem:s17+$0x20];
	_ =	sdelay $0x6  }
0x201: {  	v10 =	vld.idx.msk [tilespmem:v10+s3+$0x0], $0xffff  }
0x202: {  	v11 =	vld.idx.msk [tilespmem:v11+s3+$0x0], $0xffff;
	_ =	sdelay $0x4  }
0x203: {  	v10 =	vmul.f32 v11, v10;
	_ =	sdelay $0x1  }
0x204: {  	[tilespmem:s11+$0x1C720] =	vst v10  }
0x205: {  	v10 =	vld [tilespmem:s17+$0xFFFFFFB0]  }
0x206: {  	v11 =	vld [tilespmem:s17+$0x30];
	_ =	sdelay $0x6  }
0x207: {  	v10 =	vld.idx.msk [tilespmem:v10+s3+$0x0], $0xffff  }
0x208: {  	v11 =	vld.idx.msk [tilespmem:v11+s3+$0x0], $0xffff;
	_ =	sdelay $0x4  }
0x209: {  	v10 =	vmul.f32 v11, v10;
	_ =	sdelay $0x1  }
0x20a: {  	[tilespmem:s11+$0x1C730] =	vst v10  }
0x20b: {  	v10 =	vld [tilespmem:s17+$0xFFFFFFC0]  }
0x20c: {  	v11 =	vld [tilespmem:s17+$0x40];
	_ =	sdelay $0x6  }
0x20d: {  	v10 =	vld.idx.msk [tilespmem:v10+s3+$0x0], $0xffff  }
0x20e: {  	v11 =	vld.idx.msk [tilespmem:v11+s3+$0x0], $0xffff;
	_ =	sdelay $0x4  }
0x20f: {  	v10 =	vmul.f32 v11, v10;
	_ =	sdelay $0x1  }
0x210: {  	[tilespmem:s11+$0x1C740] =	vst v10  }
0x211: {  	v10 =	vld [tilespmem:s17+$0xFFFFFFD0]  }
0x212: {  	v11 =	vld [tilespmem:s17+$0x50];
	_ =	sdelay $0x6  }
0x213: {  	v10 =	vld.idx.msk [tilespmem:v10+s3+$0x0], $0xffff  }
0x214: {  	v11 =	vld.idx.msk [tilespmem:v11+s3+$0x0], $0xffff;
	_ =	sdelay $0x4  }
0x215: {  	v10 =	vmul.f32 v11, v10;
	_ =	sdelay $0x1  }
0x216: {  	[tilespmem:s11+$0x1C750] =	vst v10  }
0x217: {  	v10 =	vld [tilespmem:s17+$0xFFFFFFE0]  }
0x218: {  	v11 =	vld [tilespmem:s17+$0x60];
	_ =	sdelay $0x6  }
0x219: {  	v10 =	vld.idx.msk [tilespmem:v10+s3+$0x0], $0xffff  }
0x21a: {  	v11 =	vld.idx.msk [tilespmem:v11+s3+$0x0], $0xffff;
	_ =	sdelay $0x4  }
0x21b: {  	v10 =	vmul.f32 v11, v10;
	_ =	sdelay $0x1  }
0x21c: {  	[tilespmem:s11+$0x1C760] =	vst v10  }
0x21d: {  	v10 =	vld [tilespmem:s17+$0xFFFFFFF0]  }
0x21e: {  	v11 =	vld [tilespmem:s17+$0x70];
	_ =	sdelay $0x6  }
0x21f: {  	v10 =	vld.idx.msk [tilespmem:v10+s3+$0x0], $0xffff  }
0x220: {  	v11 =	vld.idx.msk [tilespmem:v11+s3+$0x0], $0xffff;
	_ =	sdelay $0x1  }
0x221: {  	p1 =	sne.s32 s23, $0x3E00  }
.Ltmp6:
0x222: {  	_ = 	snop;
	(pc) =	sbr.rel @p1 .LBB2_10-.Ltmp6, $3  }
0x223: {  	_ = 	snop  }
0x224: {  	v10 =	vmul.f32 v11, v10;
	_ =	sdelay $0x1  }
0x225: {  	s23 =	sadd.s32 $0x200, s23;
	s17 =	sadd.s32 $0x100, s17;
	[tilespmem:s11+$0x1C770] =	vst v10  }
0x226: {  	s11 =	simm.s32 $0x1E700  }
0x227: {  	[spmem:s1] =	stream.indirect.scatter.add.f32 [tilespmem:s4], [sflag:$0x5], $0x80, s11, s25, $0xb8;
	[tilespmem:$0x1FB80] =	vst v63  }
0x228: {  	s17 =	simm.s32 $0x400;
	s23 =	sadd.s32 $0x0, s12;
	s11 =	simm.s32 $0x18700  }
.LBB2_12:
0x229: {  	[tilespmem:s11], [sflag:$0x1] =	stream.linear.gather [spmem:s23], $0x80, $0x38;
	[tilespmem:$0x1FB80] =	vst v63  }
0x22a: {  	s11 =	smov.u32 s17;
	p1 =	sne.s32 s17, $0x7C00  }
.Ltmp7:
0x22b: {  	s17 =	sadd.s32 $0x400, s17;
	(pc) =	sbr.rel @p1 .LBB2_12-.Ltmp7, $3  }
0x22c: {  	_ =	sdelay $0x1  }
0x22d: {  	s11 =	sshra.s32 s11, $0x2  }
0x22e: {  	s23 =	sadd.s32 s11, s12;
	s11 =	sadd.s32 $0x18700, s11  }
0x22f: {  	[tilespmem:s11], [sflag:$0x1] =	stream.linear.gather [spmem:s23], $0x80, $0x38;
	[tilespmem:$0x1FB80] =	vst v63  }
0x230: {  	s17 =	simm.s32 $0x400;
	s23 =	sadd.s32 $0x0, s13;
	s11 =	simm.s32 $0x18780  }
.LBB2_14:
0x231: {  	[tilespmem:s11], [sflag:$0x2] =	stream.linear.gather [spmem:s23], $0x80, $0x38;
	[tilespmem:$0x1FB80] =	vst v63  }
0x232: {  	s11 =	smov.u32 s17;
	p1 =	sne.s32 s17, $0x7C00  }
.Ltmp8:
0x233: {  	s17 =	sadd.s32 $0x400, s17;
	(pc) =	sbr.rel @p1 .LBB2_14-.Ltmp8, $3  }
0x234: {  	_ =	sdelay $0x1  }
0x235: {  	s11 =	sshra.s32 s11, $0x2  }
0x236: {  	s23 =	sadd.s32 s11, s13;
	s11 =	sadd.s32 $0x18780, s11  }
0x237: {  	[tilespmem:s11], [sflag:$0x2] =	stream.linear.gather [spmem:s23], $0x80, $0x38;
	[tilespmem:$0x1FB80] =	vst v63  }
0x238: {  	_ =	swait.ge [sflag:s6], $0x1000  }
0x239: {  	[sflag:s6] =	ssyncset.done $0x0  }
0x23a: {  	[sflag:s6] =	ssyncadd.s32 $0xFFFFF000  }
0x23b: {  	_ =	swait.ge [sflag:s30], $0x1000  }
0x23c: {  	[sflag:s30] =	ssyncset.done $0x0  }
0x23d: {  	s23 =	simm.s32 $0x0;
	s17 =	simm.s32 $0x1A7F0;
	[sflag:s30] =	ssyncadd.s32 $0xFFFFF000  }
.LBB2_16:
0x23e: {  	v10 =	vld [tilespmem:s17+$0xFFFFFF10]  }
0x23f: {  	v11 =	vld [tilespmem:s17+$0xFFFFFF90];
	_ =	sdelay $0x6  }
0x240: {  	v10 =	vld.idx.msk [tilespmem:v10+s3+$0x0], $0xffff  }
0x241: {  	v11 =	vld.idx.msk [tilespmem:v11+s3+$0x0], $0xffff;
	_ =	sdelay $0x4  }
0x242: {  	v10 =	vmul.f32 v11, v10  }
0x243: {  	s11 =	sshra.s32 s23, $0x2  }
0x244: {  	[tilespmem:s11+$0x1D700] =	vst v10  }
0x245: {  	v10 =	vld [tilespmem:s17+$0xFFFFFF20]  }
0x246: {  	v11 =	vld [tilespmem:s17+$0xFFFFFFA0];
	_ =	sdelay $0x6  }
0x247: {  	v10 =	vld.idx.msk [tilespmem:v10+s3+$0x0], $0xffff  }
0x248: {  	v11 =	vld.idx.msk [tilespmem:v11+s3+$0x0], $0xffff;
	_ =	sdelay $0x4  }
0x249: {  	v10 =	vmul.f32 v11, v10;
	_ =	sdelay $0x1  }
0x24a: {  	[tilespmem:s11+$0x1D710] =	vst v10  }
0x24b: {  	v10 =	vld [tilespmem:s17+$0xFFFFFF30]  }
0x24c: {  	v11 =	vld [tilespmem:s17+$0xFFFFFFB0];
	_ =	sdelay $0x6  }
0x24d: {  	v10 =	vld.idx.msk [tilespmem:v10+s3+$0x0], $0xffff  }
0x24e: {  	v11 =	vld.idx.msk [tilespmem:v11+s3+$0x0], $0xffff;
	_ =	sdelay $0x4  }
0x24f: {  	v10 =	vmul.f32 v11, v10;
	_ =	sdelay $0x1  }
0x250: {  	[tilespmem:s11+$0x1D720] =	vst v10  }
0x251: {  	v10 =	vld [tilespmem:s17+$0xFFFFFF40]  }
0x252: {  	v11 =	vld [tilespmem:s17+$0xFFFFFFC0];
	_ =	sdelay $0x6  }
0x253: {  	v10 =	vld.idx.msk [tilespmem:v10+s3+$0x0], $0xffff  }
0x254: {  	v11 =	vld.idx.msk [tilespmem:v11+s3+$0x0], $0xffff;
	_ =	sdelay $0x4  }
0x255: {  	v10 =	vmul.f32 v11, v10;
	_ =	sdelay $0x1  }
0x256: {  	[tilespmem:s11+$0x1D730] =	vst v10  }
0x257: {  	v10 =	vld [tilespmem:s17+$0xFFFFFF50]  }
0x258: {  	v11 =	vld [tilespmem:s17+$0xFFFFFFD0];
	_ =	sdelay $0x6  }
0x259: {  	v10 =	vld.idx.msk [tilespmem:v10+s3+$0x0], $0xffff  }
0x25a: {  	v11 =	vld.idx.msk [tilespmem:v11+s3+$0x0], $0xffff;
	_ =	sdelay $0x4  }
0x25b: {  	v10 =	vmul.f32 v11, v10;
	_ =	sdelay $0x1  }
0x25c: {  	[tilespmem:s11+$0x1D740] =	vst v10  }
0x25d: {  	v10 =	vld [tilespmem:s17+$0xFFFFFF60]  }
0x25e: {  	v11 =	vld [tilespmem:s17+$0xFFFFFFE0];
	_ =	sdelay $0x6  }
0x25f: {  	v10 =	vld.idx.msk [tilespmem:v10+s3+$0x0], $0xffff  }
0x260: {  	v11 =	vld.idx.msk [tilespmem:v11+s3+$0x0], $0xffff;
	_ =	sdelay $0x4  }
0x261: {  	v10 =	vmul.f32 v11, v10;
	_ =	sdelay $0x1  }
0x262: {  	[tilespmem:s11+$0x1D750] =	vst v10  }
0x263: {  	v10 =	vld [tilespmem:s17+$0xFFFFFF70]  }
0x264: {  	v11 =	vld [tilespmem:s17+$0xFFFFFFF0];
	_ =	sdelay $0x6  }
0x265: {  	v10 =	vld.idx.msk [tilespmem:v10+s3+$0x0], $0xffff  }
0x266: {  	v11 =	vld.idx.msk [tilespmem:v11+s3+$0x0], $0xffff;
	_ =	sdelay $0x4  }
0x267: {  	v10 =	vmul.f32 v11, v10;
	_ =	sdelay $0x1  }
0x268: {  	[tilespmem:s11+$0x1D760] =	vst v10  }
0x269: {  	v10 =	vld [tilespmem:s17+$0xFFFFFF80]  }
0x26a: {  	v11 =	vld [tilespmem:s17+$0x0];
	_ =	sdelay $0x6  }
0x26b: {  	v10 =	vld.idx.msk [tilespmem:v10+s3+$0x0], $0xffff  }
0x26c: {  	v11 =	vld.idx.msk [tilespmem:v11+s3+$0x0], $0xffff;
	_ =	sdelay $0x1  }
0x26d: {  	p1 =	sne.s32 s23, $0x3E00  }
.Ltmp9:
0x26e: {  	_ = 	snop;
	(pc) =	sbr.rel @p1 .LBB2_16-.Ltmp9, $3  }
0x26f: {  	_ = 	snop  }
0x270: {  	v10 =	vmul.f32 v11, v10;
	_ =	sdelay $0x1  }
0x271: {  	s23 =	sadd.s32 $0x200, s23;
	s17 =	sadd.s32 $0x100, s17;
	[tilespmem:s11+$0x1D770] =	vst v10  }
0x272: {  	s11 =	simm.s32 $0x1E780  }
0x273: {  	[spmem:s1] =	stream.indirect.scatter.add.f32 [tilespmem:s16], [sflag:$0x6], $0x80, s11, s25, $0xb8;
	[tilespmem:$0x1FB80] =	vst v63  }
0x274: {  	s17 =	simm.s32 $0x400;
	s23 =	sadd.s32 $0x0, s14;
	s11 =	simm.s32 $0x1A700  }
.LBB2_18:
0x275: {  	[tilespmem:s11], [sflag:$0x3] =	stream.linear.gather [spmem:s23], $0x80, $0x38;
	[tilespmem:$0x1FB80] =	vst v63  }
0x276: {  	s11 =	smov.u32 s17;
	p1 =	sne.s32 s17, $0x7C00  }
.Ltmp10:
0x277: {  	s17 =	sadd.s32 $0x400, s17;
	(pc) =	sbr.rel @p1 .LBB2_18-.Ltmp10, $3  }
0x278: {  	_ =	sdelay $0x1  }
0x279: {  	s11 =	sshra.s32 s11, $0x2  }
0x27a: {  	s23 =	sadd.s32 s11, s14;
	s11 =	sadd.s32 $0x1A700, s11  }
0x27b: {  	[tilespmem:s11], [sflag:$0x3] =	stream.linear.gather [spmem:s23], $0x80, $0x38;
	[tilespmem:$0x1FB80] =	vst v63  }
0x27c: {  	s17 =	simm.s32 $0x400;
	s23 =	sadd.s32 $0x0, s15;
	s11 =	simm.s32 $0x1A780  }
.LBB2_20:
0x27d: {  	[tilespmem:s11], [sflag:$0x4] =	stream.linear.gather [spmem:s23], $0x80, $0x38;
	[tilespmem:$0x1FB80] =	vst v63  }
0x27e: {  	s11 =	smov.u32 s17;
	p1 =	sne.s32 s17, $0x7C00  }
.Ltmp11:
0x27f: {  	s17 =	sadd.s32 $0x400, s17;
	(pc) =	sbr.rel @p1 .LBB2_20-.Ltmp11, $3  }
0x280: {  	_ =	sdelay $0x1  }
0x281: {  	s11 =	sshra.s32 s11, $0x2  }
0x282: {  	s23 =	sadd.s32 s11, s15;
	s11 =	sadd.s32 $0x1A780, s11  }
0x283: {  	[tilespmem:s11], [sflag:$0x4] =	stream.linear.gather [spmem:s23], $0x80, $0x38;
	[tilespmem:$0x1FB80] =	vst v63  }
0x284: {  	_ =	swait.ge [sflag:s24], $0x1000  }
0x285: {  	[sflag:s24] =	ssyncset.done $0x0  }
0x286: {  	[sflag:s24] =	ssyncadd.s32 $0xFFFFF000  }
0x287: {  	_ =	swait.ge [sflag:s0], $0x1000  }
0x288: {  	[sflag:s0] =	ssyncset.done $0x0  }
0x289: {  	[sflag:s0] =	ssyncadd.s32 $0xFFFFF000  }
0x28a: {  	_ =	swait.ge [sflag:s26], $0x1000  }
0x28b: {  	[sflag:s26] =	ssyncset.done $0x0  }
0x28c: {  	s23 =	simm.s32 $0x0;
	s17 =	simm.s32 $0x18780;
	[sflag:s26] =	ssyncadd.s32 $0xFFFFF000  }
.LBB2_22:
0x28d: {  	v10 =	vld [tilespmem:s17+$0xFFFFFF80]  }
0x28e: {  	v11 =	vld [tilespmem:s17+$0x0];
	_ =	sdelay $0x6  }
0x28f: {  	v10 =	vld.idx.msk [tilespmem:v10+s3+$0x0], $0xffff  }
0x290: {  	v11 =	vld.idx.msk [tilespmem:v11+s3+$0x0], $0xffff;
	_ =	sdelay $0x4  }
0x291: {  	v10 =	vmul.f32 v11, v10  }
0x292: {  	s11 =	sshra.s32 s23, $0x2  }
0x293: {  	[tilespmem:s11+$0x1C700] =	vst v10  }
0x294: {  	v10 =	vld [tilespmem:s17+$0xFFFFFF90]  }
0x295: {  	v11 =	vld [tilespmem:s17+$0x10];
	_ =	sdelay $0x6  }
0x296: {  	v10 =	vld.idx.msk [tilespmem:v10+s3+$0x0], $0xffff  }
0x297: {  	v11 =	vld.idx.msk [tilespmem:v11+s3+$0x0], $0xffff;
	_ =	sdelay $0x4  }
0x298: {  	v10 =	vmul.f32 v11, v10;
	_ =	sdelay $0x1  }
0x299: {  	[tilespmem:s11+$0x1C710] =	vst v10  }
0x29a: {  	v10 =	vld [tilespmem:s17+$0xFFFFFFA0]  }
0x29b: {  	v11 =	vld [tilespmem:s17+$0x20];
	_ =	sdelay $0x6  }
0x29c: {  	v10 =	vld.idx.msk [tilespmem:v10+s3+$0x0], $0xffff  }
0x29d: {  	v11 =	vld.idx.msk [tilespmem:v11+s3+$0x0], $0xffff;
	_ =	sdelay $0x4  }
0x29e: {  	v10 =	vmul.f32 v11, v10;
	_ =	sdelay $0x1  }
0x29f: {  	[tilespmem:s11+$0x1C720] =	vst v10  }
0x2a0: {  	v10 =	vld [tilespmem:s17+$0xFFFFFFB0]  }
0x2a1: {  	v11 =	vld [tilespmem:s17+$0x30];
	_ =	sdelay $0x6  }
0x2a2: {  	v10 =	vld.idx.msk [tilespmem:v10+s3+$0x0], $0xffff  }
0x2a3: {  	v11 =	vld.idx.msk [tilespmem:v11+s3+$0x0], $0xffff;
	_ =	sdelay $0x4  }
0x2a4: {  	v10 =	vmul.f32 v11, v10;
	_ =	sdelay $0x1  }
0x2a5: {  	[tilespmem:s11+$0x1C730] =	vst v10  }
0x2a6: {  	v10 =	vld [tilespmem:s17+$0xFFFFFFC0]  }
0x2a7: {  	v11 =	vld [tilespmem:s17+$0x40];
	_ =	sdelay $0x6  }
0x2a8: {  	v10 =	vld.idx.msk [tilespmem:v10+s3+$0x0], $0xffff  }
0x2a9: {  	v11 =	vld.idx.msk [tilespmem:v11+s3+$0x0], $0xffff;
	_ =	sdelay $0x4  }
0x2aa: {  	v10 =	vmul.f32 v11, v10;
	_ =	sdelay $0x1  }
0x2ab: {  	[tilespmem:s11+$0x1C740] =	vst v10  }
0x2ac: {  	v10 =	vld [tilespmem:s17+$0xFFFFFFD0]  }
0x2ad: {  	v11 =	vld [tilespmem:s17+$0x50];
	_ =	sdelay $0x6  }
0x2ae: {  	v10 =	vld.idx.msk [tilespmem:v10+s3+$0x0], $0xffff  }
0x2af: {  	v11 =	vld.idx.msk [tilespmem:v11+s3+$0x0], $0xffff;
	_ =	sdelay $0x4  }
0x2b0: {  	v10 =	vmul.f32 v11, v10;
	_ =	sdelay $0x1  }
0x2b1: {  	[tilespmem:s11+$0x1C750] =	vst v10  }
0x2b2: {  	v10 =	vld [tilespmem:s17+$0xFFFFFFE0]  }
0x2b3: {  	v11 =	vld [tilespmem:s17+$0x60];
	_ =	sdelay $0x6  }
0x2b4: {  	v10 =	vld.idx.msk [tilespmem:v10+s3+$0x0], $0xffff  }
0x2b5: {  	v11 =	vld.idx.msk [tilespmem:v11+s3+$0x0], $0xffff;
	_ =	sdelay $0x4  }
0x2b6: {  	v10 =	vmul.f32 v11, v10;
	_ =	sdelay $0x1  }
0x2b7: {  	[tilespmem:s11+$0x1C760] =	vst v10  }
0x2b8: {  	v10 =	vld [tilespmem:s17+$0xFFFFFFF0]  }
0x2b9: {  	v11 =	vld [tilespmem:s17+$0x70];
	_ =	sdelay $0x6  }
0x2ba: {  	v10 =	vld.idx.msk [tilespmem:v10+s3+$0x0], $0xffff  }
0x2bb: {  	v11 =	vld.idx.msk [tilespmem:v11+s3+$0x0], $0xffff;
	_ =	sdelay $0x1  }
0x2bc: {  	p1 =	sne.s32 s23, $0x3E00  }
.Ltmp12:
0x2bd: {  	_ = 	snop;
	(pc) =	sbr.rel @p1 .LBB2_22-.Ltmp12, $3  }
0x2be: {  	_ = 	snop  }
0x2bf: {  	v10 =	vmul.f32 v11, v10;
	_ =	sdelay $0x1  }
0x2c0: {  	s23 =	sadd.s32 $0x200, s23;
	s17 =	sadd.s32 $0x100, s17;
	[tilespmem:s11+$0x1C770] =	vst v10  }
0x2c1: {  	s11 =	simm.s32 $0x1E800  }
0x2c2: {  	[spmem:s1] =	stream.indirect.scatter.add.f32 [tilespmem:s4], [sflag:$0x5], $0x80, s11, s25, $0xb8;
	[tilespmem:$0x1FB80] =	vst v63  }
0x2c3: {  	s17 =	simm.s32 $0x400;
	s23 =	sadd.s32 $0x0, s2;
	s11 =	simm.s32 $0x18700  }
.LBB2_24:
0x2c4: {  	[tilespmem:s11], [sflag:$0x1] =	stream.linear.gather [spmem:s23], $0x80, $0x38;
	[tilespmem:$0x1FB80] =	vst v63  }
0x2c5: {  	s11 =	smov.u32 s17;
	p1 =	sne.s32 s17, $0x7C00  }
.Ltmp13:
0x2c6: {  	s17 =	sadd.s32 $0x400, s17;
	(pc) =	sbr.rel @p1 .LBB2_24-.Ltmp13, $3  }
0x2c7: {  	_ =	sdelay $0x1  }
0x2c8: {  	s11 =	sshra.s32 s11, $0x2  }
0x2c9: {  	s23 =	sadd.s32 s11, s2;
	s11 =	sadd.s32 $0x18700, s11  }
0x2ca: {  	[tilespmem:s11], [sflag:$0x1] =	stream.linear.gather [spmem:s23], $0x80, $0x38;
	[tilespmem:$0x1FB80] =	vst v63  }
0x2cb: {  	s17 =	simm.s32 $0x400;
	s23 =	sadd.s32 $0x0, s8;
	s11 =	simm.s32 $0x18780  }
.LBB2_26:
0x2cc: {  	[tilespmem:s11], [sflag:$0x2] =	stream.linear.gather [spmem:s23], $0x80, $0x38;
	[tilespmem:$0x1FB80] =	vst v63  }
0x2cd: {  	s11 =	smov.u32 s17;
	p1 =	sne.s32 s17, $0x7C00  }
.Ltmp14:
0x2ce: {  	s17 =	sadd.s32 $0x400, s17;
	(pc) =	sbr.rel @p1 .LBB2_26-.Ltmp14, $3  }
0x2cf: {  	_ =	sdelay $0x1  }
0x2d0: {  	s11 =	sshra.s32 s11, $0x2  }
0x2d1: {  	s23 =	sadd.s32 s11, s8;
	s11 =	sadd.s32 $0x18780, s11  }
0x2d2: {  	[tilespmem:s11], [sflag:$0x2] =	stream.linear.gather [spmem:s23], $0x80, $0x38;
	[tilespmem:$0x1FB80] =	vst v63  }
0x2d3: {  	_ =	swait.ge [sflag:s6], $0x1000  }
0x2d4: {  	[sflag:s6] =	ssyncset.done $0x0  }
0x2d5: {  	[sflag:s6] =	ssyncadd.s32 $0xFFFFF000  }
0x2d6: {  	_ =	swait.ge [sflag:s30], $0x1000  }
0x2d7: {  	[sflag:s30] =	ssyncset.done $0x0  }
0x2d8: {  	[sflag:s30] =	ssyncadd.s32 $0xFFFFF000  }
0x2d9: {  	_ =	swait.ge [sflag:s19], $0x1000  }
0x2da: {  	[sflag:s19] =	ssyncset.done $0x0  }
0x2db: {  	s23 =	simm.s32 $0x0;
	s17 =	simm.s32 $0x1A7F0;
	[sflag:s19] =	ssyncadd.s32 $0xFFFFF000  }
.LBB2_28:
0x2dc: {  	v10 =	vld [tilespmem:s17+$0xFFFFFF10]  }
0x2dd: {  	v11 =	vld [tilespmem:s17+$0xFFFFFF90];
	_ =	sdelay $0x6  }
0x2de: {  	v10 =	vld.idx.msk [tilespmem:v10+s3+$0x0], $0xffff  }
0x2df: {  	v11 =	vld.idx.msk [tilespmem:v11+s3+$0x0], $0xffff;
	_ =	sdelay $0x4  }
0x2e0: {  	v10 =	vmul.f32 v11, v10  }
0x2e1: {  	s11 =	sshra.s32 s23, $0x2  }
0x2e2: {  	[tilespmem:s11+$0x1D700] =	vst v10  }
0x2e3: {  	v10 =	vld [tilespmem:s17+$0xFFFFFF20]  }
0x2e4: {  	v11 =	vld [tilespmem:s17+$0xFFFFFFA0];
	_ =	sdelay $0x6  }
0x2e5: {  	v10 =	vld.idx.msk [tilespmem:v10+s3+$0x0], $0xffff  }
0x2e6: {  	v11 =	vld.idx.msk [tilespmem:v11+s3+$0x0], $0xffff;
	_ =	sdelay $0x4  }
0x2e7: {  	v10 =	vmul.f32 v11, v10;
	_ =	sdelay $0x1  }
0x2e8: {  	[tilespmem:s11+$0x1D710] =	vst v10  }
0x2e9: {  	v10 =	vld [tilespmem:s17+$0xFFFFFF30]  }
0x2ea: {  	v11 =	vld [tilespmem:s17+$0xFFFFFFB0];
	_ =	sdelay $0x6  }
0x2eb: {  	v10 =	vld.idx.msk [tilespmem:v10+s3+$0x0], $0xffff  }
0x2ec: {  	v11 =	vld.idx.msk [tilespmem:v11+s3+$0x0], $0xffff;
	_ =	sdelay $0x4  }
0x2ed: {  	v10 =	vmul.f32 v11, v10;
	_ =	sdelay $0x1  }
0x2ee: {  	[tilespmem:s11+$0x1D720] =	vst v10  }
0x2ef: {  	v10 =	vld [tilespmem:s17+$0xFFFFFF40]  }
0x2f0: {  	v11 =	vld [tilespmem:s17+$0xFFFFFFC0];
	_ =	sdelay $0x6  }
0x2f1: {  	v10 =	vld.idx.msk [tilespmem:v10+s3+$0x0], $0xffff  }
0x2f2: {  	v11 =	vld.idx.msk [tilespmem:v11+s3+$0x0], $0xffff;
	_ =	sdelay $0x4  }
0x2f3: {  	v10 =	vmul.f32 v11, v10;
	_ =	sdelay $0x1  }
0x2f4: {  	[tilespmem:s11+$0x1D730] =	vst v10  }
0x2f5: {  	v10 =	vld [tilespmem:s17+$0xFFFFFF50]  }
0x2f6: {  	v11 =	vld [tilespmem:s17+$0xFFFFFFD0];
	_ =	sdelay $0x6  }
0x2f7: {  	v10 =	vld.idx.msk [tilespmem:v10+s3+$0x0], $0xffff  }
0x2f8: {  	v11 =	vld.idx.msk [tilespmem:v11+s3+$0x0], $0xffff;
	_ =	sdelay $0x4  }
0x2f9: {  	v10 =	vmul.f32 v11, v10;
	_ =	sdelay $0x1  }
0x2fa: {  	[tilespmem:s11+$0x1D740] =	vst v10  }
0x2fb: {  	v10 =	vld [tilespmem:s17+$0xFFFFFF60]  }
0x2fc: {  	v11 =	vld [tilespmem:s17+$0xFFFFFFE0];
	_ =	sdelay $0x6  }
0x2fd: {  	v10 =	vld.idx.msk [tilespmem:v10+s3+$0x0], $0xffff  }
0x2fe: {  	v11 =	vld.idx.msk [tilespmem:v11+s3+$0x0], $0xffff;
	_ =	sdelay $0x4  }
0x2ff: {  	v10 =	vmul.f32 v11, v10;
	_ =	sdelay $0x1  }
0x300: {  	[tilespmem:s11+$0x1D750] =	vst v10  }
0x301: {  	v10 =	vld [tilespmem:s17+$0xFFFFFF70]  }
0x302: {  	v11 =	vld [tilespmem:s17+$0xFFFFFFF0];
	_ =	sdelay $0x6  }
0x303: {  	v10 =	vld.idx.msk [tilespmem:v10+s3+$0x0], $0xffff  }
0x304: {  	v11 =	vld.idx.msk [tilespmem:v11+s3+$0x0], $0xffff;
	_ =	sdelay $0x4  }
0x305: {  	v10 =	vmul.f32 v11, v10;
	_ =	sdelay $0x1  }
0x306: {  	[tilespmem:s11+$0x1D760] =	vst v10  }
0x307: {  	v10 =	vld [tilespmem:s17+$0xFFFFFF80]  }
0x308: {  	v11 =	vld [tilespmem:s17+$0x0];
	_ =	sdelay $0x6  }
0x309: {  	v10 =	vld.idx.msk [tilespmem:v10+s3+$0x0], $0xffff  }
0x30a: {  	v11 =	vld.idx.msk [tilespmem:v11+s3+$0x0], $0xffff;
	_ =	sdelay $0x1  }
0x30b: {  	p1 =	sne.s32 s23, $0x3E00  }
.Ltmp15:
0x30c: {  	_ = 	snop;
	(pc) =	sbr.rel @p1 .LBB2_28-.Ltmp15, $3  }
0x30d: {  	_ = 	snop  }
0x30e: {  	v10 =	vmul.f32 v11, v10;
	_ =	sdelay $0x1  }
0x30f: {  	s23 =	sadd.s32 $0x200, s23;
	s17 =	sadd.s32 $0x100, s17;
	[tilespmem:s11+$0x1D770] =	vst v10  }
0x310: {  	s11 =	simm.s32 $0x1E880  }
0x311: {  	[spmem:s1] =	stream.indirect.scatter.add.f32 [tilespmem:s16], [sflag:$0x6], $0x80, s11, s25, $0xb8;
	[tilespmem:$0x1FB80] =	vst v63  }
0x312: {  	s17 =	simm.s32 $0x400;
	s23 =	sadd.s32 $0x0, s9;
	s11 =	simm.s32 $0x1A700  }
.LBB2_30:
0x313: {  	[tilespmem:s11], [sflag:$0x3] =	stream.linear.gather [spmem:s23], $0x80, $0x38;
	[tilespmem:$0x1FB80] =	vst v63  }
0x314: {  	s11 =	smov.u32 s17;
	p1 =	sne.s32 s17, $0x7C00  }
.Ltmp16:
0x315: {  	s17 =	sadd.s32 $0x400, s17;
	(pc) =	sbr.rel @p1 .LBB2_30-.Ltmp16, $3  }
0x316: {  	_ =	sdelay $0x1  }
0x317: {  	s11 =	sshra.s32 s11, $0x2  }
0x318: {  	s23 =	sadd.s32 s11, s9;
	s11 =	sadd.s32 $0x1A700, s11  }
0x319: {  	[tilespmem:s11], [sflag:$0x3] =	stream.linear.gather [spmem:s23], $0x80, $0x38;
	[tilespmem:$0x1FB80] =	vst v63  }
0x31a: {  	s17 =	simm.s32 $0x400;
	s23 =	sadd.s32 $0x0, s10;
	s11 =	simm.s32 $0x1A780  }
.LBB2_32:
0x31b: {  	[tilespmem:s11], [sflag:$0x4] =	stream.linear.gather [spmem:s23], $0x80, $0x38;
	[tilespmem:$0x1FB80] =	vst v63  }
0x31c: {  	s11 =	smov.u32 s17;
	p1 =	sne.s32 s17, $0x7C00  }
.Ltmp17:
0x31d: {  	s17 =	sadd.s32 $0x400, s17;
	(pc) =	sbr.rel @p1 .LBB2_32-.Ltmp17, $3  }
0x31e: {  	_ =	sdelay $0x1  }
0x31f: {  	s11 =	sshra.s32 s11, $0x2  }
0x320: {  	s23 =	sadd.s32 s11, s10;
	s11 =	sadd.s32 $0x1A780, s11  }
0x321: {  	[tilespmem:s11], [sflag:$0x4] =	stream.linear.gather [spmem:s23], $0x80, $0x38;
	[tilespmem:$0x1FB80] =	vst v63  }
0x322: {  	s23 =	simm.s32 $0x0;
	s11 =	rddreg [dreg:$0x8];
	s17 =	simm.s32 $0x400  }
0x323: {  	[tilespmem:s23], [sflag:$0x7] =	stream.strided.gather [hbm4b:s11+s31], $0x18700, s17, s31, $0x38;
	[tilespmem:$0x1FB80] =	vst v63  }
0x324: {  	_ =	swait.ge [sflag:s28], $0x18700  }
0x325: {  	[sflag:s28] =	ssyncset.done $0x0  }
0x326: {  	[sflag:s28] =	ssyncadd.s32 $0xFFFE7900  }
0x327: {  	_ =	swait.ge [sflag:s24], $0x1000  }
0x328: {  	[sflag:s24] =	ssyncset.done $0x0  }
0x329: {  	[sflag:s24] =	ssyncadd.s32 $0xFFFFF000  }
0x32a: {  	_ =	swait.ge [sflag:s0], $0x1000  }
0x32b: {  	[sflag:s0] =	ssyncset.done $0x0  }
0x32c: {  	[sflag:s0] =	ssyncadd.s32 $0xFFFFF000  }
0x32d: {  	_ =	swait.ge [sflag:s26], $0x1000  }
0x32e: {  	[sflag:s26] =	ssyncset.done $0x0  }
0x32f: {  	s17 =	simm.s32 $0x18780;
	[sflag:s26] =	ssyncadd.s32 $0xFFFFF000  }
.LBB2_34:
0x330: {  	v10 =	vld [tilespmem:s17+$0xFFFFFF80]  }
0x331: {  	v11 =	vld [tilespmem:s17+$0x0];
	_ =	sdelay $0x6  }
0x332: {  	v10 =	vld.idx.msk [tilespmem:v10+s3+$0x0], $0xffff  }
0x333: {  	v11 =	vld.idx.msk [tilespmem:v11+s3+$0x0], $0xffff;
	_ =	sdelay $0x4  }
0x334: {  	v10 =	vmul.f32 v11, v10  }
0x335: {  	s11 =	sshra.s32 s23, $0x2  }
0x336: {  	[tilespmem:s11+$0x1C700] =	vst v10  }
0x337: {  	v10 =	vld [tilespmem:s17+$0xFFFFFF90]  }
0x338: {  	v11 =	vld [tilespmem:s17+$0x10];
	_ =	sdelay $0x6  }
0x339: {  	v10 =	vld.idx.msk [tilespmem:v10+s3+$0x0], $0xffff  }
0x33a: {  	v11 =	vld.idx.msk [tilespmem:v11+s3+$0x0], $0xffff;
	_ =	sdelay $0x4  }
0x33b: {  	v10 =	vmul.f32 v11, v10;
	_ =	sdelay $0x1  }
0x33c: {  	[tilespmem:s11+$0x1C710] =	vst v10  }
0x33d: {  	v10 =	vld [tilespmem:s17+$0xFFFFFFA0]  }
0x33e: {  	v11 =	vld [tilespmem:s17+$0x20];
	_ =	sdelay $0x6  }
0x33f: {  	v10 =	vld.idx.msk [tilespmem:v10+s3+$0x0], $0xffff  }
0x340: {  	v11 =	vld.idx.msk [tilespmem:v11+s3+$0x0], $0xffff;
	_ =	sdelay $0x4  }
0x341: {  	v10 =	vmul.f32 v11, v10;
	_ =	sdelay $0x1  }
0x342: {  	[tilespmem:s11+$0x1C720] =	vst v10  }
0x343: {  	v10 =	vld [tilespmem:s17+$0xFFFFFFB0]  }
0x344: {  	v11 =	vld [tilespmem:s17+$0x30];
	_ =	sdelay $0x6  }
0x345: {  	v10 =	vld.idx.msk [tilespmem:v10+s3+$0x0], $0xffff  }
0x346: {  	v11 =	vld.idx.msk [tilespmem:v11+s3+$0x0], $0xffff;
	_ =	sdelay $0x4  }
0x347: {  	v10 =	vmul.f32 v11, v10;
	_ =	sdelay $0x1  }
0x348: {  	[tilespmem:s11+$0x1C730] =	vst v10  }
0x349: {  	v10 =	vld [tilespmem:s17+$0xFFFFFFC0]  }
0x34a: {  	v11 =	vld [tilespmem:s17+$0x40];
	_ =	sdelay $0x6  }
0x34b: {  	v10 =	vld.idx.msk [tilespmem:v10+s3+$0x0], $0xffff  }
0x34c: {  	v11 =	vld.idx.msk [tilespmem:v11+s3+$0x0], $0xffff;
	_ =	sdelay $0x4  }
0x34d: {  	v10 =	vmul.f32 v11, v10;
	_ =	sdelay $0x1  }
0x34e: {  	[tilespmem:s11+$0x1C740] =	vst v10  }
0x34f: {  	v10 =	vld [tilespmem:s17+$0xFFFFFFD0]  }
0x350: {  	v11 =	vld [tilespmem:s17+$0x50];
	_ =	sdelay $0x6  }
0x351: {  	v10 =	vld.idx.msk [tilespmem:v10+s3+$0x0], $0xffff  }
0x352: {  	v11 =	vld.idx.msk [tilespmem:v11+s3+$0x0], $0xffff;
	_ =	sdelay $0x4  }
0x353: {  	v10 =	vmul.f32 v11, v10;
	_ =	sdelay $0x1  }
0x354: {  	[tilespmem:s11+$0x1C750] =	vst v10  }
0x355: {  	v10 =	vld [tilespmem:s17+$0xFFFFFFE0]  }
0x356: {  	v11 =	vld [tilespmem:s17+$0x60];
	_ =	sdelay $0x6  }
0x357: {  	v10 =	vld.idx.msk [tilespmem:v10+s3+$0x0], $0xffff  }
0x358: {  	v11 =	vld.idx.msk [tilespmem:v11+s3+$0x0], $0xffff;
	_ =	sdelay $0x4  }
0x359: {  	v10 =	vmul.f32 v11, v10;
	_ =	sdelay $0x1  }
0x35a: {  	[tilespmem:s11+$0x1C760] =	vst v10  }
0x35b: {  	v10 =	vld [tilespmem:s17+$0xFFFFFFF0]  }
0x35c: {  	v11 =	vld [tilespmem:s17+$0x70];
	_ =	sdelay $0x6  }
0x35d: {  	v10 =	vld.idx.msk [tilespmem:v10+s3+$0x0], $0xffff  }
0x35e: {  	v11 =	vld.idx.msk [tilespmem:v11+s3+$0x0], $0xffff;
	_ =	sdelay $0x1  }
0x35f: {  	p1 =	sne.s32 s23, $0x3E00  }
.Ltmp18:
0x360: {  	_ = 	snop;
	(pc) =	sbr.rel @p1 .LBB2_34-.Ltmp18, $3  }
0x361: {  	_ = 	snop  }
0x362: {  	v10 =	vmul.f32 v11, v10;
	_ =	sdelay $0x1  }
0x363: {  	s23 =	sadd.s32 $0x200, s23;
	s17 =	sadd.s32 $0x100, s17;
	[tilespmem:s11+$0x1C770] =	vst v10  }
0x364: {  	s11 =	simm.s32 $0x1E700  }
0x365: {  	[spmem:s1] =	stream.indirect.scatter.add.f32 [tilespmem:s4], [sflag:$0x5], $0x80, s11, s25, $0xb8;
	[tilespmem:$0x1FB80] =	vst v63  }
0x366: {  	s17 =	simm.s32 $0x400;
	s23 =	sadd.s32 $0x0, s12;
	s11 =	simm.s32 $0x18700  }
.LBB2_36:
0x367: {  	[tilespmem:s11], [sflag:$0x1] =	stream.linear.gather [spmem:s23], $0x80, $0x38;
	[tilespmem:$0x1FB80] =	vst v63  }
0x368: {  	s11 =	smov.u32 s17;
	p1 =	sne.s32 s17, $0x7C00  }
.Ltmp19:
0x369: {  	s17 =	sadd.s32 $0x400, s17;
	(pc) =	sbr.rel @p1 .LBB2_36-.Ltmp19, $3  }
0x36a: {  	_ =	sdelay $0x1  }
0x36b: {  	s11 =	sshra.s32 s11, $0x2  }
0x36c: {  	s23 =	sadd.s32 s11, s12;
	s11 =	sadd.s32 $0x18700, s11  }
0x36d: {  	[tilespmem:s11], [sflag:$0x1] =	stream.linear.gather [spmem:s23], $0x80, $0x38;
	[tilespmem:$0x1FB80] =	vst v63  }
0x36e: {  	s17 =	simm.s32 $0x400;
	s23 =	sadd.s32 $0x0, s13;
	s11 =	simm.s32 $0x18780  }
.LBB2_38:
0x36f: {  	[tilespmem:s11], [sflag:$0x2] =	stream.linear.gather [spmem:s23], $0x80, $0x38;
	[tilespmem:$0x1FB80] =	vst v63  }
0x370: {  	s11 =	smov.u32 s17;
	p1 =	sne.s32 s17, $0x7C00  }
.Ltmp20:
0x371: {  	s17 =	sadd.s32 $0x400, s17;
	(pc) =	sbr.rel @p1 .LBB2_38-.Ltmp20, $3  }
0x372: {  	_ =	sdelay $0x1  }
0x373: {  	s11 =	sshra.s32 s11, $0x2  }
0x374: {  	s23 =	sadd.s32 s11, s13;
	s11 =	sadd.s32 $0x18780, s11  }
0x375: {  	[tilespmem:s11], [sflag:$0x2] =	stream.linear.gather [spmem:s23], $0x80, $0x38;
	[tilespmem:$0x1FB80] =	vst v63  }
0x376: {  	_ =	swait.ge [sflag:s6], $0x1000  }
0x377: {  	[sflag:s6] =	ssyncset.done $0x0  }
0x378: {  	[sflag:s6] =	ssyncadd.s32 $0xFFFFF000  }
0x379: {  	_ =	swait.ge [sflag:s30], $0x1000  }
0x37a: {  	[sflag:s30] =	ssyncset.done $0x0  }
0x37b: {  	[sflag:s30] =	ssyncadd.s32 $0xFFFFF000  }
0x37c: {  	_ =	swait.ge [sflag:s19], $0x1000  }
0x37d: {  	[sflag:s19] =	ssyncset.done $0x0  }
0x37e: {  	s23 =	simm.s32 $0x0;
	s17 =	simm.s32 $0x1A7F0;
	[sflag:s19] =	ssyncadd.s32 $0xFFFFF000  }
.LBB2_40:
0x37f: {  	v10 =	vld [tilespmem:s17+$0xFFFFFF10]  }
0x380: {  	v11 =	vld [tilespmem:s17+$0xFFFFFF90];
	_ =	sdelay $0x6  }
0x381: {  	v10 =	vld.idx.msk [tilespmem:v10+s3+$0x0], $0xffff  }
0x382: {  	v11 =	vld.idx.msk [tilespmem:v11+s3+$0x0], $0xffff;
	_ =	sdelay $0x4  }
0x383: {  	v10 =	vmul.f32 v11, v10  }
0x384: {  	s11 =	sshra.s32 s23, $0x2  }
0x385: {  	[tilespmem:s11+$0x1D700] =	vst v10  }
0x386: {  	v10 =	vld [tilespmem:s17+$0xFFFFFF20]  }
0x387: {  	v11 =	vld [tilespmem:s17+$0xFFFFFFA0];
	_ =	sdelay $0x6  }
0x388: {  	v10 =	vld.idx.msk [tilespmem:v10+s3+$0x0], $0xffff  }
0x389: {  	v11 =	vld.idx.msk [tilespmem:v11+s3+$0x0], $0xffff;
	_ =	sdelay $0x4  }
0x38a: {  	v10 =	vmul.f32 v11, v10;
	_ =	sdelay $0x1  }
0x38b: {  	[tilespmem:s11+$0x1D710] =	vst v10  }
0x38c: {  	v10 =	vld [tilespmem:s17+$0xFFFFFF30]  }
0x38d: {  	v11 =	vld [tilespmem:s17+$0xFFFFFFB0];
	_ =	sdelay $0x6  }
0x38e: {  	v10 =	vld.idx.msk [tilespmem:v10+s3+$0x0], $0xffff  }
0x38f: {  	v11 =	vld.idx.msk [tilespmem:v11+s3+$0x0], $0xffff;
	_ =	sdelay $0x4  }
0x390: {  	v10 =	vmul.f32 v11, v10;
	_ =	sdelay $0x1  }
0x391: {  	[tilespmem:s11+$0x1D720] =	vst v10  }
0x392: {  	v10 =	vld [tilespmem:s17+$0xFFFFFF40]  }
0x393: {  	v11 =	vld [tilespmem:s17+$0xFFFFFFC0];
	_ =	sdelay $0x6  }
0x394: {  	v10 =	vld.idx.msk [tilespmem:v10+s3+$0x0], $0xffff  }
0x395: {  	v11 =	vld.idx.msk [tilespmem:v11+s3+$0x0], $0xffff;
	_ =	sdelay $0x4  }
0x396: {  	v10 =	vmul.f32 v11, v10;
	_ =	sdelay $0x1  }
0x397: {  	[tilespmem:s11+$0x1D730] =	vst v10  }
0x398: {  	v10 =	vld [tilespmem:s17+$0xFFFFFF50]  }
0x399: {  	v11 =	vld [tilespmem:s17+$0xFFFFFFD0];
	_ =	sdelay $0x6  }
0x39a: {  	v10 =	vld.idx.msk [tilespmem:v10+s3+$0x0], $0xffff  }
0x39b: {  	v11 =	vld.idx.msk [tilespmem:v11+s3+$0x0], $0xffff;
	_ =	sdelay $0x4  }
0x39c: {  	v10 =	vmul.f32 v11, v10;
	_ =	sdelay $0x1  }
0x39d: {  	[tilespmem:s11+$0x1D740] =	vst v10  }
0x39e: {  	v10 =	vld [tilespmem:s17+$0xFFFFFF60]  }
0x39f: {  	v11 =	vld [tilespmem:s17+$0xFFFFFFE0];
	_ =	sdelay $0x6  }
0x3a0: {  	v10 =	vld.idx.msk [tilespmem:v10+s3+$0x0], $0xffff  }
0x3a1: {  	v11 =	vld.idx.msk [tilespmem:v11+s3+$0x0], $0xffff;
	_ =	sdelay $0x4  }
0x3a2: {  	v10 =	vmul.f32 v11, v10;
	_ =	sdelay $0x1  }
0x3a3: {  	[tilespmem:s11+$0x1D750] =	vst v10  }
0x3a4: {  	v10 =	vld [tilespmem:s17+$0xFFFFFF70]  }
0x3a5: {  	v11 =	vld [tilespmem:s17+$0xFFFFFFF0];
	_ =	sdelay $0x6  }
0x3a6: {  	v10 =	vld.idx.msk [tilespmem:v10+s3+$0x0], $0xffff  }
0x3a7: {  	v11 =	vld.idx.msk [tilespmem:v11+s3+$0x0], $0xffff;
	_ =	sdelay $0x4  }
0x3a8: {  	v10 =	vmul.f32 v11, v10;
	_ =	sdelay $0x1  }
0x3a9: {  	[tilespmem:s11+$0x1D760] =	vst v10  }
0x3aa: {  	v10 =	vld [tilespmem:s17+$0xFFFFFF80]  }
0x3ab: {  	v11 =	vld [tilespmem:s17+$0x0];
	_ =	sdelay $0x6  }
0x3ac: {  	v10 =	vld.idx.msk [tilespmem:v10+s3+$0x0], $0xffff  }
0x3ad: {  	v11 =	vld.idx.msk [tilespmem:v11+s3+$0x0], $0xffff;
	_ =	sdelay $0x1  }
0x3ae: {  	p1 =	sne.s32 s23, $0x3E00  }
.Ltmp21:
0x3af: {  	_ = 	snop;
	(pc) =	sbr.rel @p1 .LBB2_40-.Ltmp21, $3  }
0x3b0: {  	_ = 	snop  }
0x3b1: {  	v10 =	vmul.f32 v11, v10;
	_ =	sdelay $0x1  }
0x3b2: {  	s23 =	sadd.s32 $0x200, s23;
	s17 =	sadd.s32 $0x100, s17;
	[tilespmem:s11+$0x1D770] =	vst v10  }
0x3b3: {  	s11 =	simm.s32 $0x1E780  }
0x3b4: {  	[spmem:s1] =	stream.indirect.scatter.add.f32 [tilespmem:s16], [sflag:$0x6], $0x80, s11, s25, $0xb8;
	[tilespmem:$0x1FB80] =	vst v63  }
0x3b5: {  	s17 =	simm.s32 $0x400;
	s23 =	sadd.s32 $0x0, s14;
	s11 =	simm.s32 $0x1A700  }
.LBB2_42:
0x3b6: {  	[tilespmem:s11], [sflag:$0x3] =	stream.linear.gather [spmem:s23], $0x80, $0x38;
	[tilespmem:$0x1FB80] =	vst v63  }
0x3b7: {  	s11 =	smov.u32 s17;
	p1 =	sne.s32 s17, $0x7C00  }
.Ltmp22:
0x3b8: {  	s17 =	sadd.s32 $0x400, s17;
	(pc) =	sbr.rel @p1 .LBB2_42-.Ltmp22, $3  }
0x3b9: {  	_ =	sdelay $0x1  }
0x3ba: {  	s11 =	sshra.s32 s11, $0x2  }
0x3bb: {  	s23 =	sadd.s32 s11, s14;
	s11 =	sadd.s32 $0x1A700, s11  }
0x3bc: {  	[tilespmem:s11], [sflag:$0x3] =	stream.linear.gather [spmem:s23], $0x80, $0x38;
	[tilespmem:$0x1FB80] =	vst v63  }
0x3bd: {  	s17 =	simm.s32 $0x400;
	s23 =	sadd.s32 $0x0, s15;
	s11 =	simm.s32 $0x1A780  }
.LBB2_44:
0x3be: {  	[tilespmem:s11], [sflag:$0x4] =	stream.linear.gather [spmem:s23], $0x80, $0x38;
	[tilespmem:$0x1FB80] =	vst v63  }
0x3bf: {  	s11 =	smov.u32 s17;
	p1 =	sne.s32 s17, $0x7C00  }
.Ltmp23:
0x3c0: {  	s17 =	sadd.s32 $0x400, s17;
	(pc) =	sbr.rel @p1 .LBB2_44-.Ltmp23, $3  }
0x3c1: {  	_ =	sdelay $0x1  }
0x3c2: {  	s11 =	sshra.s32 s11, $0x2  }
0x3c3: {  	s23 =	sadd.s32 s11, s15;
	s11 =	sadd.s32 $0x1A780, s11  }
0x3c4: {  	[tilespmem:s11], [sflag:$0x4] =	stream.linear.gather [spmem:s23], $0x80, $0x38;
	[tilespmem:$0x1FB80] =	vst v63  }
0x3c5: {  	_ =	swait.ge [sflag:s24], $0x1000  }
0x3c6: {  	[sflag:s24] =	ssyncset.done $0x0  }
0x3c7: {  	[sflag:s24] =	ssyncadd.s32 $0xFFFFF000  }
0x3c8: {  	_ =	swait.ge [sflag:s0], $0x1000  }
0x3c9: {  	[sflag:s0] =	ssyncset.done $0x0  }
0x3ca: {  	[sflag:s0] =	ssyncadd.s32 $0xFFFFF000  }
0x3cb: {  	_ =	swait.ge [sflag:s26], $0x1000  }
0x3cc: {  	[sflag:s26] =	ssyncset.done $0x0  }
0x3cd: {  	s23 =	simm.s32 $0x0;
	s17 =	simm.s32 $0x18780;
	[sflag:s26] =	ssyncadd.s32 $0xFFFFF000  }
.LBB2_46:
0x3ce: {  	v10 =	vld [tilespmem:s17+$0xFFFFFF80]  }
0x3cf: {  	v11 =	vld [tilespmem:s17+$0x0];
	_ =	sdelay $0x6  }
0x3d0: {  	v10 =	vld.idx.msk [tilespmem:v10+s3+$0x0], $0xffff  }
0x3d1: {  	v11 =	vld.idx.msk [tilespmem:v11+s3+$0x0], $0xffff;
	_ =	sdelay $0x4  }
0x3d2: {  	v10 =	vmul.f32 v11, v10  }
0x3d3: {  	s11 =	sshra.s32 s23, $0x2  }
0x3d4: {  	[tilespmem:s11+$0x1C700] =	vst v10  }
0x3d5: {  	v10 =	vld [tilespmem:s17+$0xFFFFFF90]  }
0x3d6: {  	v11 =	vld [tilespmem:s17+$0x10];
	_ =	sdelay $0x6  }
0x3d7: {  	v10 =	vld.idx.msk [tilespmem:v10+s3+$0x0], $0xffff  }
0x3d8: {  	v11 =	vld.idx.msk [tilespmem:v11+s3+$0x0], $0xffff;
	_ =	sdelay $0x4  }
0x3d9: {  	v10 =	vmul.f32 v11, v10;
	_ =	sdelay $0x1  }
0x3da: {  	[tilespmem:s11+$0x1C710] =	vst v10  }
0x3db: {  	v10 =	vld [tilespmem:s17+$0xFFFFFFA0]  }
0x3dc: {  	v11 =	vld [tilespmem:s17+$0x20];
	_ =	sdelay $0x6  }
0x3dd: {  	v10 =	vld.idx.msk [tilespmem:v10+s3+$0x0], $0xffff  }
0x3de: {  	v11 =	vld.idx.msk [tilespmem:v11+s3+$0x0], $0xffff;
	_ =	sdelay $0x4  }
0x3df: {  	v10 =	vmul.f32 v11, v10;
	_ =	sdelay $0x1  }
0x3e0: {  	[tilespmem:s11+$0x1C720] =	vst v10  }
0x3e1: {  	v10 =	vld [tilespmem:s17+$0xFFFFFFB0]  }
0x3e2: {  	v11 =	vld [tilespmem:s17+$0x30];
	_ =	sdelay $0x6  }
0x3e3: {  	v10 =	vld.idx.msk [tilespmem:v10+s3+$0x0], $0xffff  }
0x3e4: {  	v11 =	vld.idx.msk [tilespmem:v11+s3+$0x0], $0xffff;
	_ =	sdelay $0x4  }
0x3e5: {  	v10 =	vmul.f32 v11, v10;
	_ =	sdelay $0x1  }
0x3e6: {  	[tilespmem:s11+$0x1C730] =	vst v10  }
0x3e7: {  	v10 =	vld [tilespmem:s17+$0xFFFFFFC0]  }
0x3e8: {  	v11 =	vld [tilespmem:s17+$0x40];
	_ =	sdelay $0x6  }
0x3e9: {  	v10 =	vld.idx.msk [tilespmem:v10+s3+$0x0], $0xffff  }
0x3ea: {  	v11 =	vld.idx.msk [tilespmem:v11+s3+$0x0], $0xffff;
	_ =	sdelay $0x4  }
0x3eb: {  	v10 =	vmul.f32 v11, v10;
	_ =	sdelay $0x1  }
0x3ec: {  	[tilespmem:s11+$0x1C740] =	vst v10  }
0x3ed: {  	v10 =	vld [tilespmem:s17+$0xFFFFFFD0]  }
0x3ee: {  	v11 =	vld [tilespmem:s17+$0x50];
	_ =	sdelay $0x6  }
0x3ef: {  	v10 =	vld.idx.msk [tilespmem:v10+s3+$0x0], $0xffff  }
0x3f0: {  	v11 =	vld.idx.msk [tilespmem:v11+s3+$0x0], $0xffff;
	_ =	sdelay $0x4  }
0x3f1: {  	v10 =	vmul.f32 v11, v10;
	_ =	sdelay $0x1  }
0x3f2: {  	[tilespmem:s11+$0x1C750] =	vst v10  }
0x3f3: {  	v10 =	vld [tilespmem:s17+$0xFFFFFFE0]  }
0x3f4: {  	v11 =	vld [tilespmem:s17+$0x60];
	_ =	sdelay $0x6  }
0x3f5: {  	v10 =	vld.idx.msk [tilespmem:v10+s3+$0x0], $0xffff  }
0x3f6: {  	v11 =	vld.idx.msk [tilespmem:v11+s3+$0x0], $0xffff;
	_ =	sdelay $0x4  }
0x3f7: {  	v10 =	vmul.f32 v11, v10;
	_ =	sdelay $0x1  }
0x3f8: {  	[tilespmem:s11+$0x1C760] =	vst v10  }
0x3f9: {  	v10 =	vld [tilespmem:s17+$0xFFFFFFF0]  }
0x3fa: {  	v11 =	vld [tilespmem:s17+$0x70];
	_ =	sdelay $0x6  }
0x3fb: {  	v10 =	vld.idx.msk [tilespmem:v10+s3+$0x0], $0xffff  }
0x3fc: {  	v11 =	vld.idx.msk [tilespmem:v11+s3+$0x0], $0xffff;
	_ =	sdelay $0x1  }
0x3fd: {  	p1 =	sne.s32 s23, $0x3E00  }
.Ltmp24:
0x3fe: {  	_ = 	snop;
	(pc) =	sbr.rel @p1 .LBB2_46-.Ltmp24, $3  }
0x3ff: {  	_ = 	snop  }
0x400: {  	v10 =	vmul.f32 v11, v10;
	_ =	sdelay $0x1  }
0x401: {  	s23 =	sadd.s32 $0x200, s23;
	s17 =	sadd.s32 $0x100, s17;
	[tilespmem:s11+$0x1C770] =	vst v10  }
0x402: {  	s11 =	simm.s32 $0x1E800  }
0x403: {  	[spmem:s1] =	stream.indirect.scatter.add.f32 [tilespmem:s4], [sflag:$0x5], $0x80, s11, s25, $0xb8;
	[tilespmem:$0x1FB80] =	vst v63  }
0x404: {  	_ =	swait.ge [sflag:s6], $0x1000  }
0x405: {  	[sflag:s6] =	ssyncset.done $0x0  }
0x406: {  	[sflag:s6] =	ssyncadd.s32 $0xFFFFF000  }
0x407: {  	_ =	swait.ge [sflag:s30], $0x1000  }
0x408: {  	[sflag:s30] =	ssyncset.done $0x0  }
0x409: {  	[sflag:s30] =	ssyncadd.s32 $0xFFFFF000  }
0x40a: {  	_ =	swait.ge [sflag:s19], $0x1000  }
0x40b: {  	[sflag:s19] =	ssyncset.done $0x0  }
0x40c: {  	s23 =	simm.s32 $0x0;
	s17 =	simm.s32 $0x1A7F0;
	[sflag:s19] =	ssyncadd.s32 $0xFFFFF000  }
.LBB2_48:
0x40d: {  	v10 =	vld [tilespmem:s17+$0xFFFFFF10]  }
0x40e: {  	v11 =	vld [tilespmem:s17+$0xFFFFFF90];
	_ =	sdelay $0x6  }
0x40f: {  	v10 =	vld.idx.msk [tilespmem:v10+s3+$0x0], $0xffff  }
0x410: {  	v11 =	vld.idx.msk [tilespmem:v11+s3+$0x0], $0xffff;
	_ =	sdelay $0x4  }
0x411: {  	v10 =	vmul.f32 v11, v10  }
0x412: {  	s11 =	sshra.s32 s23, $0x2  }
0x413: {  	[tilespmem:s11+$0x1D700] =	vst v10  }
0x414: {  	v10 =	vld [tilespmem:s17+$0xFFFFFF20]  }
0x415: {  	v11 =	vld [tilespmem:s17+$0xFFFFFFA0];
	_ =	sdelay $0x6  }
0x416: {  	v10 =	vld.idx.msk [tilespmem:v10+s3+$0x0], $0xffff  }
0x417: {  	v11 =	vld.idx.msk [tilespmem:v11+s3+$0x0], $0xffff;
	_ =	sdelay $0x4  }
0x418: {  	v10 =	vmul.f32 v11, v10;
	_ =	sdelay $0x1  }
0x419: {  	[tilespmem:s11+$0x1D710] =	vst v10  }
0x41a: {  	v10 =	vld [tilespmem:s17+$0xFFFFFF30]  }
0x41b: {  	v11 =	vld [tilespmem:s17+$0xFFFFFFB0];
	_ =	sdelay $0x6  }
0x41c: {  	v10 =	vld.idx.msk [tilespmem:v10+s3+$0x0], $0xffff  }
0x41d: {  	v11 =	vld.idx.msk [tilespmem:v11+s3+$0x0], $0xffff;
	_ =	sdelay $0x4  }
0x41e: {  	v10 =	vmul.f32 v11, v10;
	_ =	sdelay $0x1  }
0x41f: {  	[tilespmem:s11+$0x1D720] =	vst v10  }
0x420: {  	v10 =	vld [tilespmem:s17+$0xFFFFFF40]  }
0x421: {  	v11 =	vld [tilespmem:s17+$0xFFFFFFC0];
	_ =	sdelay $0x6  }
0x422: {  	v10 =	vld.idx.msk [tilespmem:v10+s3+$0x0], $0xffff  }
0x423: {  	v11 =	vld.idx.msk [tilespmem:v11+s3+$0x0], $0xffff;
	_ =	sdelay $0x4  }
0x424: {  	v10 =	vmul.f32 v11, v10;
	_ =	sdelay $0x1  }
0x425: {  	[tilespmem:s11+$0x1D730] =	vst v10  }
0x426: {  	v10 =	vld [tilespmem:s17+$0xFFFFFF50]  }
0x427: {  	v11 =	vld [tilespmem:s17+$0xFFFFFFD0];
	_ =	sdelay $0x6  }
0x428: {  	v10 =	vld.idx.msk [tilespmem:v10+s3+$0x0], $0xffff  }
0x429: {  	v11 =	vld.idx.msk [tilespmem:v11+s3+$0x0], $0xffff;
	_ =	sdelay $0x4  }
0x42a: {  	v10 =	vmul.f32 v11, v10;
	_ =	sdelay $0x1  }
0x42b: {  	[tilespmem:s11+$0x1D740] =	vst v10  }
0x42c: {  	v10 =	vld [tilespmem:s17+$0xFFFFFF60]  }
0x42d: {  	v11 =	vld [tilespmem:s17+$0xFFFFFFE0];
	_ =	sdelay $0x6  }
0x42e: {  	v10 =	vld.idx.msk [tilespmem:v10+s3+$0x0], $0xffff  }
0x42f: {  	v11 =	vld.idx.msk [tilespmem:v11+s3+$0x0], $0xffff;
	_ =	sdelay $0x4  }
0x430: {  	v10 =	vmul.f32 v11, v10;
	_ =	sdelay $0x1  }
0x431: {  	[tilespmem:s11+$0x1D750] =	vst v10  }
0x432: {  	v10 =	vld [tilespmem:s17+$0xFFFFFF70]  }
0x433: {  	v11 =	vld [tilespmem:s17+$0xFFFFFFF0];
	_ =	sdelay $0x6  }
0x434: {  	v10 =	vld.idx.msk [tilespmem:v10+s3+$0x0], $0xffff  }
0x435: {  	v11 =	vld.idx.msk [tilespmem:v11+s3+$0x0], $0xffff;
	_ =	sdelay $0x4  }
0x436: {  	v10 =	vmul.f32 v11, v10;
	_ =	sdelay $0x1  }
0x437: {  	[tilespmem:s11+$0x1D760] =	vst v10  }
0x438: {  	v10 =	vld [tilespmem:s17+$0xFFFFFF80]  }
0x439: {  	v11 =	vld [tilespmem:s17+$0x0];
	_ =	sdelay $0x6  }
0x43a: {  	v10 =	vld.idx.msk [tilespmem:v10+s3+$0x0], $0xffff  }
0x43b: {  	v11 =	vld.idx.msk [tilespmem:v11+s3+$0x0], $0xffff;
	_ =	sdelay $0x1  }
0x43c: {  	p1 =	sne.s32 s23, $0x3E00  }
.Ltmp25:
0x43d: {  	_ = 	snop;
	(pc) =	sbr.rel @p1 .LBB2_48-.Ltmp25, $3  }
0x43e: {  	_ = 	snop  }
0x43f: {  	v10 =	vmul.f32 v11, v10;
	_ =	sdelay $0x1  }
0x440: {  	s23 =	sadd.s32 $0x200, s23;
	s17 =	sadd.s32 $0x100, s17;
	[tilespmem:s11+$0x1D770] =	vst v10  }
0x441: {  	s11 =	simm.s32 $0x1E880  }
0x442: {  	[spmem:s1] =	stream.indirect.scatter.add.f32 [tilespmem:s16], [sflag:$0x6], $0x80, s11, s25, $0xb8;
	[tilespmem:$0x1FB80] =	vst v63  }
0x443: {  	_ =	swait.ge [sflag:s26], $0x1000  }
0x444: {  	[sflag:s26] =	ssyncset.done $0x0  }
0x445: {  	[sflag:s26] =	ssyncadd.s32 $0xFFFFF000  }
0x446: {  	_ =	swait.ge [sflag:s19], $0x1000  }
0x447: {  	[sflag:s19] =	ssyncset.done $0x0  }
0x448: {  	[sflag:s19] =	ssyncadd.s32 $0xFFFFF000  }
0x449: {  	[bflag:$0x0] =	sbarrier.arrive $0xFFFF  }
0x44a: {  	s31 =	sshrl.u32 s7, $0x3;
	s17 =	rddreg [dreg:$0x9]  }
0x44b: {  	[hbm:s17], [sflag:s22] =	dma.local [spmem:s31], $0x80  }
.Ltmp26:
0x44c: {  	_ =	swait.ge [sflag:s28], $0x80;
	(pc) =	sbr.rel @p0 .LBB2_52-.Ltmp26, $3  }
0x44d: {  	[sflag:s28] =	ssyncset.done $0x0  }
0x44e: {  	[sflag:s28] =	ssyncadd.s32 $0xFFFFFF80  }
0x44f: {  	[bflag:$0x0] =	sbarrier.arrive $0xFFFF;
	_ =	sdelay $0x1  }
0x450: {  	[tilespmem:$0x1EF00] =	vst v9  }
0x451: {  	[tilespmem:$0x1EF10] =	vst v9  }
0x452: {  	[tilespmem:$0x1EF20] =	vst v9  }
0x453: {  	[tilespmem:$0x1EF30] =	vst v9  }
0x454: {  	[tilespmem:$0x1EF40] =	vst v9  }
0x455: {  	[tilespmem:$0x1EF50] =	vst v9  }
0x456: {  	[tilespmem:$0x1EF60] =	vst v9  }
0x457: {  	[tilespmem:$0x1EF70] =	vst v9  }
0x458: {  	[hbm4b:s5+s3] =	stream.linear.scatter [tilespmem:s20], [sflag:$0x7], $0x80, $0x38;
	[tilespmem:$0x1FB80] =	vst v63  }
0x459: {  	_ =	swait.ge [sflag:s28], $0x80  }
0x45a: {  	[sflag:s28] =	ssyncset.done $0x0  }
0x45b: {  	[sflag:s28] =	ssyncadd.s32 $0xFFFFFF80  }
.LBB2_51:
0x45c: {  	[tilespmem:s20], [sflag:$0x7] =	stream.linear.gather [hbm4b:s18+s3], $0x80, $0x38;
	[tilespmem:$0x1FB80] =	vst v63  }
0x45d: {  	_ =	swait.ge [sflag:s28], $0x80  }
0x45e: {  	[sflag:s28] =	ssyncset.done $0x0  }
0x45f: {  	[sflag:s28] =	ssyncadd.s32 $0xFFFFFF80  }
0x460: {  	v10 =	vld [tilespmem:$0x1EF00];
	_ =	sdelay $0x4  }
0x461: {  	(v2sf) =	vpush v10, $0x0;
	_ =	sdelay $0xe  }
0x462: {  	s11 =	spop (v2sf)  }
0x463: {  	p1 =	seq.s32 s11, $0x0  }
.Ltmp27:
0x464: {  	_ = 	snop;
	(pc) =	sbr.rel @p1 .LBB2_51-.Ltmp27, $1  }
0x465: {  	_ =	sdelay $0x3  }
.Ltmp28:
0x466: {  	_ = 	snop;
	(pc) =	sbr.rel .LBB2_52-.Ltmp28, $1  }
0x467: {  	_ =	sdelay $0x3  }
.LBB2_53:
0x468: {  	_ =	sfence.sel $0x180000  }
0x469: {  	[bflag:$0x0] =	sbarrier.arrive $0xFFFF  }
0x46a: {  	_ =	strace $0x90000047  }
0x46b: {  	[bflag:$0x2] =	sbarrier.arrive $0xFFFF  }
0x46c: {  	s0 =	rddreg [dreg:$0x5]  }
0x46d: {  	s0 =	sadd.s32 @!p0 $0x100000, s0  }
0x46e: {  	[sflag:s0] =	ssyncadd.tile.s32 @!p0 $0x1;
	_ =	shalt  }
.Lfunc_end2:
_tile_overlayer_lowered:
.L_overlay_start_2:
0x46f: {  	(tag) =	ssettag $0x2  }
0x470: {  	s0 =	rddreg [dreg:$0x0];
	s2 =	stileid.u32  }
0x471: {  	s1 =	rddreg [dreg:$0x1];
	p0 =	sne.s32 s2, $0x0  }
0x472: {  	s3 =	rddreg [dreg:$0x2];
	[bflag:$0x3] =	sbarrier.arrive $0xFFFF;
	s2 =	simm.s32 @!p0 $0x1C07  }
0x473: {  	[timem:s3], [sflag:s2] =	dma.local @!p0 [hbm:s0], s1  }
0x474: {  	s0 =	simm.s32 @!p0 $0x7  }
0x475: {  	_ =	swait.ge @!p0 [sflag:s0], s1  }
0x476: {  	s1 =	ssub.s32 @!p0 $0x0, s1;
	[sflag:s0] =	ssyncset.done @!p0 $0x0  }
0x477: {  	[sflag:s0] =	ssyncadd.s32 @!p0 s1  }
0x478: {  	[bflag:$0x3] =	sbarrier.arrive $0xFFFF  }
0x479: {  	_ =	shalt  }

</sc_bundles>
